<compile_context>
chip_gen: v7x
topology: tpu7x:2x2x1
jax: 0.10.2.dev20260603
libtpu: 0.0.44.dev20260713+nightly
codegen_flags: <defaults>
</compile_context>

<pallas_src>
import functools

import jax
import jax.numpy as jnp
from jax import lax
from jax.experimental import pallas as pl
from jax.experimental.pallas import tpu as pltpu
from jax.experimental.pallas import tpu_sc as plsc

D = 128
DC = 2 * D
NC = 2
NS = 16
NW = NC * NS
CH = 40
G = 10
GB = 2
OB = 5
LANES = 16


def _table_body(x_ref, w_ref, b_ref, c_ref):
    xv = x_ref[...]
    a = jnp.dot(xv, w_ref[0:D, :], preferred_element_type=jnp.float32)
    bv = (jnp.dot(xv, w_ref[D:2 * D, :], preferred_element_type=jnp.float32)
          + b_ref[...])
    au = lax.bitcast_convert_type(
        a.astype(jnp.bfloat16), jnp.uint16).astype(jnp.uint32)
    bu = lax.bitcast_convert_type(
        bv.astype(jnp.bfloat16), jnp.uint16).astype(jnp.uint32)
    c_ref[...] = lax.bitcast_convert_type(au | (bu << 16), jnp.int32)


def _build_table(x, w, brow):
    n = x.shape[0]
    blk = 1000
    grid = n // blk
    return pl.pallas_call(
        _table_body,
        grid=(grid,),
        in_specs=[
            pl.BlockSpec((blk, D), lambda i: (i, 0)),
            pl.BlockSpec((DC, D), lambda i: (0, 0)),
            pl.BlockSpec((1, D), lambda i: (0, 0)),
        ],
        out_specs=pl.BlockSpec((blk, D), lambda i: (i, 0)),
        out_shape=jax.ShapeDtypeStruct((n, D), jnp.int32),
    )(x, w, brow)


def _make_edge_kernel(n_edges, n_nodes):
    per_w = n_edges // NW
    n_chunks = per_w // CH
    rows_per_sub = (n_nodes // NS) & ~7
    rows_tail = n_nodes - NS * rows_per_sub

    mesh = plsc.VectorSubcoreMesh(core_axis_name="c", subcore_axis_name="s")

    @functools.partial(
        pl.kernel,
        mesh=mesh,
        out_type=jax.ShapeDtypeStruct((n_edges, D), jnp.float32),
        scratch_types=[pltpu.VMEM_SHARED((n_nodes, D), jnp.int32)]
        + [pltpu.VMEM((2 * CH,), jnp.int32) for _ in range(G)]
        + [pltpu.VMEM((2 * CH, D), jnp.int32) for _ in range(GB)]
        + [pltpu.VMEM((CH, D), jnp.float32) for _ in range(OB)]
        + [pltpu.SemaphoreType.DMA for _ in range(G + GB + OB)],
    )
    def edge_kernel(c_hbm, idx_hbm, out_hbm, table, *bufs):
        idxb = bufs[0:G]
        grow = bufs[G:G + GB]
        orow = bufs[G + GB:G + GB + OB]
        isem = bufs[G + GB + OB:2 * G + GB + OB]
        gsem = bufs[2 * G + GB + OB:2 * G + 2 * GB + OB]
        wsem = bufs[2 * G + 2 * GB + OB:2 * G + 2 * GB + 2 * OB]
        sid = lax.axis_index("s")
        wid = sid * NC + lax.axis_index("c")
        base = wid * per_w

        pltpu.sync_copy(c_hbm.at[pl.ds(sid * rows_per_sub, rows_per_sub)],
                        table.at[pl.ds(sid * rows_per_sub, rows_per_sub)])
        if rows_tail:
            @pl.when(sid == 0)
            def _():
                pltpu.sync_copy(
                    c_hbm.at[pl.ds(NS * rows_per_sub, rows_tail)],
                    table.at[pl.ds(NS * rows_per_sub, rows_tail)])
        plsc.subcore_barrier()

        def fire_idx(islot, ci):
            pltpu.async_copy(idx_hbm.at[wid, ci], idxb[islot], isem[islot])

        def wait_idx(islot):
            pltpu.make_async_copy(
                idx_hbm.at[wid, 0], idxb[islot], isem[islot]).wait()

        def fire_gathers(gslot, islot):
            pltpu.async_copy(table.at[idxb[islot]], grow[gslot], gsem[gslot])

        def wait_gathers(gslot):
            pltpu.make_async_copy(
                table.at[idxb[0]], grow[gslot], gsem[gslot]).wait()

        def wait_write(oslot):
            pltpu.make_async_copy(
                orow[oslot], out_hbm.at[pl.ds(base, CH)], wsem[oslot]).wait()

        for c in range(G):
            fire_idx(c, c)
        for c in range(GB):
            wait_idx(c)
            fire_gathers(c, c)

        def group_body(gi, carry):
            ci0 = gi * G
            for b in range(G):
                ci = ci0 + b
                gslot = b % GB
                oslot = b % OB
                wait_gathers(gslot)

                @pl.when(ci0 + b + G < n_chunks)
                def _():
                    fire_idx(b, ci + G)

                @pl.when(ci0 + b >= OB)
                def _():
                    wait_write(oslot)

                @plsc.parallel_loop(0, CH, unroll=1)
                def row_body(i):
                    hi_mask = jnp.int32(-65536)
                    for j in range(D // LANES):
                        su = grow[gslot][i, pl.ds(LANES * j, LANES)]
                        du = grow[gslot][CH + i, pl.ds(LANES * j, LANES)]
                        sa = lax.bitcast_convert_type(su << 16, jnp.float32)
                        sb = lax.bitcast_convert_type(su & hi_mask,
                                                      jnp.float32)
                        da = lax.bitcast_convert_type(du << 16, jnp.float32)
                        db = lax.bitcast_convert_type(du & hi_mask,
                                                      jnp.float32)
                        orow[oslot][i, pl.ds(LANES * j, LANES)] = (
                            jnp.maximum(sa + db, 0.0)
                            + jnp.maximum(da + sb, 0.0)
                        )

                pltpu.async_copy(
                    orow[oslot], out_hbm.at[pl.ds(base + ci * CH, CH)],
                    wsem[oslot])

                @pl.when(ci0 + b + GB < n_chunks)
                def _():
                    wait_idx((b + GB) % G)
                    fire_gathers(gslot, (b + GB) % G)

            return carry

        lax.fori_loop(0, n_chunks // G, group_body, 0)

        for oslot in range(OB):
            wait_write(oslot)

    return edge_kernel


def kernel(x, edge_index, W, b):
    n_edges = edge_index.shape[1]
    per_w = n_edges // NW
    n_chunks = per_w // CH
    c = _build_table(x, W, b.reshape(1, D))
    idx = edge_index.astype(jnp.int32).reshape(2, NW, n_chunks, CH)
    idx = jnp.transpose(idx, (1, 2, 0, 3)).reshape(NW, n_chunks, 2 * CH)
    return _make_edge_kernel(n_edges, x.shape[0])(c, idx)

# --- scband reference (transcript-rebuilt; emitter-appended) ---
"""Pipeline reference for scband-pool-bond-features-57956288692318 (READ-ONLY COPY).

The authoritative reference and input builder live on the scoring server;
editing this copy changes nothing except your own understanding.
"""

import jax, jax.numpy as jnp
import numpy as np

N_NODES = 10000
N_EDGES = 320000
D_FEAT = 128


def setup_inputs(seed: int = 0) -> dict:
    key = jax.random.key(seed)
    k_x, k_e, k_w, k_b = jax.random.split(key, 4)
    x = jax.random.normal(k_x, (N_NODES, D_FEAT), dtype=jnp.float32)
    edge_index = jax.random.randint(k_e, (2, N_EDGES), 0, N_NODES, dtype=jnp.int64)
    # SequentialLayers: Linear(2*d_feat -> d_feat) + ReLU
    W = jax.random.normal(k_w, (2 * D_FEAT, D_FEAT), dtype=jnp.float32) * (1.0 / np.sqrt(2 * D_FEAT))
    b = jnp.zeros((D_FEAT,), dtype=jnp.float32)
    return {"x": x, "edge_index": edge_index, "W": W, "b": b}


def reference(x, edge_index, W, b):
    src = edge_index[0]
    dst = edge_index[1]
    h_src = jnp.take(x, src, axis=0)  # gather src node features per edge
    h_dst = jnp.take(x, dst, axis=0)  # gather dst node features per edge
    # forward edges: cat([h_u, h_v]); backward edges: cat([h_v, h_u])
    h_forward = jnp.concatenate([h_src, h_dst], axis=1)
    h_reverse = jnp.concatenate([h_dst, h_src], axis=1)

    def layers(h):
        return jax.nn.relu(h @ W + b)

    return layers(h_forward) + layers(h_reverse)

if __name__ == "__main__":
    import jax
    _d = setup_inputs()
    print(jax.jit(kernel)(*tuple(_d.values())))

</pallas_src>

<mosaic_0001>
#map = affine_map<(d0, d1) -> (0, 0)>
#map1 = affine_map<(d0, d1) -> (0, 0, 0)>
module attributes {stable_mosaic.version = 14 : i64} {
  func.func @edge_kernel(%arg0: i32, %arg1: i32, %arg2: memref<10000x128xi32, #tpu.memory_space<hbm>>, %arg3: memref<32x250x80xi32, #tpu.memory_space<hbm>>, %arg4: memref<320000x128xf32, #tpu.memory_space<hbm>>, %arg5: memref<10000x128xi32, #tpu.memory_space<vmem_shared>>, %arg6: memref<80xi32, #tpu.memory_space<vmem>>, %arg7: memref<80xi32, #tpu.memory_space<vmem>>, %arg8: memref<80xi32, #tpu.memory_space<vmem>>, %arg9: memref<80xi32, #tpu.memory_space<vmem>>, %arg10: memref<80xi32, #tpu.memory_space<vmem>>, %arg11: memref<80xi32, #tpu.memory_space<vmem>>, %arg12: memref<80xi32, #tpu.memory_space<vmem>>, %arg13: memref<80xi32, #tpu.memory_space<vmem>>, %arg14: memref<80xi32, #tpu.memory_space<vmem>>, %arg15: memref<80xi32, #tpu.memory_space<vmem>>, %arg16: memref<80x128xi32, #tpu.memory_space<vmem>>, %arg17: memref<80x128xi32, #tpu.memory_space<vmem>>, %arg18: memref<40x128xf32, #tpu.memory_space<vmem>>, %arg19: memref<40x128xf32, #tpu.memory_space<vmem>>, %arg20: memref<40x128xf32, #tpu.memory_space<vmem>>, %arg21: memref<40x128xf32, #tpu.memory_space<vmem>>, %arg22: memref<40x128xf32, #tpu.memory_space<vmem>>, %arg23: memref<!tpu.dma_semaphore, #tpu.memory_space<semaphore_mem>>, %arg24: memref<!tpu.dma_semaphore, #tpu.memory_space<semaphore_mem>>, %arg25: memref<!tpu.dma_semaphore, #tpu.memory_space<semaphore_mem>>, %arg26: memref<!tpu.dma_semaphore, #tpu.memory_space<semaphore_mem>>, %arg27: memref<!tpu.dma_semaphore, #tpu.memory_space<semaphore_mem>>, %arg28: memref<!tpu.dma_semaphore, #tpu.memory_space<semaphore_mem>>, %arg29: memref<!tpu.dma_semaphore, #tpu.memory_space<semaphore_mem>>, %arg30: memref<!tpu.dma_semaphore, #tpu.memory_space<semaphore_mem>>, %arg31: memref<!tpu.dma_semaphore, #tpu.memory_space<semaphore_mem>>, %arg32: memref<!tpu.dma_semaphore, #tpu.memory_space<semaphore_mem>>, %arg33: memref<!tpu.dma_semaphore, #tpu.memory_space<semaphore_mem>>, %arg34: memref<!tpu.dma_semaphore, #tpu.memory_space<semaphore_mem>>, %arg35: memref<!tpu.dma_semaphore, #tpu.memory_space<semaphore_mem>>, %arg36: memref<!tpu.dma_semaphore, #tpu.memory_space<semaphore_mem>>, %arg37: memref<!tpu.dma_semaphore, #tpu.memory_space<semaphore_mem>>, %arg38: memref<!tpu.dma_semaphore, #tpu.memory_space<semaphore_mem>>, %arg39: memref<!tpu.dma_semaphore, #tpu.memory_space<semaphore_mem>>) attributes {dimension_semantics = [#tpu.dimension_semantics<core_parallel>, #tpu.dimension_semantics<subcore_parallel>], iteration_bounds = array<i64: 2, 16>, scalar_prefetch = 0 : i64, scratch_operands = 35 : i64, tpu.core_type = #tpu.core_type<sc_vector_subcore>, window_params = [{transform_indices = #map}, {transform_indices = #map1}, {transform_indices = #map}]} {
    %mul3A = arith.constant 2 : i32
    %mul3A_0 = arith.muli %arg1, %mul3A : i32
    %add3A = arith.addi %mul3A_0, %arg0 : i32
    %mul3A_1 = arith.constant 10000 : i32
    %mul3A_2 = arith.muli %add3A, %mul3A_1 : i32
    %mul3A_3 = arith.constant 624 : i32
    %mul3A_4 = arith.muli %arg1, %mul3A_3 : i32
    %mul3A_5 = arith.constant 624 : i32
    %mul3A_6 = arith.muli %arg1, %mul3A_5 : i32
    "tpu.region"() ({
      %run_scoped3A = tpu.sem_alloc : memref<!tpu.dma_semaphore, #tpu.memory_space<semaphore_mem>>
      %dma_start3A_122 = arith.constant 0 : i32
      %dma_start3A_123 = tpu.memref_slice %arg5[%mul3A_6, %dma_start3A_122] : memref<10000x128xi32, #tpu.memory_space<vmem_shared>> -> memref<624x128xi32, #tpu.memory_space<vmem_shared>>
      %dma_start3A_124 = arith.constant 0 : i32
      %dma_start3A_125 = tpu.memref_slice %arg2[%mul3A_4, %dma_start3A_124] : memref<10000x128xi32, #tpu.memory_space<hbm>> -> memref<624x128xi32, #tpu.memory_space<hbm>>
      tpu.enqueue_dma source(%dma_start3A_125 : memref<624x128xi32, #tpu.memory_space<hbm>>) target(%dma_start3A_123 : memref<624x128xi32, #tpu.memory_space<vmem_shared>>) target_semaphore(%run_scoped3A : memref<!tpu.dma_semaphore, #tpu.memory_space<semaphore_mem>>)
      %dma_wait3A_126 = arith.constant 0 : i32
      %dma_wait3A_127 = tpu.memref_slice %arg5[%mul3A_6, %dma_wait3A_126] : memref<10000x128xi32, #tpu.memory_space<vmem_shared>> -> memref<624x128xi32, #tpu.memory_space<vmem_shared>>
      %dma_wait3A_128 = arith.constant 0 : i32
      %dma_wait3A_129 = tpu.memref_slice %arg2[%mul3A_4, %dma_wait3A_128] : memref<10000x128xi32, #tpu.memory_space<hbm>> -> memref<624x128xi32, #tpu.memory_space<hbm>>
      tpu.wait_dma2 semaphore(%run_scoped3A : memref<!tpu.dma_semaphore, #tpu.memory_space<semaphore_mem>>) src(%dma_wait3A_129 : memref<624x128xi32, #tpu.memory_space<hbm>>) dst(%dma_wait3A_127 : memref<624x128xi32, #tpu.memory_space<vmem_shared>>)
      tpu.yield
    }) : () -> ()
    %eq3A = arith.constant 0 : i32
    %eq3A_7 = arith.cmpi eq, %arg1, %eq3A : i32
    %convert_element_type3A = arith.extui %eq3A_7 : i1 to i32
    %cond3A = arith.constant 0 : i32
    %cond3A_8 = arith.cmpi ne, %convert_element_type3A, %cond3A : i32
    scf.if %cond3A_8 {
      "tpu.region"() ({
        %run_scoped3A = tpu.sem_alloc : memref<!tpu.dma_semaphore, #tpu.memory_space<semaphore_mem>>
        %dma_start3A_122 = arith.constant 9984 : i32
        %dma_start3A_123 = arith.constant 0 : i32
        %dma_start3A_124 = tpu.memref_slice %arg5[%dma_start3A_122, %dma_start3A_123] : memref<10000x128xi32, #tpu.memory_space<vmem_shared>> -> memref<16x128xi32, #tpu.memory_space<vmem_shared>>
        %dma_start3A_125 = arith.constant 9984 : i32
        %dma_start3A_126 = arith.constant 0 : i32
        %dma_start3A_127 = tpu.memref_slice %arg2[%dma_start3A_125, %dma_start3A_126] : memref<10000x128xi32, #tpu.memory_space<hbm>> -> memref<16x128xi32, #tpu.memory_space<hbm>>
        tpu.enqueue_dma source(%dma_start3A_127 : memref<16x128xi32, #tpu.memory_space<hbm>>) target(%dma_start3A_124 : memref<16x128xi32, #tpu.memory_space<vmem_shared>>) target_semaphore(%run_scoped3A : memref<!tpu.dma_semaphore, #tpu.memory_space<semaphore_mem>>)
        %dma_wait3A_128 = arith.constant 9984 : i32
        %dma_wait3A_129 = arith.constant 0 : i32
        %dma_wait3A_130 = tpu.memref_slice %arg5[%dma_wait3A_128, %dma_wait3A_129] : memref<10000x128xi32, #tpu.memory_space<vmem_shared>> -> memref<16x128xi32, #tpu.memory_space<vmem_shared>>
        %dma_wait3A_131 = arith.constant 9984 : i32
        %dma_wait3A_132 = arith.constant 0 : i32
        %dma_wait3A_133 = tpu.memref_slice %arg2[%dma_wait3A_131, %dma_wait3A_132] : memref<10000x128xi32, #tpu.memory_space<hbm>> -> memref<16x128xi32, #tpu.memory_space<hbm>>
        tpu.wait_dma2 semaphore(%run_scoped3A : memref<!tpu.dma_semaphore, #tpu.memory_space<semaphore_mem>>) src(%dma_wait3A_133 : memref<16x128xi32, #tpu.memory_space<hbm>>) dst(%dma_wait3A_130 : memref<16x128xi32, #tpu.memory_space<vmem_shared>>)
        tpu.yield
      }) : () -> ()
    } else {
    }
    %barrier3A = arith.constant 0 : index
    tpu.barrier barrier_id(%barrier3A)
    %dma_start3A = arith.constant 0 : i32
    %dma_start3A_9 = arith.constant 0 : i32
    %dma_start3A_10 = tpu.memref_slice %arg3[%add3A, %dma_start3A, %dma_start3A_9] : memref<32x250x80xi32, #tpu.memory_space<hbm>> -> memref<1x1x80xi32, #tpu.memory_space<hbm>>
    %dma_start3A_11 = tpu.memref_squeeze %dma_start3A_10 : memref<1x1x80xi32, #tpu.memory_space<hbm>> -> memref<80xi32, #tpu.memory_space<hbm>>
    %dma_start3A_12 = arith.constant 0 : i32
    %dma_start3A_13 = tpu.memref_slice %arg3[%add3A, %dma_start3A, %dma_start3A_12] : memref<32x250x80xi32, #tpu.memory_space<hbm>> -> memref<1x1x80xi32, #tpu.memory_space<hbm>>
    %dma_start3A_14 = tpu.memref_squeeze %dma_start3A_13 : memref<1x1x80xi32, #tpu.memory_space<hbm>> -> memref<80xi32, #tpu.memory_space<hbm>>
    tpu.enqueue_dma source(%dma_start3A_14 : memref<80xi32, #tpu.memory_space<hbm>>) target(%arg6 : memref<80xi32, #tpu.memory_space<vmem>>) target_semaphore(%arg23 : memref<!tpu.dma_semaphore, #tpu.memory_space<semaphore_mem>>)
    %dma_start3A_15 = arith.constant 1 : i32
    %dma_start3A_16 = arith.constant 0 : i32
    %dma_start3A_17 = tpu.memref_slice %arg3[%add3A, %dma_start3A_15, %dma_start3A_16] : memref<32x250x80xi32, #tpu.memory_space<hbm>> -> memref<1x1x80xi32, #tpu.memory_space<hbm>>
    %dma_start3A_18 = tpu.memref_squeeze %dma_start3A_17 : memref<1x1x80xi32, #tpu.memory_space<hbm>> -> memref<80xi32, #tpu.memory_space<hbm>>
    %dma_start3A_19 = arith.constant 0 : i32
    %dma_start3A_20 = tpu.memref_slice %arg3[%add3A, %dma_start3A_15, %dma_start3A_19] : memref<32x250x80xi32, #tpu.memory_space<hbm>> -> memref<1x1x80xi32, #tpu.memory_space<hbm>>
    %dma_start3A_21 = tpu.memref_squeeze %dma_start3A_20 : memref<1x1x80xi32, #tpu.memory_space<hbm>> -> memref<80xi32, #tpu.memory_space<hbm>>
    tpu.enqueue_dma source(%dma_start3A_21 : memref<80xi32, #tpu.memory_space<hbm>>) target(%arg7 : memref<80xi32, #tpu.memory_space<vmem>>) target_semaphore(%arg24 : memref<!tpu.dma_semaphore, #tpu.memory_space<semaphore_mem>>)
    %dma_start3A_22 = arith.constant 2 : i32
    %dma_start3A_23 = arith.constant 0 : i32
    %dma_start3A_24 = tpu.memref_slice %arg3[%add3A, %dma_start3A_22, %dma_start3A_23] : memref<32x250x80xi32, #tpu.memory_space<hbm>> -> memref<1x1x80xi32, #tpu.memory_space<hbm>>
    %dma_start3A_25 = tpu.memref_squeeze %dma_start3A_24 : memref<1x1x80xi32, #tpu.memory_space<hbm>> -> memref<80xi32, #tpu.memory_space<hbm>>
    %dma_start3A_26 = arith.constant 0 : i32
    %dma_start3A_27 = tpu.memref_slice %arg3[%add3A, %dma_start3A_22, %dma_start3A_26] : memref<32x250x80xi32, #tpu.memory_space<hbm>> -> memref<1x1x80xi32, #tpu.memory_space<hbm>>
    %dma_start3A_28 = tpu.memref_squeeze %dma_start3A_27 : memref<1x1x80xi32, #tpu.memory_space<hbm>> -> memref<80xi32, #tpu.memory_space<hbm>>
    tpu.enqueue_dma source(%dma_start3A_28 : memref<80xi32, #tpu.memory_space<hbm>>) target(%arg8 : memref<80xi32, #tpu.memory_space<vmem>>) target_semaphore(%arg25 : memref<!tpu.dma_semaphore, #tpu.memory_space<semaphore_mem>>)
    %dma_start3A_29 = arith.constant 3 : i32
    %dma_start3A_30 = arith.constant 0 : i32
    %dma_start3A_31 = tpu.memref_slice %arg3[%add3A, %dma_start3A_29, %dma_start3A_30] : memref<32x250x80xi32, #tpu.memory_space<hbm>> -> memref<1x1x80xi32, #tpu.memory_space<hbm>>
    %dma_start3A_32 = tpu.memref_squeeze %dma_start3A_31 : memref<1x1x80xi32, #tpu.memory_space<hbm>> -> memref<80xi32, #tpu.memory_space<hbm>>
    %dma_start3A_33 = arith.constant 0 : i32
    %dma_start3A_34 = tpu.memref_slice %arg3[%add3A, %dma_start3A_29, %dma_start3A_33] : memref<32x250x80xi32, #tpu.memory_space<hbm>> -> memref<1x1x80xi32, #tpu.memory_space<hbm>>
    %dma_start3A_35 = tpu.memref_squeeze %dma_start3A_34 : memref<1x1x80xi32, #tpu.memory_space<hbm>> -> memref<80xi32, #tpu.memory_space<hbm>>
    tpu.enqueue_dma source(%dma_start3A_35 : memref<80xi32, #tpu.memory_space<hbm>>) target(%arg9 : memref<80xi32, #tpu.memory_space<vmem>>) target_semaphore(%arg26 : memref<!tpu.dma_semaphore, #tpu.memory_space<semaphore_mem>>)
    %dma_start3A_36 = arith.constant 4 : i32
    %dma_start3A_37 = arith.constant 0 : i32
    %dma_start3A_38 = tpu.memref_slice %arg3[%add3A, %dma_start3A_36, %dma_start3A_37] : memref<32x250x80xi32, #tpu.memory_space<hbm>> -> memref<1x1x80xi32, #tpu.memory_space<hbm>>
    %dma_start3A_39 = tpu.memref_squeeze %dma_start3A_38 : memref<1x1x80xi32, #tpu.memory_space<hbm>> -> memref<80xi32, #tpu.memory_space<hbm>>
    %dma_start3A_40 = arith.constant 0 : i32
    %dma_start3A_41 = tpu.memref_slice %arg3[%add3A, %dma_start3A_36, %dma_start3A_40] : memref<32x250x80xi32, #tpu.memory_space<hbm>> -> memref<1x1x80xi32, #tpu.memory_space<hbm>>
    %dma_start3A_42 = tpu.memref_squeeze %dma_start3A_41 : memref<1x1x80xi32, #tpu.memory_space<hbm>> -> memref<80xi32, #tpu.memory_space<hbm>>
    tpu.enqueue_dma source(%dma_start3A_42 : memref<80xi32, #tpu.memory_space<hbm>>) target(%arg10 : memref<80xi32, #tpu.memory_space<vmem>>) target_semaphore(%arg27 : memref<!tpu.dma_semaphore, #tpu.memory_space<semaphore_mem>>)
    %dma_start3A_43 = arith.constant 5 : i32
    %dma_start3A_44 = arith.constant 0 : i32
    %dma_start3A_45 = tpu.memref_slice %arg3[%add3A, %dma_start3A_43, %dma_start3A_44] : memref<32x250x80xi32, #tpu.memory_space<hbm>> -> memref<1x1x80xi32, #tpu.memory_space<hbm>>
    %dma_start3A_46 = tpu.memref_squeeze %dma_start3A_45 : memref<1x1x80xi32, #tpu.memory_space<hbm>> -> memref<80xi32, #tpu.memory_space<hbm>>
    %dma_start3A_47 = arith.constant 0 : i32
    %dma_start3A_48 = tpu.memref_slice %arg3[%add3A, %dma_start3A_43, %dma_start3A_47] : memref<32x250x80xi32, #tpu.memory_space<hbm>> -> memref<1x1x80xi32, #tpu.memory_space<hbm>>
    %dma_start3A_49 = tpu.memref_squeeze %dma_start3A_48 : memref<1x1x80xi32, #tpu.memory_space<hbm>> -> memref<80xi32, #tpu.memory_space<hbm>>
    tpu.enqueue_dma source(%dma_start3A_49 : memref<80xi32, #tpu.memory_space<hbm>>) target(%arg11 : memref<80xi32, #tpu.memory_space<vmem>>) target_semaphore(%arg28 : memref<!tpu.dma_semaphore, #tpu.memory_space<semaphore_mem>>)
    %dma_start3A_50 = arith.constant 6 : i32
    %dma_start3A_51 = arith.constant 0 : i32
    %dma_start3A_52 = tpu.memref_slice %arg3[%add3A, %dma_start3A_50, %dma_start3A_51] : memref<32x250x80xi32, #tpu.memory_space<hbm>> -> memref<1x1x80xi32, #tpu.memory_space<hbm>>
    %dma_start3A_53 = tpu.memref_squeeze %dma_start3A_52 : memref<1x1x80xi32, #tpu.memory_space<hbm>> -> memref<80xi32, #tpu.memory_space<hbm>>
    %dma_start3A_54 = arith.constant 0 : i32
    %dma_start3A_55 = tpu.memref_slice %arg3[%add3A, %dma_start3A_50, %dma_start3A_54] : memref<32x250x80xi32, #tpu.memory_space<hbm>> -> memref<1x1x80xi32, #tpu.memory_space<hbm>>
    %dma_start3A_56 = tpu.memref_squeeze %dma_start3A_55 : memref<1x1x80xi32, #tpu.memory_space<hbm>> -> memref<80xi32, #tpu.memory_space<hbm>>
    tpu.enqueue_dma source(%dma_start3A_56 : memref<80xi32, #tpu.memory_space<hbm>>) target(%arg12 : memref<80xi32, #tpu.memory_space<vmem>>) target_semaphore(%arg29 : memref<!tpu.dma_semaphore, #tpu.memory_space<semaphore_mem>>)
    %dma_start3A_57 = arith.constant 7 : i32
    %dma_start3A_58 = arith.constant 0 : i32
    %dma_start3A_59 = tpu.memref_slice %arg3[%add3A, %dma_start3A_57, %dma_start3A_58] : memref<32x250x80xi32, #tpu.memory_space<hbm>> -> memref<1x1x80xi32, #tpu.memory_space<hbm>>
    %dma_start3A_60 = tpu.memref_squeeze %dma_start3A_59 : memref<1x1x80xi32, #tpu.memory_space<hbm>> -> memref<80xi32, #tpu.memory_space<hbm>>
    %dma_start3A_61 = arith.constant 0 : i32
    %dma_start3A_62 = tpu.memref_slice %arg3[%add3A, %dma_start3A_57, %dma_start3A_61] : memref<32x250x80xi32, #tpu.memory_space<hbm>> -> memref<1x1x80xi32, #tpu.memory_space<hbm>>
    %dma_start3A_63 = tpu.memref_squeeze %dma_start3A_62 : memref<1x1x80xi32, #tpu.memory_space<hbm>> -> memref<80xi32, #tpu.memory_space<hbm>>
    tpu.enqueue_dma source(%dma_start3A_63 : memref<80xi32, #tpu.memory_space<hbm>>) target(%arg13 : memref<80xi32, #tpu.memory_space<vmem>>) target_semaphore(%arg30 : memref<!tpu.dma_semaphore, #tpu.memory_space<semaphore_mem>>)
    %dma_start3A_64 = arith.constant 8 : i32
    %dma_start3A_65 = arith.constant 0 : i32
    %dma_start3A_66 = tpu.memref_slice %arg3[%add3A, %dma_start3A_64, %dma_start3A_65] : memref<32x250x80xi32, #tpu.memory_space<hbm>> -> memref<1x1x80xi32, #tpu.memory_space<hbm>>
    %dma_start3A_67 = tpu.memref_squeeze %dma_start3A_66 : memref<1x1x80xi32, #tpu.memory_space<hbm>> -> memref<80xi32, #tpu.memory_space<hbm>>
    %dma_start3A_68 = arith.constant 0 : i32
    %dma_start3A_69 = tpu.memref_slice %arg3[%add3A, %dma_start3A_64, %dma_start3A_68] : memref<32x250x80xi32, #tpu.memory_space<hbm>> -> memref<1x1x80xi32, #tpu.memory_space<hbm>>
    %dma_start3A_70 = tpu.memref_squeeze %dma_start3A_69 : memref<1x1x80xi32, #tpu.memory_space<hbm>> -> memref<80xi32, #tpu.memory_space<hbm>>
    tpu.enqueue_dma source(%dma_start3A_70 : memref<80xi32, #tpu.memory_space<hbm>>) target(%arg14 : memref<80xi32, #tpu.memory_space<vmem>>) target_semaphore(%arg31 : memref<!tpu.dma_semaphore, #tpu.memory_space<semaphore_mem>>)
    %dma_start3A_71 = arith.constant 9 : i32
    %dma_start3A_72 = arith.constant 0 : i32
    %dma_start3A_73 = tpu.memref_slice %arg3[%add3A, %dma_start3A_71, %dma_start3A_72] : memref<32x250x80xi32, #tpu.memory_space<hbm>> -> memref<1x1x80xi32, #tpu.memory_space<hbm>>
    %dma_start3A_74 = tpu.memref_squeeze %dma_start3A_73 : memref<1x1x80xi32, #tpu.memory_space<hbm>> -> memref<80xi32, #tpu.memory_space<hbm>>
    %dma_start3A_75 = arith.constant 0 : i32
    %dma_start3A_76 = tpu.memref_slice %arg3[%add3A, %dma_start3A_71, %dma_start3A_75] : memref<32x250x80xi32, #tpu.memory_space<hbm>> -> memref<1x1x80xi32, #tpu.memory_space<hbm>>
    %dma_start3A_77 = tpu.memref_squeeze %dma_start3A_76 : memref<1x1x80xi32, #tpu.memory_space<hbm>> -> memref<80xi32, #tpu.memory_space<hbm>>
    tpu.enqueue_dma source(%dma_start3A_77 : memref<80xi32, #tpu.memory_space<hbm>>) target(%arg15 : memref<80xi32, #tpu.memory_space<vmem>>) target_semaphore(%arg32 : memref<!tpu.dma_semaphore, #tpu.memory_space<semaphore_mem>>)
    %dma_wait3A = arith.constant 0 : i32
    %dma_wait3A_78 = arith.constant 0 : i32
    %dma_wait3A_79 = tpu.memref_slice %arg3[%add3A, %dma_wait3A, %dma_wait3A_78] : memref<32x250x80xi32, #tpu.memory_space<hbm>> -> memref<1x1x80xi32, #tpu.memory_space<hbm>>
    %dma_wait3A_80 = tpu.memref_squeeze %dma_wait3A_79 : memref<1x1x80xi32, #tpu.memory_space<hbm>> -> memref<80xi32, #tpu.memory_space<hbm>>
    %dma_wait3A_81 = arith.constant 0 : i32
    %dma_wait3A_82 = tpu.memref_slice %arg3[%add3A, %dma_wait3A, %dma_wait3A_81] : memref<32x250x80xi32, #tpu.memory_space<hbm>> -> memref<1x1x80xi32, #tpu.memory_space<hbm>>
    %dma_wait3A_83 = tpu.memref_squeeze %dma_wait3A_82 : memref<1x1x80xi32, #tpu.memory_space<hbm>> -> memref<80xi32, #tpu.memory_space<hbm>>
    tpu.wait_dma2 semaphore(%arg23 : memref<!tpu.dma_semaphore, #tpu.memory_space<semaphore_mem>>) src(%dma_wait3A_83 : memref<80xi32, #tpu.memory_space<hbm>>) dst(%arg6 : memref<80xi32, #tpu.memory_space<vmem>>)
    %dma_start3A_84 = arith.constant 0 : i32
    %dma_start3A_85 = arith.constant 0 : i32
    %dma_start3A_86 = tpu.memref_slice %arg5[%dma_start3A_84, %dma_start3A_85] : memref<10000x128xi32, #tpu.memory_space<vmem_shared>> -> memref<10000x128xi32, #tpu.memory_space<vmem_shared>>
    tpu.enqueue_indirect_dma source(%dma_start3A_86 : memref<10000x128xi32, #tpu.memory_space<vmem_shared>>) target(%arg16 : memref<80x128xi32, #tpu.memory_space<vmem>>) offsets(%arg6 : memref<80xi32, #tpu.memory_space<vmem>>) semaphore(%arg33 : memref<!tpu.dma_semaphore, #tpu.memory_space<semaphore_mem>>)
    %dma_wait3A_87 = arith.constant 0 : i32
    %dma_wait3A_88 = arith.constant 0 : i32
    %dma_wait3A_89 = tpu.memref_slice %arg3[%add3A, %dma_wait3A_87, %dma_wait3A_88] : memref<32x250x80xi32, #tpu.memory_space<hbm>> -> memref<1x1x80xi32, #tpu.memory_space<hbm>>
    %dma_wait3A_90 = tpu.memref_squeeze %dma_wait3A_89 : memref<1x1x80xi32, #tpu.memory_space<hbm>> -> memref<80xi32, #tpu.memory_space<hbm>>
    %dma_wait3A_91 = arith.constant 0 : i32
    %dma_wait3A_92 = tpu.memref_slice %arg3[%add3A, %dma_wait3A_87, %dma_wait3A_91] : memref<32x250x80xi32, #tpu.memory_space<hbm>> -> memref<1x1x80xi32, #tpu.memory_space<hbm>>
    %dma_wait3A_93 = tpu.memref_squeeze %dma_wait3A_92 : memref<1x1x80xi32, #tpu.memory_space<hbm>> -> memref<80xi32, #tpu.memory_space<hbm>>
    tpu.wait_dma2 semaphore(%arg24 : memref<!tpu.dma_semaphore, #tpu.memory_space<semaphore_mem>>) src(%dma_wait3A_93 : memref<80xi32, #tpu.memory_space<hbm>>) dst(%arg7 : memref<80xi32, #tpu.memory_space<vmem>>)
    %dma_start3A_94 = arith.constant 0 : i32
    %dma_start3A_95 = arith.constant 0 : i32
    %dma_start3A_96 = tpu.memref_slice %arg5[%dma_start3A_94, %dma_start3A_95] : memref<10000x128xi32, #tpu.memory_space<vmem_shared>> -> memref<10000x128xi32, #tpu.memory_space<vmem_shared>>
    tpu.enqueue_indirect_dma source(%dma_start3A_96 : memref<10000x128xi32, #tpu.memory_space<vmem_shared>>) target(%arg17 : memref<80x128xi32, #tpu.memory_space<vmem>>) offsets(%arg7 : memref<80xi32, #tpu.memory_space<vmem>>) semaphore(%arg34 : memref<!tpu.dma_semaphore, #tpu.memory_space<semaphore_mem>>)
    %scan3A = arith.constant 0 : i32
    %scan3A_97 = arith.constant 0 : i32
    %scan3A_98 = arith.constant 25 : i32
    %scan3A_99 = arith.addi %scan3A_97, %scan3A_98 : i32
    %scan3A_100 = arith.constant 1 : i32
    scf.for %scan3A_122 = %scan3A_97 to %scan3A_99 step %scan3A_100  : i32 {
      %mul3A_123 = arith.constant 10 : i32
      %mul3A_124 = arith.muli %scan3A_122, %mul3A_123 : i32
      %add3A_125 = arith.constant 0 : i32
      %add3A_126 = arith.addi %mul3A_124, %add3A_125 : i32
      %dma_wait3A_127 = arith.constant 0 : i32
      %dma_wait3A_128 = arith.constant 0 : i32
      %dma_wait3A_129 = tpu.memref_slice %arg5[%dma_wait3A_127, %dma_wait3A_128] : memref<10000x128xi32, #tpu.memory_space<vmem_shared>> -> memref<10000x128xi32, #tpu.memory_space<vmem_shared>>
      tpu.wait_indirect_dma semaphore(%arg33 : memref<!tpu.dma_semaphore, #tpu.memory_space<semaphore_mem>>) src(%dma_wait3A_129 : memref<10000x128xi32, #tpu.memory_space<vmem_shared>>) dst(%arg16 : memref<80x128xi32, #tpu.memory_space<vmem>>)
      %add3A_130 = arith.constant 0 : i32
      %add3A_131 = arith.addi %mul3A_124, %add3A_130 : i32
      %add3A_132 = arith.constant 10 : i32
      %add3A_133 = arith.addi %add3A_131, %add3A_132 : i32
      %lt3A = arith.constant 250 : i32
      %lt3A_134 = arith.cmpi slt, %add3A_133, %lt3A : i32
      %convert_element_type3A_135 = arith.extui %lt3A_134 : i1 to i32
      %cond3A_136 = arith.constant 0 : i32
      %cond3A_137 = arith.cmpi ne, %convert_element_type3A_135, %cond3A_136 : i32
      scf.if %cond3A_137 {
        %add3A_522 = arith.constant 10 : i32
        %add3A_523 = arith.addi %add3A_126, %add3A_522 : i32
        %dma_start3A_524 = arith.constant 0 : i32
        %dma_start3A_525 = tpu.memref_slice %arg3[%add3A, %add3A_523, %dma_start3A_524] : memref<32x250x80xi32, #tpu.memory_space<hbm>> -> memref<1x1x80xi32, #tpu.memory_space<hbm>>
        %dma_start3A_526 = tpu.memref_squeeze %dma_start3A_525 : memref<1x1x80xi32, #tpu.memory_space<hbm>> -> memref<80xi32, #tpu.memory_space<hbm>>
        %dma_start3A_527 = arith.constant 0 : i32
        %dma_start3A_528 = tpu.memref_slice %arg3[%add3A, %add3A_523, %dma_start3A_527] : memref<32x250x80xi32, #tpu.memory_space<hbm>> -> memref<1x1x80xi32, #tpu.memory_space<hbm>>
        %dma_start3A_529 = tpu.memref_squeeze %dma_start3A_528 : memref<1x1x80xi32, #tpu.memory_space<hbm>> -> memref<80xi32, #tpu.memory_space<hbm>>
        tpu.enqueue_dma source(%dma_start3A_529 : memref<80xi32, #tpu.memory_space<hbm>>) target(%arg6 : memref<80xi32, #tpu.memory_space<vmem>>) target_semaphore(%arg23 : memref<!tpu.dma_semaphore, #tpu.memory_space<semaphore_mem>>)
      } else {
      }
      %add3A_138 = arith.constant 0 : i32
      %add3A_139 = arith.addi %mul3A_124, %add3A_138 : i32
      %ge3A = arith.constant 5 : i32
      %ge3A_140 = arith.cmpi sge, %add3A_139, %ge3A : i32
      %convert_element_type3A_141 = arith.extui %ge3A_140 : i1 to i32
      %cond3A_142 = arith.constant 0 : i32
      %cond3A_143 = arith.cmpi ne, %convert_element_type3A_141, %cond3A_142 : i32
      scf.if %cond3A_143 {
        %dma_wait3A_522 = arith.constant 0 : i32
        %dma_wait3A_523 = tpu.memref_slice %arg4[%mul3A_2, %dma_wait3A_522] : memref<320000x128xf32, #tpu.memory_space<hbm>> -> memref<40x128xf32, #tpu.memory_space<hbm>>
        %dma_wait3A_524 = arith.constant 0 : i32
        %dma_wait3A_525 = tpu.memref_slice %arg4[%mul3A_2, %dma_wait3A_524] : memref<320000x128xf32, #tpu.memory_space<hbm>> -> memref<40x128xf32, #tpu.memory_space<hbm>>
        tpu.wait_dma2 semaphore(%arg35 : memref<!tpu.dma_semaphore, #tpu.memory_space<semaphore_mem>>) src(%arg18 : memref<40x128xf32, #tpu.memory_space<vmem>>) dst(%dma_wait3A_525 : memref<40x128xf32, #tpu.memory_space<hbm>>)
      } else {
      }
      %parallel_loop3A = arith.constant 0 : i32
      %parallel_loop3A_144 = arith.constant 40 : i32
      %parallel_loop3A_145 = arith.constant 1 : i32
      scf.for %parallel_loop3A_522 = %parallel_loop3A to %parallel_loop3A_144 step %parallel_loop3A_145  : i32 {
        %parallel_loop3A_523 = arith.index_cast %parallel_loop3A_522 : i32 to index
        %parallel_loop3A_524 = arith.constant 0 : index
        %parallel_loop3A_525 = tpu.vector_load %arg16[%parallel_loop3A_523, %parallel_loop3A_524] {strides = array<i32>} : memref<80x128xi32, #tpu.memory_space<vmem>>, vector<1x16xi32>,
        %parallel_loop3A_526 = vector.shape_cast %parallel_loop3A_525 : vector<1x16xi32> to vector<16xi32>
        %parallel_loop3A_527 = arith.constant 40 : i32
        %parallel_loop3A_528 = arith.addi %parallel_loop3A_527, %parallel_loop3A_522 : i32
        %parallel_loop3A_529 = arith.index_cast %parallel_loop3A_528 : i32 to index
        %parallel_loop3A_530 = arith.constant 0 : index
        %parallel_loop3A_531 = tpu.vector_load %arg16[%parallel_loop3A_529, %parallel_loop3A_530] {strides = array<i32>} : memref<80x128xi32, #tpu.memory_space<vmem>>, vector<1x16xi32>,
        %parallel_loop3A_532 = vector.shape_cast %parallel_loop3A_531 : vector<1x16xi32> to vector<16xi32>
        %parallel_loop3A_533 = arith.constant 16 : i32
        %parallel_loop3A_534 = vector.broadcast %parallel_loop3A_533 : i32 to vector<16xi32>
        %parallel_loop3A_535 = arith.shli %parallel_loop3A_526, %parallel_loop3A_534 : vector<16xi32>
        %parallel_loop3A_536 = tpu.bitcast %parallel_loop3A_535 : vector<16xi32> -> vector<16xf32>
        %parallel_loop3A_537 = arith.constant -65536 : i32
        %parallel_loop3A_538 = vector.broadcast %parallel_loop3A_537 : i32 to vector<16xi32>
        %parallel_loop3A_539 = arith.andi %parallel_loop3A_526, %parallel_loop3A_538 : vector<16xi32>
        %parallel_loop3A_540 = tpu.bitcast %parallel_loop3A_539 : vector<16xi32> -> vector<16xf32>
        %parallel_loop3A_541 = arith.constant 16 : i32
        %parallel_loop3A_542 = vector.broadcast %parallel_loop3A_541 : i32 to vector<16xi32>
        %parallel_loop3A_543 = arith.shli %parallel_loop3A_532, %parallel_loop3A_542 : vector<16xi32>
        %parallel_loop3A_544 = tpu.bitcast %parallel_loop3A_543 : vector<16xi32> -> vector<16xf32>
        %parallel_loop3A_545 = arith.constant -65536 : i32
        %parallel_loop3A_546 = vector.broadcast %parallel_loop3A_545 : i32 to vector<16xi32>
        %parallel_loop3A_547 = arith.andi %parallel_loop3A_532, %parallel_loop3A_546 : vector<16xi32>
        %parallel_loop3A_548 = tpu.bitcast %parallel_loop3A_547 : vector<16xi32> -> vector<16xf32>
        %parallel_loop3A_549 = arith.addf %parallel_loop3A_536, %parallel_loop3A_548 : vector<16xf32>
        %parallel_loop3A_550 = arith.constant 0.000000e+00 : f32
        %parallel_loop3A_551 = vector.broadcast %parallel_loop3A_550 : f32 to vector<16xf32>
        %parallel_loop3A_552 = arith.maximumf %parallel_loop3A_549, %parallel_loop3A_551 : vector<16xf32>
        %parallel_loop3A_553 = arith.addf %parallel_loop3A_544, %parallel_loop3A_540 : vector<16xf32>
        %parallel_loop3A_554 = arith.constant 0.000000e+00 : f32
        %parallel_loop3A_555 = vector.broadcast %parallel_loop3A_554 : f32 to vector<16xf32>
        %parallel_loop3A_556 = arith.maximumf %parallel_loop3A_553, %parallel_loop3A_555 : vector<16xf32>
        %parallel_loop3A_557 = arith.addf %parallel_loop3A_552, %parallel_loop3A_556 : vector<16xf32>
        %parallel_loop3A_558 = arith.index_cast %parallel_loop3A_522 : i32 to index
        %parallel_loop3A_559 = arith.constant 0 : index
        %parallel_loop3A_560 = tpu.vector_load %arg18[%parallel_loop3A_558, %parallel_loop3A_559] {strides = array<i32>} : memref<40x128xf32, #tpu.memory_space<vmem>>, vector<1x16xf32>,
        %parallel_loop3A_561 = vector.shape_cast %parallel_loop3A_560 : vector<1x16xf32> to vector<16xf32>
        %parallel_loop3A_562 = vector.shape_cast %parallel_loop3A_557 : vector<16xf32> to vector<1x16xf32>
        tpu.vector_store %arg18[%parallel_loop3A_558, %parallel_loop3A_559], %parallel_loop3A_562 {strides = array<i32>} : memref<40x128xf32, #tpu.memory_space<vmem>>, vector<1x16xf32>,
        %parallel_loop3A_563 = arith.index_cast %parallel_loop3A_522 : i32 to index
        %parallel_loop3A_564 = arith.constant 16 : index
        %parallel_loop3A_565 = tpu.vector_load %arg16[%parallel_loop3A_563, %parallel_loop3A_564] {strides = array<i32>} : memref<80x128xi32, #tpu.memory_space<vmem>>, vector<1x16xi32>,
        %parallel_loop3A_566 = vector.shape_cast %parallel_loop3A_565 : vector<1x16xi32> to vector<16xi32>
        %parallel_loop3A_567 = arith.constant 40 : i32
        %parallel_loop3A_568 = arith.addi %parallel_loop3A_567, %parallel_loop3A_522 : i32
        %parallel_loop3A_569 = arith.index_cast %parallel_loop3A_568 : i32 to index
        %parallel_loop3A_570 = arith.constant 16 : index
        %parallel_loop3A_571 = tpu.vector_load %arg16[%parallel_loop3A_569, %parallel_loop3A_570] {strides = array<i32>} : memref<80x128xi32, #tpu.memory_space<vmem>>, vector<1x16xi32>,
        %parallel_loop3A_572 = vector.shape_cast %parallel_loop3A_571 : vector<1x16xi32> to vector<16xi32>
        %parallel_loop3A_573 = arith.constant 16 : i32
        %parallel_loop3A_574 = vector.broadcast %parallel_loop3A_573 : i32 to vector<16xi32>
        %parallel_loop3A_575 = arith.shli %parallel_loop3A_566, %parallel_loop3A_574 : vector<16xi32>
        %parallel_loop3A_576 = tpu.bitcast %parallel_loop3A_575 : vector<16xi32> -> vector<16xf32>
        %parallel_loop3A_577 = arith.constant -65536 : i32
        %parallel_loop3A_578 = vector.broadcast %parallel_loop3A_577 : i32 to vector<16xi32>
        %parallel_loop3A_579 = arith.andi %parallel_loop3A_566, %parallel_loop3A_578 : vector<16xi32>
        %parallel_loop3A_580 = tpu.bitcast %parallel_loop3A_579 : vector<16xi32> -> vector<16xf32>
        %parallel_loop3A_581 = arith.constant 16 : i32
        %parallel_loop3A_582 = vector.broadcast %parallel_loop3A_581 : i32 to vector<16xi32>
        %parallel_loop3A_583 = arith.shli %parallel_loop3A_572, %parallel_loop3A_582 : vector<16xi32>
        %parallel_loop3A_584 = tpu.bitcast %parallel_loop3A_583 : vector<16xi32> -> vector<16xf32>
        %parallel_loop3A_585 = arith.constant -65536 : i32
        %parallel_loop3A_586 = vector.broadcast %parallel_loop3A_585 : i32 to vector<16xi32>
        %parallel_loop3A_587 = arith.andi %parallel_loop3A_572, %parallel_loop3A_586 : vector<16xi32>
        %parallel_loop3A_588 = tpu.bitcast %parallel_loop3A_587 : vector<16xi32> -> vector<16xf32>
        %parallel_loop3A_589 = arith.addf %parallel_loop3A_576, %parallel_loop3A_588 : vector<16xf32>
        %parallel_loop3A_590 = arith.constant 0.000000e+00 : f32
        %parallel_loop3A_591 = vector.broadcast %parallel_loop3A_590 : f32 to vector<16xf32>
        %parallel_loop3A_592 = arith.maximumf %parallel_loop3A_589, %parallel_loop3A_591 : vector<16xf32>
        %parallel_loop3A_593 = arith.addf %parallel_loop3A_584, %parallel_loop3A_580 : vector<16xf32>
        %parallel_loop3A_594 = arith.constant 0.000000e+00 : f32
        %parallel_loop3A_595 = vector.broadcast %parallel_loop3A_594 : f32 to vector<16xf32>
        %parallel_loop3A_596 = arith.maximumf %parallel_loop3A_593, %parallel_loop3A_595 : vector<16xf32>
        %parallel_loop3A_597 = arith.addf %parallel_loop3A_592, %parallel_loop3A_596 : vector<16xf32>
        %parallel_loop3A_598 = arith.index_cast %parallel_loop3A_522 : i32 to index
        %parallel_loop3A_599 = arith.constant 16 : index
        %parallel_loop3A_600 = tpu.vector_load %arg18[%parallel_loop3A_598, %parallel_loop3A_599] {strides = array<i32>} : memref<40x128xf32, #tpu.memory_space<vmem>>, vector<1x16xf32>,
        %parallel_loop3A_601 = vector.shape_cast %parallel_loop3A_600 : vector<1x16xf32> to vector<16xf32>
        %parallel_loop3A_602 = vector.shape_cast %parallel_loop3A_597 : vector<16xf32> to vector<1x16xf32>
        tpu.vector_store %arg18[%parallel_loop3A_598, %parallel_loop3A_599], %parallel_loop3A_602 {strides = array<i32>} : memref<40x128xf32, #tpu.memory_space<vmem>>, vector<1x16xf32>,
        %parallel_loop3A_603 = arith.index_cast %parallel_loop3A_522 : i32 to index
        %parallel_loop3A_604 = arith.constant 32 : index
        %parallel_loop3A_605 = tpu.vector_load %arg16[%parallel_loop3A_603, %parallel_loop3A_604] {strides = array<i32>} : memref<80x128xi32, #tpu.memory_space<vmem>>, vector<1x16xi32>,
        %parallel_loop3A_606 = vector.shape_cast %parallel_loop3A_605 : vector<1x16xi32> to vector<16xi32>
        %parallel_loop3A_607 = arith.constant 40 : i32
        %parallel_loop3A_608 = arith.addi %parallel_loop3A_607, %parallel_loop3A_522 : i32
        %parallel_loop3A_609 = arith.index_cast %parallel_loop3A_608 : i32 to index
        %parallel_loop3A_610 = arith.constant 32 : index
        %parallel_loop3A_611 = tpu.vector_load %arg16[%parallel_loop3A_609, %parallel_loop3A_610] {strides = array<i32>} : memref<80x128xi32, #tpu.memory_space<vmem>>, vector<1x16xi32>,
        %parallel_loop3A_612 = vector.shape_cast %parallel_loop3A_611 : vector<1x16xi32> to vector<16xi32>
        %parallel_loop3A_613 = arith.constant 16 : i32
        %parallel_loop3A_614 = vector.broadcast %parallel_loop3A_613 : i32 to vector<16xi32>
        %parallel_loop3A_615 = arith.shli %parallel_loop3A_606, %parallel_loop3A_614 : vector<16xi32>
        %parallel_loop3A_616 = tpu.bitcast %parallel_loop3A_615 : vector<16xi32> -> vector<16xf32>
        %parallel_loop3A_617 = arith.constant -65536 : i32
        %parallel_loop3A_618 = vector.broadcast %parallel_loop3A_617 : i32 to vector<16xi32>
        %parallel_loop3A_619 = arith.andi %parallel_loop3A_606, %parallel_loop3A_618 : vector<16xi32>
        %parallel_loop3A_620 = tpu.bitcast %parallel_loop3A_619 : vector<16xi32> -> vector<16xf32>
        %parallel_loop3A_621 = arith.constant 16 : i32
        %parallel_loop3A_622 = vector.broadcast %parallel_loop3A_621 : i32 to vector<16xi32>
        %parallel_loop3A_623 = arith.shli %parallel_loop3A_612, %parallel_loop3A_622 : vector<16xi32>
        %parallel_loop3A_624 = tpu.bitcast %parallel_loop3A_623 : vector<16xi32> -> vector<16xf32>
        %parallel_loop3A_625 = arith.constant -65536 : i32
        %parallel_loop3A_626 = vector.broadcast %parallel_loop3A_625 : i32 to vector<16xi32>
        %parallel_loop3A_627 = arith.andi %parallel_loop3A_612, %parallel_loop3A_626 : vector<16xi32>
        %parallel_loop3A_628 = tpu.bitcast %parallel_loop3A_627 : vector<16xi32> -> vector<16xf32>
        %parallel_loop3A_629 = arith.addf %parallel_loop3A_616, %parallel_loop3A_628 : vector<16xf32>
        %parallel_loop3A_630 = arith.constant 0.000000e+00 : f32
        %parallel_loop3A_631 = vector.broadcast %parallel_loop3A_630 : f32 to vector<16xf32>
        %parallel_loop3A_632 = arith.maximumf %parallel_loop3A_629, %parallel_loop3A_631 : vector<16xf32>
        %parallel_loop3A_633 = arith.addf %parallel_loop3A_624, %parallel_loop3A_620 : vector<16xf32>
        %parallel_loop3A_634 = arith.constant 0.000000e+00 : f32
        %parallel_loop3A_635 = vector.broadcast %parallel_loop3A_634 : f32 to vector<16xf32>
        %parallel_loop3A_636 = arith.maximumf %parallel_loop3A_633, %parallel_loop3A_635 : vector<16xf32>
        %parallel_loop3A_637 = arith.addf %parallel_loop3A_632, %parallel_loop3A_636 : vector<16xf32>
        %parallel_loop3A_638 = arith.index_cast %parallel_loop3A_522 : i32 to index
        %parallel_loop3A_639 = arith.constant 32 : index
        %parallel_loop3A_640 = tpu.vector_load %arg18[%parallel_loop3A_638, %parallel_loop3A_639] {strides = array<i32>} : memref<40x128xf32, #tpu.memory_space<vmem>>, vector<1x16xf32>,
        %parallel_loop3A_641 = vector.shape_cast %parallel_loop3A_640 : vector<1x16xf32> to vector<16xf32>
        %parallel_loop3A_642 = vector.shape_cast %parallel_loop3A_637 : vector<16xf32> to vector<1x16xf32>
        tpu.vector_store %arg18[%parallel_loop3A_638, %parallel_loop3A_639], %parallel_loop3A_642 {strides = array<i32>} : memref<40x128xf32, #tpu.memory_space<vmem>>, vector<1x16xf32>,
        %parallel_loop3A_643 = arith.index_cast %parallel_loop3A_522 : i32 to index
        %parallel_loop3A_644 = arith.constant 48 : index
        %parallel_loop3A_645 = tpu.vector_load %arg16[%parallel_loop3A_643, %parallel_loop3A_644] {strides = array<i32>} : memref<80x128xi32, #tpu.memory_space<vmem>>, vector<1x16xi32>,
        %parallel_loop3A_646 = vector.shape_cast %parallel_loop3A_645 : vector<1x16xi32> to vector<16xi32>
        %parallel_loop3A_647 = arith.constant 40 : i32
        %parallel_loop3A_648 = arith.addi %parallel_loop3A_647, %parallel_loop3A_522 : i32
        %parallel_loop3A_649 = arith.index_cast %parallel_loop3A_648 : i32 to index
        %parallel_loop3A_650 = arith.constant 48 : index
        %parallel_loop3A_651 = tpu.vector_load %arg16[%parallel_loop3A_649, %parallel_loop3A_650] {strides = array<i32>} : memref<80x128xi32, #tpu.memory_space<vmem>>, vector<1x16xi32>,
        %parallel_loop3A_652 = vector.shape_cast %parallel_loop3A_651 : vector<1x16xi32> to vector<16xi32>
        %parallel_loop3A_653 = arith.constant 16 : i32
        %parallel_loop3A_654 = vector.broadcast %parallel_loop3A_653 : i32 to vector<16xi32>
        %parallel_loop3A_655 = arith.shli %parallel_loop3A_646, %parallel_loop3A_654 : vector<16xi32>
        %parallel_loop3A_656 = tpu.bitcast %parallel_loop3A_655 : vector<16xi32> -> vector<16xf32>
        %parallel_loop3A_657 = arith.constant -65536 : i32
        %parallel_loop3A_658 = vector.broadcast %parallel_loop3A_657 : i32 to vector<16xi32>
        %parallel_loop3A_659 = arith.andi %parallel_loop3A_646, %parallel_loop3A_658 : vector<16xi32>
        %parallel_loop3A_660 = tpu.bitcast %parallel_loop3A_659 : vector<16xi32> -> vector<16xf32>
        %parallel_loop3A_661 = arith.constant 16 : i32
        %parallel_loop3A_662 = vector.broadcast %parallel_loop3A_661 : i32 to vector<16xi32>
        %parallel_loop3A_663 = arith.shli %parallel_loop3A_652, %parallel_loop3A_662 : vector<16xi32>
        %parallel_loop3A_664 = tpu.bitcast %parallel_loop3A_663 : vector<16xi32> -> vector<16xf32>
        %parallel_loop3A_665 = arith.constant -65536 : i32
        %parallel_loop3A_666 = vector.broadcast %parallel_loop3A_665 : i32 to vector<16xi32>
        %parallel_loop3A_667 = arith.andi %parallel_loop3A_652, %parallel_loop3A_666 : vector<16xi32>
        %parallel_loop3A_668 = tpu.bitcast %parallel_loop3A_667 : vector<16xi32> -> vector<16xf32>
        %parallel_loop3A_669 = arith.addf %parallel_loop3A_656, %parallel_loop3A_668 : vector<16xf32>
        %parallel_loop3A_670 = arith.constant 0.000000e+00 : f32
        %parallel_loop3A_671 = vector.broadcast %parallel_loop3A_670 : f32 to vector<16xf32>
        %parallel_loop3A_672 = arith.maximumf %parallel_loop3A_669, %parallel_loop3A_671 : vector<16xf32>
        %parallel_loop3A_673 = arith.addf %parallel_loop3A_664, %parallel_loop3A_660 : vector<16xf32>
        %parallel_loop3A_674 = arith.constant 0.000000e+00 : f32
        %parallel_loop3A_675 = vector.broadcast %parallel_loop3A_674 : f32 to vector<16xf32>
        %parallel_loop3A_676 = arith.maximumf %parallel_loop3A_673, %parallel_loop3A_675 : vector<16xf32>
        %parallel_loop3A_677 = arith.addf %parallel_loop3A_672, %parallel_loop3A_676 : vector<16xf32>
        %parallel_loop3A_678 = arith.index_cast %parallel_loop3A_522 : i32 to index
        %parallel_loop3A_679 = arith.constant 48 : index
        %parallel_loop3A_680 = tpu.vector_load %arg18[%parallel_loop3A_678, %parallel_loop3A_679] {strides = array<i32>} : memref<40x128xf32, #tpu.memory_space<vmem>>, vector<1x16xf32>,
        %parallel_loop3A_681 = vector.shape_cast %parallel_loop3A_680 : vector<1x16xf32> to vector<16xf32>
        %parallel_loop3A_682 = vector.shape_cast %parallel_loop3A_677 : vector<16xf32> to vector<1x16xf32>
        tpu.vector_store %arg18[%parallel_loop3A_678, %parallel_loop3A_679], %parallel_loop3A_682 {strides = array<i32>} : memref<40x128xf32, #tpu.memory_space<vmem>>, vector<1x16xf32>,
        %parallel_loop3A_683 = arith.index_cast %parallel_loop3A_522 : i32 to index
        %parallel_loop3A_684 = arith.constant 64 : index
        %parallel_loop3A_685 = tpu.vector_load %arg16[%parallel_loop3A_683, %parallel_loop3A_684] {strides = array<i32>} : memref<80x128xi32, #tpu.memory_space<vmem>>, vector<1x16xi32>,
        %parallel_loop3A_686 = vector.shape_cast %parallel_loop3A_685 : vector<1x16xi32> to vector<16xi32>
        %parallel_loop3A_687 = arith.constant 40 : i32
        %parallel_loop3A_688 = arith.addi %parallel_loop3A_687, %parallel_loop3A_522 : i32
        %parallel_loop3A_689 = arith.index_cast %parallel_loop3A_688 : i32 to index
        %parallel_loop3A_690 = arith.constant 64 : index
        %parallel_loop3A_691 = tpu.vector_load %arg16[%parallel_loop3A_689, %parallel_loop3A_690] {strides = array<i32>} : memref<80x128xi32, #tpu.memory_space<vmem>>, vector<1x16xi32>,
        %parallel_loop3A_692 = vector.shape_cast %parallel_loop3A_691 : vector<1x16xi32> to vector<16xi32>
        %parallel_loop3A_693 = arith.constant 16 : i32
        %parallel_loop3A_694 = vector.broadcast %parallel_loop3A_693 : i32 to vector<16xi32>
        %parallel_loop3A_695 = arith.shli %parallel_loop3A_686, %parallel_loop3A_694 : vector<16xi32>
        %parallel_loop3A_696 = tpu.bitcast %parallel_loop3A_695 : vector<16xi32> -> vector<16xf32>
        %parallel_loop3A_697 = arith.constant -65536 : i32
        %parallel_loop3A_698 = vector.broadcast %parallel_loop3A_697 : i32 to vector<16xi32>
        %parallel_loop3A_699 = arith.andi %parallel_loop3A_686, %parallel_loop3A_698 : vector<16xi32>
        %parallel_loop3A_700 = tpu.bitcast %parallel_loop3A_699 : vector<16xi32> -> vector<16xf32>
        %parallel_loop3A_701 = arith.constant 16 : i32
        %parallel_loop3A_702 = vector.broadcast %parallel_loop3A_701 : i32 to vector<16xi32>
        %parallel_loop3A_703 = arith.shli %parallel_loop3A_692, %parallel_loop3A_702 : vector<16xi32>
        %parallel_loop3A_704 = tpu.bitcast %parallel_loop3A_703 : vector<16xi32> -> vector<16xf32>
        %parallel_loop3A_705 = arith.constant -65536 : i32
        %parallel_loop3A_706 = vector.broadcast %parallel_loop3A_705 : i32 to vector<16xi32>
        %parallel_loop3A_707 = arith.andi %parallel_loop3A_692, %parallel_loop3A_706 : vector<16xi32>
        %parallel_loop3A_708 = tpu.bitcast %parallel_loop3A_707 : vector<16xi32> -> vector<16xf32>
        %parallel_loop3A_709 = arith.addf %parallel_loop3A_696, %parallel_loop3A_708 : vector<16xf32>
        %parallel_loop3A_710 = arith.constant 0.000000e+00 : f32
        %parallel_loop3A_711 = vector.broadcast %parallel_loop3A_710 : f32 to vector<16xf32>
        %parallel_loop3A_712 = arith.maximumf %parallel_loop3A_709, %parallel_loop3A_711 : vector<16xf32>
        %parallel_loop3A_713 = arith.addf %parallel_loop3A_704, %parallel_loop3A_700 : vector<16xf32>
        %parallel_loop3A_714 = arith.constant 0.000000e+00 : f32
        %parallel_loop3A_715 = vector.broadcast %parallel_loop3A_714 : f32 to vector<16xf32>
        %parallel_loop3A_716 = arith.maximumf %parallel_loop3A_713, %parallel_loop3A_715 : vector<16xf32>
        %parallel_loop3A_717 = arith.addf %parallel_loop3A_712, %parallel_loop3A_716 : vector<16xf32>
        %parallel_loop3A_718 = arith.index_cast %parallel_loop3A_522 : i32 to index
        %parallel_loop3A_719 = arith.constant 64 : index
        %parallel_loop3A_720 = tpu.vector_load %arg18[%parallel_loop3A_718, %parallel_loop3A_719] {strides = array<i32>} : memref<40x128xf32, #tpu.memory_space<vmem>>, vector<1x16xf32>,
        %parallel_loop3A_721 = vector.shape_cast %parallel_loop3A_720 : vector<1x16xf32> to vector<16xf32>
        %parallel_loop3A_722 = vector.shape_cast %parallel_loop3A_717 : vector<16xf32> to vector<1x16xf32>
        tpu.vector_store %arg18[%parallel_loop3A_718, %parallel_loop3A_719], %parallel_loop3A_722 {strides = array<i32>} : memref<40x128xf32, #tpu.memory_space<vmem>>, vector<1x16xf32>,
        %parallel_loop3A_723 = arith.index_cast %parallel_loop3A_522 : i32 to index
        %parallel_loop3A_724 = arith.constant 80 : index
        %parallel_loop3A_725 = tpu.vector_load %arg16[%parallel_loop3A_723, %parallel_loop3A_724] {strides = array<i32>} : memref<80x128xi32, #tpu.memory_space<vmem>>, vector<1x16xi32>,
        %parallel_loop3A_726 = vector.shape_cast %parallel_loop3A_725 : vector<1x16xi32> to vector<16xi32>
        %parallel_loop3A_727 = arith.constant 40 : i32
        %parallel_loop3A_728 = arith.addi %parallel_loop3A_727, %parallel_loop3A_522 : i32
        %parallel_loop3A_729 = arith.index_cast %parallel_loop3A_728 : i32 to index
        %parallel_loop3A_730 = arith.constant 80 : index
        %parallel_loop3A_731 = tpu.vector_load %arg16[%parallel_loop3A_729, %parallel_loop3A_730] {strides = array<i32>} : memref<80x128xi32, #tpu.memory_space<vmem>>, vector<1x16xi32>,
        %parallel_loop3A_732 = vector.shape_cast %parallel_loop3A_731 : vector<1x16xi32> to vector<16xi32>
        %parallel_loop3A_733 = arith.constant 16 : i32
        %parallel_loop3A_734 = vector.broadcast %parallel_loop3A_733 : i32 to vector<16xi32>
        %parallel_loop3A_735 = arith.shli %parallel_loop3A_726, %parallel_loop3A_734 : vector<16xi32>
        %parallel_loop3A_736 = tpu.bitcast %parallel_loop3A_735 : vector<16xi32> -> vector<16xf32>
        %parallel_loop3A_737 = arith.constant -65536 : i32
        %parallel_loop3A_738 = vector.broadcast %parallel_loop3A_737 : i32 to vector<16xi32>
        %parallel_loop3A_739 = arith.andi %parallel_loop3A_726, %parallel_loop3A_738 : vector<16xi32>
        %parallel_loop3A_740 = tpu.bitcast %parallel_loop3A_739 : vector<16xi32> -> vector<16xf32>
        %parallel_loop3A_741 = arith.constant 16 : i32
        %parallel_loop3A_742 = vector.broadcast %parallel_loop3A_741 : i32 to vector<16xi32>
        %parallel_loop3A_743 = arith.shli %parallel_loop3A_732, %parallel_loop3A_742 : vector<16xi32>
        %parallel_loop3A_744 = tpu.bitcast %parallel_loop3A_743 : vector<16xi32> -> vector<16xf32>
        %parallel_loop3A_745 = arith.constant -65536 : i32
        %parallel_loop3A_746 = vector.broadcast %parallel_loop3A_745 : i32 to vector<16xi32>
        %parallel_loop3A_747 = arith.andi %parallel_loop3A_732, %parallel_loop3A_746 : vector<16xi32>
        %parallel_loop3A_748 = tpu.bitcast %parallel_loop3A_747 : vector<16xi32> -> vector<16xf32>
        %parallel_loop3A_749 = arith.addf %parallel_loop3A_736, %parallel_loop3A_748 : vector<16xf32>
        %parallel_loop3A_750 = arith.constant 0.000000e+00 : f32
        %parallel_loop3A_751 = vector.broadcast %parallel_loop3A_750 : f32 to vector<16xf32>
        %parallel_loop3A_752 = arith.maximumf %parallel_loop3A_749, %parallel_loop3A_751 : vector<16xf32>
        %parallel_loop3A_753 = arith.addf %parallel_loop3A_744, %parallel_loop3A_740 : vector<16xf32>
        %parallel_loop3A_754 = arith.constant 0.000000e+00 : f32
        %parallel_loop3A_755 = vector.broadcast %parallel_loop3A_754 : f32 to vector<16xf32>
        %parallel_loop3A_756 = arith.maximumf %parallel_loop3A_753, %parallel_loop3A_755 : vector<16xf32>
        %parallel_loop3A_757 = arith.addf %parallel_loop3A_752, %parallel_loop3A_756 : vector<16xf32>
        %parallel_loop3A_758 = arith.index_cast %parallel_loop3A_522 : i32 to index
        %parallel_loop3A_759 = arith.constant 80 : index
        %parallel_loop3A_760 = tpu.vector_load %arg18[%parallel_loop3A_758, %parallel_loop3A_759] {strides = array<i32>} : memref<40x128xf32, #tpu.memory_space<vmem>>, vector<1x16xf32>,
        %parallel_loop3A_761 = vector.shape_cast %parallel_loop3A_760 : vector<1x16xf32> to vector<16xf32>
        %parallel_loop3A_762 = vector.shape_cast %parallel_loop3A_757 : vector<16xf32> to vector<1x16xf32>
        tpu.vector_store %arg18[%parallel_loop3A_758, %parallel_loop3A_759], %parallel_loop3A_762 {strides = array<i32>} : memref<40x128xf32, #tpu.memory_space<vmem>>, vector<1x16xf32>,
        %parallel_loop3A_763 = arith.index_cast %parallel_loop3A_522 : i32 to index
        %parallel_loop3A_764 = arith.constant 96 : index
        %parallel_loop3A_765 = tpu.vector_load %arg16[%parallel_loop3A_763, %parallel_loop3A_764] {strides = array<i32>} : memref<80x128xi32, #tpu.memory_space<vmem>>, vector<1x16xi32>,
        %parallel_loop3A_766 = vector.shape_cast %parallel_loop3A_765 : vector<1x16xi32> to vector<16xi32>
        %parallel_loop3A_767 = arith.constant 40 : i32
        %parallel_loop3A_768 = arith.addi %parallel_loop3A_767, %parallel_loop3A_522 : i32
        %parallel_loop3A_769 = arith.index_cast %parallel_loop3A_768 : i32 to index
        %parallel_loop3A_770 = arith.constant 96 : index
        %parallel_loop3A_771 = tpu.vector_load %arg16[%parallel_loop3A_769, %parallel_loop3A_770] {strides = array<i32>} : memref<80x128xi32, #tpu.memory_space<vmem>>, vector<1x16xi32>,
        %parallel_loop3A_772 = vector.shape_cast %parallel_loop3A_771 : vector<1x16xi32> to vector<16xi32>
        %parallel_loop3A_773 = arith.constant 16 : i32
        %parallel_loop3A_774 = vector.broadcast %parallel_loop3A_773 : i32 to vector<16xi32>
        %parallel_loop3A_775 = arith.shli %parallel_loop3A_766, %parallel_loop3A_774 : vector<16xi32>
        %parallel_loop3A_776 = tpu.bitcast %parallel_loop3A_775 : vector<16xi32> -> vector<16xf32>
        %parallel_loop3A_777 = arith.constant -65536 : i32
        %parallel_loop3A_778 = vector.broadcast %parallel_loop3A_777 : i32 to vector<16xi32>
        %parallel_loop3A_779 = arith.andi %parallel_loop3A_766, %parallel_loop3A_778 : vector<16xi32>
        %parallel_loop3A_780 = tpu.bitcast %parallel_loop3A_779 : vector<16xi32> -> vector<16xf32>
        %parallel_loop3A_781 = arith.constant 16 : i32
        %parallel_loop3A_782 = vector.broadcast %parallel_loop3A_781 : i32 to vector<16xi32>
        %parallel_loop3A_783 = arith.shli %parallel_loop3A_772, %parallel_loop3A_782 : vector<16xi32>
        %parallel_loop3A_784 = tpu.bitcast %parallel_loop3A_783 : vector<16xi32> -> vector<16xf32>
        %parallel_loop3A_785 = arith.constant -65536 : i32
        %parallel_loop3A_786 = vector.broadcast %parallel_loop3A_785 : i32 to vector<16xi32>
        %parallel_loop3A_787 = arith.andi %parallel_loop3A_772, %parallel_loop3A_786 : vector<16xi32>
        %parallel_loop3A_788 = tpu.bitcast %parallel_loop3A_787 : vector<16xi32> -> vector<16xf32>
        %parallel_loop3A_789 = arith.addf %parallel_loop3A_776, %parallel_loop3A_788 : vector<16xf32>
        %parallel_loop3A_790 = arith.constant 0.000000e+00 : f32
        %parallel_loop3A_791 = vector.broadcast %parallel_loop3A_790 : f32 to vector<16xf32>
        %parallel_loop3A_792 = arith.maximumf %parallel_loop3A_789, %parallel_loop3A_791 : vector<16xf32>
        %parallel_loop3A_793 = arith.addf %parallel_loop3A_784, %parallel_loop3A_780 : vector<16xf32>
        %parallel_loop3A_794 = arith.constant 0.000000e+00 : f32
        %parallel_loop3A_795 = vector.broadcast %parallel_loop3A_794 : f32 to vector<16xf32>
        %parallel_loop3A_796 = arith.maximumf %parallel_loop3A_793, %parallel_loop3A_795 : vector<16xf32>
        %parallel_loop3A_797 = arith.addf %parallel_loop3A_792, %parallel_loop3A_796 : vector<16xf32>
        %parallel_loop3A_798 = arith.index_cast %parallel_loop3A_522 : i32 to index
        %parallel_loop3A_799 = arith.constant 96 : index
        %parallel_loop3A_800 = tpu.vector_load %arg18[%parallel_loop3A_798, %parallel_loop3A_799] {strides = array<i32>} : memref<40x128xf32, #tpu.memory_space<vmem>>, vector<1x16xf32>,
        %parallel_loop3A_801 = vector.shape_cast %parallel_loop3A_800 : vector<1x16xf32> to vector<16xf32>
        %parallel_loop3A_802 = vector.shape_cast %parallel_loop3A_797 : vector<16xf32> to vector<1x16xf32>
        tpu.vector_store %arg18[%parallel_loop3A_798, %parallel_loop3A_799], %parallel_loop3A_802 {strides = array<i32>} : memref<40x128xf32, #tpu.memory_space<vmem>>, vector<1x16xf32>,
        %parallel_loop3A_803 = arith.index_cast %parallel_loop3A_522 : i32 to index
        %parallel_loop3A_804 = arith.constant 112 : index
        %parallel_loop3A_805 = tpu.vector_load %arg16[%parallel_loop3A_803, %parallel_loop3A_804] {strides = array<i32>} : memref<80x128xi32, #tpu.memory_space<vmem>>, vector<1x16xi32>,
        %parallel_loop3A_806 = vector.shape_cast %parallel_loop3A_805 : vector<1x16xi32> to vector<16xi32>
        %parallel_loop3A_807 = arith.constant 40 : i32
        %parallel_loop3A_808 = arith.addi %parallel_loop3A_807, %parallel_loop3A_522 : i32
        %parallel_loop3A_809 = arith.index_cast %parallel_loop3A_808 : i32 to index
        %parallel_loop3A_810 = arith.constant 112 : index
        %parallel_loop3A_811 = tpu.vector_load %arg16[%parallel_loop3A_809, %parallel_loop3A_810] {strides = array<i32>} : memref<80x128xi32, #tpu.memory_space<vmem>>, vector<1x16xi32>,
        %parallel_loop3A_812 = vector.shape_cast %parallel_loop3A_811 : vector<1x16xi32> to vector<16xi32>
        %parallel_loop3A_813 = arith.constant 16 : i32
        %parallel_loop3A_814 = vector.broadcast %parallel_loop3A_813 : i32 to vector<16xi32>
        %parallel_loop3A_815 = arith.shli %parallel_loop3A_806, %parallel_loop3A_814 : vector<16xi32>
        %parallel_loop3A_816 = tpu.bitcast %parallel_loop3A_815 : vector<16xi32> -> vector<16xf32>
        %parallel_loop3A_817 = arith.constant -65536 : i32
        %parallel_loop3A_818 = vector.broadcast %parallel_loop3A_817 : i32 to vector<16xi32>
        %parallel_loop3A_819 = arith.andi %parallel_loop3A_806, %parallel_loop3A_818 : vector<16xi32>
        %parallel_loop3A_820 = tpu.bitcast %parallel_loop3A_819 : vector<16xi32> -> vector<16xf32>
        %parallel_loop3A_821 = arith.constant 16 : i32
        %parallel_loop3A_822 = vector.broadcast %parallel_loop3A_821 : i32 to vector<16xi32>
        %parallel_loop3A_823 = arith.shli %parallel_loop3A_812, %parallel_loop3A_822 : vector<16xi32>
        %parallel_loop3A_824 = tpu.bitcast %parallel_loop3A_823 : vector<16xi32> -> vector<16xf32>
        %parallel_loop3A_825 = arith.constant -65536 : i32
        %parallel_loop3A_826 = vector.broadcast %parallel_loop3A_825 : i32 to vector<16xi32>
        %parallel_loop3A_827 = arith.andi %parallel_loop3A_812, %parallel_loop3A_826 : vector<16xi32>
        %parallel_loop3A_828 = tpu.bitcast %parallel_loop3A_827 : vector<16xi32> -> vector<16xf32>
        %parallel_loop3A_829 = arith.addf %parallel_loop3A_816, %parallel_loop3A_828 : vector<16xf32>
        %parallel_loop3A_830 = arith.constant 0.000000e+00 : f32
        %parallel_loop3A_831 = vector.broadcast %parallel_loop3A_830 : f32 to vector<16xf32>
        %parallel_loop3A_832 = arith.maximumf %parallel_loop3A_829, %parallel_loop3A_831 : vector<16xf32>
        %parallel_loop3A_833 = arith.addf %parallel_loop3A_824, %parallel_loop3A_820 : vector<16xf32>
        %parallel_loop3A_834 = arith.constant 0.000000e+00 : f32
        %parallel_loop3A_835 = vector.broadcast %parallel_loop3A_834 : f32 to vector<16xf32>
        %parallel_loop3A_836 = arith.maximumf %parallel_loop3A_833, %parallel_loop3A_835 : vector<16xf32>
        %parallel_loop3A_837 = arith.addf %parallel_loop3A_832, %parallel_loop3A_836 : vector<16xf32>
        %parallel_loop3A_838 = arith.index_cast %parallel_loop3A_522 : i32 to index
        %parallel_loop3A_839 = arith.constant 112 : index
        %parallel_loop3A_840 = tpu.vector_load %arg18[%parallel_loop3A_838, %parallel_loop3A_839] {strides = array<i32>} : memref<40x128xf32, #tpu.memory_space<vmem>>, vector<1x16xf32>,
        %parallel_loop3A_841 = vector.shape_cast %parallel_loop3A_840 : vector<1x16xf32> to vector<16xf32>
        %parallel_loop3A_842 = vector.shape_cast %parallel_loop3A_837 : vector<16xf32> to vector<1x16xf32>
        tpu.vector_store %arg18[%parallel_loop3A_838, %parallel_loop3A_839], %parallel_loop3A_842 {strides = array<i32>} : memref<40x128xf32, #tpu.memory_space<vmem>>, vector<1x16xf32>,
      } {sc.loop_unroll_factor = 1 : i64, sc.parallel_access}
      %mul3A_146 = arith.constant 40 : i32
      %mul3A_147 = arith.muli %add3A_126, %mul3A_146 : i32
      %add3A_148 = arith.addi %mul3A_2, %mul3A_147 : i32
      %dma_start3A_149 = arith.constant 0 : i32
      %dma_start3A_150 = tpu.memref_slice %arg4[%add3A_148, %dma_start3A_149] : memref<320000x128xf32, #tpu.memory_space<hbm>> -> memref<40x128xf32, #tpu.memory_space<hbm>>
      %dma_start3A_151 = arith.constant 0 : i32
      %dma_start3A_152 = tpu.memref_slice %arg4[%add3A_148, %dma_start3A_151] : memref<320000x128xf32, #tpu.memory_space<hbm>> -> memref<40x128xf32, #tpu.memory_space<hbm>>
      tpu.enqueue_dma source(%arg18 : memref<40x128xf32, #tpu.memory_space<vmem>>) target(%dma_start3A_152 : memref<40x128xf32, #tpu.memory_space<hbm>>) target_semaphore(%arg35 : memref<!tpu.dma_semaphore, #tpu.memory_space<semaphore_mem>>)
      %add3A_153 = arith.constant 0 : i32
      %add3A_154 = arith.addi %mul3A_124, %add3A_153 : i32
      %add3A_155 = arith.constant 2 : i32
      %add3A_156 = arith.addi %add3A_154, %add3A_155 : i32
      %lt3A_157 = arith.constant 250 : i32
      %lt3A_158 = arith.cmpi slt, %add3A_156, %lt3A_157 : i32
      %convert_element_type3A_159 = arith.extui %lt3A_158 : i1 to i32
      %cond3A_160 = arith.constant 0 : i32
      %cond3A_161 = arith.cmpi ne, %convert_element_type3A_159, %cond3A_160 : i32
      scf.if %cond3A_161 {
        %dma_wait3A_522 = arith.constant 0 : i32
        %dma_wait3A_523 = arith.constant 0 : i32
        %dma_wait3A_524 = tpu.memref_slice %arg3[%add3A, %dma_wait3A_522, %dma_wait3A_523] : memref<32x250x80xi32, #tpu.memory_space<hbm>> -> memref<1x1x80xi32, #tpu.memory_space<hbm>>
        %dma_wait3A_525 = tpu.memref_squeeze %dma_wait3A_524 : memref<1x1x80xi32, #tpu.memory_space<hbm>> -> memref<80xi32, #tpu.memory_space<hbm>>
        %dma_wait3A_526 = arith.constant 0 : i32
        %dma_wait3A_527 = tpu.memref_slice %arg3[%add3A, %dma_wait3A_522, %dma_wait3A_526] : memref<32x250x80xi32, #tpu.memory_space<hbm>> -> memref<1x1x80xi32, #tpu.memory_space<hbm>>
        %dma_wait3A_528 = tpu.memref_squeeze %dma_wait3A_527 : memref<1x1x80xi32, #tpu.memory_space<hbm>> -> memref<80xi32, #tpu.memory_space<hbm>>
        tpu.wait_dma2 semaphore(%arg25 : memref<!tpu.dma_semaphore, #tpu.memory_space<semaphore_mem>>) src(%dma_wait3A_528 : memref<80xi32, #tpu.memory_space<hbm>>) dst(%arg8 : memref<80xi32, #tpu.memory_space<vmem>>)
        %dma_start3A_529 = arith.constant 0 : i32
        %dma_start3A_530 = arith.constant 0 : i32
        %dma_start3A_531 = tpu.memref_slice %arg5[%dma_start3A_529, %dma_start3A_530] : memref<10000x128xi32, #tpu.memory_space<vmem_shared>> -> memref<10000x128xi32, #tpu.memory_space<vmem_shared>>
        tpu.enqueue_indirect_dma source(%dma_start3A_531 : memref<10000x128xi32, #tpu.memory_space<vmem_shared>>) target(%arg16 : memref<80x128xi32, #tpu.memory_space<vmem>>) offsets(%arg8 : memref<80xi32, #tpu.memory_space<vmem>>) semaphore(%arg33 : memref<!tpu.dma_semaphore, #tpu.memory_space<semaphore_mem>>)
      } else {
      }
      %add3A_162 = arith.constant 1 : i32
      %add3A_163 = arith.addi %mul3A_124, %add3A_162 : i32
      %dma_wait3A_164 = arith.constant 0 : i32
      %dma_wait3A_165 = arith.constant 0 : i32
      %dma_wait3A_166 = tpu.memref_slice %arg5[%dma_wait3A_164, %dma_wait3A_165] : memref<10000x128xi32, #tpu.memory_space<vmem_shared>> -> memref<10000x128xi32, #tpu.memory_space<vmem_shared>>
      tpu.wait_indirect_dma semaphore(%arg34 : memref<!tpu.dma_semaphore, #tpu.memory_space<semaphore_mem>>) src(%dma_wait3A_166 : memref<10000x128xi32, #tpu.memory_space<vmem_shared>>) dst(%arg17 : memref<80x128xi32, #tpu.memory_space<vmem>>)
      %add3A_167 = arith.constant 1 : i32
      %add3A_168 = arith.addi %mul3A_124, %add3A_167 : i32
      %add3A_169 = arith.constant 10 : i32
      %add3A_170 = arith.addi %add3A_168, %add3A_169 : i32
      %lt3A_171 = arith.constant 250 : i32
      %lt3A_172 = arith.cmpi slt, %add3A_170, %lt3A_171 : i32
      %convert_element_type3A_173 = arith.extui %lt3A_172 : i1 to i32
      %cond3A_174 = arith.constant 0 : i32
      %cond3A_175 = arith.cmpi ne, %convert_element_type3A_173, %cond3A_174 : i32
      scf.if %cond3A_175 {
        %add3A_522 = arith.constant 10 : i32
        %add3A_523 = arith.addi %add3A_163, %add3A_522 : i32
        %dma_start3A_524 = arith.constant 0 : i32
        %dma_start3A_525 = tpu.memref_slice %arg3[%add3A, %add3A_523, %dma_start3A_524] : memref<32x250x80xi32, #tpu.memory_space<hbm>> -> memref<1x1x80xi32, #tpu.memory_space<hbm>>
        %dma_start3A_526 = tpu.memref_squeeze %dma_start3A_525 : memref<1x1x80xi32, #tpu.memory_space<hbm>> -> memref<80xi32, #tpu.memory_space<hbm>>
        %dma_start3A_527 = arith.constant 0 : i32
        %dma_start3A_528 = tpu.memref_slice %arg3[%add3A, %add3A_523, %dma_start3A_527] : memref<32x250x80xi32, #tpu.memory_space<hbm>> -> memref<1x1x80xi32, #tpu.memory_space<hbm>>
        %dma_start3A_529 = tpu.memref_squeeze %dma_start3A_528 : memref<1x1x80xi32, #tpu.memory_space<hbm>> -> memref<80xi32, #tpu.memory_space<hbm>>
        tpu.enqueue_dma source(%dma_start3A_529 : memref<80xi32, #tpu.memory_space<hbm>>) target(%arg7 : memref<80xi32, #tpu.memory_space<vmem>>) target_semaphore(%arg24 : memref<!tpu.dma_semaphore, #tpu.memory_space<semaphore_mem>>)
      } else {
      }
      %add3A_176 = arith.constant 1 : i32
      %add3A_177 = arith.addi %mul3A_124, %add3A_176 : i32
      %ge3A_178 = arith.constant 5 : i32
      %ge3A_179 = arith.cmpi sge, %add3A_177, %ge3A_178 : i32
      %convert_element_type3A_180 = arith.extui %ge3A_179 : i1 to i32
      %cond3A_181 = arith.constant 0 : i32
      %cond3A_182 = arith.cmpi ne, %convert_element_type3A_180, %cond3A_181 : i32
      scf.if %cond3A_182 {
        %dma_wait3A_522 = arith.constant 0 : i32
        %dma_wait3A_523 = tpu.memref_slice %arg4[%mul3A_2, %dma_wait3A_522] : memref<320000x128xf32, #tpu.memory_space<hbm>> -> memref<40x128xf32, #tpu.memory_space<hbm>>
        %dma_wait3A_524 = arith.constant 0 : i32
        %dma_wait3A_525 = tpu.memref_slice %arg4[%mul3A_2, %dma_wait3A_524] : memref<320000x128xf32, #tpu.memory_space<hbm>> -> memref<40x128xf32, #tpu.memory_space<hbm>>
        tpu.wait_dma2 semaphore(%arg36 : memref<!tpu.dma_semaphore, #tpu.memory_space<semaphore_mem>>) src(%arg19 : memref<40x128xf32, #tpu.memory_space<vmem>>) dst(%dma_wait3A_525 : memref<40x128xf32, #tpu.memory_space<hbm>>)
      } else {
      }
      %parallel_loop3A_183 = arith.constant 0 : i32
      %parallel_loop3A_184 = arith.constant 40 : i32
      %parallel_loop3A_185 = arith.constant 1 : i32
      scf.for %parallel_loop3A_522 = %parallel_loop3A_183 to %parallel_loop3A_184 step %parallel_loop3A_185  : i32 {
        %parallel_loop3A_523 = arith.index_cast %parallel_loop3A_522 : i32 to index
        %parallel_loop3A_524 = arith.constant 0 : index
        %parallel_loop3A_525 = tpu.vector_load %arg17[%parallel_loop3A_523, %parallel_loop3A_524] {strides = array<i32>} : memref<80x128xi32, #tpu.memory_space<vmem>>, vector<1x16xi32>,
        %parallel_loop3A_526 = vector.shape_cast %parallel_loop3A_525 : vector<1x16xi32> to vector<16xi32>
        %parallel_loop3A_527 = arith.constant 40 : i32
        %parallel_loop3A_528 = arith.addi %parallel_loop3A_527, %parallel_loop3A_522 : i32
        %parallel_loop3A_529 = arith.index_cast %parallel_loop3A_528 : i32 to index
        %parallel_loop3A_530 = arith.constant 0 : index
        %parallel_loop3A_531 = tpu.vector_load %arg17[%parallel_loop3A_529, %parallel_loop3A_530] {strides = array<i32>} : memref<80x128xi32, #tpu.memory_space<vmem>>, vector<1x16xi32>,
        %parallel_loop3A_532 = vector.shape_cast %parallel_loop3A_531 : vector<1x16xi32> to vector<16xi32>
        %parallel_loop3A_533 = arith.constant 16 : i32
        %parallel_loop3A_534 = vector.broadcast %parallel_loop3A_533 : i32 to vector<16xi32>
        %parallel_loop3A_535 = arith.shli %parallel_loop3A_526, %parallel_loop3A_534 : vector<16xi32>
        %parallel_loop3A_536 = tpu.bitcast %parallel_loop3A_535 : vector<16xi32> -> vector<16xf32>
        %parallel_loop3A_537 = arith.constant -65536 : i32
        %parallel_loop3A_538 = vector.broadcast %parallel_loop3A_537 : i32 to vector<16xi32>
        %parallel_loop3A_539 = arith.andi %parallel_loop3A_526, %parallel_loop3A_538 : vector<16xi32>
        %parallel_loop3A_540 = tpu.bitcast %parallel_loop3A_539 : vector<16xi32> -> vector<16xf32>
        %parallel_loop3A_541 = arith.constant 16 : i32
        %parallel_loop3A_542 = vector.broadcast %parallel_loop3A_541 : i32 to vector<16xi32>
        %parallel_loop3A_543 = arith.shli %parallel_loop3A_532, %parallel_loop3A_542 : vector<16xi32>
        %parallel_loop3A_544 = tpu.bitcast %parallel_loop3A_543 : vector<16xi32> -> vector<16xf32>
        %parallel_loop3A_545 = arith.constant -65536 : i32
        %parallel_loop3A_546 = vector.broadcast %parallel_loop3A_545 : i32 to vector<16xi32>
        %parallel_loop3A_547 = arith.andi %parallel_loop3A_532, %parallel_loop3A_546 : vector<16xi32>
        %parallel_loop3A_548 = tpu.bitcast %parallel_loop3A_547 : vector<16xi32> -> vector<16xf32>
        %parallel_loop3A_549 = arith.addf %parallel_loop3A_536, %parallel_loop3A_548 : vector<16xf32>
        %parallel_loop3A_550 = arith.constant 0.000000e+00 : f32
        %parallel_loop3A_551 = vector.broadcast %parallel_loop3A_550 : f32 to vector<16xf32>
        %parallel_loop3A_552 = arith.maximumf %parallel_loop3A_549, %parallel_loop3A_551 : vector<16xf32>
        %parallel_loop3A_553 = arith.addf %parallel_loop3A_544, %parallel_loop3A_540 : vector<16xf32>
        %parallel_loop3A_554 = arith.constant 0.000000e+00 : f32
        %parallel_loop3A_555 = vector.broadcast %parallel_loop3A_554 : f32 to vector<16xf32>
        %parallel_loop3A_556 = arith.maximumf %parallel_loop3A_553, %parallel_loop3A_555 : vector<16xf32>
        %parallel_loop3A_557 = arith.addf %parallel_loop3A_552, %parallel_loop3A_556 : vector<16xf32>
        %parallel_loop3A_558 = arith.index_cast %parallel_loop3A_522 : i32 to index
        %parallel_loop3A_559 = arith.constant 0 : index
        %parallel_loop3A_560 = tpu.vector_load %arg19[%parallel_loop3A_558, %parallel_loop3A_559] {strides = array<i32>} : memref<40x128xf32, #tpu.memory_space<vmem>>, vector<1x16xf32>,
        %parallel_loop3A_561 = vector.shape_cast %parallel_loop3A_560 : vector<1x16xf32> to vector<16xf32>
        %parallel_loop3A_562 = vector.shape_cast %parallel_loop3A_557 : vector<16xf32> to vector<1x16xf32>
        tpu.vector_store %arg19[%parallel_loop3A_558, %parallel_loop3A_559], %parallel_loop3A_562 {strides = array<i32>} : memref<40x128xf32, #tpu.memory_space<vmem>>, vector<1x16xf32>,
        %parallel_loop3A_563 = arith.index_cast %parallel_loop3A_522 : i32 to index
        %parallel_loop3A_564 = arith.constant 16 : index
        %parallel_loop3A_565 = tpu.vector_load %arg17[%parallel_loop3A_563, %parallel_loop3A_564] {strides = array<i32>} : memref<80x128xi32, #tpu.memory_space<vmem>>, vector<1x16xi32>,
        %parallel_loop3A_566 = vector.shape_cast %parallel_loop3A_565 : vector<1x16xi32> to vector<16xi32>
        %parallel_loop3A_567 = arith.constant 40 : i32
        %parallel_loop3A_568 = arith.addi %parallel_loop3A_567, %parallel_loop3A_522 : i32
        %parallel_loop3A_569 = arith.index_cast %parallel_loop3A_568 : i32 to index
        %parallel_loop3A_570 = arith.constant 16 : index
        %parallel_loop3A_571 = tpu.vector_load %arg17[%parallel_loop3A_569, %parallel_loop3A_570] {strides = array<i32>} : memref<80x128xi32, #tpu.memory_space<vmem>>, vector<1x16xi32>,
        %parallel_loop3A_572 = vector.shape_cast %parallel_loop3A_571 : vector<1x16xi32> to vector<16xi32>
        %parallel_loop3A_573 = arith.constant 16 : i32
        %parallel_loop3A_574 = vector.broadcast %parallel_loop3A_573 : i32 to vector<16xi32>
        %parallel_loop3A_575 = arith.shli %parallel_loop3A_566, %parallel_loop3A_574 : vector<16xi32>
        %parallel_loop3A_576 = tpu.bitcast %parallel_loop3A_575 : vector<16xi32> -> vector<16xf32>
        %parallel_loop3A_577 = arith.constant -65536 : i32
        %parallel_loop3A_578 = vector.broadcast %parallel_loop3A_577 : i32 to vector<16xi32>
        %parallel_loop3A_579 = arith.andi %parallel_loop3A_566, %parallel_loop3A_578 : vector<16xi32>
        %parallel_loop3A_580 = tpu.bitcast %parallel_loop3A_579 : vector<16xi32> -> vector<16xf32>
        %parallel_loop3A_581 = arith.constant 16 : i32
        %parallel_loop3A_582 = vector.broadcast %parallel_loop3A_581 : i32 to vector<16xi32>
        %parallel_loop3A_583 = arith.shli %parallel_loop3A_572, %parallel_loop3A_582 : vector<16xi32>
        %parallel_loop3A_584 = tpu.bitcast %parallel_loop3A_583 : vector<16xi32> -> vector<16xf32>
        %parallel_loop3A_585 = arith.constant -65536 : i32
        %parallel_loop3A_586 = vector.broadcast %parallel_loop3A_585 : i32 to vector<16xi32>
        %parallel_loop3A_587 = arith.andi %parallel_loop3A_572, %parallel_loop3A_586 : vector<16xi32>
        %parallel_loop3A_588 = tpu.bitcast %parallel_loop3A_587 : vector<16xi32> -> vector<16xf32>
        %parallel_loop3A_589 = arith.addf %parallel_loop3A_576, %parallel_loop3A_588 : vector<16xf32>
        %parallel_loop3A_590 = arith.constant 0.000000e+00 : f32
        %parallel_loop3A_591 = vector.broadcast %parallel_loop3A_590 : f32 to vector<16xf32>
        %parallel_loop3A_592 = arith.maximumf %parallel_loop3A_589, %parallel_loop3A_591 : vector<16xf32>
        %parallel_loop3A_593 = arith.addf %parallel_loop3A_584, %parallel_loop3A_580 : vector<16xf32>
        %parallel_loop3A_594 = arith.constant 0.000000e+00 : f32
        %parallel_loop3A_595 = vector.broadcast %parallel_loop3A_594 : f32 to vector<16xf32>
        %parallel_loop3A_596 = arith.maximumf %parallel_loop3A_593, %parallel_loop3A_595 : vector<16xf32>
        %parallel_loop3A_597 = arith.addf %parallel_loop3A_592, %parallel_loop3A_596 : vector<16xf32>
        %parallel_loop3A_598 = arith.index_cast %parallel_loop3A_522 : i32 to index
        %parallel_loop3A_599 = arith.constant 16 : index
        %parallel_loop3A_600 = tpu.vector_load %arg19[%parallel_loop3A_598, %parallel_loop3A_599] {strides = array<i32>} : memref<40x128xf32, #tpu.memory_space<vmem>>, vector<1x16xf32>,
        %parallel_loop3A_601 = vector.shape_cast %parallel_loop3A_600 : vector<1x16xf32> to vector<16xf32>
        %parallel_loop3A_602 = vector.shape_cast %parallel_loop3A_597 : vector<16xf32> to vector<1x16xf32>
        tpu.vector_store %arg19[%parallel_loop3A_598, %parallel_loop3A_599], %parallel_loop3A_602 {strides = array<i32>} : memref<40x128xf32, #tpu.memory_space<vmem>>, vector<1x16xf32>,
        %parallel_loop3A_603 = arith.index_cast %parallel_loop3A_522 : i32 to index
        %parallel_loop3A_604 = arith.constant 32 : index
        %parallel_loop3A_605 = tpu.vector_load %arg17[%parallel_loop3A_603, %parallel_loop3A_604] {strides = array<i32>} : memref<80x128xi32, #tpu.memory_space<vmem>>, vector<1x16xi32>,
        %parallel_loop3A_606 = vector.shape_cast %parallel_loop3A_605 : vector<1x16xi32> to vector<16xi32>
        %parallel_loop3A_607 = arith.constant 40 : i32
        %parallel_loop3A_608 = arith.addi %parallel_loop3A_607, %parallel_loop3A_522 : i32
        %parallel_loop3A_609 = arith.index_cast %parallel_loop3A_608 : i32 to index
        %parallel_loop3A_610 = arith.constant 32 : index
        %parallel_loop3A_611 = tpu.vector_load %arg17[%parallel_loop3A_609, %parallel_loop3A_610] {strides = array<i32>} : memref<80x128xi32, #tpu.memory_space<vmem>>, vector<1x16xi32>,
        %parallel_loop3A_612 = vector.shape_cast %parallel_loop3A_611 : vector<1x16xi32> to vector<16xi32>
        %parallel_loop3A_613 = arith.constant 16 : i32
        %parallel_loop3A_614 = vector.broadcast %parallel_loop3A_613 : i32 to vector<16xi32>
        %parallel_loop3A_615 = arith.shli %parallel_loop3A_606, %parallel_loop3A_614 : vector<16xi32>
        %parallel_loop3A_616 = tpu.bitcast %parallel_loop3A_615 : vector<16xi32> -> vector<16xf32>
        %parallel_loop3A_617 = arith.constant -65536 : i32
        %parallel_loop3A_618 = vector.broadcast %parallel_loop3A_617 : i32 to vector<16xi32>
        %parallel_loop3A_619 = arith.andi %parallel_loop3A_606, %parallel_loop3A_618 : vector<16xi32>
        %parallel_loop3A_620 = tpu.bitcast %parallel_loop3A_619 : vector<16xi32> -> vector<16xf32>
        %parallel_loop3A_621 = arith.constant 16 : i32
        %parallel_loop3A_622 = vector.broadcast %parallel_loop3A_621 : i32 to vector<16xi32>
        %parallel_loop3A_623 = arith.shli %parallel_loop3A_612, %parallel_loop3A_622 : vector<16xi32>
        %parallel_loop3A_624 = tpu.bitcast %parallel_loop3A_623 : vector<16xi32> -> vector<16xf32>
        %parallel_loop3A_625 = arith.constant -65536 : i32
        %parallel_loop3A_626 = vector.broadcast %parallel_loop3A_625 : i32 to vector<16xi32>
        %parallel_loop3A_627 = arith.andi %parallel_loop3A_612, %parallel_loop3A_626 : vector<16xi32>
        %parallel_loop3A_628 = tpu.bitcast %parallel_loop3A_627 : vector<16xi32> -> vector<16xf32>
        %parallel_loop3A_629 = arith.addf %parallel_loop3A_616, %parallel_loop3A_628 : vector<16xf32>
        %parallel_loop3A_630 = arith.constant 0.000000e+00 : f32
        %parallel_loop3A_631 = vector.broadcast %parallel_loop3A_630 : f32 to vector<16xf32>
        %parallel_loop3A_632 = arith.maximumf %parallel_loop3A_629, %parallel_loop3A_631 : vector<16xf32>
        %parallel_loop3A_633 = arith.addf %parallel_loop3A_624, %parallel_loop3A_620 : vector<16xf32>
        %parallel_loop3A_634 = arith.constant 0.000000e+00 : f32
        %parallel_loop3A_635 = vector.broadcast %parallel_loop3A_634 : f32 to vector<16xf32>
        %parallel_loop3A_636 = arith.maximumf %parallel_loop3A_633, %parallel_loop3A_635 : vector<16xf32>
        %parallel_loop3A_637 = arith.addf %parallel_loop3A_632, %parallel_loop3A_636 : vector<16xf32>
        %parallel_loop3A_638 = arith.index_cast %parallel_loop3A_522 : i32 to index
        %parallel_loop3A_639 = arith.constant 32 : index
        %parallel_loop3A_640 = tpu.vector_load %arg19[%parallel_loop3A_638, %parallel_loop3A_639] {strides = array<i32>} : memref<40x128xf32, #tpu.memory_space<vmem>>, vector<1x16xf32>,
        %parallel_loop3A_641 = vector.shape_cast %parallel_loop3A_640 : vector<1x16xf32> to vector<16xf32>
        %parallel_loop3A_642 = vector.shape_cast %parallel_loop3A_637 : vector<16xf32> to vector<1x16xf32>
        tpu.vector_store %arg19[%parallel_loop3A_638, %parallel_loop3A_639], %parallel_loop3A_642 {strides = array<i32>} : memref<40x128xf32, #tpu.memory_space<vmem>>, vector<1x16xf32>,
        %parallel_loop3A_643 = arith.index_cast %parallel_loop3A_522 : i32 to index
        %parallel_loop3A_644 = arith.constant 48 : index
        %parallel_loop3A_645 = tpu.vector_load %arg17[%parallel_loop3A_643, %parallel_loop3A_644] {strides = array<i32>} : memref<80x128xi32, #tpu.memory_space<vmem>>, vector<1x16xi32>,
        %parallel_loop3A_646 = vector.shape_cast %parallel_loop3A_645 : vector<1x16xi32> to vector<16xi32>
        %parallel_loop3A_647 = arith.constant 40 : i32
        %parallel_loop3A_648 = arith.addi %parallel_loop3A_647, %parallel_loop3A_522 : i32
        %parallel_loop3A_649 = arith.index_cast %parallel_loop3A_648 : i32 to index
        %parallel_loop3A_650 = arith.constant 48 : index
        %parallel_loop3A_651 = tpu.vector_load %arg17[%parallel_loop3A_649, %parallel_loop3A_650] {strides = array<i32>} : memref<80x128xi32, #tpu.memory_space<vmem>>, vector<1x16xi32>,
        %parallel_loop3A_652 = vector.shape_cast %parallel_loop3A_651 : vector<1x16xi32> to vector<16xi32>
        %parallel_loop3A_653 = arith.constant 16 : i32
        %parallel_loop3A_654 = vector.broadcast %parallel_loop3A_653 : i32 to vector<16xi32>
        %parallel_loop3A_655 = arith.shli %parallel_loop3A_646, %parallel_loop3A_654 : vector<16xi32>
        %parallel_loop3A_656 = tpu.bitcast %parallel_loop3A_655 : vector<16xi32> -> vector<16xf32>
        %parallel_loop3A_657 = arith.constant -65536 : i32
        %parallel_loop3A_658 = vector.broadcast %parallel_loop3A_657 : i32 to vector<16xi32>
        %parallel_loop3A_659 = arith.andi %parallel_loop3A_646, %parallel_loop3A_658 : vector<16xi32>
        %parallel_loop3A_660 = tpu.bitcast %parallel_loop3A_659 : vector<16xi32> -> vector<16xf32>
        %parallel_loop3A_661 = arith.constant 16 : i32
        %parallel_loop3A_662 = vector.broadcast %parallel_loop3A_661 : i32 to vector<16xi32>
        %parallel_loop3A_663 = arith.shli %parallel_loop3A_652, %parallel_loop3A_662 : vector<16xi32>
        %parallel_loop3A_664 = tpu.bitcast %parallel_loop3A_663 : vector<16xi32> -> vector<16xf32>
        %parallel_loop3A_665 = arith.constant -65536 : i32
        %parallel_loop3A_666 = vector.broadcast %parallel_loop3A_665 : i32 to vector<16xi32>
        %parallel_loop3A_667 = arith.andi %parallel_loop3A_652, %parallel_loop3A_666 : vector<16xi32>
        %parallel_loop3A_668 = tpu.bitcast %parallel_loop3A_667 : vector<16xi32> -> vector<16xf32>
        %parallel_loop3A_669 = arith.addf %parallel_loop3A_656, %parallel_loop3A_668 : vector<16xf32>
        %parallel_loop3A_670 = arith.constant 0.000000e+00 : f32
        %parallel_loop3A_671 = vector.broadcast %parallel_loop3A_670 : f32 to vector<16xf32>
        %parallel_loop3A_672 = arith.maximumf %parallel_loop3A_669, %parallel_loop3A_671 : vector<16xf32>
        %parallel_loop3A_673 = arith.addf %parallel_loop3A_664, %parallel_loop3A_660 : vector<16xf32>
        %parallel_loop3A_674 = arith.constant 0.000000e+00 : f32
        %parallel_loop3A_675 = vector.broadcast %parallel_loop3A_674 : f32 to vector<16xf32>
        %parallel_loop3A_676 = arith.maximumf %parallel_loop3A_673, %parallel_loop3A_675 : vector<16xf32>
        %parallel_loop3A_677 = arith.addf %parallel_loop3A_672, %parallel_loop3A_676 : vector<16xf32>
        %parallel_loop3A_678 = arith.index_cast %parallel_loop3A_522 : i32 to index
        %parallel_loop3A_679 = arith.constant 48 : index
        %parallel_loop3A_680 = tpu.vector_load %arg19[%parallel_loop3A_678, %parallel_loop3A_679] {strides = array<i32>} : memref<40x128xf32, #tpu.memory_space<vmem>>, vector<1x16xf32>,
        %parallel_loop3A_681 = vector.shape_cast %parallel_loop3A_680 : vector<1x16xf32> to vector<16xf32>
        %parallel_loop3A_682 = vector.shape_cast %parallel_loop3A_677 : vector<16xf32> to vector<1x16xf32>
        tpu.vector_store %arg19[%parallel_loop3A_678, %parallel_loop3A_679], %parallel_loop3A_682 {strides = array<i32>} : memref<40x128xf32, #tpu.memory_space<vmem>>, vector<1x16xf32>,
        %parallel_loop3A_683 = arith.index_cast %parallel_loop3A_522 : i32 to index
        %parallel_loop3A_684 = arith.constant 64 : index
        %parallel_loop3A_685 = tpu.vector_load %arg17[%parallel_loop3A_683, %parallel_loop3A_684] {strides = array<i32>} : memref<80x128xi32, #tpu.memory_space<vmem>>, vector<1x16xi32>,
        %parallel_loop3A_686 = vector.shape_cast %parallel_loop3A_685 : vector<1x16xi32> to vector<16xi32>
        %parallel_loop3A_687 = arith.constant 40 : i32
        %parallel_loop3A_688 = arith.addi %parallel_loop3A_687, %parallel_loop3A_522 : i32
        %parallel_loop3A_689 = arith.index_cast %parallel_loop3A_688 : i32 to index
        %parallel_loop3A_690 = arith.constant 64 : index
        %parallel_loop3A_691 = tpu.vector_load %arg17[%parallel_loop3A_689, %parallel_loop3A_690] {strides = array<i32>} : memref<80x128xi32, #tpu.memory_space<vmem>>, vector<1x16xi32>,
        %parallel_loop3A_692 = vector.shape_cast %parallel_loop3A_691 : vector<1x16xi32> to vector<16xi32>
        %parallel_loop3A_693 = arith.constant 16 : i32
        %parallel_loop3A_694 = vector.broadcast %parallel_loop3A_693 : i32 to vector<16xi32>
        %parallel_loop3A_695 = arith.shli %parallel_loop3A_686, %parallel_loop3A_694 : vector<16xi32>
        %parallel_loop3A_696 = tpu.bitcast %parallel_loop3A_695 : vector<16xi32> -> vector<16xf32>
        %parallel_loop3A_697 = arith.constant -65536 : i32
        %parallel_loop3A_698 = vector.broadcast %parallel_loop3A_697 : i32 to vector<16xi32>
        %parallel_loop3A_699 = arith.andi %parallel_loop3A_686, %parallel_loop3A_698 : vector<16xi32>
        %parallel_loop3A_700 = tpu.bitcast %parallel_loop3A_699 : vector<16xi32> -> vector<16xf32>
        %parallel_loop3A_701 = arith.constant 16 : i32
        %parallel_loop3A_702 = vector.broadcast %parallel_loop3A_701 : i32 to vector<16xi32>
        %parallel_loop3A_703 = arith.shli %parallel_loop3A_692, %parallel_loop3A_702 : vector<16xi32>
        %parallel_loop3A_704 = tpu.bitcast %parallel_loop3A_703 : vector<16xi32> -> vector<16xf32>
        %parallel_loop3A_705 = arith.constant -65536 : i32
        %parallel_loop3A_706 = vector.broadcast %parallel_loop3A_705 : i32 to vector<16xi32>
        %parallel_loop3A_707 = arith.andi %parallel_loop3A_692, %parallel_loop3A_706 : vector<16xi32>
        %parallel_loop3A_708 = tpu.bitcast %parallel_loop3A_707 : vector<16xi32> -> vector<16xf32>
        %parallel_loop3A_709 = arith.addf %parallel_loop3A_696, %parallel_loop3A_708 : vector<16xf32>
        %parallel_loop3A_710 = arith.constant 0.000000e+00 : f32
        %parallel_loop3A_711 = vector.broadcast %parallel_loop3A_710 : f32 to vector<16xf32>
        %parallel_loop3A_712 = arith.maximumf %parallel_loop3A_709, %parallel_loop3A_711 : vector<16xf32>
        %parallel_loop3A_713 = arith.addf %parallel_loop3A_704, %parallel_loop3A_700 : vector<16xf32>
        %parallel_loop3A_714 = arith.constant 0.000000e+00 : f32
        %parallel_loop3A_715 = vector.broadcast %parallel_loop3A_714 : f32 to vector<16xf32>
        %parallel_loop3A_716 = arith.maximumf %parallel_loop3A_713, %parallel_loop3A_715 : vector<16xf32>
        %parallel_loop3A_717 = arith.addf %parallel_loop3A_712, %parallel_loop3A_716 : vector<16xf32>
        %parallel_loop3A_718 = arith.index_cast %parallel_loop3A_522 : i32 to index
        %parallel_loop3A_719 = arith.constant 64 : index
        %parallel_loop3A_720 = tpu.vector_load %arg19[%parallel_loop3A_718, %parallel_loop3A_719] {strides = array<i32>} : memref<40x128xf32, #tpu.memory_space<vmem>>, vector<1x16xf32>,
        %parallel_loop3A_721 = vector.shape_cast %parallel_loop3A_720 : vector<1x16xf32> to vector<16xf32>
        %parallel_loop3A_722 = vector.shape_cast %parallel_loop3A_717 : vector<16xf32> to vector<1x16xf32>
        tpu.vector_store %arg19[%parallel_loop3A_718, %parallel_loop3A_719], %parallel_loop3A_722 {strides = array<i32>} : memref<40x128xf32, #tpu.memory_space<vmem>>, vector<1x16xf32>,
        %parallel_loop3A_723 = arith.index_cast %parallel_loop3A_522 : i32 to index
        %parallel_loop3A_724 = arith.constant 80 : index
        %parallel_loop3A_725 = tpu.vector_load %arg17[%parallel_loop3A_723, %parallel_loop3A_724] {strides = array<i32>} : memref<80x128xi32, #tpu.memory_space<vmem>>, vector<1x16xi32>,
        %parallel_loop3A_726 = vector.shape_cast %parallel_loop3A_725 : vector<1x16xi32> to vector<16xi32>
        %parallel_loop3A_727 = arith.constant 40 : i32
        %parallel_loop3A_728 = arith.addi %parallel_loop3A_727, %parallel_loop3A_522 : i32
        %parallel_loop3A_729 = arith.index_cast %parallel_loop3A_728 : i32 to index
        %parallel_loop3A_730 = arith.constant 80 : index
        %parallel_loop3A_731 = tpu.vector_load %arg17[%parallel_loop3A_729, %parallel_loop3A_730] {strides = array<i32>} : memref<80x128xi32, #tpu.memory_space<vmem>>, vector<1x16xi32>,
        %parallel_loop3A_732 = vector.shape_cast %parallel_loop3A_731 : vector<1x16xi32> to vector<16xi32>
        %parallel_loop3A_733 = arith.constant 16 : i32
        %parallel_loop3A_734 = vector.broadcast %parallel_loop3A_733 : i32 to vector<16xi32>
        %parallel_loop3A_735 = arith.shli %parallel_loop3A_726, %parallel_loop3A_734 : vector<16xi32>
        %parallel_loop3A_736 = tpu.bitcast %parallel_loop3A_735 : vector<16xi32> -> vector<16xf32>
        %parallel_loop3A_737 = arith.constant -65536 : i32
        %parallel_loop3A_738 = vector.broadcast %parallel_loop3A_737 : i32 to vector<16xi32>
        %parallel_loop3A_739 = arith.andi %parallel_loop3A_726, %parallel_loop3A_738 : vector<16xi32>
        %parallel_loop3A_740 = tpu.bitcast %parallel_loop3A_739 : vector<16xi32> -> vector<16xf32>
        %parallel_loop3A_741 = arith.constant 16 : i32
        %parallel_loop3A_742 = vector.broadcast %parallel_loop3A_741 : i32 to vector<16xi32>
        %parallel_loop3A_743 = arith.shli %parallel_loop3A_732, %parallel_loop3A_742 : vector<16xi32>
        %parallel_loop3A_744 = tpu.bitcast %parallel_loop3A_743 : vector<16xi32> -> vector<16xf32>
        %parallel_loop3A_745 = arith.constant -65536 : i32
        %parallel_loop3A_746 = vector.broadcast %parallel_loop3A_745 : i32 to vector<16xi32>
        %parallel_loop3A_747 = arith.andi %parallel_loop3A_732, %parallel_loop3A_746 : vector<16xi32>
        %parallel_loop3A_748 = tpu.bitcast %parallel_loop3A_747 : vector<16xi32> -> vector<16xf32>
        %parallel_loop3A_749 = arith.addf %parallel_loop3A_736, %parallel_loop3A_748 : vector<16xf32>
        %parallel_loop3A_750 = arith.constant 0.000000e+00 : f32
        %parallel_loop3A_751 = vector.broadcast %parallel_loop3A_750 : f32 to vector<16xf32>
        %parallel_loop3A_752 = arith.maximumf %parallel_loop3A_749, %parallel_loop3A_751 : vector<16xf32>
        %parallel_loop3A_753 = arith.addf %parallel_loop3A_744, %parallel_loop3A_740 : vector<16xf32>
        %parallel_loop3A_754 = arith.constant 0.000000e+00 : f32
        %parallel_loop3A_755 = vector.broadcast %parallel_loop3A_754 : f32 to vector<16xf32>
        %parallel_loop3A_756 = arith.maximumf %parallel_loop3A_753, %parallel_loop3A_755 : vector<16xf32>
        %parallel_loop3A_757 = arith.addf %parallel_loop3A_752, %parallel_loop3A_756 : vector<16xf32>
        %parallel_loop3A_758 = arith.index_cast %parallel_loop3A_522 : i32 to index
        %parallel_loop3A_759 = arith.constant 80 : index
        %parallel_loop3A_760 = tpu.vector_load %arg19[%parallel_loop3A_758, %parallel_loop3A_759] {strides = array<i32>} : memref<40x128xf32, #tpu.memory_space<vmem>>, vector<1x16xf32>,
        %parallel_loop3A_761 = vector.shape_cast %parallel_loop3A_760 : vector<1x16xf32> to vector<16xf32>
        %parallel_loop3A_762 = vector.shape_cast %parallel_loop3A_757 : vector<16xf32> to vector<1x16xf32>
        tpu.vector_store %arg19[%parallel_loop3A_758, %parallel_loop3A_759], %parallel_loop3A_762 {strides = array<i32>} : memref<40x128xf32, #tpu.memory_space<vmem>>, vector<1x16xf32>,
        %parallel_loop3A_763 = arith.index_cast %parallel_loop3A_522 : i32 to index
        %parallel_loop3A_764 = arith.constant 96 : index
        %parallel_loop3A_765 = tpu.vector_load %arg17[%parallel_loop3A_763, %parallel_loop3A_764] {strides = array<i32>} : memref<80x128xi32, #tpu.memory_space<vmem>>, vector<1x16xi32>,
        %parallel_loop3A_766 = vector.shape_cast %parallel_loop3A_765 : vector<1x16xi32> to vector<16xi32>
        %parallel_loop3A_767 = arith.constant 40 : i32
        %parallel_loop3A_768 = arith.addi %parallel_loop3A_767, %parallel_loop3A_522 : i32
        %parallel_loop3A_769 = arith.index_cast %parallel_loop3A_768 : i32 to index
        %parallel_loop3A_770 = arith.constant 96 : index
        %parallel_loop3A_771 = tpu.vector_load %arg17[%parallel_loop3A_769, %parallel_loop3A_770] {strides = array<i32>} : memref<80x128xi32, #tpu.memory_space<vmem>>, vector<1x16xi32>,
        %parallel_loop3A_772 = vector.shape_cast %parallel_loop3A_771 : vector<1x16xi32> to vector<16xi32>
        %parallel_loop3A_773 = arith.constant 16 : i32
        %parallel_loop3A_774 = vector.broadcast %parallel_loop3A_773 : i32 to vector<16xi32>
        %parallel_loop3A_775 = arith.shli %parallel_loop3A_766, %parallel_loop3A_774 : vector<16xi32>
        %parallel_loop3A_776 = tpu.bitcast %parallel_loop3A_775 : vector<16xi32> -> vector<16xf32>
        %parallel_loop3A_777 = arith.constant -65536 : i32
        %parallel_loop3A_778 = vector.broadcast %parallel_loop3A_777 : i32 to vector<16xi32>
        %parallel_loop3A_779 = arith.andi %parallel_loop3A_766, %parallel_loop3A_778 : vector<16xi32>
        %parallel_loop3A_780 = tpu.bitcast %parallel_loop3A_779 : vector<16xi32> -> vector<16xf32>
        %parallel_loop3A_781 = arith.constant 16 : i32
        %parallel_loop3A_782 = vector.broadcast %parallel_loop3A_781 : i32 to vector<16xi32>
        %parallel_loop3A_783 = arith.shli %parallel_loop3A_772, %parallel_loop3A_782 : vector<16xi32>
        %parallel_loop3A_784 = tpu.bitcast %parallel_loop3A_783 : vector<16xi32> -> vector<16xf32>
        %parallel_loop3A_785 = arith.constant -65536 : i32
        %parallel_loop3A_786 = vector.broadcast %parallel_loop3A_785 : i32 to vector<16xi32>
        %parallel_loop3A_787 = arith.andi %parallel_loop3A_772, %parallel_loop3A_786 : vector<16xi32>
        %parallel_loop3A_788 = tpu.bitcast %parallel_loop3A_787 : vector<16xi32> -> vector<16xf32>
        %parallel_loop3A_789 = arith.addf %parallel_loop3A_776, %parallel_loop3A_788 : vector<16xf32>
        %parallel_loop3A_790 = arith.constant 0.000000e+00 : f32
        %parallel_loop3A_791 = vector.broadcast %parallel_loop3A_790 : f32 to vector<16xf32>
        %parallel_loop3A_792 = arith.maximumf %parallel_loop3A_789, %parallel_loop3A_791 : vector<16xf32>
        %parallel_loop3A_793 = arith.addf %parallel_loop3A_784, %parallel_loop3A_780 : vector<16xf32>
        %parallel_loop3A_794 = arith.constant 0.000000e+00 : f32
        %parallel_loop3A_795 = vector.broadcast %parallel_loop3A_794 : f32 to vector<16xf32>
        %parallel_loop3A_796 = arith.maximumf %parallel_loop3A_793, %parallel_loop3A_795 : vector<16xf32>
        %parallel_loop3A_797 = arith.addf %parallel_loop3A_792, %parallel_loop3A_796 : vector<16xf32>
        %parallel_loop3A_798 = arith.index_cast %parallel_loop3A_522 : i32 to index
        %parallel_loop3A_799 = arith.constant 96 : index
        %parallel_loop3A_800 = tpu.vector_load %arg19[%parallel_loop3A_798, %parallel_loop3A_799] {strides = array<i32>} : memref<40x128xf32, #tpu.memory_space<vmem>>, vector<1x16xf32>,
        %parallel_loop3A_801 = vector.shape_cast %parallel_loop3A_800 : vector<1x16xf32> to vector<16xf32>
        %parallel_loop3A_802 = vector.shape_cast %parallel_loop3A_797 : vector<16xf32> to vector<1x16xf32>
        tpu.vector_store %arg19[%parallel_loop3A_798, %parallel_loop3A_799], %parallel_loop3A_802 {strides = array<i32>} : memref<40x128xf32, #tpu.memory_space<vmem>>, vector<1x16xf32>,
        %parallel_loop3A_803 = arith.index_cast %parallel_loop3A_522 : i32 to index
        %parallel_loop3A_804 = arith.constant 112 : index
        %parallel_loop3A_805 = tpu.vector_load %arg17[%parallel_loop3A_803, %parallel_loop3A_804] {strides = array<i32>} : memref<80x128xi32, #tpu.memory_space<vmem>>, vector<1x16xi32>,
        %parallel_loop3A_806 = vector.shape_cast %parallel_loop3A_805 : vector<1x16xi32> to vector<16xi32>
        %parallel_loop3A_807 = arith.constant 40 : i32
        %parallel_loop3A_808 = arith.addi %parallel_loop3A_807, %parallel_loop3A_522 : i32
        %parallel_loop3A_809 = arith.index_cast %parallel_loop3A_808 : i32 to index
        %parallel_loop3A_810 = arith.constant 112 : index
        %parallel_loop3A_811 = tpu.vector_load %arg17[%parallel_loop3A_809, %parallel_loop3A_810] {strides = array<i32>} : memref<80x128xi32, #tpu.memory_space<vmem>>, vector<1x16xi32>,
        %parallel_loop3A_812 = vector.shape_cast %parallel_loop3A_811 : vector<1x16xi32> to vector<16xi32>
        %parallel_loop3A_813 = arith.constant 16 : i32
        %parallel_loop3A_814 = vector.broadcast %parallel_loop3A_813 : i32 to vector<16xi32>
        %parallel_loop3A_815 = arith.shli %parallel_loop3A_806, %parallel_loop3A_814 : vector<16xi32>
        %parallel_loop3A_816 = tpu.bitcast %parallel_loop3A_815 : vector<16xi32> -> vector<16xf32>
        %parallel_loop3A_817 = arith.constant -65536 : i32
        %parallel_loop3A_818 = vector.broadcast %parallel_loop3A_817 : i32 to vector<16xi32>
        %parallel_loop3A_819 = arith.andi %parallel_loop3A_806, %parallel_loop3A_818 : vector<16xi32>
        %parallel_loop3A_820 = tpu.bitcast %parallel_loop3A_819 : vector<16xi32> -> vector<16xf32>
        %parallel_loop3A_821 = arith.constant 16 : i32
        %parallel_loop3A_822 = vector.broadcast %parallel_loop3A_821 : i32 to vector<16xi32>
        %parallel_loop3A_823 = arith.shli %parallel_loop3A_812, %parallel_loop3A_822 : vector<16xi32>
        %parallel_loop3A_824 = tpu.bitcast %parallel_loop3A_823 : vector<16xi32> -> vector<16xf32>
        %parallel_loop3A_825 = arith.constant -65536 : i32
        %parallel_loop3A_826 = vector.broadcast %parallel_loop3A_825 : i32 to vector<16xi32>
        %parallel_loop3A_827 = arith.andi %parallel_loop3A_812, %parallel_loop3A_826 : vector<16xi32>
        %parallel_loop3A_828 = tpu.bitcast %parallel_loop3A_827 : vector<16xi32> -> vector<16xf32>
        %parallel_loop3A_829 = arith.addf %parallel_loop3A_816, %parallel_loop3A_828 : vector<16xf32>
        %parallel_loop3A_830 = arith.constant 0.000000e+00 : f32
        %parallel_loop3A_831 = vector.broadcast %parallel_loop3A_830 : f32 to vector<16xf32>
        %parallel_loop3A_832 = arith.maximumf %parallel_loop3A_829, %parallel_loop3A_831 : vector<16xf32>
        %parallel_loop3A_833 = arith.addf %parallel_loop3A_824, %parallel_loop3A_820 : vector<16xf32>
        %parallel_loop3A_834 = arith.constant 0.000000e+00 : f32
        %parallel_loop3A_835 = vector.broadcast %parallel_loop3A_834 : f32 to vector<16xf32>
        %parallel_loop3A_836 = arith.maximumf %parallel_loop3A_833, %parallel_loop3A_835 : vector<16xf32>
        %parallel_loop3A_837 = arith.addf %parallel_loop3A_832, %parallel_loop3A_836 : vector<16xf32>
        %parallel_loop3A_838 = arith.index_cast %parallel_loop3A_522 : i32 to index
        %parallel_loop3A_839 = arith.constant 112 : index
        %parallel_loop3A_840 = tpu.vector_load %arg19[%parallel_loop3A_838, %parallel_loop3A_839] {strides = array<i32>} : memref<40x128xf32, #tpu.memory_space<vmem>>, vector<1x16xf32>,
        %parallel_loop3A_841 = vector.shape_cast %parallel_loop3A_840 : vector<1x16xf32> to vector<16xf32>
        %parallel_loop3A_842 = vector.shape_cast %parallel_loop3A_837 : vector<16xf32> to vector<1x16xf32>
        tpu.vector_store %arg19[%parallel_loop3A_838, %parallel_loop3A_839], %parallel_loop3A_842 {strides = array<i32>} : memref<40x128xf32, #tpu.memory_space<vmem>>, vector<1x16xf32>,
      } {sc.loop_unroll_factor = 1 : i64, sc.parallel_access}
      %mul3A_186 = arith.constant 40 : i32
      %mul3A_187 = arith.muli %add3A_163, %mul3A_186 : i32
      %add3A_188 = arith.addi %mul3A_2, %mul3A_187 : i32
      %dma_start3A_189 = arith.constant 0 : i32
      %dma_start3A_190 = tpu.memref_slice %arg4[%add3A_188, %dma_start3A_189] : memref<320000x128xf32, #tpu.memory_space<hbm>> -> memref<40x128xf32, #tpu.memory_space<hbm>>
      %dma_start3A_191 = arith.constant 0 : i32
      %dma_start3A_192 = tpu.memref_slice %arg4[%add3A_188, %dma_start3A_191] : memref<320000x128xf32, #tpu.memory_space<hbm>> -> memref<40x128xf32, #tpu.memory_space<hbm>>
      tpu.enqueue_dma source(%arg19 : memref<40x128xf32, #tpu.memory_space<vmem>>) target(%dma_start3A_192 : memref<40x128xf32, #tpu.memory_space<hbm>>) target_semaphore(%arg36 : memref<!tpu.dma_semaphore, #tpu.memory_space<semaphore_mem>>)
      %add3A_193 = arith.constant 1 : i32
      %add3A_194 = arith.addi %mul3A_124, %add3A_193 : i32
      %add3A_195 = arith.constant 2 : i32
      %add3A_196 = arith.addi %add3A_194, %add3A_195 : i32
      %lt3A_197 = arith.constant 250 : i32
      %lt3A_198 = arith.cmpi slt, %add3A_196, %lt3A_197 : i32
      %convert_element_type3A_199 = arith.extui %lt3A_198 : i1 to i32
      %cond3A_200 = arith.constant 0 : i32
      %cond3A_201 = arith.cmpi ne, %convert_element_type3A_199, %cond3A_200 : i32
      scf.if %cond3A_201 {
        %dma_wait3A_522 = arith.constant 0 : i32
        %dma_wait3A_523 = arith.constant 0 : i32
        %dma_wait3A_524 = tpu.memref_slice %arg3[%add3A, %dma_wait3A_522, %dma_wait3A_523] : memref<32x250x80xi32, #tpu.memory_space<hbm>> -> memref<1x1x80xi32, #tpu.memory_space<hbm>>
        %dma_wait3A_525 = tpu.memref_squeeze %dma_wait3A_524 : memref<1x1x80xi32, #tpu.memory_space<hbm>> -> memref<80xi32, #tpu.memory_space<hbm>>
        %dma_wait3A_526 = arith.constant 0 : i32
        %dma_wait3A_527 = tpu.memref_slice %arg3[%add3A, %dma_wait3A_522, %dma_wait3A_526] : memref<32x250x80xi32, #tpu.memory_space<hbm>> -> memref<1x1x80xi32, #tpu.memory_space<hbm>>
        %dma_wait3A_528 = tpu.memref_squeeze %dma_wait3A_527 : memref<1x1x80xi32, #tpu.memory_space<hbm>> -> memref<80xi32, #tpu.memory_space<hbm>>
        tpu.wait_dma2 semaphore(%arg26 : memref<!tpu.dma_semaphore, #tpu.memory_space<semaphore_mem>>) src(%dma_wait3A_528 : memref<80xi32, #tpu.memory_space<hbm>>) dst(%arg9 : memref<80xi32, #tpu.memory_space<vmem>>)
        %dma_start3A_529 = arith.constant 0 : i32
        %dma_start3A_530 = arith.constant 0 : i32
        %dma_start3A_531 = tpu.memref_slice %arg5[%dma_start3A_529, %dma_start3A_530] : memref<10000x128xi32, #tpu.memory_space<vmem_shared>> -> memref<10000x128xi32, #tpu.memory_space<vmem_shared>>
        tpu.enqueue_indirect_dma source(%dma_start3A_531 : memref<10000x128xi32, #tpu.memory_space<vmem_shared>>) target(%arg17 : memref<80x128xi32, #tpu.memory_space<vmem>>) offsets(%arg9 : memref<80xi32, #tpu.memory_space<vmem>>) semaphore(%arg34 : memref<!tpu.dma_semaphore, #tpu.memory_space<semaphore_mem>>)
      } else {
      }
      %add3A_202 = arith.constant 2 : i32
      %add3A_203 = arith.addi %mul3A_124, %add3A_202 : i32
      %dma_wait3A_204 = arith.constant 0 : i32
      %dma_wait3A_205 = arith.constant 0 : i32
      %dma_wait3A_206 = tpu.memref_slice %arg5[%dma_wait3A_204, %dma_wait3A_205] : memref<10000x128xi32, #tpu.memory_space<vmem_shared>> -> memref<10000x128xi32, #tpu.memory_space<vmem_shared>>
      tpu.wait_indirect_dma semaphore(%arg33 : memref<!tpu.dma_semaphore, #tpu.memory_space<semaphore_mem>>) src(%dma_wait3A_206 : memref<10000x128xi32, #tpu.memory_space<vmem_shared>>) dst(%arg16 : memref<80x128xi32, #tpu.memory_space<vmem>>)
      %add3A_207 = arith.constant 2 : i32
      %add3A_208 = arith.addi %mul3A_124, %add3A_207 : i32
      %add3A_209 = arith.constant 10 : i32
      %add3A_210 = arith.addi %add3A_208, %add3A_209 : i32
      %lt3A_211 = arith.constant 250 : i32
      %lt3A_212 = arith.cmpi slt, %add3A_210, %lt3A_211 : i32
      %convert_element_type3A_213 = arith.extui %lt3A_212 : i1 to i32
      %cond3A_214 = arith.constant 0 : i32
      %cond3A_215 = arith.cmpi ne, %convert_element_type3A_213, %cond3A_214 : i32
      scf.if %cond3A_215 {
        %add3A_522 = arith.constant 10 : i32
        %add3A_523 = arith.addi %add3A_203, %add3A_522 : i32
        %dma_start3A_524 = arith.constant 0 : i32
        %dma_start3A_525 = tpu.memref_slice %arg3[%add3A, %add3A_523, %dma_start3A_524] : memref<32x250x80xi32, #tpu.memory_space<hbm>> -> memref<1x1x80xi32, #tpu.memory_space<hbm>>
        %dma_start3A_526 = tpu.memref_squeeze %dma_start3A_525 : memref<1x1x80xi32, #tpu.memory_space<hbm>> -> memref<80xi32, #tpu.memory_space<hbm>>
        %dma_start3A_527 = arith.constant 0 : i32
        %dma_start3A_528 = tpu.memref_slice %arg3[%add3A, %add3A_523, %dma_start3A_527] : memref<32x250x80xi32, #tpu.memory_space<hbm>> -> memref<1x1x80xi32, #tpu.memory_space<hbm>>
        %dma_start3A_529 = tpu.memref_squeeze %dma_start3A_528 : memref<1x1x80xi32, #tpu.memory_space<hbm>> -> memref<80xi32, #tpu.memory_space<hbm>>
        tpu.enqueue_dma source(%dma_start3A_529 : memref<80xi32, #tpu.memory_space<hbm>>) target(%arg8 : memref<80xi32, #tpu.memory_space<vmem>>) target_semaphore(%arg25 : memref<!tpu.dma_semaphore, #tpu.memory_space<semaphore_mem>>)
      } else {
      }
      %add3A_216 = arith.constant 2 : i32
      %add3A_217 = arith.addi %mul3A_124, %add3A_216 : i32
      %ge3A_218 = arith.constant 5 : i32
      %ge3A_219 = arith.cmpi sge, %add3A_217, %ge3A_218 : i32
      %convert_element_type3A_220 = arith.extui %ge3A_219 : i1 to i32
      %cond3A_221 = arith.constant 0 : i32
      %cond3A_222 = arith.cmpi ne, %convert_element_type3A_220, %cond3A_221 : i32
      scf.if %cond3A_222 {
        %dma_wait3A_522 = arith.constant 0 : i32
        %dma_wait3A_523 = tpu.memref_slice %arg4[%mul3A_2, %dma_wait3A_522] : memref<320000x128xf32, #tpu.memory_space<hbm>> -> memref<40x128xf32, #tpu.memory_space<hbm>>
        %dma_wait3A_524 = arith.constant 0 : i32
        %dma_wait3A_525 = tpu.memref_slice %arg4[%mul3A_2, %dma_wait3A_524] : memref<320000x128xf32, #tpu.memory_space<hbm>> -> memref<40x128xf32, #tpu.memory_space<hbm>>
        tpu.wait_dma2 semaphore(%arg37 : memref<!tpu.dma_semaphore, #tpu.memory_space<semaphore_mem>>) src(%arg20 : memref<40x128xf32, #tpu.memory_space<vmem>>) dst(%dma_wait3A_525 : memref<40x128xf32, #tpu.memory_space<hbm>>)
      } else {
      }
      %parallel_loop3A_223 = arith.constant 0 : i32
      %parallel_loop3A_224 = arith.constant 40 : i32
      %parallel_loop3A_225 = arith.constant 1 : i32
      scf.for %parallel_loop3A_522 = %parallel_loop3A_223 to %parallel_loop3A_224 step %parallel_loop3A_225  : i32 {
        %parallel_loop3A_523 = arith.index_cast %parallel_loop3A_522 : i32 to index
        %parallel_loop3A_524 = arith.constant 0 : index
        %parallel_loop3A_525 = tpu.vector_load %arg16[%parallel_loop3A_523, %parallel_loop3A_524] {strides = array<i32>} : memref<80x128xi32, #tpu.memory_space<vmem>>, vector<1x16xi32>,
        %parallel_loop3A_526 = vector.shape_cast %parallel_loop3A_525 : vector<1x16xi32> to vector<16xi32>
        %parallel_loop3A_527 = arith.constant 40 : i32
        %parallel_loop3A_528 = arith.addi %parallel_loop3A_527, %parallel_loop3A_522 : i32
        %parallel_loop3A_529 = arith.index_cast %parallel_loop3A_528 : i32 to index
        %parallel_loop3A_530 = arith.constant 0 : index
        %parallel_loop3A_531 = tpu.vector_load %arg16[%parallel_loop3A_529, %parallel_loop3A_530] {strides = array<i32>} : memref<80x128xi32, #tpu.memory_space<vmem>>, vector<1x16xi32>,
        %parallel_loop3A_532 = vector.shape_cast %parallel_loop3A_531 : vector<1x16xi32> to vector<16xi32>
        %parallel_loop3A_533 = arith.constant 16 : i32
        %parallel_loop3A_534 = vector.broadcast %parallel_loop3A_533 : i32 to vector<16xi32>
        %parallel_loop3A_535 = arith.shli %parallel_loop3A_526, %parallel_loop3A_534 : vector<16xi32>
        %parallel_loop3A_536 = tpu.bitcast %parallel_loop3A_535 : vector<16xi32> -> vector<16xf32>
        %parallel_loop3A_537 = arith.constant -65536 : i32
        %parallel_loop3A_538 = vector.broadcast %parallel_loop3A_537 : i32 to vector<16xi32>
        %parallel_loop3A_539 = arith.andi %parallel_loop3A_526, %parallel_loop3A_538 : vector<16xi32>
        %parallel_loop3A_540 = tpu.bitcast %parallel_loop3A_539 : vector<16xi32> -> vector<16xf32>
        %parallel_loop3A_541 = arith.constant 16 : i32
        %parallel_loop3A_542 = vector.broadcast %parallel_loop3A_541 : i32 to vector<16xi32>
        %parallel_loop3A_543 = arith.shli %parallel_loop3A_532, %parallel_loop3A_542 : vector<16xi32>
        %parallel_loop3A_544 = tpu.bitcast %parallel_loop3A_543 : vector<16xi32> -> vector<16xf32>
        %parallel_loop3A_545 = arith.constant -65536 : i32
        %parallel_loop3A_546 = vector.broadcast %parallel_loop3A_545 : i32 to vector<16xi32>
        %parallel_loop3A_547 = arith.andi %parallel_loop3A_532, %parallel_loop3A_546 : vector<16xi32>
        %parallel_loop3A_548 = tpu.bitcast %parallel_loop3A_547 : vector<16xi32> -> vector<16xf32>
        %parallel_loop3A_549 = arith.addf %parallel_loop3A_536, %parallel_loop3A_548 : vector<16xf32>
        %parallel_loop3A_550 = arith.constant 0.000000e+00 : f32
        %parallel_loop3A_551 = vector.broadcast %parallel_loop3A_550 : f32 to vector<16xf32>
        %parallel_loop3A_552 = arith.maximumf %parallel_loop3A_549, %parallel_loop3A_551 : vector<16xf32>
        %parallel_loop3A_553 = arith.addf %parallel_loop3A_544, %parallel_loop3A_540 : vector<16xf32>
        %parallel_loop3A_554 = arith.constant 0.000000e+00 : f32
        %parallel_loop3A_555 = vector.broadcast %parallel_loop3A_554 : f32 to vector<16xf32>
        %parallel_loop3A_556 = arith.maximumf %parallel_loop3A_553, %parallel_loop3A_555 : vector<16xf32>
        %parallel_loop3A_557 = arith.addf %parallel_loop3A_552, %parallel_loop3A_556 : vector<16xf32>
        %parallel_loop3A_558 = arith.index_cast %parallel_loop3A_522 : i32 to index
        %parallel_loop3A_559 = arith.constant 0 : index
        %parallel_loop3A_560 = tpu.vector_load %arg20[%parallel_loop3A_558, %parallel_loop3A_559] {strides = array<i32>} : memref<40x128xf32, #tpu.memory_space<vmem>>, vector<1x16xf32>,
        %parallel_loop3A_561 = vector.shape_cast %parallel_loop3A_560 : vector<1x16xf32> to vector<16xf32>
        %parallel_loop3A_562 = vector.shape_cast %parallel_loop3A_557 : vector<16xf32> to vector<1x16xf32>
        tpu.vector_store %arg20[%parallel_loop3A_558, %parallel_loop3A_559], %parallel_loop3A_562 {strides = array<i32>} : memref<40x128xf32, #tpu.memory_space<vmem>>, vector<1x16xf32>,
        %parallel_loop3A_563 = arith.index_cast %parallel_loop3A_522 : i32 to index
        %parallel_loop3A_564 = arith.constant 16 : index
        %parallel_loop3A_565 = tpu.vector_load %arg16[%parallel_loop3A_563, %parallel_loop3A_564] {strides = array<i32>} : memref<80x128xi32, #tpu.memory_space<vmem>>, vector<1x16xi32>,
        %parallel_loop3A_566 = vector.shape_cast %parallel_loop3A_565 : vector<1x16xi32> to vector<16xi32>
        %parallel_loop3A_567 = arith.constant 40 : i32
        %parallel_loop3A_568 = arith.addi %parallel_loop3A_567, %parallel_loop3A_522 : i32
        %parallel_loop3A_569 = arith.index_cast %parallel_loop3A_568 : i32 to index
        %parallel_loop3A_570 = arith.constant 16 : index
        %parallel_loop3A_571 = tpu.vector_load %arg16[%parallel_loop3A_569, %parallel_loop3A_570] {strides = array<i32>} : memref<80x128xi32, #tpu.memory_space<vmem>>, vector<1x16xi32>,
        %parallel_loop3A_572 = vector.shape_cast %parallel_loop3A_571 : vector<1x16xi32> to vector<16xi32>
        %parallel_loop3A_573 = arith.constant 16 : i32
        %parallel_loop3A_574 = vector.broadcast %parallel_loop3A_573 : i32 to vector<16xi32>
        %parallel_loop3A_575 = arith.shli %parallel_loop3A_566, %parallel_loop3A_574 : vector<16xi32>
        %parallel_loop3A_576 = tpu.bitcast %parallel_loop3A_575 : vector<16xi32> -> vector<16xf32>
        %parallel_loop3A_577 = arith.constant -65536 : i32
        %parallel_loop3A_578 = vector.broadcast %parallel_loop3A_577 : i32 to vector<16xi32>
        %parallel_loop3A_579 = arith.andi %parallel_loop3A_566, %parallel_loop3A_578 : vector<16xi32>
        %parallel_loop3A_580 = tpu.bitcast %parallel_loop3A_579 : vector<16xi32> -> vector<16xf32>
        %parallel_loop3A_581 = arith.constant 16 : i32
        %parallel_loop3A_582 = vector.broadcast %parallel_loop3A_581 : i32 to vector<16xi32>
        %parallel_loop3A_583 = arith.shli %parallel_loop3A_572, %parallel_loop3A_582 : vector<16xi32>
        %parallel_loop3A_584 = tpu.bitcast %parallel_loop3A_583 : vector<16xi32> -> vector<16xf32>
        %parallel_loop3A_585 = arith.constant -65536 : i32
        %parallel_loop3A_586 = vector.broadcast %parallel_loop3A_585 : i32 to vector<16xi32>
        %parallel_loop3A_587 = arith.andi %parallel_loop3A_572, %parallel_loop3A_586 : vector<16xi32>
        %parallel_loop3A_588 = tpu.bitcast %parallel_loop3A_587 : vector<16xi32> -> vector<16xf32>
        %parallel_loop3A_589 = arith.addf %parallel_loop3A_576, %parallel_loop3A_588 : vector<16xf32>
        %parallel_loop3A_590 = arith.constant 0.000000e+00 : f32
        %parallel_loop3A_591 = vector.broadcast %parallel_loop3A_590 : f32 to vector<16xf32>
        %parallel_loop3A_592 = arith.maximumf %parallel_loop3A_589, %parallel_loop3A_591 : vector<16xf32>
        %parallel_loop3A_593 = arith.addf %parallel_loop3A_584, %parallel_loop3A_580 : vector<16xf32>
        %parallel_loop3A_594 = arith.constant 0.000000e+00 : f32
        %parallel_loop3A_595 = vector.broadcast %parallel_loop3A_594 : f32 to vector<16xf32>
        %parallel_loop3A_596 = arith.maximumf %parallel_loop3A_593, %parallel_loop3A_595 : vector<16xf32>
        %parallel_loop3A_597 = arith.addf %parallel_loop3A_592, %parallel_loop3A_596 : vector<16xf32>
        %parallel_loop3A_598 = arith.index_cast %parallel_loop3A_522 : i32 to index
        %parallel_loop3A_599 = arith.constant 16 : index
        %parallel_loop3A_600 = tpu.vector_load %arg20[%parallel_loop3A_598, %parallel_loop3A_599] {strides = array<i32>} : memref<40x128xf32, #tpu.memory_space<vmem>>, vector<1x16xf32>,
        %parallel_loop3A_601 = vector.shape_cast %parallel_loop3A_600 : vector<1x16xf32> to vector<16xf32>
        %parallel_loop3A_602 = vector.shape_cast %parallel_loop3A_597 : vector<16xf32> to vector<1x16xf32>
        tpu.vector_store %arg20[%parallel_loop3A_598, %parallel_loop3A_599], %parallel_loop3A_602 {strides = array<i32>} : memref<40x128xf32, #tpu.memory_space<vmem>>, vector<1x16xf32>,
        %parallel_loop3A_603 = arith.index_cast %parallel_loop3A_522 : i32 to index
        %parallel_loop3A_604 = arith.constant 32 : index
        %parallel_loop3A_605 = tpu.vector_load %arg16[%parallel_loop3A_603, %parallel_loop3A_604] {strides = array<i32>} : memref<80x128xi32, #tpu.memory_space<vmem>>, vector<1x16xi32>,
        %parallel_loop3A_606 = vector.shape_cast %parallel_loop3A_605 : vector<1x16xi32> to vector<16xi32>
        %parallel_loop3A_607 = arith.constant 40 : i32
        %parallel_loop3A_608 = arith.addi %parallel_loop3A_607, %parallel_loop3A_522 : i32
        %parallel_loop3A_609 = arith.index_cast %parallel_loop3A_608 : i32 to index
        %parallel_loop3A_610 = arith.constant 32 : index
        %parallel_loop3A_611 = tpu.vector_load %arg16[%parallel_loop3A_609, %parallel_loop3A_610] {strides = array<i32>} : memref<80x128xi32, #tpu.memory_space<vmem>>, vector<1x16xi32>,
        %parallel_loop3A_612 = vector.shape_cast %parallel_loop3A_611 : vector<1x16xi32> to vector<16xi32>
        %parallel_loop3A_613 = arith.constant 16 : i32
        %parallel_loop3A_614 = vector.broadcast %parallel_loop3A_613 : i32 to vector<16xi32>
        %parallel_loop3A_615 = arith.shli %parallel_loop3A_606, %parallel_loop3A_614 : vector<16xi32>
        %parallel_loop3A_616 = tpu.bitcast %parallel_loop3A_615 : vector<16xi32> -> vector<16xf32>
        %parallel_loop3A_617 = arith.constant -65536 : i32
        %parallel_loop3A_618 = vector.broadcast %parallel_loop3A_617 : i32 to vector<16xi32>
        %parallel_loop3A_619 = arith.andi %parallel_loop3A_606, %parallel_loop3A_618 : vector<16xi32>
        %parallel_loop3A_620 = tpu.bitcast %parallel_loop3A_619 : vector<16xi32> -> vector<16xf32>
        %parallel_loop3A_621 = arith.constant 16 : i32
        %parallel_loop3A_622 = vector.broadcast %parallel_loop3A_621 : i32 to vector<16xi32>
        %parallel_loop3A_623 = arith.shli %parallel_loop3A_612, %parallel_loop3A_622 : vector<16xi32>
        %parallel_loop3A_624 = tpu.bitcast %parallel_loop3A_623 : vector<16xi32> -> vector<16xf32>
        %parallel_loop3A_625 = arith.constant -65536 : i32
        %parallel_loop3A_626 = vector.broadcast %parallel_loop3A_625 : i32 to vector<16xi32>
        %parallel_loop3A_627 = arith.andi %parallel_loop3A_612, %parallel_loop3A_626 : vector<16xi32>
        %parallel_loop3A_628 = tpu.bitcast %parallel_loop3A_627 : vector<16xi32> -> vector<16xf32>
        %parallel_loop3A_629 = arith.addf %parallel_loop3A_616, %parallel_loop3A_628 : vector<16xf32>
        %parallel_loop3A_630 = arith.constant 0.000000e+00 : f32
        %parallel_loop3A_631 = vector.broadcast %parallel_loop3A_630 : f32 to vector<16xf32>
        %parallel_loop3A_632 = arith.maximumf %parallel_loop3A_629, %parallel_loop3A_631 : vector<16xf32>
        %parallel_loop3A_633 = arith.addf %parallel_loop3A_624, %parallel_loop3A_620 : vector<16xf32>
        %parallel_loop3A_634 = arith.constant 0.000000e+00 : f32
        %parallel_loop3A_635 = vector.broadcast %parallel_loop3A_634 : f32 to vector<16xf32>
        %parallel_loop3A_636 = arith.maximumf %parallel_loop3A_633, %parallel_loop3A_635 : vector<16xf32>
        %parallel_loop3A_637 = arith.addf %parallel_loop3A_632, %parallel_loop3A_636 : vector<16xf32>
        %parallel_loop3A_638 = arith.index_cast %parallel_loop3A_522 : i32 to index
        %parallel_loop3A_639 = arith.constant 32 : index
        %parallel_loop3A_640 = tpu.vector_load %arg20[%parallel_loop3A_638, %parallel_loop3A_639] {strides = array<i32>} : memref<40x128xf32, #tpu.memory_space<vmem>>, vector<1x16xf32>,
        %parallel_loop3A_641 = vector.shape_cast %parallel_loop3A_640 : vector<1x16xf32> to vector<16xf32>
        %parallel_loop3A_642 = vector.shape_cast %parallel_loop3A_637 : vector<16xf32> to vector<1x16xf32>
        tpu.vector_store %arg20[%parallel_loop3A_638, %parallel_loop3A_639], %parallel_loop3A_642 {strides = array<i32>} : memref<40x128xf32, #tpu.memory_space<vmem>>, vector<1x16xf32>,
        %parallel_loop3A_643 = arith.index_cast %parallel_loop3A_522 : i32 to index
        %parallel_loop3A_644 = arith.constant 48 : index
        %parallel_loop3A_645 = tpu.vector_load %arg16[%parallel_loop3A_643, %parallel_loop3A_644] {strides = array<i32>} : memref<80x128xi32, #tpu.memory_space<vmem>>, vector<1x16xi32>,
        %parallel_loop3A_646 = vector.shape_cast %parallel_loop3A_645 : vector<1x16xi32> to vector<16xi32>
        %parallel_loop3A_647 = arith.constant 40 : i32
        %parallel_loop3A_648 = arith.addi %parallel_loop3A_647, %parallel_loop3A_522 : i32
        %parallel_loop3A_649 = arith.index_cast %parallel_loop3A_648 : i32 to index
        %parallel_loop3A_650 = arith.constant 48 : index
        %parallel_loop3A_651 = tpu.vector_load %arg16[%parallel_loop3A_649, %parallel_loop3A_650] {strides = array<i32>} : memref<80x128xi32, #tpu.memory_space<vmem>>, vector<1x16xi32>,
        %parallel_loop3A_652 = vector.shape_cast %parallel_loop3A_651 : vector<1x16xi32> to vector<16xi32>
        %parallel_loop3A_653 = arith.constant 16 : i32
        %parallel_loop3A_654 = vector.broadcast %parallel_loop3A_653 : i32 to vector<16xi32>
        %parallel_loop3A_655 = arith.shli %parallel_loop3A_646, %parallel_loop3A_654 : vector<16xi32>
        %parallel_loop3A_656 = tpu.bitcast %parallel_loop3A_655 : vector<16xi32> -> vector<16xf32>
        %parallel_loop3A_657 = arith.constant -65536 : i32
        %parallel_loop3A_658 = vector.broadcast %parallel_loop3A_657 : i32 to vector<16xi32>
        %parallel_loop3A_659 = arith.andi %parallel_loop3A_646, %parallel_loop3A_658 : vector<16xi32>
        %parallel_loop3A_660 = tpu.bitcast %parallel_loop3A_659 : vector<16xi32> -> vector<16xf32>
        %parallel_loop3A_661 = arith.constant 16 : i32
        %parallel_loop3A_662 = vector.broadcast %parallel_loop3A_661 : i32 to vector<16xi32>
        %parallel_loop3A_663 = arith.shli %parallel_loop3A_652, %parallel_loop3A_662 : vector<16xi32>
        %parallel_loop3A_664 = tpu.bitcast %parallel_loop3A_663 : vector<16xi32> -> vector<16xf32>
        %parallel_loop3A_665 = arith.constant -65536 : i32
        %parallel_loop3A_666 = vector.broadcast %parallel_loop3A_665 : i32 to vector<16xi32>
        %parallel_loop3A_667 = arith.andi %parallel_loop3A_652, %parallel_loop3A_666 : vector<16xi32>
        %parallel_loop3A_668 = tpu.bitcast %parallel_loop3A_667 : vector<16xi32> -> vector<16xf32>
        %parallel_loop3A_669 = arith.addf %parallel_loop3A_656, %parallel_loop3A_668 : vector<16xf32>
        %parallel_loop3A_670 = arith.constant 0.000000e+00 : f32
        %parallel_loop3A_671 = vector.broadcast %parallel_loop3A_670 : f32 to vector<16xf32>
        %parallel_loop3A_672 = arith.maximumf %parallel_loop3A_669, %parallel_loop3A_671 : vector<16xf32>
        %parallel_loop3A_673 = arith.addf %parallel_loop3A_664, %parallel_loop3A_660 : vector<16xf32>
        %parallel_loop3A_674 = arith.constant 0.000000e+00 : f32
        %parallel_loop3A_675 = vector.broadcast %parallel_loop3A_674 : f32 to vector<16xf32>
        %parallel_loop3A_676 = arith.maximumf %parallel_loop3A_673, %parallel_loop3A_675 : vector<16xf32>
        %parallel_loop3A_677 = arith.addf %parallel_loop3A_672, %parallel_loop3A_676 : vector<16xf32>
        %parallel_loop3A_678 = arith.index_cast %parallel_loop3A_522 : i32 to index
        %parallel_loop3A_679 = arith.constant 48 : index
        %parallel_loop3A_680 = tpu.vector_load %arg20[%parallel_loop3A_678, %parallel_loop3A_679] {strides = array<i32>} : memref<40x128xf32, #tpu.memory_space<vmem>>, vector<1x16xf32>,
        %parallel_loop3A_681 = vector.shape_cast %parallel_loop3A_680 : vector<1x16xf32> to vector<16xf32>
        %parallel_loop3A_682 = vector.shape_cast %parallel_loop3A_677 : vector<16xf32> to vector<1x16xf32>
        tpu.vector_store %arg20[%parallel_loop3A_678, %parallel_loop3A_679], %parallel_loop3A_682 {strides = array<i32>} : memref<40x128xf32, #tpu.memory_space<vmem>>, vector<1x16xf32>,
        %parallel_loop3A_683 = arith.index_cast %parallel_loop3A_522 : i32 to index
        %parallel_loop3A_684 = arith.constant 64 : index
        %parallel_loop3A_685 = tpu.vector_load %arg16[%parallel_loop3A_683, %parallel_loop3A_684] {strides = array<i32>} : memref<80x128xi32, #tpu.memory_space<vmem>>, vector<1x16xi32>,
        %parallel_loop3A_686 = vector.shape_cast %parallel_loop3A_685 : vector<1x16xi32> to vector<16xi32>
        %parallel_loop3A_687 = arith.constant 40 : i32
        %parallel_loop3A_688 = arith.addi %parallel_loop3A_687, %parallel_loop3A_522 : i32
        %parallel_loop3A_689 = arith.index_cast %parallel_loop3A_688 : i32 to index
        %parallel_loop3A_690 = arith.constant 64 : index
        %parallel_loop3A_691 = tpu.vector_load %arg16[%parallel_loop3A_689, %parallel_loop3A_690] {strides = array<i32>} : memref<80x128xi32, #tpu.memory_space<vmem>>, vector<1x16xi32>,
        %parallel_loop3A_692 = vector.shape_cast %parallel_loop3A_691 : vector<1x16xi32> to vector<16xi32>
        %parallel_loop3A_693 = arith.constant 16 : i32
        %parallel_loop3A_694 = vector.broadcast %parallel_loop3A_693 : i32 to vector<16xi32>
        %parallel_loop3A_695 = arith.shli %parallel_loop3A_686, %parallel_loop3A_694 : vector<16xi32>
        %parallel_loop3A_696 = tpu.bitcast %parallel_loop3A_695 : vector<16xi32> -> vector<16xf32>
        %parallel_loop3A_697 = arith.constant -65536 : i32
        %parallel_loop3A_698 = vector.broadcast %parallel_loop3A_697 : i32 to vector<16xi32>
        %parallel_loop3A_699 = arith.andi %parallel_loop3A_686, %parallel_loop3A_698 : vector<16xi32>
        %parallel_loop3A_700 = tpu.bitcast %parallel_loop3A_699 : vector<16xi32> -> vector<16xf32>
        %parallel_loop3A_701 = arith.constant 16 : i32
        %parallel_loop3A_702 = vector.broadcast %parallel_loop3A_701 : i32 to vector<16xi32>
        %parallel_loop3A_703 = arith.shli %parallel_loop3A_692, %parallel_loop3A_702 : vector<16xi32>
        %parallel_loop3A_704 = tpu.bitcast %parallel_loop3A_703 : vector<16xi32> -> vector<16xf32>
        %parallel_loop3A_705 = arith.constant -65536 : i32
        %parallel_loop3A_706 = vector.broadcast %parallel_loop3A_705 : i32 to vector<16xi32>
        %parallel_loop3A_707 = arith.andi %parallel_loop3A_692, %parallel_loop3A_706 : vector<16xi32>
        %parallel_loop3A_708 = tpu.bitcast %parallel_loop3A_707 : vector<16xi32> -> vector<16xf32>
        %parallel_loop3A_709 = arith.addf %parallel_loop3A_696, %parallel_loop3A_708 : vector<16xf32>
        %parallel_loop3A_710 = arith.constant 0.000000e+00 : f32
        %parallel_loop3A_711 = vector.broadcast %parallel_loop3A_710 : f32 to vector<16xf32>
        %parallel_loop3A_712 = arith.maximumf %parallel_loop3A_709, %parallel_loop3A_711 : vector<16xf32>
        %parallel_loop3A_713 = arith.addf %parallel_loop3A_704, %parallel_loop3A_700 : vector<16xf32>
        %parallel_loop3A_714 = arith.constant 0.000000e+00 : f32
        %parallel_loop3A_715 = vector.broadcast %parallel_loop3A_714 : f32 to vector<16xf32>
        %parallel_loop3A_716 = arith.maximumf %parallel_loop3A_713, %parallel_loop3A_715 : vector<16xf32>
        %parallel_loop3A_717 = arith.addf %parallel_loop3A_712, %parallel_loop3A_716 : vector<16xf32>
        %parallel_loop3A_718 = arith.index_cast %parallel_loop3A_522 : i32 to index
        %parallel_loop3A_719 = arith.constant 64 : index
        %parallel_loop3A_720 = tpu.vector_load %arg20[%parallel_loop3A_718, %parallel_loop3A_719] {strides = array<i32>} : memref<40x128xf32, #tpu.memory_space<vmem>>, vector<1x16xf32>,
        %parallel_loop3A_721 = vector.shape_cast %parallel_loop3A_720 : vector<1x16xf32> to vector<16xf32>
        %parallel_loop3A_722 = vector.shape_cast %parallel_loop3A_717 : vector<16xf32> to vector<1x16xf32>
        tpu.vector_store %arg20[%parallel_loop3A_718, %parallel_loop3A_719], %parallel_loop3A_722 {strides = array<i32>} : memref<40x128xf32, #tpu.memory_space<vmem>>, vector<1x16xf32>,
        %parallel_loop3A_723 = arith.index_cast %parallel_loop3A_522 : i32 to index
        %parallel_loop3A_724 = arith.constant 80 : index
        %parallel_loop3A_725 = tpu.vector_load %arg16[%parallel_loop3A_723, %parallel_loop3A_724] {strides = array<i32>} : memref<80x128xi32, #tpu.memory_space<vmem>>, vector<1x16xi32>,
        %parallel_loop3A_726 = vector.shape_cast %parallel_loop3A_725 : vector<1x16xi32> to vector<16xi32>
        %parallel_loop3A_727 = arith.constant 40 : i32
        %parallel_loop3A_728 = arith.addi %parallel_loop3A_727, %parallel_loop3A_522 : i32
        %parallel_loop3A_729 = arith.index_cast %parallel_loop3A_728 : i32 to index
        %parallel_loop3A_730 = arith.constant 80 : index
        %parallel_loop3A_731 = tpu.vector_load %arg16[%parallel_loop3A_729, %parallel_loop3A_730] {strides = array<i32>} : memref<80x128xi32, #tpu.memory_space<vmem>>, vector<1x16xi32>,
        %parallel_loop3A_732 = vector.shape_cast %parallel_loop3A_731 : vector<1x16xi32> to vector<16xi32>
        %parallel_loop3A_733 = arith.constant 16 : i32
        %parallel_loop3A_734 = vector.broadcast %parallel_loop3A_733 : i32 to vector<16xi32>
        %parallel_loop3A_735 = arith.shli %parallel_loop3A_726, %parallel_loop3A_734 : vector<16xi32>
        %parallel_loop3A_736 = tpu.bitcast %parallel_loop3A_735 : vector<16xi32> -> vector<16xf32>
        %parallel_loop3A_737 = arith.constant -65536 : i32
        %parallel_loop3A_738 = vector.broadcast %parallel_loop3A_737 : i32 to vector<16xi32>
        %parallel_loop3A_739 = arith.andi %parallel_loop3A_726, %parallel_loop3A_738 : vector<16xi32>
        %parallel_loop3A_740 = tpu.bitcast %parallel_loop3A_739 : vector<16xi32> -> vector<16xf32>
        %parallel_loop3A_741 = arith.constant 16 : i32
        %parallel_loop3A_742 = vector.broadcast %parallel_loop3A_741 : i32 to vector<16xi32>
        %parallel_loop3A_743 = arith.shli %parallel_loop3A_732, %parallel_loop3A_742 : vector<16xi32>
        %parallel_loop3A_744 = tpu.bitcast %parallel_loop3A_743 : vector<16xi32> -> vector<16xf32>
        %parallel_loop3A_745 = arith.constant -65536 : i32
        %parallel_loop3A_746 = vector.broadcast %parallel_loop3A_745 : i32 to vector<16xi32>
        %parallel_loop3A_747 = arith.andi %parallel_loop3A_732, %parallel_loop3A_746 : vector<16xi32>
        %parallel_loop3A_748 = tpu.bitcast %parallel_loop3A_747 : vector<16xi32> -> vector<16xf32>
        %parallel_loop3A_749 = arith.addf %parallel_loop3A_736, %parallel_loop3A_748 : vector<16xf32>
        %parallel_loop3A_750 = arith.constant 0.000000e+00 : f32
        %parallel_loop3A_751 = vector.broadcast %parallel_loop3A_750 : f32 to vector<16xf32>
        %parallel_loop3A_752 = arith.maximumf %parallel_loop3A_749, %parallel_loop3A_751 : vector<16xf32>
        %parallel_loop3A_753 = arith.addf %parallel_loop3A_744, %parallel_loop3A_740 : vector<16xf32>
        %parallel_loop3A_754 = arith.constant 0.000000e+00 : f32
        %parallel_loop3A_755 = vector.broadcast %parallel_loop3A_754 : f32 to vector<16xf32>
        %parallel_loop3A_756 = arith.maximumf %parallel_loop3A_753, %parallel_loop3A_755 : vector<16xf32>
        %parallel_loop3A_757 = arith.addf %parallel_loop3A_752, %parallel_loop3A_756 : vector<16xf32>
        %parallel_loop3A_758 = arith.index_cast %parallel_loop3A_522 : i32 to index
        %parallel_loop3A_759 = arith.constant 80 : index
        %parallel_loop3A_760 = tpu.vector_load %arg20[%parallel_loop3A_758, %parallel_loop3A_759] {strides = array<i32>} : memref<40x128xf32, #tpu.memory_space<vmem>>, vector<1x16xf32>,
        %parallel_loop3A_761 = vector.shape_cast %parallel_loop3A_760 : vector<1x16xf32> to vector<16xf32>
        %parallel_loop3A_762 = vector.shape_cast %parallel_loop3A_757 : vector<16xf32> to vector<1x16xf32>
        tpu.vector_store %arg20[%parallel_loop3A_758, %parallel_loop3A_759], %parallel_loop3A_762 {strides = array<i32>} : memref<40x128xf32, #tpu.memory_space<vmem>>, vector<1x16xf32>,
        %parallel_loop3A_763 = arith.index_cast %parallel_loop3A_522 : i32 to index
        %parallel_loop3A_764 = arith.constant 96 : index
        %parallel_loop3A_765 = tpu.vector_load %arg16[%parallel_loop3A_763, %parallel_loop3A_764] {strides = array<i32>} : memref<80x128xi32, #tpu.memory_space<vmem>>, vector<1x16xi32>,
        %parallel_loop3A_766 = vector.shape_cast %parallel_loop3A_765 : vector<1x16xi32> to vector<16xi32>
        %parallel_loop3A_767 = arith.constant 40 : i32
        %parallel_loop3A_768 = arith.addi %parallel_loop3A_767, %parallel_loop3A_522 : i32
        %parallel_loop3A_769 = arith.index_cast %parallel_loop3A_768 : i32 to index
        %parallel_loop3A_770 = arith.constant 96 : index
        %parallel_loop3A_771 = tpu.vector_load %arg16[%parallel_loop3A_769, %parallel_loop3A_770] {strides = array<i32>} : memref<80x128xi32, #tpu.memory_space<vmem>>, vector<1x16xi32>,
        %parallel_loop3A_772 = vector.shape_cast %parallel_loop3A_771 : vector<1x16xi32> to vector<16xi32>
        %parallel_loop3A_773 = arith.constant 16 : i32
        %parallel_loop3A_774 = vector.broadcast %parallel_loop3A_773 : i32 to vector<16xi32>
        %parallel_loop3A_775 = arith.shli %parallel_loop3A_766, %parallel_loop3A_774 : vector<16xi32>
        %parallel_loop3A_776 = tpu.bitcast %parallel_loop3A_775 : vector<16xi32> -> vector<16xf32>
        %parallel_loop3A_777 = arith.constant -65536 : i32
        %parallel_loop3A_778 = vector.broadcast %parallel_loop3A_777 : i32 to vector<16xi32>
        %parallel_loop3A_779 = arith.andi %parallel_loop3A_766, %parallel_loop3A_778 : vector<16xi32>
        %parallel_loop3A_780 = tpu.bitcast %parallel_loop3A_779 : vector<16xi32> -> vector<16xf32>
        %parallel_loop3A_781 = arith.constant 16 : i32
        %parallel_loop3A_782 = vector.broadcast %parallel_loop3A_781 : i32 to vector<16xi32>
        %parallel_loop3A_783 = arith.shli %parallel_loop3A_772, %parallel_loop3A_782 : vector<16xi32>
        %parallel_loop3A_784 = tpu.bitcast %parallel_loop3A_783 : vector<16xi32> -> vector<16xf32>
        %parallel_loop3A_785 = arith.constant -65536 : i32
        %parallel_loop3A_786 = vector.broadcast %parallel_loop3A_785 : i32 to vector<16xi32>
        %parallel_loop3A_787 = arith.andi %parallel_loop3A_772, %parallel_loop3A_786 : vector<16xi32>
        %parallel_loop3A_788 = tpu.bitcast %parallel_loop3A_787 : vector<16xi32> -> vector<16xf32>
        %parallel_loop3A_789 = arith.addf %parallel_loop3A_776, %parallel_loop3A_788 : vector<16xf32>
        %parallel_loop3A_790 = arith.constant 0.000000e+00 : f32
        %parallel_loop3A_791 = vector.broadcast %parallel_loop3A_790 : f32 to vector<16xf32>
        %parallel_loop3A_792 = arith.maximumf %parallel_loop3A_789, %parallel_loop3A_791 : vector<16xf32>
        %parallel_loop3A_793 = arith.addf %parallel_loop3A_784, %parallel_loop3A_780 : vector<16xf32>
        %parallel_loop3A_794 = arith.constant 0.000000e+00 : f32
        %parallel_loop3A_795 = vector.broadcast %parallel_loop3A_794 : f32 to vector<16xf32>
        %parallel_loop3A_796 = arith.maximumf %parallel_loop3A_793, %parallel_loop3A_795 : vector<16xf32>
        %parallel_loop3A_797 = arith.addf %parallel_loop3A_792, %parallel_loop3A_796 : vector<16xf32>
        %parallel_loop3A_798 = arith.index_cast %parallel_loop3A_522 : i32 to index
        %parallel_loop3A_799 = arith.constant 96 : index
        %parallel_loop3A_800 = tpu.vector_load %arg20[%parallel_loop3A_798, %parallel_loop3A_799] {strides = array<i32>} : memref<40x128xf32, #tpu.memory_space<vmem>>, vector<1x16xf32>,
        %parallel_loop3A_801 = vector.shape_cast %parallel_loop3A_800 : vector<1x16xf32> to vector<16xf32>
        %parallel_loop3A_802 = vector.shape_cast %parallel_loop3A_797 : vector<16xf32> to vector<1x16xf32>
        tpu.vector_store %arg20[%parallel_loop3A_798, %parallel_loop3A_799], %parallel_loop3A_802 {strides = array<i32>} : memref<40x128xf32, #tpu.memory_space<vmem>>, vector<1x16xf32>,
        %parallel_loop3A_803 = arith.index_cast %parallel_loop3A_522 : i32 to index
        %parallel_loop3A_804 = arith.constant 112 : index
        %parallel_loop3A_805 = tpu.vector_load %arg16[%parallel_loop3A_803, %parallel_loop3A_804] {strides = array<i32>} : memref<80x128xi32, #tpu.memory_space<vmem>>, vector<1x16xi32>,
        %parallel_loop3A_806 = vector.shape_cast %parallel_loop3A_805 : vector<1x16xi32> to vector<16xi32>
        %parallel_loop3A_807 = arith.constant 40 : i32
        %parallel_loop3A_808 = arith.addi %parallel_loop3A_807, %parallel_loop3A_522 : i32
        %parallel_loop3A_809 = arith.index_cast %parallel_loop3A_808 : i32 to index
        %parallel_loop3A_810 = arith.constant 112 : index
        %parallel_loop3A_811 = tpu.vector_load %arg16[%parallel_loop3A_809, %parallel_loop3A_810] {strides = array<i32>} : memref<80x128xi32, #tpu.memory_space<vmem>>, vector<1x16xi32>,
        %parallel_loop3A_812 = vector.shape_cast %parallel_loop3A_811 : vector<1x16xi32> to vector<16xi32>
        %parallel_loop3A_813 = arith.constant 16 : i32
        %parallel_loop3A_814 = vector.broadcast %parallel_loop3A_813 : i32 to vector<16xi32>
        %parallel_loop3A_815 = arith.shli %parallel_loop3A_806, %parallel_loop3A_814 : vector<16xi32>
        %parallel_loop3A_816 = tpu.bitcast %parallel_loop3A_815 : vector<16xi32> -> vector<16xf32>
        %parallel_loop3A_817 = arith.constant -65536 : i32
        %parallel_loop3A_818 = vector.broadcast %parallel_loop3A_817 : i32 to vector<16xi32>
        %parallel_loop3A_819 = arith.andi %parallel_loop3A_806, %parallel_loop3A_818 : vector<16xi32>
        %parallel_loop3A_820 = tpu.bitcast %parallel_loop3A_819 : vector<16xi32> -> vector<16xf32>
        %parallel_loop3A_821 = arith.constant 16 : i32
        %parallel_loop3A_822 = vector.broadcast %parallel_loop3A_821 : i32 to vector<16xi32>
        %parallel_loop3A_823 = arith.shli %parallel_loop3A_812, %parallel_loop3A_822 : vector<16xi32>
        %parallel_loop3A_824 = tpu.bitcast %parallel_loop3A_823 : vector<16xi32> -> vector<16xf32>
        %parallel_loop3A_825 = arith.constant -65536 : i32
        %parallel_loop3A_826 = vector.broadcast %parallel_loop3A_825 : i32 to vector<16xi32>
        %parallel_loop3A_827 = arith.andi %parallel_loop3A_812, %parallel_loop3A_826 : vector<16xi32>
        %parallel_loop3A_828 = tpu.bitcast %parallel_loop3A_827 : vector<16xi32> -> vector<16xf32>
        %parallel_loop3A_829 = arith.addf %parallel_loop3A_816, %parallel_loop3A_828 : vector<16xf32>
        %parallel_loop3A_830 = arith.constant 0.000000e+00 : f32
        %parallel_loop3A_831 = vector.broadcast %parallel_loop3A_830 : f32 to vector<16xf32>
        %parallel_loop3A_832 = arith.maximumf %parallel_loop3A_829, %parallel_loop3A_831 : vector<16xf32>
        %parallel_loop3A_833 = arith.addf %parallel_loop3A_824, %parallel_loop3A_820 : vector<16xf32>
        %parallel_loop3A_834 = arith.constant 0.000000e+00 : f32
        %parallel_loop3A_835 = vector.broadcast %parallel_loop3A_834 : f32 to vector<16xf32>
        %parallel_loop3A_836 = arith.maximumf %parallel_loop3A_833, %parallel_loop3A_835 : vector<16xf32>
        %parallel_loop3A_837 = arith.addf %parallel_loop3A_832, %parallel_loop3A_836 : vector<16xf32>
        %parallel_loop3A_838 = arith.index_cast %parallel_loop3A_522 : i32 to index
        %parallel_loop3A_839 = arith.constant 112 : index
        %parallel_loop3A_840 = tpu.vector_load %arg20[%parallel_loop3A_838, %parallel_loop3A_839] {strides = array<i32>} : memref<40x128xf32, #tpu.memory_space<vmem>>, vector<1x16xf32>,
        %parallel_loop3A_841 = vector.shape_cast %parallel_loop3A_840 : vector<1x16xf32> to vector<16xf32>
        %parallel_loop3A_842 = vector.shape_cast %parallel_loop3A_837 : vector<16xf32> to vector<1x16xf32>
        tpu.vector_store %arg20[%parallel_loop3A_838, %parallel_loop3A_839], %parallel_loop3A_842 {strides = array<i32>} : memref<40x128xf32, #tpu.memory_space<vmem>>, vector<1x16xf32>,
      } {sc.loop_unroll_factor = 1 : i64, sc.parallel_access}
      %mul3A_226 = arith.constant 40 : i32
      %mul3A_227 = arith.muli %add3A_203, %mul3A_226 : i32
      %add3A_228 = arith.addi %mul3A_2, %mul3A_227 : i32
      %dma_start3A_229 = arith.constant 0 : i32
      %dma_start3A_230 = tpu.memref_slice %arg4[%add3A_228, %dma_start3A_229] : memref<320000x128xf32, #tpu.memory_space<hbm>> -> memref<40x128xf32, #tpu.memory_space<hbm>>
      %dma_start3A_231 = arith.constant 0 : i32
      %dma_start3A_232 = tpu.memref_slice %arg4[%add3A_228, %dma_start3A_231] : memref<320000x128xf32, #tpu.memory_space<hbm>> -> memref<40x128xf32, #tpu.memory_space<hbm>>
      tpu.enqueue_dma source(%arg20 : memref<40x128xf32, #tpu.memory_space<vmem>>) target(%dma_start3A_232 : memref<40x128xf32, #tpu.memory_space<hbm>>) target_semaphore(%arg37 : memref<!tpu.dma_semaphore, #tpu.memory_space<semaphore_mem>>)
      %add3A_233 = arith.constant 2 : i32
      %add3A_234 = arith.addi %mul3A_124, %add3A_233 : i32
      %add3A_235 = arith.constant 2 : i32
      %add3A_236 = arith.addi %add3A_234, %add3A_235 : i32
      %lt3A_237 = arith.constant 250 : i32
      %lt3A_238 = arith.cmpi slt, %add3A_236, %lt3A_237 : i32
      %convert_element_type3A_239 = arith.extui %lt3A_238 : i1 to i32
      %cond3A_240 = arith.constant 0 : i32
      %cond3A_241 = arith.cmpi ne, %convert_element_type3A_239, %cond3A_240 : i32
      scf.if %cond3A_241 {
        %dma_wait3A_522 = arith.constant 0 : i32
        %dma_wait3A_523 = arith.constant 0 : i32
        %dma_wait3A_524 = tpu.memref_slice %arg3[%add3A, %dma_wait3A_522, %dma_wait3A_523] : memref<32x250x80xi32, #tpu.memory_space<hbm>> -> memref<1x1x80xi32, #tpu.memory_space<hbm>>
        %dma_wait3A_525 = tpu.memref_squeeze %dma_wait3A_524 : memref<1x1x80xi32, #tpu.memory_space<hbm>> -> memref<80xi32, #tpu.memory_space<hbm>>
        %dma_wait3A_526 = arith.constant 0 : i32
        %dma_wait3A_527 = tpu.memref_slice %arg3[%add3A, %dma_wait3A_522, %dma_wait3A_526] : memref<32x250x80xi32, #tpu.memory_space<hbm>> -> memref<1x1x80xi32, #tpu.memory_space<hbm>>
        %dma_wait3A_528 = tpu.memref_squeeze %dma_wait3A_527 : memref<1x1x80xi32, #tpu.memory_space<hbm>> -> memref<80xi32, #tpu.memory_space<hbm>>
        tpu.wait_dma2 semaphore(%arg27 : memref<!tpu.dma_semaphore, #tpu.memory_space<semaphore_mem>>) src(%dma_wait3A_528 : memref<80xi32, #tpu.memory_space<hbm>>) dst(%arg10 : memref<80xi32, #tpu.memory_space<vmem>>)
        %dma_start3A_529 = arith.constant 0 : i32
        %dma_start3A_530 = arith.constant 0 : i32
        %dma_start3A_531 = tpu.memref_slice %arg5[%dma_start3A_529, %dma_start3A_530] : memref<10000x128xi32, #tpu.memory_space<vmem_shared>> -> memref<10000x128xi32, #tpu.memory_space<vmem_shared>>
        tpu.enqueue_indirect_dma source(%dma_start3A_531 : memref<10000x128xi32, #tpu.memory_space<vmem_shared>>) target(%arg16 : memref<80x128xi32, #tpu.memory_space<vmem>>) offsets(%arg10 : memref<80xi32, #tpu.memory_space<vmem>>) semaphore(%arg33 : memref<!tpu.dma_semaphore, #tpu.memory_space<semaphore_mem>>)
      } else {
      }
      %add3A_242 = arith.constant 3 : i32
      %add3A_243 = arith.addi %mul3A_124, %add3A_242 : i32
      %dma_wait3A_244 = arith.constant 0 : i32
      %dma_wait3A_245 = arith.constant 0 : i32
      %dma_wait3A_246 = tpu.memref_slice %arg5[%dma_wait3A_244, %dma_wait3A_245] : memref<10000x128xi32, #tpu.memory_space<vmem_shared>> -> memref<10000x128xi32, #tpu.memory_space<vmem_shared>>
      tpu.wait_indirect_dma semaphore(%arg34 : memref<!tpu.dma_semaphore, #tpu.memory_space<semaphore_mem>>) src(%dma_wait3A_246 : memref<10000x128xi32, #tpu.memory_space<vmem_shared>>) dst(%arg17 : memref<80x128xi32, #tpu.memory_space<vmem>>)
      %add3A_247 = arith.constant 3 : i32
      %add3A_248 = arith.addi %mul3A_124, %add3A_247 : i32
      %add3A_249 = arith.constant 10 : i32
      %add3A_250 = arith.addi %add3A_248, %add3A_249 : i32
      %lt3A_251 = arith.constant 250 : i32
      %lt3A_252 = arith.cmpi slt, %add3A_250, %lt3A_251 : i32
      %convert_element_type3A_253 = arith.extui %lt3A_252 : i1 to i32
      %cond3A_254 = arith.constant 0 : i32
      %cond3A_255 = arith.cmpi ne, %convert_element_type3A_253, %cond3A_254 : i32
      scf.if %cond3A_255 {
        %add3A_522 = arith.constant 10 : i32
        %add3A_523 = arith.addi %add3A_243, %add3A_522 : i32
        %dma_start3A_524 = arith.constant 0 : i32
        %dma_start3A_525 = tpu.memref_slice %arg3[%add3A, %add3A_523, %dma_start3A_524] : memref<32x250x80xi32, #tpu.memory_space<hbm>> -> memref<1x1x80xi32, #tpu.memory_space<hbm>>
        %dma_start3A_526 = tpu.memref_squeeze %dma_start3A_525 : memref<1x1x80xi32, #tpu.memory_space<hbm>> -> memref<80xi32, #tpu.memory_space<hbm>>
        %dma_start3A_527 = arith.constant 0 : i32
        %dma_start3A_528 = tpu.memref_slice %arg3[%add3A, %add3A_523, %dma_start3A_527] : memref<32x250x80xi32, #tpu.memory_space<hbm>> -> memref<1x1x80xi32, #tpu.memory_space<hbm>>
        %dma_start3A_529 = tpu.memref_squeeze %dma_start3A_528 : memref<1x1x80xi32, #tpu.memory_space<hbm>> -> memref<80xi32, #tpu.memory_space<hbm>>
        tpu.enqueue_dma source(%dma_start3A_529 : memref<80xi32, #tpu.memory_space<hbm>>) target(%arg9 : memref<80xi32, #tpu.memory_space<vmem>>) target_semaphore(%arg26 : memref<!tpu.dma_semaphore, #tpu.memory_space<semaphore_mem>>)
      } else {
      }
      %add3A_256 = arith.constant 3 : i32
      %add3A_257 = arith.addi %mul3A_124, %add3A_256 : i32
      %ge3A_258 = arith.constant 5 : i32
      %ge3A_259 = arith.cmpi sge, %add3A_257, %ge3A_258 : i32
      %convert_element_type3A_260 = arith.extui %ge3A_259 : i1 to i32
      %cond3A_261 = arith.constant 0 : i32
      %cond3A_262 = arith.cmpi ne, %convert_element_type3A_260, %cond3A_261 : i32
      scf.if %cond3A_262 {
        %dma_wait3A_522 = arith.constant 0 : i32
        %dma_wait3A_523 = tpu.memref_slice %arg4[%mul3A_2, %dma_wait3A_522] : memref<320000x128xf32, #tpu.memory_space<hbm>> -> memref<40x128xf32, #tpu.memory_space<hbm>>
        %dma_wait3A_524 = arith.constant 0 : i32
        %dma_wait3A_525 = tpu.memref_slice %arg4[%mul3A_2, %dma_wait3A_524] : memref<320000x128xf32, #tpu.memory_space<hbm>> -> memref<40x128xf32, #tpu.memory_space<hbm>>
        tpu.wait_dma2 semaphore(%arg38 : memref<!tpu.dma_semaphore, #tpu.memory_space<semaphore_mem>>) src(%arg21 : memref<40x128xf32, #tpu.memory_space<vmem>>) dst(%dma_wait3A_525 : memref<40x128xf32, #tpu.memory_space<hbm>>)
      } else {
      }
      %parallel_loop3A_263 = arith.constant 0 : i32
      %parallel_loop3A_264 = arith.constant 40 : i32
      %parallel_loop3A_265 = arith.constant 1 : i32
      scf.for %parallel_loop3A_522 = %parallel_loop3A_263 to %parallel_loop3A_264 step %parallel_loop3A_265  : i32 {
        %parallel_loop3A_523 = arith.index_cast %parallel_loop3A_522 : i32 to index
        %parallel_loop3A_524 = arith.constant 0 : index
        %parallel_loop3A_525 = tpu.vector_load %arg17[%parallel_loop3A_523, %parallel_loop3A_524] {strides = array<i32>} : memref<80x128xi32, #tpu.memory_space<vmem>>, vector<1x16xi32>,
        %parallel_loop3A_526 = vector.shape_cast %parallel_loop3A_525 : vector<1x16xi32> to vector<16xi32>
        %parallel_loop3A_527 = arith.constant 40 : i32
        %parallel_loop3A_528 = arith.addi %parallel_loop3A_527, %parallel_loop3A_522 : i32
        %parallel_loop3A_529 = arith.index_cast %parallel_loop3A_528 : i32 to index
        %parallel_loop3A_530 = arith.constant 0 : index
        %parallel_loop3A_531 = tpu.vector_load %arg17[%parallel_loop3A_529, %parallel_loop3A_530] {strides = array<i32>} : memref<80x128xi32, #tpu.memory_space<vmem>>, vector<1x16xi32>,
        %parallel_loop3A_532 = vector.shape_cast %parallel_loop3A_531 : vector<1x16xi32> to vector<16xi32>
        %parallel_loop3A_533 = arith.constant 16 : i32
        %parallel_loop3A_534 = vector.broadcast %parallel_loop3A_533 : i32 to vector<16xi32>
        %parallel_loop3A_535 = arith.shli %parallel_loop3A_526, %parallel_loop3A_534 : vector<16xi32>
        %parallel_loop3A_536 = tpu.bitcast %parallel_loop3A_535 : vector<16xi32> -> vector<16xf32>
        %parallel_loop3A_537 = arith.constant -65536 : i32
        %parallel_loop3A_538 = vector.broadcast %parallel_loop3A_537 : i32 to vector<16xi32>
        %parallel_loop3A_539 = arith.andi %parallel_loop3A_526, %parallel_loop3A_538 : vector<16xi32>
        %parallel_loop3A_540 = tpu.bitcast %parallel_loop3A_539 : vector<16xi32> -> vector<16xf32>
        %parallel_loop3A_541 = arith.constant 16 : i32
        %parallel_loop3A_542 = vector.broadcast %parallel_loop3A_541 : i32 to vector<16xi32>
        %parallel_loop3A_543 = arith.shli %parallel_loop3A_532, %parallel_loop3A_542 : vector<16xi32>
        %parallel_loop3A_544 = tpu.bitcast %parallel_loop3A_543 : vector<16xi32> -> vector<16xf32>
        %parallel_loop3A_545 = arith.constant -65536 : i32
        %parallel_loop3A_546 = vector.broadcast %parallel_loop3A_545 : i32 to vector<16xi32>
        %parallel_loop3A_547 = arith.andi %parallel_loop3A_532, %parallel_loop3A_546 : vector<16xi32>
        %parallel_loop3A_548 = tpu.bitcast %parallel_loop3A_547 : vector<16xi32> -> vector<16xf32>
        %parallel_loop3A_549 = arith.addf %parallel_loop3A_536, %parallel_loop3A_548 : vector<16xf32>
        %parallel_loop3A_550 = arith.constant 0.000000e+00 : f32
        %parallel_loop3A_551 = vector.broadcast %parallel_loop3A_550 : f32 to vector<16xf32>
        %parallel_loop3A_552 = arith.maximumf %parallel_loop3A_549, %parallel_loop3A_551 : vector<16xf32>
        %parallel_loop3A_553 = arith.addf %parallel_loop3A_544, %parallel_loop3A_540 : vector<16xf32>
        %parallel_loop3A_554 = arith.constant 0.000000e+00 : f32
        %parallel_loop3A_555 = vector.broadcast %parallel_loop3A_554 : f32 to vector<16xf32>
        %parallel_loop3A_556 = arith.maximumf %parallel_loop3A_553, %parallel_loop3A_555 : vector<16xf32>
        %parallel_loop3A_557 = arith.addf %parallel_loop3A_552, %parallel_loop3A_556 : vector<16xf32>
        %parallel_loop3A_558 = arith.index_cast %parallel_loop3A_522 : i32 to index
        %parallel_loop3A_559 = arith.constant 0 : index
        %parallel_loop3A_560 = tpu.vector_load %arg21[%parallel_loop3A_558, %parallel_loop3A_559] {strides = array<i32>} : memref<40x128xf32, #tpu.memory_space<vmem>>, vector<1x16xf32>,
        %parallel_loop3A_561 = vector.shape_cast %parallel_loop3A_560 : vector<1x16xf32> to vector<16xf32>
        %parallel_loop3A_562 = vector.shape_cast %parallel_loop3A_557 : vector<16xf32> to vector<1x16xf32>
        tpu.vector_store %arg21[%parallel_loop3A_558, %parallel_loop3A_559], %parallel_loop3A_562 {strides = array<i32>} : memref<40x128xf32, #tpu.memory_space<vmem>>, vector<1x16xf32>,
        %parallel_loop3A_563 = arith.index_cast %parallel_loop3A_522 : i32 to index
        %parallel_loop3A_564 = arith.constant 16 : index
        %parallel_loop3A_565 = tpu.vector_load %arg17[%parallel_loop3A_563, %parallel_loop3A_564] {strides = array<i32>} : memref<80x128xi32, #tpu.memory_space<vmem>>, vector<1x16xi32>,
        %parallel_loop3A_566 = vector.shape_cast %parallel_loop3A_565 : vector<1x16xi32> to vector<16xi32>
        %parallel_loop3A_567 = arith.constant 40 : i32
        %parallel_loop3A_568 = arith.addi %parallel_loop3A_567, %parallel_loop3A_522 : i32
        %parallel_loop3A_569 = arith.index_cast %parallel_loop3A_568 : i32 to index
        %parallel_loop3A_570 = arith.constant 16 : index
        %parallel_loop3A_571 = tpu.vector_load %arg17[%parallel_loop3A_569, %parallel_loop3A_570] {strides = array<i32>} : memref<80x128xi32, #tpu.memory_space<vmem>>, vector<1x16xi32>,
        %parallel_loop3A_572 = vector.shape_cast %parallel_loop3A_571 : vector<1x16xi32> to vector<16xi32>
        %parallel_loop3A_573 = arith.constant 16 : i32
        %parallel_loop3A_574 = vector.broadcast %parallel_loop3A_573 : i32 to vector<16xi32>
        %parallel_loop3A_575 = arith.shli %parallel_loop3A_566, %parallel_loop3A_574 : vector<16xi32>
        %parallel_loop3A_576 = tpu.bitcast %parallel_loop3A_575 : vector<16xi32> -> vector<16xf32>
        %parallel_loop3A_577 = arith.constant -65536 : i32
        %parallel_loop3A_578 = vector.broadcast %parallel_loop3A_577 : i32 to vector<16xi32>
        %parallel_loop3A_579 = arith.andi %parallel_loop3A_566, %parallel_loop3A_578 : vector<16xi32>
        %parallel_loop3A_580 = tpu.bitcast %parallel_loop3A_579 : vector<16xi32> -> vector<16xf32>
        %parallel_loop3A_581 = arith.constant 16 : i32
        %parallel_loop3A_582 = vector.broadcast %parallel_loop3A_581 : i32 to vector<16xi32>
        %parallel_loop3A_583 = arith.shli %parallel_loop3A_572, %parallel_loop3A_582 : vector<16xi32>
        %parallel_loop3A_584 = tpu.bitcast %parallel_loop3A_583 : vector<16xi32> -> vector<16xf32>
        %parallel_loop3A_585 = arith.constant -65536 : i32
        %parallel_loop3A_586 = vector.broadcast %parallel_loop3A_585 : i32 to vector<16xi32>
        %parallel_loop3A_587 = arith.andi %parallel_loop3A_572, %parallel_loop3A_586 : vector<16xi32>
        %parallel_loop3A_588 = tpu.bitcast %parallel_loop3A_587 : vector<16xi32> -> vector<16xf32>
        %parallel_loop3A_589 = arith.addf %parallel_loop3A_576, %parallel_loop3A_588 : vector<16xf32>
        %parallel_loop3A_590 = arith.constant 0.000000e+00 : f32
        %parallel_loop3A_591 = vector.broadcast %parallel_loop3A_590 : f32 to vector<16xf32>
        %parallel_loop3A_592 = arith.maximumf %parallel_loop3A_589, %parallel_loop3A_591 : vector<16xf32>
        %parallel_loop3A_593 = arith.addf %parallel_loop3A_584, %parallel_loop3A_580 : vector<16xf32>
        %parallel_loop3A_594 = arith.constant 0.000000e+00 : f32
        %parallel_loop3A_595 = vector.broadcast %parallel_loop3A_594 : f32 to vector<16xf32>
        %parallel_loop3A_596 = arith.maximumf %parallel_loop3A_593, %parallel_loop3A_595 : vector<16xf32>
        %parallel_loop3A_597 = arith.addf %parallel_loop3A_592, %parallel_loop3A_596 : vector<16xf32>
        %parallel_loop3A_598 = arith.index_cast %parallel_loop3A_522 : i32 to index
        %parallel_loop3A_599 = arith.constant 16 : index
        %parallel_loop3A_600 = tpu.vector_load %arg21[%parallel_loop3A_598, %parallel_loop3A_599] {strides = array<i32>} : memref<40x128xf32, #tpu.memory_space<vmem>>, vector<1x16xf32>,
        %parallel_loop3A_601 = vector.shape_cast %parallel_loop3A_600 : vector<1x16xf32> to vector<16xf32>
        %parallel_loop3A_602 = vector.shape_cast %parallel_loop3A_597 : vector<16xf32> to vector<1x16xf32>
        tpu.vector_store %arg21[%parallel_loop3A_598, %parallel_loop3A_599], %parallel_loop3A_602 {strides = array<i32>} : memref<40x128xf32, #tpu.memory_space<vmem>>, vector<1x16xf32>,
        %parallel_loop3A_603 = arith.index_cast %parallel_loop3A_522 : i32 to index
        %parallel_loop3A_604 = arith.constant 32 : index
        %parallel_loop3A_605 = tpu.vector_load %arg17[%parallel_loop3A_603, %parallel_loop3A_604] {strides = array<i32>} : memref<80x128xi32, #tpu.memory_space<vmem>>, vector<1x16xi32>,
        %parallel_loop3A_606 = vector.shape_cast %parallel_loop3A_605 : vector<1x16xi32> to vector<16xi32>
        %parallel_loop3A_607 = arith.constant 40 : i32
        %parallel_loop3A_608 = arith.addi %parallel_loop3A_607, %parallel_loop3A_522 : i32
        %parallel_loop3A_609 = arith.index_cast %parallel_loop3A_608 : i32 to index
        %parallel_loop3A_610 = arith.constant 32 : index
        %parallel_loop3A_611 = tpu.vector_load %arg17[%parallel_loop3A_609, %parallel_loop3A_610] {strides = array<i32>} : memref<80x128xi32, #tpu.memory_space<vmem>>, vector<1x16xi32>,
        %parallel_loop3A_612 = vector.shape_cast %parallel_loop3A_611 : vector<1x16xi32> to vector<16xi32>
        %parallel_loop3A_613 = arith.constant 16 : i32
        %parallel_loop3A_614 = vector.broadcast %parallel_loop3A_613 : i32 to vector<16xi32>
        %parallel_loop3A_615 = arith.shli %parallel_loop3A_606, %parallel_loop3A_614 : vector<16xi32>
        %parallel_loop3A_616 = tpu.bitcast %parallel_loop3A_615 : vector<16xi32> -> vector<16xf32>
        %parallel_loop3A_617 = arith.constant -65536 : i32
        %parallel_loop3A_618 = vector.broadcast %parallel_loop3A_617 : i32 to vector<16xi32>
        %parallel_loop3A_619 = arith.andi %parallel_loop3A_606, %parallel_loop3A_618 : vector<16xi32>
        %parallel_loop3A_620 = tpu.bitcast %parallel_loop3A_619 : vector<16xi32> -> vector<16xf32>
        %parallel_loop3A_621 = arith.constant 16 : i32
        %parallel_loop3A_622 = vector.broadcast %parallel_loop3A_621 : i32 to vector<16xi32>
        %parallel_loop3A_623 = arith.shli %parallel_loop3A_612, %parallel_loop3A_622 : vector<16xi32>
        %parallel_loop3A_624 = tpu.bitcast %parallel_loop3A_623 : vector<16xi32> -> vector<16xf32>
        %parallel_loop3A_625 = arith.constant -65536 : i32
        %parallel_loop3A_626 = vector.broadcast %parallel_loop3A_625 : i32 to vector<16xi32>
        %parallel_loop3A_627 = arith.andi %parallel_loop3A_612, %parallel_loop3A_626 : vector<16xi32>
        %parallel_loop3A_628 = tpu.bitcast %parallel_loop3A_627 : vector<16xi32> -> vector<16xf32>
        %parallel_loop3A_629 = arith.addf %parallel_loop3A_616, %parallel_loop3A_628 : vector<16xf32>
        %parallel_loop3A_630 = arith.constant 0.000000e+00 : f32
        %parallel_loop3A_631 = vector.broadcast %parallel_loop3A_630 : f32 to vector<16xf32>
        %parallel_loop3A_632 = arith.maximumf %parallel_loop3A_629, %parallel_loop3A_631 : vector<16xf32>
        %parallel_loop3A_633 = arith.addf %parallel_loop3A_624, %parallel_loop3A_620 : vector<16xf32>
        %parallel_loop3A_634 = arith.constant 0.000000e+00 : f32
        %parallel_loop3A_635 = vector.broadcast %parallel_loop3A_634 : f32 to vector<16xf32>
        %parallel_loop3A_636 = arith.maximumf %parallel_loop3A_633, %parallel_loop3A_635 : vector<16xf32>
        %parallel_loop3A_637 = arith.addf %parallel_loop3A_632, %parallel_loop3A_636 : vector<16xf32>
        %parallel_loop3A_638 = arith.index_cast %parallel_loop3A_522 : i32 to index
        %parallel_loop3A_639 = arith.constant 32 : index
        %parallel_loop3A_640 = tpu.vector_load %arg21[%parallel_loop3A_638, %parallel_loop3A_639] {strides = array<i32>} : memref<40x128xf32, #tpu.memory_space<vmem>>, vector<1x16xf32>,
        %parallel_loop3A_641 = vector.shape_cast %parallel_loop3A_640 : vector<1x16xf32> to vector<16xf32>
        %parallel_loop3A_642 = vector.shape_cast %parallel_loop3A_637 : vector<16xf32> to vector<1x16xf32>
        tpu.vector_store %arg21[%parallel_loop3A_638, %parallel_loop3A_639], %parallel_loop3A_642 {strides = array<i32>} : memref<40x128xf32, #tpu.memory_space<vmem>>, vector<1x16xf32>,
        %parallel_loop3A_643 = arith.index_cast %parallel_loop3A_522 : i32 to index
        %parallel_loop3A_644 = arith.constant 48 : index
        %parallel_loop3A_645 = tpu.vector_load %arg17[%parallel_loop3A_643, %parallel_loop3A_644] {strides = array<i32>} : memref<80x128xi32, #tpu.memory_space<vmem>>, vector<1x16xi32>,
        %parallel_loop3A_646 = vector.shape_cast %parallel_loop3A_645 : vector<1x16xi32> to vector<16xi32>
        %parallel_loop3A_647 = arith.constant 40 : i32
        %parallel_loop3A_648 = arith.addi %parallel_loop3A_647, %parallel_loop3A_522 : i32
        %parallel_loop3A_649 = arith.index_cast %parallel_loop3A_648 : i32 to index
        %parallel_loop3A_650 = arith.constant 48 : index
        %parallel_loop3A_651 = tpu.vector_load %arg17[%parallel_loop3A_649, %parallel_loop3A_650] {strides = array<i32>} : memref<80x128xi32, #tpu.memory_space<vmem>>, vector<1x16xi32>,
        %parallel_loop3A_652 = vector.shape_cast %parallel_loop3A_651 : vector<1x16xi32> to vector<16xi32>
        %parallel_loop3A_653 = arith.constant 16 : i32
        %parallel_loop3A_654 = vector.broadcast %parallel_loop3A_653 : i32 to vector<16xi32>
        %parallel_loop3A_655 = arith.shli %parallel_loop3A_646, %parallel_loop3A_654 : vector<16xi32>
        %parallel_loop3A_656 = tpu.bitcast %parallel_loop3A_655 : vector<16xi32> -> vector<16xf32>
        %parallel_loop3A_657 = arith.constant -65536 : i32
        %parallel_loop3A_658 = vector.broadcast %parallel_loop3A_657 : i32 to vector<16xi32>
        %parallel_loop3A_659 = arith.andi %parallel_loop3A_646, %parallel_loop3A_658 : vector<16xi32>
        %parallel_loop3A_660 = tpu.bitcast %parallel_loop3A_659 : vector<16xi32> -> vector<16xf32>
        %parallel_loop3A_661 = arith.constant 16 : i32
        %parallel_loop3A_662 = vector.broadcast %parallel_loop3A_661 : i32 to vector<16xi32>
        %parallel_loop3A_663 = arith.shli %parallel_loop3A_652, %parallel_loop3A_662 : vector<16xi32>
        %parallel_loop3A_664 = tpu.bitcast %parallel_loop3A_663 : vector<16xi32> -> vector<16xf32>
        %parallel_loop3A_665 = arith.constant -65536 : i32
        %parallel_loop3A_666 = vector.broadcast %parallel_loop3A_665 : i32 to vector<16xi32>
        %parallel_loop3A_667 = arith.andi %parallel_loop3A_652, %parallel_loop3A_666 : vector<16xi32>
        %parallel_loop3A_668 = tpu.bitcast %parallel_loop3A_667 : vector<16xi32> -> vector<16xf32>
        %parallel_loop3A_669 = arith.addf %parallel_loop3A_656, %parallel_loop3A_668 : vector<16xf32>
        %parallel_loop3A_670 = arith.constant 0.000000e+00 : f32
        %parallel_loop3A_671 = vector.broadcast %parallel_loop3A_670 : f32 to vector<16xf32>
        %parallel_loop3A_672 = arith.maximumf %parallel_loop3A_669, %parallel_loop3A_671 : vector<16xf32>
        %parallel_loop3A_673 = arith.addf %parallel_loop3A_664, %parallel_loop3A_660 : vector<16xf32>
        %parallel_loop3A_674 = arith.constant 0.000000e+00 : f32
        %parallel_loop3A_675 = vector.broadcast %parallel_loop3A_674 : f32 to vector<16xf32>
        %parallel_loop3A_676 = arith.maximumf %parallel_loop3A_673, %parallel_loop3A_675 : vector<16xf32>
        %parallel_loop3A_677 = arith.addf %parallel_loop3A_672, %parallel_loop3A_676 : vector<16xf32>
        %parallel_loop3A_678 = arith.index_cast %parallel_loop3A_522 : i32 to index
        %parallel_loop3A_679 = arith.constant 48 : index
        %parallel_loop3A_680 = tpu.vector_load %arg21[%parallel_loop3A_678, %parallel_loop3A_679] {strides = array<i32>} : memref<40x128xf32, #tpu.memory_space<vmem>>, vector<1x16xf32>,
        %parallel_loop3A_681 = vector.shape_cast %parallel_loop3A_680 : vector<1x16xf32> to vector<16xf32>
        %parallel_loop3A_682 = vector.shape_cast %parallel_loop3A_677 : vector<16xf32> to vector<1x16xf32>
        tpu.vector_store %arg21[%parallel_loop3A_678, %parallel_loop3A_679], %parallel_loop3A_682 {strides = array<i32>} : memref<40x128xf32, #tpu.memory_space<vmem>>, vector<1x16xf32>,
        %parallel_loop3A_683 = arith.index_cast %parallel_loop3A_522 : i32 to index
        %parallel_loop3A_684 = arith.constant 64 : index
        %parallel_loop3A_685 = tpu.vector_load %arg17[%parallel_loop3A_683, %parallel_loop3A_684] {strides = array<i32>} : memref<80x128xi32, #tpu.memory_space<vmem>>, vector<1x16xi32>,
        %parallel_loop3A_686 = vector.shape_cast %parallel_loop3A_685 : vector<1x16xi32> to vector<16xi32>
        %parallel_loop3A_687 = arith.constant 40 : i32
        %parallel_loop3A_688 = arith.addi %parallel_loop3A_687, %parallel_loop3A_522 : i32
        %parallel_loop3A_689 = arith.index_cast %parallel_loop3A_688 : i32 to index
        %parallel_loop3A_690 = arith.constant 64 : index
        %parallel_loop3A_691 = tpu.vector_load %arg17[%parallel_loop3A_689, %parallel_loop3A_690] {strides = array<i32>} : memref<80x128xi32, #tpu.memory_space<vmem>>, vector<1x16xi32>,
        %parallel_loop3A_692 = vector.shape_cast %parallel_loop3A_691 : vector<1x16xi32> to vector<16xi32>
        %parallel_loop3A_693 = arith.constant 16 : i32
        %parallel_loop3A_694 = vector.broadcast %parallel_loop3A_693 : i32 to vector<16xi32>
        %parallel_loop3A_695 = arith.shli %parallel_loop3A_686, %parallel_loop3A_694 : vector<16xi32>
        %parallel_loop3A_696 = tpu.bitcast %parallel_loop3A_695 : vector<16xi32> -> vector<16xf32>
        %parallel_loop3A_697 = arith.constant -65536 : i32
        %parallel_loop3A_698 = vector.broadcast %parallel_loop3A_697 : i32 to vector<16xi32>
        %parallel_loop3A_699 = arith.andi %parallel_loop3A_686, %parallel_loop3A_698 : vector<16xi32>
        %parallel_loop3A_700 = tpu.bitcast %parallel_loop3A_699 : vector<16xi32> -> vector<16xf32>
        %parallel_loop3A_701 = arith.constant 16 : i32
        %parallel_loop3A_702 = vector.broadcast %parallel_loop3A_701 : i32 to vector<16xi32>
        %parallel_loop3A_703 = arith.shli %parallel_loop3A_692, %parallel_loop3A_702 : vector<16xi32>
        %parallel_loop3A_704 = tpu.bitcast %parallel_loop3A_703 : vector<16xi32> -> vector<16xf32>
        %parallel_loop3A_705 = arith.constant -65536 : i32
        %parallel_loop3A_706 = vector.broadcast %parallel_loop3A_705 : i32 to vector<16xi32>
        %parallel_loop3A_707 = arith.andi %parallel_loop3A_692, %parallel_loop3A_706 : vector<16xi32>
        %parallel_loop3A_708 = tpu.bitcast %parallel_loop3A_707 : vector<16xi32> -> vector<16xf32>
        %parallel_loop3A_709 = arith.addf %parallel_loop3A_696, %parallel_loop3A_708 : vector<16xf32>
        %parallel_loop3A_710 = arith.constant 0.000000e+00 : f32
        %parallel_loop3A_711 = vector.broadcast %parallel_loop3A_710 : f32 to vector<16xf32>
        %parallel_loop3A_712 = arith.maximumf %parallel_loop3A_709, %parallel_loop3A_711 : vector<16xf32>
        %parallel_loop3A_713 = arith.addf %parallel_loop3A_704, %parallel_loop3A_700 : vector<16xf32>
        %parallel_loop3A_714 = arith.constant 0.000000e+00 : f32
        %parallel_loop3A_715 = vector.broadcast %parallel_loop3A_714 : f32 to vector<16xf32>
        %parallel_loop3A_716 = arith.maximumf %parallel_loop3A_713, %parallel_loop3A_715 : vector<16xf32>
        %parallel_loop3A_717 = arith.addf %parallel_loop3A_712, %parallel_loop3A_716 : vector<16xf32>
        %parallel_loop3A_718 = arith.index_cast %parallel_loop3A_522 : i32 to index
        %parallel_loop3A_719 = arith.constant 64 : index
        %parallel_loop3A_720 = tpu.vector_load %arg21[%parallel_loop3A_718, %parallel_loop3A_719] {strides = array<i32>} : memref<40x128xf32, #tpu.memory_space<vmem>>, vector<1x16xf32>,
        %parallel_loop3A_721 = vector.shape_cast %parallel_loop3A_720 : vector<1x16xf32> to vector<16xf32>
        %parallel_loop3A_722 = vector.shape_cast %parallel_loop3A_717 : vector<16xf32> to vector<1x16xf32>
        tpu.vector_store %arg21[%parallel_loop3A_718, %parallel_loop3A_719], %parallel_loop3A_722 {strides = array<i32>} : memref<40x128xf32, #tpu.memory_space<vmem>>, vector<1x16xf32>,
        %parallel_loop3A_723 = arith.index_cast %parallel_loop3A_522 : i32 to index
        %parallel_loop3A_724 = arith.constant 80 : index
        %parallel_loop3A_725 = tpu.vector_load %arg17[%parallel_loop3A_723, %parallel_loop3A_724] {strides = array<i32>} : memref<80x128xi32, #tpu.memory_space<vmem>>, vector<1x16xi32>,
        %parallel_loop3A_726 = vector.shape_cast %parallel_loop3A_725 : vector<1x16xi32> to vector<16xi32>
        %parallel_loop3A_727 = arith.constant 40 : i32
        %parallel_loop3A_728 = arith.addi %parallel_loop3A_727, %parallel_loop3A_522 : i32
        %parallel_loop3A_729 = arith.index_cast %parallel_loop3A_728 : i32 to index
        %parallel_loop3A_730 = arith.constant 80 : index
        %parallel_loop3A_731 = tpu.vector_load %arg17[%parallel_loop3A_729, %parallel_loop3A_730] {strides = array<i32>} : memref<80x128xi32, #tpu.memory_space<vmem>>, vector<1x16xi32>,
        %parallel_loop3A_732 = vector.shape_cast %parallel_loop3A_731 : vector<1x16xi32> to vector<16xi32>
        %parallel_loop3A_733 = arith.constant 16 : i32
        %parallel_loop3A_734 = vector.broadcast %parallel_loop3A_733 : i32 to vector<16xi32>
        %parallel_loop3A_735 = arith.shli %parallel_loop3A_726, %parallel_loop3A_734 : vector<16xi32>
        %parallel_loop3A_736 = tpu.bitcast %parallel_loop3A_735 : vector<16xi32> -> vector<16xf32>
        %parallel_loop3A_737 = arith.constant -65536 : i32
        %parallel_loop3A_738 = vector.broadcast %parallel_loop3A_737 : i32 to vector<16xi32>
        %parallel_loop3A_739 = arith.andi %parallel_loop3A_726, %parallel_loop3A_738 : vector<16xi32>
        %parallel_loop3A_740 = tpu.bitcast %parallel_loop3A_739 : vector<16xi32> -> vector<16xf32>
        %parallel_loop3A_741 = arith.constant 16 : i32
        %parallel_loop3A_742 = vector.broadcast %parallel_loop3A_741 : i32 to vector<16xi32>
        %parallel_loop3A_743 = arith.shli %parallel_loop3A_732, %parallel_loop3A_742 : vector<16xi32>
        %parallel_loop3A_744 = tpu.bitcast %parallel_loop3A_743 : vector<16xi32> -> vector<16xf32>
        %parallel_loop3A_745 = arith.constant -65536 : i32
        %parallel_loop3A_746 = vector.broadcast %parallel_loop3A_745 : i32 to vector<16xi32>
        %parallel_loop3A_747 = arith.andi %parallel_loop3A_732, %parallel_loop3A_746 : vector<16xi32>
        %parallel_loop3A_748 = tpu.bitcast %parallel_loop3A_747 : vector<16xi32> -> vector<16xf32>
        %parallel_loop3A_749 = arith.addf %parallel_loop3A_736, %parallel_loop3A_748 : vector<16xf32>
        %parallel_loop3A_750 = arith.constant 0.000000e+00 : f32
        %parallel_loop3A_751 = vector.broadcast %parallel_loop3A_750 : f32 to vector<16xf32>
        %parallel_loop3A_752 = arith.maximumf %parallel_loop3A_749, %parallel_loop3A_751 : vector<16xf32>
        %parallel_loop3A_753 = arith.addf %parallel_loop3A_744, %parallel_loop3A_740 : vector<16xf32>
        %parallel_loop3A_754 = arith.constant 0.000000e+00 : f32
        %parallel_loop3A_755 = vector.broadcast %parallel_loop3A_754 : f32 to vector<16xf32>
        %parallel_loop3A_756 = arith.maximumf %parallel_loop3A_753, %parallel_loop3A_755 : vector<16xf32>
        %parallel_loop3A_757 = arith.addf %parallel_loop3A_752, %parallel_loop3A_756 : vector<16xf32>
        %parallel_loop3A_758 = arith.index_cast %parallel_loop3A_522 : i32 to index
        %parallel_loop3A_759 = arith.constant 80 : index
        %parallel_loop3A_760 = tpu.vector_load %arg21[%parallel_loop3A_758, %parallel_loop3A_759] {strides = array<i32>} : memref<40x128xf32, #tpu.memory_space<vmem>>, vector<1x16xf32>,
        %parallel_loop3A_761 = vector.shape_cast %parallel_loop3A_760 : vector<1x16xf32> to vector<16xf32>
        %parallel_loop3A_762 = vector.shape_cast %parallel_loop3A_757 : vector<16xf32> to vector<1x16xf32>
        tpu.vector_store %arg21[%parallel_loop3A_758, %parallel_loop3A_759], %parallel_loop3A_762 {strides = array<i32>} : memref<40x128xf32, #tpu.memory_space<vmem>>, vector<1x16xf32>,
        %parallel_loop3A_763 = arith.index_cast %parallel_loop3A_522 : i32 to index
        %parallel_loop3A_764 = arith.constant 96 : index
        %parallel_loop3A_765 = tpu.vector_load %arg17[%parallel_loop3A_763, %parallel_loop3A_764] {strides = array<i32>} : memref<80x128xi32, #tpu.memory_space<vmem>>, vector<1x16xi32>,
        %parallel_loop3A_766 = vector.shape_cast %parallel_loop3A_765 : vector<1x16xi32> to vector<16xi32>
        %parallel_loop3A_767 = arith.constant 40 : i32
        %parallel_loop3A_768 = arith.addi %parallel_loop3A_767, %parallel_loop3A_522 : i32
        %parallel_loop3A_769 = arith.index_cast %parallel_loop3A_768 : i32 to index
        %parallel_loop3A_770 = arith.constant 96 : index
        %parallel_loop3A_771 = tpu.vector_load %arg17[%parallel_loop3A_769, %parallel_loop3A_770] {strides = array<i32>} : memref<80x128xi32, #tpu.memory_space<vmem>>, vector<1x16xi32>,
        %parallel_loop3A_772 = vector.shape_cast %parallel_loop3A_771 : vector<1x16xi32> to vector<16xi32>
        %parallel_loop3A_773 = arith.constant 16 : i32
        %parallel_loop3A_774 = vector.broadcast %parallel_loop3A_773 : i32 to vector<16xi32>
        %parallel_loop3A_775 = arith.shli %parallel_loop3A_766, %parallel_loop3A_774 : vector<16xi32>
        %parallel_loop3A_776 = tpu.bitcast %parallel_loop3A_775 : vector<16xi32> -> vector<16xf32>
        %parallel_loop3A_777 = arith.constant -65536 : i32
        %parallel_loop3A_778 = vector.broadcast %parallel_loop3A_777 : i32 to vector<16xi32>
        %parallel_loop3A_779 = arith.andi %parallel_loop3A_766, %parallel_loop3A_778 : vector<16xi32>
        %parallel_loop3A_780 = tpu.bitcast %parallel_loop3A_779 : vector<16xi32> -> vector<16xf32>
        %parallel_loop3A_781 = arith.constant 16 : i32
        %parallel_loop3A_782 = vector.broadcast %parallel_loop3A_781 : i32 to vector<16xi32>
        %parallel_loop3A_783 = arith.shli %parallel_loop3A_772, %parallel_loop3A_782 : vector<16xi32>
        %parallel_loop3A_784 = tpu.bitcast %parallel_loop3A_783 : vector<16xi32> -> vector<16xf32>
        %parallel_loop3A_785 = arith.constant -65536 : i32
        %parallel_loop3A_786 = vector.broadcast %parallel_loop3A_785 : i32 to vector<16xi32>
        %parallel_loop3A_787 = arith.andi %parallel_loop3A_772, %parallel_loop3A_786 : vector<16xi32>
        %parallel_loop3A_788 = tpu.bitcast %parallel_loop3A_787 : vector<16xi32> -> vector<16xf32>
        %parallel_loop3A_789 = arith.addf %parallel_loop3A_776, %parallel_loop3A_788 : vector<16xf32>
        %parallel_loop3A_790 = arith.constant 0.000000e+00 : f32
        %parallel_loop3A_791 = vector.broadcast %parallel_loop3A_790 : f32 to vector<16xf32>
        %parallel_loop3A_792 = arith.maximumf %parallel_loop3A_789, %parallel_loop3A_791 : vector<16xf32>
        %parallel_loop3A_793 = arith.addf %parallel_loop3A_784, %parallel_loop3A_780 : vector<16xf32>
        %parallel_loop3A_794 = arith.constant 0.000000e+00 : f32
        %parallel_loop3A_795 = vector.broadcast %parallel_loop3A_794 : f32 to vector<16xf32>
        %parallel_loop3A_796 = arith.maximumf %parallel_loop3A_793, %parallel_loop3A_795 : vector<16xf32>
        %parallel_loop3A_797 = arith.addf %parallel_loop3A_792, %parallel_loop3A_796 : vector<16xf32>
        %parallel_loop3A_798 = arith.index_cast %parallel_loop3A_522 : i32 to index
        %parallel_loop3A_799 = arith.constant 96 : index
        %parallel_loop3A_800 = tpu.vector_load %arg21[%parallel_loop3A_798, %parallel_loop3A_799] {strides = array<i32>} : memref<40x128xf32, #tpu.memory_space<vmem>>, vector<1x16xf32>,
        %parallel_loop3A_801 = vector.shape_cast %parallel_loop3A_800 : vector<1x16xf32> to vector<16xf32>
        %parallel_loop3A_802 = vector.shape_cast %parallel_loop3A_797 : vector<16xf32> to vector<1x16xf32>
        tpu.vector_store %arg21[%parallel_loop3A_798, %parallel_loop3A_799], %parallel_loop3A_802 {strides = array<i32>} : memref<40x128xf32, #tpu.memory_space<vmem>>, vector<1x16xf32>,
        %parallel_loop3A_803 = arith.index_cast %parallel_loop3A_522 : i32 to index
        %parallel_loop3A_804 = arith.constant 112 : index
        %parallel_loop3A_805 = tpu.vector_load %arg17[%parallel_loop3A_803, %parallel_loop3A_804] {strides = array<i32>} : memref<80x128xi32, #tpu.memory_space<vmem>>, vector<1x16xi32>,
        %parallel_loop3A_806 = vector.shape_cast %parallel_loop3A_805 : vector<1x16xi32> to vector<16xi32>
        %parallel_loop3A_807 = arith.constant 40 : i32
        %parallel_loop3A_808 = arith.addi %parallel_loop3A_807, %parallel_loop3A_522 : i32
        %parallel_loop3A_809 = arith.index_cast %parallel_loop3A_808 : i32 to index
        %parallel_loop3A_810 = arith.constant 112 : index
        %parallel_loop3A_811 = tpu.vector_load %arg17[%parallel_loop3A_809, %parallel_loop3A_810] {strides = array<i32>} : memref<80x128xi32, #tpu.memory_space<vmem>>, vector<1x16xi32>,
        %parallel_loop3A_812 = vector.shape_cast %parallel_loop3A_811 : vector<1x16xi32> to vector<16xi32>
        %parallel_loop3A_813 = arith.constant 16 : i32
        %parallel_loop3A_814 = vector.broadcast %parallel_loop3A_813 : i32 to vector<16xi32>
        %parallel_loop3A_815 = arith.shli %parallel_loop3A_806, %parallel_loop3A_814 : vector<16xi32>
        %parallel_loop3A_816 = tpu.bitcast %parallel_loop3A_815 : vector<16xi32> -> vector<16xf32>
        %parallel_loop3A_817 = arith.constant -65536 : i32
        %parallel_loop3A_818 = vector.broadcast %parallel_loop3A_817 : i32 to vector<16xi32>
        %parallel_loop3A_819 = arith.andi %parallel_loop3A_806, %parallel_loop3A_818 : vector<16xi32>
        %parallel_loop3A_820 = tpu.bitcast %parallel_loop3A_819 : vector<16xi32> -> vector<16xf32>
        %parallel_loop3A_821 = arith.constant 16 : i32
        %parallel_loop3A_822 = vector.broadcast %parallel_loop3A_821 : i32 to vector<16xi32>
        %parallel_loop3A_823 = arith.shli %parallel_loop3A_812, %parallel_loop3A_822 : vector<16xi32>
        %parallel_loop3A_824 = tpu.bitcast %parallel_loop3A_823 : vector<16xi32> -> vector<16xf32>
        %parallel_loop3A_825 = arith.constant -65536 : i32
        %parallel_loop3A_826 = vector.broadcast %parallel_loop3A_825 : i32 to vector<16xi32>
        %parallel_loop3A_827 = arith.andi %parallel_loop3A_812, %parallel_loop3A_826 : vector<16xi32>
        %parallel_loop3A_828 = tpu.bitcast %parallel_loop3A_827 : vector<16xi32> -> vector<16xf32>
        %parallel_loop3A_829 = arith.addf %parallel_loop3A_816, %parallel_loop3A_828 : vector<16xf32>
        %parallel_loop3A_830 = arith.constant 0.000000e+00 : f32
        %parallel_loop3A_831 = vector.broadcast %parallel_loop3A_830 : f32 to vector<16xf32>
        %parallel_loop3A_832 = arith.maximumf %parallel_loop3A_829, %parallel_loop3A_831 : vector<16xf32>
        %parallel_loop3A_833 = arith.addf %parallel_loop3A_824, %parallel_loop3A_820 : vector<16xf32>
        %parallel_loop3A_834 = arith.constant 0.000000e+00 : f32
        %parallel_loop3A_835 = vector.broadcast %parallel_loop3A_834 : f32 to vector<16xf32>
        %parallel_loop3A_836 = arith.maximumf %parallel_loop3A_833, %parallel_loop3A_835 : vector<16xf32>
        %parallel_loop3A_837 = arith.addf %parallel_loop3A_832, %parallel_loop3A_836 : vector<16xf32>
        %parallel_loop3A_838 = arith.index_cast %parallel_loop3A_522 : i32 to index
        %parallel_loop3A_839 = arith.constant 112 : index
        %parallel_loop3A_840 = tpu.vector_load %arg21[%parallel_loop3A_838, %parallel_loop3A_839] {strides = array<i32>} : memref<40x128xf32, #tpu.memory_space<vmem>>, vector<1x16xf32>,
        %parallel_loop3A_841 = vector.shape_cast %parallel_loop3A_840 : vector<1x16xf32> to vector<16xf32>
        %parallel_loop3A_842 = vector.shape_cast %parallel_loop3A_837 : vector<16xf32> to vector<1x16xf32>
        tpu.vector_store %arg21[%parallel_loop3A_838, %parallel_loop3A_839], %parallel_loop3A_842 {strides = array<i32>} : memref<40x128xf32, #tpu.memory_space<vmem>>, vector<1x16xf32>,
      } {sc.loop_unroll_factor = 1 : i64, sc.parallel_access}
      %mul3A_266 = arith.constant 40 : i32
      %mul3A_267 = arith.muli %add3A_243, %mul3A_266 : i32
      %add3A_268 = arith.addi %mul3A_2, %mul3A_267 : i32
      %dma_start3A_269 = arith.constant 0 : i32
      %dma_start3A_270 = tpu.memref_slice %arg4[%add3A_268, %dma_start3A_269] : memref<320000x128xf32, #tpu.memory_space<hbm>> -> memref<40x128xf32, #tpu.memory_space<hbm>>
      %dma_start3A_271 = arith.constant 0 : i32
      %dma_start3A_272 = tpu.memref_slice %arg4[%add3A_268, %dma_start3A_271] : memref<320000x128xf32, #tpu.memory_space<hbm>> -> memref<40x128xf32, #tpu.memory_space<hbm>>
      tpu.enqueue_dma source(%arg21 : memref<40x128xf32, #tpu.memory_space<vmem>>) target(%dma_start3A_272 : memref<40x128xf32, #tpu.memory_space<hbm>>) target_semaphore(%arg38 : memref<!tpu.dma_semaphore, #tpu.memory_space<semaphore_mem>>)
      %add3A_273 = arith.constant 3 : i32
      %add3A_274 = arith.addi %mul3A_124, %add3A_273 : i32
      %add3A_275 = arith.constant 2 : i32
      %add3A_276 = arith.addi %add3A_274, %add3A_275 : i32
      %lt3A_277 = arith.constant 250 : i32
      %lt3A_278 = arith.cmpi slt, %add3A_276, %lt3A_277 : i32
      %convert_element_type3A_279 = arith.extui %lt3A_278 : i1 to i32
      %cond3A_280 = arith.constant 0 : i32
      %cond3A_281 = arith.cmpi ne, %convert_element_type3A_279, %cond3A_280 : i32
      scf.if %cond3A_281 {
        %dma_wait3A_522 = arith.constant 0 : i32
        %dma_wait3A_523 = arith.constant 0 : i32
        %dma_wait3A_524 = tpu.memref_slice %arg3[%add3A, %dma_wait3A_522, %dma_wait3A_523] : memref<32x250x80xi32, #tpu.memory_space<hbm>> -> memref<1x1x80xi32, #tpu.memory_space<hbm>>
        %dma_wait3A_525 = tpu.memref_squeeze %dma_wait3A_524 : memref<1x1x80xi32, #tpu.memory_space<hbm>> -> memref<80xi32, #tpu.memory_space<hbm>>
        %dma_wait3A_526 = arith.constant 0 : i32
        %dma_wait3A_527 = tpu.memref_slice %arg3[%add3A, %dma_wait3A_522, %dma_wait3A_526] : memref<32x250x80xi32, #tpu.memory_space<hbm>> -> memref<1x1x80xi32, #tpu.memory_space<hbm>>
        %dma_wait3A_528 = tpu.memref_squeeze %dma_wait3A_527 : memref<1x1x80xi32, #tpu.memory_space<hbm>> -> memref<80xi32, #tpu.memory_space<hbm>>
        tpu.wait_dma2 semaphore(%arg28 : memref<!tpu.dma_semaphore, #tpu.memory_space<semaphore_mem>>) src(%dma_wait3A_528 : memref<80xi32, #tpu.memory_space<hbm>>) dst(%arg11 : memref<80xi32, #tpu.memory_space<vmem>>)
        %dma_start3A_529 = arith.constant 0 : i32
        %dma_start3A_530 = arith.constant 0 : i32
        %dma_start3A_531 = tpu.memref_slice %arg5[%dma_start3A_529, %dma_start3A_530] : memref<10000x128xi32, #tpu.memory_space<vmem_shared>> -> memref<10000x128xi32, #tpu.memory_space<vmem_shared>>
        tpu.enqueue_indirect_dma source(%dma_start3A_531 : memref<10000x128xi32, #tpu.memory_space<vmem_shared>>) target(%arg17 : memref<80x128xi32, #tpu.memory_space<vmem>>) offsets(%arg11 : memref<80xi32, #tpu.memory_space<vmem>>) semaphore(%arg34 : memref<!tpu.dma_semaphore, #tpu.memory_space<semaphore_mem>>)
      } else {
      }
      %add3A_282 = arith.constant 4 : i32
      %add3A_283 = arith.addi %mul3A_124, %add3A_282 : i32
      %dma_wait3A_284 = arith.constant 0 : i32
      %dma_wait3A_285 = arith.constant 0 : i32
      %dma_wait3A_286 = tpu.memref_slice %arg5[%dma_wait3A_284, %dma_wait3A_285] : memref<10000x128xi32, #tpu.memory_space<vmem_shared>> -> memref<10000x128xi32, #tpu.memory_space<vmem_shared>>
      tpu.wait_indirect_dma semaphore(%arg33 : memref<!tpu.dma_semaphore, #tpu.memory_space<semaphore_mem>>) src(%dma_wait3A_286 : memref<10000x128xi32, #tpu.memory_space<vmem_shared>>) dst(%arg16 : memref<80x128xi32, #tpu.memory_space<vmem>>)
      %add3A_287 = arith.constant 4 : i32
      %add3A_288 = arith.addi %mul3A_124, %add3A_287 : i32
      %add3A_289 = arith.constant 10 : i32
      %add3A_290 = arith.addi %add3A_288, %add3A_289 : i32
      %lt3A_291 = arith.constant 250 : i32
      %lt3A_292 = arith.cmpi slt, %add3A_290, %lt3A_291 : i32
      %convert_element_type3A_293 = arith.extui %lt3A_292 : i1 to i32
      %cond3A_294 = arith.constant 0 : i32
      %cond3A_295 = arith.cmpi ne, %convert_element_type3A_293, %cond3A_294 : i32
      scf.if %cond3A_295 {
        %add3A_522 = arith.constant 10 : i32
        %add3A_523 = arith.addi %add3A_283, %add3A_522 : i32
        %dma_start3A_524 = arith.constant 0 : i32
        %dma_start3A_525 = tpu.memref_slice %arg3[%add3A, %add3A_523, %dma_start3A_524] : memref<32x250x80xi32, #tpu.memory_space<hbm>> -> memref<1x1x80xi32, #tpu.memory_space<hbm>>
        %dma_start3A_526 = tpu.memref_squeeze %dma_start3A_525 : memref<1x1x80xi32, #tpu.memory_space<hbm>> -> memref<80xi32, #tpu.memory_space<hbm>>
        %dma_start3A_527 = arith.constant 0 : i32
        %dma_start3A_528 = tpu.memref_slice %arg3[%add3A, %add3A_523, %dma_start3A_527] : memref<32x250x80xi32, #tpu.memory_space<hbm>> -> memref<1x1x80xi32, #tpu.memory_space<hbm>>
        %dma_start3A_529 = tpu.memref_squeeze %dma_start3A_528 : memref<1x1x80xi32, #tpu.memory_space<hbm>> -> memref<80xi32, #tpu.memory_space<hbm>>
        tpu.enqueue_dma source(%dma_start3A_529 : memref<80xi32, #tpu.memory_space<hbm>>) target(%arg10 : memref<80xi32, #tpu.memory_space<vmem>>) target_semaphore(%arg27 : memref<!tpu.dma_semaphore, #tpu.memory_space<semaphore_mem>>)
      } else {
      }
      %add3A_296 = arith.constant 4 : i32
      %add3A_297 = arith.addi %mul3A_124, %add3A_296 : i32
      %ge3A_298 = arith.constant 5 : i32
      %ge3A_299 = arith.cmpi sge, %add3A_297, %ge3A_298 : i32
      %convert_element_type3A_300 = arith.extui %ge3A_299 : i1 to i32
      %cond3A_301 = arith.constant 0 : i32
      %cond3A_302 = arith.cmpi ne, %convert_element_type3A_300, %cond3A_301 : i32
      scf.if %cond3A_302 {
        %dma_wait3A_522 = arith.constant 0 : i32
        %dma_wait3A_523 = tpu.memref_slice %arg4[%mul3A_2, %dma_wait3A_522] : memref<320000x128xf32, #tpu.memory_space<hbm>> -> memref<40x128xf32, #tpu.memory_space<hbm>>
        %dma_wait3A_524 = arith.constant 0 : i32
        %dma_wait3A_525 = tpu.memref_slice %arg4[%mul3A_2, %dma_wait3A_524] : memref<320000x128xf32, #tpu.memory_space<hbm>> -> memref<40x128xf32, #tpu.memory_space<hbm>>
        tpu.wait_dma2 semaphore(%arg39 : memref<!tpu.dma_semaphore, #tpu.memory_space<semaphore_mem>>) src(%arg22 : memref<40x128xf32, #tpu.memory_space<vmem>>) dst(%dma_wait3A_525 : memref<40x128xf32, #tpu.memory_space<hbm>>)
      } else {
      }
      %parallel_loop3A_303 = arith.constant 0 : i32
      %parallel_loop3A_304 = arith.constant 40 : i32
      %parallel_loop3A_305 = arith.constant 1 : i32
      scf.for %parallel_loop3A_522 = %parallel_loop3A_303 to %parallel_loop3A_304 step %parallel_loop3A_305  : i32 {
        %parallel_loop3A_523 = arith.index_cast %parallel_loop3A_522 : i32 to index
        %parallel_loop3A_524 = arith.constant 0 : index
        %parallel_loop3A_525 = tpu.vector_load %arg16[%parallel_loop3A_523, %parallel_loop3A_524] {strides = array<i32>} : memref<80x128xi32, #tpu.memory_space<vmem>>, vector<1x16xi32>,
        %parallel_loop3A_526 = vector.shape_cast %parallel_loop3A_525 : vector<1x16xi32> to vector<16xi32>
        %parallel_loop3A_527 = arith.constant 40 : i32
        %parallel_loop3A_528 = arith.addi %parallel_loop3A_527, %parallel_loop3A_522 : i32
        %parallel_loop3A_529 = arith.index_cast %parallel_loop3A_528 : i32 to index
        %parallel_loop3A_530 = arith.constant 0 : index
        %parallel_loop3A_531 = tpu.vector_load %arg16[%parallel_loop3A_529, %parallel_loop3A_530] {strides = array<i32>} : memref<80x128xi32, #tpu.memory_space<vmem>>, vector<1x16xi32>,
        %parallel_loop3A_532 = vector.shape_cast %parallel_loop3A_531 : vector<1x16xi32> to vector<16xi32>
        %parallel_loop3A_533 = arith.constant 16 : i32
        %parallel_loop3A_534 = vector.broadcast %parallel_loop3A_533 : i32 to vector<16xi32>
        %parallel_loop3A_535 = arith.shli %parallel_loop3A_526, %parallel_loop3A_534 : vector<16xi32>
        %parallel_loop3A_536 = tpu.bitcast %parallel_loop3A_535 : vector<16xi32> -> vector<16xf32>
        %parallel_loop3A_537 = arith.constant -65536 : i32
        %parallel_loop3A_538 = vector.broadcast %parallel_loop3A_537 : i32 to vector<16xi32>
        %parallel_loop3A_539 = arith.andi %parallel_loop3A_526, %parallel_loop3A_538 : vector<16xi32>
        %parallel_loop3A_540 = tpu.bitcast %parallel_loop3A_539 : vector<16xi32> -> vector<16xf32>
        %parallel_loop3A_541 = arith.constant 16 : i32
        %parallel_loop3A_542 = vector.broadcast %parallel_loop3A_541 : i32 to vector<16xi32>
        %parallel_loop3A_543 = arith.shli %parallel_loop3A_532, %parallel_loop3A_542 : vector<16xi32>
        %parallel_loop3A_544 = tpu.bitcast %parallel_loop3A_543 : vector<16xi32> -> vector<16xf32>
        %parallel_loop3A_545 = arith.constant -65536 : i32
        %parallel_loop3A_546 = vector.broadcast %parallel_loop3A_545 : i32 to vector<16xi32>
        %parallel_loop3A_547 = arith.andi %parallel_loop3A_532, %parallel_loop3A_546 : vector<16xi32>
        %parallel_loop3A_548 = tpu.bitcast %parallel_loop3A_547 : vector<16xi32> -> vector<16xf32>
        %parallel_loop3A_549 = arith.addf %parallel_loop3A_536, %parallel_loop3A_548 : vector<16xf32>
        %parallel_loop3A_550 = arith.constant 0.000000e+00 : f32
        %parallel_loop3A_551 = vector.broadcast %parallel_loop3A_550 : f32 to vector<16xf32>
        %parallel_loop3A_552 = arith.maximumf %parallel_loop3A_549, %parallel_loop3A_551 : vector<16xf32>
        %parallel_loop3A_553 = arith.addf %parallel_loop3A_544, %parallel_loop3A_540 : vector<16xf32>
        %parallel_loop3A_554 = arith.constant 0.000000e+00 : f32
        %parallel_loop3A_555 = vector.broadcast %parallel_loop3A_554 : f32 to vector<16xf32>
        %parallel_loop3A_556 = arith.maximumf %parallel_loop3A_553, %parallel_loop3A_555 : vector<16xf32>
        %parallel_loop3A_557 = arith.addf %parallel_loop3A_552, %parallel_loop3A_556 : vector<16xf32>
        %parallel_loop3A_558 = arith.index_cast %parallel_loop3A_522 : i32 to index
        %parallel_loop3A_559 = arith.constant 0 : index
        %parallel_loop3A_560 = tpu.vector_load %arg22[%parallel_loop3A_558, %parallel_loop3A_559] {strides = array<i32>} : memref<40x128xf32, #tpu.memory_space<vmem>>, vector<1x16xf32>,
        %parallel_loop3A_561 = vector.shape_cast %parallel_loop3A_560 : vector<1x16xf32> to vector<16xf32>
        %parallel_loop3A_562 = vector.shape_cast %parallel_loop3A_557 : vector<16xf32> to vector<1x16xf32>
        tpu.vector_store %arg22[%parallel_loop3A_558, %parallel_loop3A_559], %parallel_loop3A_562 {strides = array<i32>} : memref<40x128xf32, #tpu.memory_space<vmem>>, vector<1x16xf32>,
        %parallel_loop3A_563 = arith.index_cast %parallel_loop3A_522 : i32 to index
        %parallel_loop3A_564 = arith.constant 16 : index
        %parallel_loop3A_565 = tpu.vector_load %arg16[%parallel_loop3A_563, %parallel_loop3A_564] {strides = array<i32>} : memref<80x128xi32, #tpu.memory_space<vmem>>, vector<1x16xi32>,
        %parallel_loop3A_566 = vector.shape_cast %parallel_loop3A_565 : vector<1x16xi32> to vector<16xi32>
        %parallel_loop3A_567 = arith.constant 40 : i32
        %parallel_loop3A_568 = arith.addi %parallel_loop3A_567, %parallel_loop3A_522 : i32
        %parallel_loop3A_569 = arith.index_cast %parallel_loop3A_568 : i32 to index
        %parallel_loop3A_570 = arith.constant 16 : index
        %parallel_loop3A_571 = tpu.vector_load %arg16[%parallel_loop3A_569, %parallel_loop3A_570] {strides = array<i32>} : memref<80x128xi32, #tpu.memory_space<vmem>>, vector<1x16xi32>,
        %parallel_loop3A_572 = vector.shape_cast %parallel_loop3A_571 : vector<1x16xi32> to vector<16xi32>
        %parallel_loop3A_573 = arith.constant 16 : i32
        %parallel_loop3A_574 = vector.broadcast %parallel_loop3A_573 : i32 to vector<16xi32>
        %parallel_loop3A_575 = arith.shli %parallel_loop3A_566, %parallel_loop3A_574 : vector<16xi32>
        %parallel_loop3A_576 = tpu.bitcast %parallel_loop3A_575 : vector<16xi32> -> vector<16xf32>
        %parallel_loop3A_577 = arith.constant -65536 : i32
        %parallel_loop3A_578 = vector.broadcast %parallel_loop3A_577 : i32 to vector<16xi32>
        %parallel_loop3A_579 = arith.andi %parallel_loop3A_566, %parallel_loop3A_578 : vector<16xi32>
        %parallel_loop3A_580 = tpu.bitcast %parallel_loop3A_579 : vector<16xi32> -> vector<16xf32>
        %parallel_loop3A_581 = arith.constant 16 : i32
        %parallel_loop3A_582 = vector.broadcast %parallel_loop3A_581 : i32 to vector<16xi32>
        %parallel_loop3A_583 = arith.shli %parallel_loop3A_572, %parallel_loop3A_582 : vector<16xi32>
        %parallel_loop3A_584 = tpu.bitcast %parallel_loop3A_583 : vector<16xi32> -> vector<16xf32>
        %parallel_loop3A_585 = arith.constant -65536 : i32
        %parallel_loop3A_586 = vector.broadcast %parallel_loop3A_585 : i32 to vector<16xi32>
        %parallel_loop3A_587 = arith.andi %parallel_loop3A_572, %parallel_loop3A_586 : vector<16xi32>
        %parallel_loop3A_588 = tpu.bitcast %parallel_loop3A_587 : vector<16xi32> -> vector<16xf32>
        %parallel_loop3A_589 = arith.addf %parallel_loop3A_576, %parallel_loop3A_588 : vector<16xf32>
        %parallel_loop3A_590 = arith.constant 0.000000e+00 : f32
        %parallel_loop3A_591 = vector.broadcast %parallel_loop3A_590 : f32 to vector<16xf32>
        %parallel_loop3A_592 = arith.maximumf %parallel_loop3A_589, %parallel_loop3A_591 : vector<16xf32>
        %parallel_loop3A_593 = arith.addf %parallel_loop3A_584, %parallel_loop3A_580 : vector<16xf32>
        %parallel_loop3A_594 = arith.constant 0.000000e+00 : f32
        %parallel_loop3A_595 = vector.broadcast %parallel_loop3A_594 : f32 to vector<16xf32>
        %parallel_loop3A_596 = arith.maximumf %parallel_loop3A_593, %parallel_loop3A_595 : vector<16xf32>
        %parallel_loop3A_597 = arith.addf %parallel_loop3A_592, %parallel_loop3A_596 : vector<16xf32>
        %parallel_loop3A_598 = arith.index_cast %parallel_loop3A_522 : i32 to index
        %parallel_loop3A_599 = arith.constant 16 : index
        %parallel_loop3A_600 = tpu.vector_load %arg22[%parallel_loop3A_598, %parallel_loop3A_599] {strides = array<i32>} : memref<40x128xf32, #tpu.memory_space<vmem>>, vector<1x16xf32>,
        %parallel_loop3A_601 = vector.shape_cast %parallel_loop3A_600 : vector<1x16xf32> to vector<16xf32>
        %parallel_loop3A_602 = vector.shape_cast %parallel_loop3A_597 : vector<16xf32> to vector<1x16xf32>
        tpu.vector_store %arg22[%parallel_loop3A_598, %parallel_loop3A_599], %parallel_loop3A_602 {strides = array<i32>} : memref<40x128xf32, #tpu.memory_space<vmem>>, vector<1x16xf32>,
        %parallel_loop3A_603 = arith.index_cast %parallel_loop3A_522 : i32 to index
        %parallel_loop3A_604 = arith.constant 32 : index
        %parallel_loop3A_605 = tpu.vector_load %arg16[%parallel_loop3A_603, %parallel_loop3A_604] {strides = array<i32>} : memref<80x128xi32, #tpu.memory_space<vmem>>, vector<1x16xi32>,
        %parallel_loop3A_606 = vector.shape_cast %parallel_loop3A_605 : vector<1x16xi32> to vector<16xi32>
        %parallel_loop3A_607 = arith.constant 40 : i32
        %parallel_loop3A_608 = arith.addi %parallel_loop3A_607, %parallel_loop3A_522 : i32
        %parallel_loop3A_609 = arith.index_cast %parallel_loop3A_608 : i32 to index
        %parallel_loop3A_610 = arith.constant 32 : index
        %parallel_loop3A_611 = tpu.vector_load %arg16[%parallel_loop3A_609, %parallel_loop3A_610] {strides = array<i32>} : memref<80x128xi32, #tpu.memory_space<vmem>>, vector<1x16xi32>,
        %parallel_loop3A_612 = vector.shape_cast %parallel_loop3A_611 : vector<1x16xi32> to vector<16xi32>
        %parallel_loop3A_613 = arith.constant 16 : i32
        %parallel_loop3A_614 = vector.broadcast %parallel_loop3A_613 : i32 to vector<16xi32>
        %parallel_loop3A_615 = arith.shli %parallel_loop3A_606, %parallel_loop3A_614 : vector<16xi32>
        %parallel_loop3A_616 = tpu.bitcast %parallel_loop3A_615 : vector<16xi32> -> vector<16xf32>
        %parallel_loop3A_617 = arith.constant -65536 : i32
        %parallel_loop3A_618 = vector.broadcast %parallel_loop3A_617 : i32 to vector<16xi32>
        %parallel_loop3A_619 = arith.andi %parallel_loop3A_606, %parallel_loop3A_618 : vector<16xi32>
        %parallel_loop3A_620 = tpu.bitcast %parallel_loop3A_619 : vector<16xi32> -> vector<16xf32>
        %parallel_loop3A_621 = arith.constant 16 : i32
        %parallel_loop3A_622 = vector.broadcast %parallel_loop3A_621 : i32 to vector<16xi32>
        %parallel_loop3A_623 = arith.shli %parallel_loop3A_612, %parallel_loop3A_622 : vector<16xi32>
        %parallel_loop3A_624 = tpu.bitcast %parallel_loop3A_623 : vector<16xi32> -> vector<16xf32>
        %parallel_loop3A_625 = arith.constant -65536 : i32
        %parallel_loop3A_626 = vector.broadcast %parallel_loop3A_625 : i32 to vector<16xi32>
        %parallel_loop3A_627 = arith.andi %parallel_loop3A_612, %parallel_loop3A_626 : vector<16xi32>
        %parallel_loop3A_628 = tpu.bitcast %parallel_loop3A_627 : vector<16xi32> -> vector<16xf32>
        %parallel_loop3A_629 = arith.addf %parallel_loop3A_616, %parallel_loop3A_628 : vector<16xf32>
        %parallel_loop3A_630 = arith.constant 0.000000e+00 : f32
        %parallel_loop3A_631 = vector.broadcast %parallel_loop3A_630 : f32 to vector<16xf32>
        %parallel_loop3A_632 = arith.maximumf %parallel_loop3A_629, %parallel_loop3A_631 : vector<16xf32>
        %parallel_loop3A_633 = arith.addf %parallel_loop3A_624, %parallel_loop3A_620 : vector<16xf32>
        %parallel_loop3A_634 = arith.constant 0.000000e+00 : f32
        %parallel_loop3A_635 = vector.broadcast %parallel_loop3A_634 : f32 to vector<16xf32>
        %parallel_loop3A_636 = arith.maximumf %parallel_loop3A_633, %parallel_loop3A_635 : vector<16xf32>
        %parallel_loop3A_637 = arith.addf %parallel_loop3A_632, %parallel_loop3A_636 : vector<16xf32>
        %parallel_loop3A_638 = arith.index_cast %parallel_loop3A_522 : i32 to index
        %parallel_loop3A_639 = arith.constant 32 : index
        %parallel_loop3A_640 = tpu.vector_load %arg22[%parallel_loop3A_638, %parallel_loop3A_639] {strides = array<i32>} : memref<40x128xf32, #tpu.memory_space<vmem>>, vector<1x16xf32>,
        %parallel_loop3A_641 = vector.shape_cast %parallel_loop3A_640 : vector<1x16xf32> to vector<16xf32>
        %parallel_loop3A_642 = vector.shape_cast %parallel_loop3A_637 : vector<16xf32> to vector<1x16xf32>
        tpu.vector_store %arg22[%parallel_loop3A_638, %parallel_loop3A_639], %parallel_loop3A_642 {strides = array<i32>} : memref<40x128xf32, #tpu.memory_space<vmem>>, vector<1x16xf32>,
        %parallel_loop3A_643 = arith.index_cast %parallel_loop3A_522 : i32 to index
        %parallel_loop3A_644 = arith.constant 48 : index
        %parallel_loop3A_645 = tpu.vector_load %arg16[%parallel_loop3A_643, %parallel_loop3A_644] {strides = array<i32>} : memref<80x128xi32, #tpu.memory_space<vmem>>, vector<1x16xi32>,
        %parallel_loop3A_646 = vector.shape_cast %parallel_loop3A_645 : vector<1x16xi32> to vector<16xi32>
        %parallel_loop3A_647 = arith.constant 40 : i32
        %parallel_loop3A_648 = arith.addi %parallel_loop3A_647, %parallel_loop3A_522 : i32
        %parallel_loop3A_649 = arith.index_cast %parallel_loop3A_648 : i32 to index
        %parallel_loop3A_650 = arith.constant 48 : index
        %parallel_loop3A_651 = tpu.vector_load %arg16[%parallel_loop3A_649, %parallel_loop3A_650] {strides = array<i32>} : memref<80x128xi32, #tpu.memory_space<vmem>>, vector<1x16xi32>,
        %parallel_loop3A_652 = vector.shape_cast %parallel_loop3A_651 : vector<1x16xi32> to vector<16xi32>
        %parallel_loop3A_653 = arith.constant 16 : i32
        %parallel_loop3A_654 = vector.broadcast %parallel_loop3A_653 : i32 to vector<16xi32>
        %parallel_loop3A_655 = arith.shli %parallel_loop3A_646, %parallel_loop3A_654 : vector<16xi32>
        %parallel_loop3A_656 = tpu.bitcast %parallel_loop3A_655 : vector<16xi32> -> vector<16xf32>
        %parallel_loop3A_657 = arith.constant -65536 : i32
        %parallel_loop3A_658 = vector.broadcast %parallel_loop3A_657 : i32 to vector<16xi32>
        %parallel_loop3A_659 = arith.andi %parallel_loop3A_646, %parallel_loop3A_658 : vector<16xi32>
        %parallel_loop3A_660 = tpu.bitcast %parallel_loop3A_659 : vector<16xi32> -> vector<16xf32>
        %parallel_loop3A_661 = arith.constant 16 : i32
        %parallel_loop3A_662 = vector.broadcast %parallel_loop3A_661 : i32 to vector<16xi32>
        %parallel_loop3A_663 = arith.shli %parallel_loop3A_652, %parallel_loop3A_662 : vector<16xi32>
        %parallel_loop3A_664 = tpu.bitcast %parallel_loop3A_663 : vector<16xi32> -> vector<16xf32>
        %parallel_loop3A_665 = arith.constant -65536 : i32
        %parallel_loop3A_666 = vector.broadcast %parallel_loop3A_665 : i32 to vector<16xi32>
        %parallel_loop3A_667 = arith.andi %parallel_loop3A_652, %parallel_loop3A_666 : vector<16xi32>
        %parallel_loop3A_668 = tpu.bitcast %parallel_loop3A_667 : vector<16xi32> -> vector<16xf32>
        %parallel_loop3A_669 = arith.addf %parallel_loop3A_656, %parallel_loop3A_668 : vector<16xf32>
        %parallel_loop3A_670 = arith.constant 0.000000e+00 : f32
        %parallel_loop3A_671 = vector.broadcast %parallel_loop3A_670 : f32 to vector<16xf32>
        %parallel_loop3A_672 = arith.maximumf %parallel_loop3A_669, %parallel_loop3A_671 : vector<16xf32>
        %parallel_loop3A_673 = arith.addf %parallel_loop3A_664, %parallel_loop3A_660 : vector<16xf32>
        %parallel_loop3A_674 = arith.constant 0.000000e+00 : f32
        %parallel_loop3A_675 = vector.broadcast %parallel_loop3A_674 : f32 to vector<16xf32>
        %parallel_loop3A_676 = arith.maximumf %parallel_loop3A_673, %parallel_loop3A_675 : vector<16xf32>
        %parallel_loop3A_677 = arith.addf %parallel_loop3A_672, %parallel_loop3A_676 : vector<16xf32>
        %parallel_loop3A_678 = arith.index_cast %parallel_loop3A_522 : i32 to index
        %parallel_loop3A_679 = arith.constant 48 : index
        %parallel_loop3A_680 = tpu.vector_load %arg22[%parallel_loop3A_678, %parallel_loop3A_679] {strides = array<i32>} : memref<40x128xf32, #tpu.memory_space<vmem>>, vector<1x16xf32>,
        %parallel_loop3A_681 = vector.shape_cast %parallel_loop3A_680 : vector<1x16xf32> to vector<16xf32>
        %parallel_loop3A_682 = vector.shape_cast %parallel_loop3A_677 : vector<16xf32> to vector<1x16xf32>
        tpu.vector_store %arg22[%parallel_loop3A_678, %parallel_loop3A_679], %parallel_loop3A_682 {strides = array<i32>} : memref<40x128xf32, #tpu.memory_space<vmem>>, vector<1x16xf32>,
        %parallel_loop3A_683 = arith.index_cast %parallel_loop3A_522 : i32 to index
        %parallel_loop3A_684 = arith.constant 64 : index
        %parallel_loop3A_685 = tpu.vector_load %arg16[%parallel_loop3A_683, %parallel_loop3A_684] {strides = array<i32>} : memref<80x128xi32, #tpu.memory_space<vmem>>, vector<1x16xi32>,
        %parallel_loop3A_686 = vector.shape_cast %parallel_loop3A_685 : vector<1x16xi32> to vector<16xi32>
        %parallel_loop3A_687 = arith.constant 40 : i32
        %parallel_loop3A_688 = arith.addi %parallel_loop3A_687, %parallel_loop3A_522 : i32
        %parallel_loop3A_689 = arith.index_cast %parallel_loop3A_688 : i32 to index
        %parallel_loop3A_690 = arith.constant 64 : index
        %parallel_loop3A_691 = tpu.vector_load %arg16[%parallel_loop3A_689, %parallel_loop3A_690] {strides = array<i32>} : memref<80x128xi32, #tpu.memory_space<vmem>>, vector<1x16xi32>,
        %parallel_loop3A_692 = vector.shape_cast %parallel_loop3A_691 : vector<1x16xi32> to vector<16xi32>
        %parallel_loop3A_693 = arith.constant 16 : i32
        %parallel_loop3A_694 = vector.broadcast %parallel_loop3A_693 : i32 to vector<16xi32>
        %parallel_loop3A_695 = arith.shli %parallel_loop3A_686, %parallel_loop3A_694 : vector<16xi32>
        %parallel_loop3A_696 = tpu.bitcast %parallel_loop3A_695 : vector<16xi32> -> vector<16xf32>
        %parallel_loop3A_697 = arith.constant -65536 : i32
        %parallel_loop3A_698 = vector.broadcast %parallel_loop3A_697 : i32 to vector<16xi32>
        %parallel_loop3A_699 = arith.andi %parallel_loop3A_686, %parallel_loop3A_698 : vector<16xi32>
        %parallel_loop3A_700 = tpu.bitcast %parallel_loop3A_699 : vector<16xi32> -> vector<16xf32>
        %parallel_loop3A_701 = arith.constant 16 : i32
        %parallel_loop3A_702 = vector.broadcast %parallel_loop3A_701 : i32 to vector<16xi32>
        %parallel_loop3A_703 = arith.shli %parallel_loop3A_692, %parallel_loop3A_702 : vector<16xi32>
        %parallel_loop3A_704 = tpu.bitcast %parallel_loop3A_703 : vector<16xi32> -> vector<16xf32>
        %parallel_loop3A_705 = arith.constant -65536 : i32
        %parallel_loop3A_706 = vector.broadcast %parallel_loop3A_705 : i32 to vector<16xi32>
        %parallel_loop3A_707 = arith.andi %parallel_loop3A_692, %parallel_loop3A_706 : vector<16xi32>
        %parallel_loop3A_708 = tpu.bitcast %parallel_loop3A_707 : vector<16xi32> -> vector<16xf32>
        %parallel_loop3A_709 = arith.addf %parallel_loop3A_696, %parallel_loop3A_708 : vector<16xf32>
        %parallel_loop3A_710 = arith.constant 0.000000e+00 : f32
        %parallel_loop3A_711 = vector.broadcast %parallel_loop3A_710 : f32 to vector<16xf32>
        %parallel_loop3A_712 = arith.maximumf %parallel_loop3A_709, %parallel_loop3A_711 : vector<16xf32>
        %parallel_loop3A_713 = arith.addf %parallel_loop3A_704, %parallel_loop3A_700 : vector<16xf32>
        %parallel_loop3A_714 = arith.constant 0.000000e+00 : f32
        %parallel_loop3A_715 = vector.broadcast %parallel_loop3A_714 : f32 to vector<16xf32>
        %parallel_loop3A_716 = arith.maximumf %parallel_loop3A_713, %parallel_loop3A_715 : vector<16xf32>
        %parallel_loop3A_717 = arith.addf %parallel_loop3A_712, %parallel_loop3A_716 : vector<16xf32>
        %parallel_loop3A_718 = arith.index_cast %parallel_loop3A_522 : i32 to index
        %parallel_loop3A_719 = arith.constant 64 : index
        %parallel_loop3A_720 = tpu.vector_load %arg22[%parallel_loop3A_718, %parallel_loop3A_719] {strides = array<i32>} : memref<40x128xf32, #tpu.memory_space<vmem>>, vector<1x16xf32>,
        %parallel_loop3A_721 = vector.shape_cast %parallel_loop3A_720 : vector<1x16xf32> to vector<16xf32>
        %parallel_loop3A_722 = vector.shape_cast %parallel_loop3A_717 : vector<16xf32> to vector<1x16xf32>
        tpu.vector_store %arg22[%parallel_loop3A_718, %parallel_loop3A_719], %parallel_loop3A_722 {strides = array<i32>} : memref<40x128xf32, #tpu.memory_space<vmem>>, vector<1x16xf32>,
        %parallel_loop3A_723 = arith.index_cast %parallel_loop3A_522 : i32 to index
        %parallel_loop3A_724 = arith.constant 80 : index
        %parallel_loop3A_725 = tpu.vector_load %arg16[%parallel_loop3A_723, %parallel_loop3A_724] {strides = array<i32>} : memref<80x128xi32, #tpu.memory_space<vmem>>, vector<1x16xi32>,
        %parallel_loop3A_726 = vector.shape_cast %parallel_loop3A_725 : vector<1x16xi32> to vector<16xi32>
        %parallel_loop3A_727 = arith.constant 40 : i32
        %parallel_loop3A_728 = arith.addi %parallel_loop3A_727, %parallel_loop3A_522 : i32
        %parallel_loop3A_729 = arith.index_cast %parallel_loop3A_728 : i32 to index
        %parallel_loop3A_730 = arith.constant 80 : index
        %parallel_loop3A_731 = tpu.vector_load %arg16[%parallel_loop3A_729, %parallel_loop3A_730] {strides = array<i32>} : memref<80x128xi32, #tpu.memory_space<vmem>>, vector<1x16xi32>,
        %parallel_loop3A_732 = vector.shape_cast %parallel_loop3A_731 : vector<1x16xi32> to vector<16xi32>
        %parallel_loop3A_733 = arith.constant 16 : i32
        %parallel_loop3A_734 = vector.broadcast %parallel_loop3A_733 : i32 to vector<16xi32>
        %parallel_loop3A_735 = arith.shli %parallel_loop3A_726, %parallel_loop3A_734 : vector<16xi32>
        %parallel_loop3A_736 = tpu.bitcast %parallel_loop3A_735 : vector<16xi32> -> vector<16xf32>
        %parallel_loop3A_737 = arith.constant -65536 : i32
        %parallel_loop3A_738 = vector.broadcast %parallel_loop3A_737 : i32 to vector<16xi32>
        %parallel_loop3A_739 = arith.andi %parallel_loop3A_726, %parallel_loop3A_738 : vector<16xi32>
        %parallel_loop3A_740 = tpu.bitcast %parallel_loop3A_739 : vector<16xi32> -> vector<16xf32>
        %parallel_loop3A_741 = arith.constant 16 : i32
        %parallel_loop3A_742 = vector.broadcast %parallel_loop3A_741 : i32 to vector<16xi32>
        %parallel_loop3A_743 = arith.shli %parallel_loop3A_732, %parallel_loop3A_742 : vector<16xi32>
        %parallel_loop3A_744 = tpu.bitcast %parallel_loop3A_743 : vector<16xi32> -> vector<16xf32>
        %parallel_loop3A_745 = arith.constant -65536 : i32
        %parallel_loop3A_746 = vector.broadcast %parallel_loop3A_745 : i32 to vector<16xi32>
        %parallel_loop3A_747 = arith.andi %parallel_loop3A_732, %parallel_loop3A_746 : vector<16xi32>
        %parallel_loop3A_748 = tpu.bitcast %parallel_loop3A_747 : vector<16xi32> -> vector<16xf32>
        %parallel_loop3A_749 = arith.addf %parallel_loop3A_736, %parallel_loop3A_748 : vector<16xf32>
        %parallel_loop3A_750 = arith.constant 0.000000e+00 : f32
        %parallel_loop3A_751 = vector.broadcast %parallel_loop3A_750 : f32 to vector<16xf32>
        %parallel_loop3A_752 = arith.maximumf %parallel_loop3A_749, %parallel_loop3A_751 : vector<16xf32>
        %parallel_loop3A_753 = arith.addf %parallel_loop3A_744, %parallel_loop3A_740 : vector<16xf32>
        %parallel_loop3A_754 = arith.constant 0.000000e+00 : f32
        %parallel_loop3A_755 = vector.broadcast %parallel_loop3A_754 : f32 to vector<16xf32>
        %parallel_loop3A_756 = arith.maximumf %parallel_loop3A_753, %parallel_loop3A_755 : vector<16xf32>
        %parallel_loop3A_757 = arith.addf %parallel_loop3A_752, %parallel_loop3A_756 : vector<16xf32>
        %parallel_loop3A_758 = arith.index_cast %parallel_loop3A_522 : i32 to index
        %parallel_loop3A_759 = arith.constant 80 : index
        %parallel_loop3A_760 = tpu.vector_load %arg22[%parallel_loop3A_758, %parallel_loop3A_759] {strides = array<i32>} : memref<40x128xf32, #tpu.memory_space<vmem>>, vector<1x16xf32>,
        %parallel_loop3A_761 = vector.shape_cast %parallel_loop3A_760 : vector<1x16xf32> to vector<16xf32>
        %parallel_loop3A_762 = vector.shape_cast %parallel_loop3A_757 : vector<16xf32> to vector<1x16xf32>
        tpu.vector_store %arg22[%parallel_loop3A_758, %parallel_loop3A_759], %parallel_loop3A_762 {strides = array<i32>} : memref<40x128xf32, #tpu.memory_space<vmem>>, vector<1x16xf32>,
        %parallel_loop3A_763 = arith.index_cast %parallel_loop3A_522 : i32 to index
        %parallel_loop3A_764 = arith.constant 96 : index
        %parallel_loop3A_765 = tpu.vector_load %arg16[%parallel_loop3A_763, %parallel_loop3A_764] {strides = array<i32>} : memref<80x128xi32, #tpu.memory_space<vmem>>, vector<1x16xi32>,
        %parallel_loop3A_766 = vector.shape_cast %parallel_loop3A_765 : vector<1x16xi32> to vector<16xi32>
        %parallel_loop3A_767 = arith.constant 40 : i32
        %parallel_loop3A_768 = arith.addi %parallel_loop3A_767, %parallel_loop3A_522 : i32
        %parallel_loop3A_769 = arith.index_cast %parallel_loop3A_768 : i32 to index
        %parallel_loop3A_770 = arith.constant 96 : index
        %parallel_loop3A_771 = tpu.vector_load %arg16[%parallel_loop3A_769, %parallel_loop3A_770] {strides = array<i32>} : memref<80x128xi32, #tpu.memory_space<vmem>>, vector<1x16xi32>,
        %parallel_loop3A_772 = vector.shape_cast %parallel_loop3A_771 : vector<1x16xi32> to vector<16xi32>
        %parallel_loop3A_773 = arith.constant 16 : i32
        %parallel_loop3A_774 = vector.broadcast %parallel_loop3A_773 : i32 to vector<16xi32>
        %parallel_loop3A_775 = arith.shli %parallel_loop3A_766, %parallel_loop3A_774 : vector<16xi32>
        %parallel_loop3A_776 = tpu.bitcast %parallel_loop3A_775 : vector<16xi32> -> vector<16xf32>
        %parallel_loop3A_777 = arith.constant -65536 : i32
        %parallel_loop3A_778 = vector.broadcast %parallel_loop3A_777 : i32 to vector<16xi32>
        %parallel_loop3A_779 = arith.andi %parallel_loop3A_766, %parallel_loop3A_778 : vector<16xi32>
        %parallel_loop3A_780 = tpu.bitcast %parallel_loop3A_779 : vector<16xi32> -> vector<16xf32>
        %parallel_loop3A_781 = arith.constant 16 : i32
        %parallel_loop3A_782 = vector.broadcast %parallel_loop3A_781 : i32 to vector<16xi32>
        %parallel_loop3A_783 = arith.shli %parallel_loop3A_772, %parallel_loop3A_782 : vector<16xi32>
        %parallel_loop3A_784 = tpu.bitcast %parallel_loop3A_783 : vector<16xi32> -> vector<16xf32>
        %parallel_loop3A_785 = arith.constant -65536 : i32
        %parallel_loop3A_786 = vector.broadcast %parallel_loop3A_785 : i32 to vector<16xi32>
        %parallel_loop3A_787 = arith.andi %parallel_loop3A_772, %parallel_loop3A_786 : vector<16xi32>
        %parallel_loop3A_788 = tpu.bitcast %parallel_loop3A_787 : vector<16xi32> -> vector<16xf32>
        %parallel_loop3A_789 = arith.addf %parallel_loop3A_776, %parallel_loop3A_788 : vector<16xf32>
        %parallel_loop3A_790 = arith.constant 0.000000e+00 : f32
        %parallel_loop3A_791 = vector.broadcast %parallel_loop3A_790 : f32 to vector<16xf32>
        %parallel_loop3A_792 = arith.maximumf %parallel_loop3A_789, %parallel_loop3A_791 : vector<16xf32>
        %parallel_loop3A_793 = arith.addf %parallel_loop3A_784, %parallel_loop3A_780 : vector<16xf32>
        %parallel_loop3A_794 = arith.constant 0.000000e+00 : f32
        %parallel_loop3A_795 = vector.broadcast %parallel_loop3A_794 : f32 to vector<16xf32>
        %parallel_loop3A_796 = arith.maximumf %parallel_loop3A_793, %parallel_loop3A_795 : vector<16xf32>
        %parallel_loop3A_797 = arith.addf %parallel_loop3A_792, %parallel_loop3A_796 : vector<16xf32>
        %parallel_loop3A_798 = arith.index_cast %parallel_loop3A_522 : i32 to index
        %parallel_loop3A_799 = arith.constant 96 : index
        %parallel_loop3A_800 = tpu.vector_load %arg22[%parallel_loop3A_798, %parallel_loop3A_799] {strides = array<i32>} : memref<40x128xf32, #tpu.memory_space<vmem>>, vector<1x16xf32>,
        %parallel_loop3A_801 = vector.shape_cast %parallel_loop3A_800 : vector<1x16xf32> to vector<16xf32>
        %parallel_loop3A_802 = vector.shape_cast %parallel_loop3A_797 : vector<16xf32> to vector<1x16xf32>
        tpu.vector_store %arg22[%parallel_loop3A_798, %parallel_loop3A_799], %parallel_loop3A_802 {strides = array<i32>} : memref<40x128xf32, #tpu.memory_space<vmem>>, vector<1x16xf32>,
        %parallel_loop3A_803 = arith.index_cast %parallel_loop3A_522 : i32 to index
        %parallel_loop3A_804 = arith.constant 112 : index
        %parallel_loop3A_805 = tpu.vector_load %arg16[%parallel_loop3A_803, %parallel_loop3A_804] {strides = array<i32>} : memref<80x128xi32, #tpu.memory_space<vmem>>, vector<1x16xi32>,
        %parallel_loop3A_806 = vector.shape_cast %parallel_loop3A_805 : vector<1x16xi32> to vector<16xi32>
        %parallel_loop3A_807 = arith.constant 40 : i32
        %parallel_loop3A_808 = arith.addi %parallel_loop3A_807, %parallel_loop3A_522 : i32
        %parallel_loop3A_809 = arith.index_cast %parallel_loop3A_808 : i32 to index
        %parallel_loop3A_810 = arith.constant 112 : index
        %parallel_loop3A_811 = tpu.vector_load %arg16[%parallel_loop3A_809, %parallel_loop3A_810] {strides = array<i32>} : memref<80x128xi32, #tpu.memory_space<vmem>>, vector<1x16xi32>,
        %parallel_loop3A_812 = vector.shape_cast %parallel_loop3A_811 : vector<1x16xi32> to vector<16xi32>
        %parallel_loop3A_813 = arith.constant 16 : i32
        %parallel_loop3A_814 = vector.broadcast %parallel_loop3A_813 : i32 to vector<16xi32>
        %parallel_loop3A_815 = arith.shli %parallel_loop3A_806, %parallel_loop3A_814 : vector<16xi32>
        %parallel_loop3A_816 = tpu.bitcast %parallel_loop3A_815 : vector<16xi32> -> vector<16xf32>
        %parallel_loop3A_817 = arith.constant -65536 : i32
        %parallel_loop3A_818 = vector.broadcast %parallel_loop3A_817 : i32 to vector<16xi32>
        %parallel_loop3A_819 = arith.andi %parallel_loop3A_806, %parallel_loop3A_818 : vector<16xi32>
        %parallel_loop3A_820 = tpu.bitcast %parallel_loop3A_819 : vector<16xi32> -> vector<16xf32>
        %parallel_loop3A_821 = arith.constant 16 : i32
        %parallel_loop3A_822 = vector.broadcast %parallel_loop3A_821 : i32 to vector<16xi32>
        %parallel_loop3A_823 = arith.shli %parallel_loop3A_812, %parallel_loop3A_822 : vector<16xi32>
        %parallel_loop3A_824 = tpu.bitcast %parallel_loop3A_823 : vector<16xi32> -> vector<16xf32>
        %parallel_loop3A_825 = arith.constant -65536 : i32
        %parallel_loop3A_826 = vector.broadcast %parallel_loop3A_825 : i32 to vector<16xi32>
        %parallel_loop3A_827 = arith.andi %parallel_loop3A_812, %parallel_loop3A_826 : vector<16xi32>
        %parallel_loop3A_828 = tpu.bitcast %parallel_loop3A_827 : vector<16xi32> -> vector<16xf32>
        %parallel_loop3A_829 = arith.addf %parallel_loop3A_816, %parallel_loop3A_828 : vector<16xf32>
        %parallel_loop3A_830 = arith.constant 0.000000e+00 : f32
        %parallel_loop3A_831 = vector.broadcast %parallel_loop3A_830 : f32 to vector<16xf32>
        %parallel_loop3A_832 = arith.maximumf %parallel_loop3A_829, %parallel_loop3A_831 : vector<16xf32>
        %parallel_loop3A_833 = arith.addf %parallel_loop3A_824, %parallel_loop3A_820 : vector<16xf32>
        %parallel_loop3A_834 = arith.constant 0.000000e+00 : f32
        %parallel_loop3A_835 = vector.broadcast %parallel_loop3A_834 : f32 to vector<16xf32>
        %parallel_loop3A_836 = arith.maximumf %parallel_loop3A_833, %parallel_loop3A_835 : vector<16xf32>
        %parallel_loop3A_837 = arith.addf %parallel_loop3A_832, %parallel_loop3A_836 : vector<16xf32>
        %parallel_loop3A_838 = arith.index_cast %parallel_loop3A_522 : i32 to index
        %parallel_loop3A_839 = arith.constant 112 : index
        %parallel_loop3A_840 = tpu.vector_load %arg22[%parallel_loop3A_838, %parallel_loop3A_839] {strides = array<i32>} : memref<40x128xf32, #tpu.memory_space<vmem>>, vector<1x16xf32>,
        %parallel_loop3A_841 = vector.shape_cast %parallel_loop3A_840 : vector<1x16xf32> to vector<16xf32>
        %parallel_loop3A_842 = vector.shape_cast %parallel_loop3A_837 : vector<16xf32> to vector<1x16xf32>
        tpu.vector_store %arg22[%parallel_loop3A_838, %parallel_loop3A_839], %parallel_loop3A_842 {strides = array<i32>} : memref<40x128xf32, #tpu.memory_space<vmem>>, vector<1x16xf32>,
      } {sc.loop_unroll_factor = 1 : i64, sc.parallel_access}
      %mul3A_306 = arith.constant 40 : i32
      %mul3A_307 = arith.muli %add3A_283, %mul3A_306 : i32
      %add3A_308 = arith.addi %mul3A_2, %mul3A_307 : i32
      %dma_start3A_309 = arith.constant 0 : i32
      %dma_start3A_310 = tpu.memref_slice %arg4[%add3A_308, %dma_start3A_309] : memref<320000x128xf32, #tpu.memory_space<hbm>> -> memref<40x128xf32, #tpu.memory_space<hbm>>
      %dma_start3A_311 = arith.constant 0 : i32
      %dma_start3A_312 = tpu.memref_slice %arg4[%add3A_308, %dma_start3A_311] : memref<320000x128xf32, #tpu.memory_space<hbm>> -> memref<40x128xf32, #tpu.memory_space<hbm>>
      tpu.enqueue_dma source(%arg22 : memref<40x128xf32, #tpu.memory_space<vmem>>) target(%dma_start3A_312 : memref<40x128xf32, #tpu.memory_space<hbm>>) target_semaphore(%arg39 : memref<!tpu.dma_semaphore, #tpu.memory_space<semaphore_mem>>)
      %add3A_313 = arith.constant 4 : i32
      %add3A_314 = arith.addi %mul3A_124, %add3A_313 : i32
      %add3A_315 = arith.constant 2 : i32
      %add3A_316 = arith.addi %add3A_314, %add3A_315 : i32
      %lt3A_317 = arith.constant 250 : i32
      %lt3A_318 = arith.cmpi slt, %add3A_316, %lt3A_317 : i32
      %convert_element_type3A_319 = arith.extui %lt3A_318 : i1 to i32
      %cond3A_320 = arith.constant 0 : i32
      %cond3A_321 = arith.cmpi ne, %convert_element_type3A_319, %cond3A_320 : i32
      scf.if %cond3A_321 {
        %dma_wait3A_522 = arith.constant 0 : i32
        %dma_wait3A_523 = arith.constant 0 : i32
        %dma_wait3A_524 = tpu.memref_slice %arg3[%add3A, %dma_wait3A_522, %dma_wait3A_523] : memref<32x250x80xi32, #tpu.memory_space<hbm>> -> memref<1x1x80xi32, #tpu.memory_space<hbm>>
        %dma_wait3A_525 = tpu.memref_squeeze %dma_wait3A_524 : memref<1x1x80xi32, #tpu.memory_space<hbm>> -> memref<80xi32, #tpu.memory_space<hbm>>
        %dma_wait3A_526 = arith.constant 0 : i32
        %dma_wait3A_527 = tpu.memref_slice %arg3[%add3A, %dma_wait3A_522, %dma_wait3A_526] : memref<32x250x80xi32, #tpu.memory_space<hbm>> -> memref<1x1x80xi32, #tpu.memory_space<hbm>>
        %dma_wait3A_528 = tpu.memref_squeeze %dma_wait3A_527 : memref<1x1x80xi32, #tpu.memory_space<hbm>> -> memref<80xi32, #tpu.memory_space<hbm>>
        tpu.wait_dma2 semaphore(%arg29 : memref<!tpu.dma_semaphore, #tpu.memory_space<semaphore_mem>>) src(%dma_wait3A_528 : memref<80xi32, #tpu.memory_space<hbm>>) dst(%arg12 : memref<80xi32, #tpu.memory_space<vmem>>)
        %dma_start3A_529 = arith.constant 0 : i32
        %dma_start3A_530 = arith.constant 0 : i32
        %dma_start3A_531 = tpu.memref_slice %arg5[%dma_start3A_529, %dma_start3A_530] : memref<10000x128xi32, #tpu.memory_space<vmem_shared>> -> memref<10000x128xi32, #tpu.memory_space<vmem_shared>>
        tpu.enqueue_indirect_dma source(%dma_start3A_531 : memref<10000x128xi32, #tpu.memory_space<vmem_shared>>) target(%arg16 : memref<80x128xi32, #tpu.memory_space<vmem>>) offsets(%arg12 : memref<80xi32, #tpu.memory_space<vmem>>) semaphore(%arg33 : memref<!tpu.dma_semaphore, #tpu.memory_space<semaphore_mem>>)
      } else {
      }
      %add3A_322 = arith.constant 5 : i32
      %add3A_323 = arith.addi %mul3A_124, %add3A_322 : i32
      %dma_wait3A_324 = arith.constant 0 : i32
      %dma_wait3A_325 = arith.constant 0 : i32
      %dma_wait3A_326 = tpu.memref_slice %arg5[%dma_wait3A_324, %dma_wait3A_325] : memref<10000x128xi32, #tpu.memory_space<vmem_shared>> -> memref<10000x128xi32, #tpu.memory_space<vmem_shared>>
      tpu.wait_indirect_dma semaphore(%arg34 : memref<!tpu.dma_semaphore, #tpu.memory_space<semaphore_mem>>) src(%dma_wait3A_326 : memref<10000x128xi32, #tpu.memory_space<vmem_shared>>) dst(%arg17 : memref<80x128xi32, #tpu.memory_space<vmem>>)
      %add3A_327 = arith.constant 5 : i32
      %add3A_328 = arith.addi %mul3A_124, %add3A_327 : i32
      %add3A_329 = arith.constant 10 : i32
      %add3A_330 = arith.addi %add3A_328, %add3A_329 : i32
      %lt3A_331 = arith.constant 250 : i32
      %lt3A_332 = arith.cmpi slt, %add3A_330, %lt3A_331 : i32
      %convert_element_type3A_333 = arith.extui %lt3A_332 : i1 to i32
      %cond3A_334 = arith.constant 0 : i32
      %cond3A_335 = arith.cmpi ne, %convert_element_type3A_333, %cond3A_334 : i32
      scf.if %cond3A_335 {
        %add3A_522 = arith.constant 10 : i32
        %add3A_523 = arith.addi %add3A_323, %add3A_522 : i32
        %dma_start3A_524 = arith.constant 0 : i32
        %dma_start3A_525 = tpu.memref_slice %arg3[%add3A, %add3A_523, %dma_start3A_524] : memref<32x250x80xi32, #tpu.memory_space<hbm>> -> memref<1x1x80xi32, #tpu.memory_space<hbm>>
        %dma_start3A_526 = tpu.memref_squeeze %dma_start3A_525 : memref<1x1x80xi32, #tpu.memory_space<hbm>> -> memref<80xi32, #tpu.memory_space<hbm>>
        %dma_start3A_527 = arith.constant 0 : i32
        %dma_start3A_528 = tpu.memref_slice %arg3[%add3A, %add3A_523, %dma_start3A_527] : memref<32x250x80xi32, #tpu.memory_space<hbm>> -> memref<1x1x80xi32, #tpu.memory_space<hbm>>
        %dma_start3A_529 = tpu.memref_squeeze %dma_start3A_528 : memref<1x1x80xi32, #tpu.memory_space<hbm>> -> memref<80xi32, #tpu.memory_space<hbm>>
        tpu.enqueue_dma source(%dma_start3A_529 : memref<80xi32, #tpu.memory_space<hbm>>) target(%arg11 : memref<80xi32, #tpu.memory_space<vmem>>) target_semaphore(%arg28 : memref<!tpu.dma_semaphore, #tpu.memory_space<semaphore_mem>>)
      } else {
      }
      %add3A_336 = arith.constant 5 : i32
      %add3A_337 = arith.addi %mul3A_124, %add3A_336 : i32
      %ge3A_338 = arith.constant 5 : i32
      %ge3A_339 = arith.cmpi sge, %add3A_337, %ge3A_338 : i32
      %convert_element_type3A_340 = arith.extui %ge3A_339 : i1 to i32
      %cond3A_341 = arith.constant 0 : i32
      %cond3A_342 = arith.cmpi ne, %convert_element_type3A_340, %cond3A_341 : i32
      scf.if %cond3A_342 {
        %dma_wait3A_522 = arith.constant 0 : i32
        %dma_wait3A_523 = tpu.memref_slice %arg4[%mul3A_2, %dma_wait3A_522] : memref<320000x128xf32, #tpu.memory_space<hbm>> -> memref<40x128xf32, #tpu.memory_space<hbm>>
        %dma_wait3A_524 = arith.constant 0 : i32
        %dma_wait3A_525 = tpu.memref_slice %arg4[%mul3A_2, %dma_wait3A_524] : memref<320000x128xf32, #tpu.memory_space<hbm>> -> memref<40x128xf32, #tpu.memory_space<hbm>>
        tpu.wait_dma2 semaphore(%arg35 : memref<!tpu.dma_semaphore, #tpu.memory_space<semaphore_mem>>) src(%arg18 : memref<40x128xf32, #tpu.memory_space<vmem>>) dst(%dma_wait3A_525 : memref<40x128xf32, #tpu.memory_space<hbm>>)
      } else {
      }
      %parallel_loop3A_343 = arith.constant 0 : i32
      %parallel_loop3A_344 = arith.constant 40 : i32
      %parallel_loop3A_345 = arith.constant 1 : i32
      scf.for %parallel_loop3A_522 = %parallel_loop3A_343 to %parallel_loop3A_344 step %parallel_loop3A_345  : i32 {
        %parallel_loop3A_523 = arith.index_cast %parallel_loop3A_522 : i32 to index
        %parallel_loop3A_524 = arith.constant 0 : index
        %parallel_loop3A_525 = tpu.vector_load %arg17[%parallel_loop3A_523, %parallel_loop3A_524] {strides = array<i32>} : memref<80x128xi32, #tpu.memory_space<vmem>>, vector<1x16xi32>,
        %parallel_loop3A_526 = vector.shape_cast %parallel_loop3A_525 : vector<1x16xi32> to vector<16xi32>
        %parallel_loop3A_527 = arith.constant 40 : i32
        %parallel_loop3A_528 = arith.addi %parallel_loop3A_527, %parallel_loop3A_522 : i32
        %parallel_loop3A_529 = arith.index_cast %parallel_loop3A_528 : i32 to index
        %parallel_loop3A_530 = arith.constant 0 : index
        %parallel_loop3A_531 = tpu.vector_load %arg17[%parallel_loop3A_529, %parallel_loop3A_530] {strides = array<i32>} : memref<80x128xi32, #tpu.memory_space<vmem>>, vector<1x16xi32>,
        %parallel_loop3A_532 = vector.shape_cast %parallel_loop3A_531 : vector<1x16xi32> to vector<16xi32>
        %parallel_loop3A_533 = arith.constant 16 : i32
        %parallel_loop3A_534 = vector.broadcast %parallel_loop3A_533 : i32 to vector<16xi32>
        %parallel_loop3A_535 = arith.shli %parallel_loop3A_526, %parallel_loop3A_534 : vector<16xi32>
        %parallel_loop3A_536 = tpu.bitcast %parallel_loop3A_535 : vector<16xi32> -> vector<16xf32>
        %parallel_loop3A_537 = arith.constant -65536 : i32
        %parallel_loop3A_538 = vector.broadcast %parallel_loop3A_537 : i32 to vector<16xi32>
        %parallel_loop3A_539 = arith.andi %parallel_loop3A_526, %parallel_loop3A_538 : vector<16xi32>
        %parallel_loop3A_540 = tpu.bitcast %parallel_loop3A_539 : vector<16xi32> -> vector<16xf32>
        %parallel_loop3A_541 = arith.constant 16 : i32
        %parallel_loop3A_542 = vector.broadcast %parallel_loop3A_541 : i32 to vector<16xi32>
        %parallel_loop3A_543 = arith.shli %parallel_loop3A_532, %parallel_loop3A_542 : vector<16xi32>
        %parallel_loop3A_544 = tpu.bitcast %parallel_loop3A_543 : vector<16xi32> -> vector<16xf32>
        %parallel_loop3A_545 = arith.constant -65536 : i32
        %parallel_loop3A_546 = vector.broadcast %parallel_loop3A_545 : i32 to vector<16xi32>
        %parallel_loop3A_547 = arith.andi %parallel_loop3A_532, %parallel_loop3A_546 : vector<16xi32>
        %parallel_loop3A_548 = tpu.bitcast %parallel_loop3A_547 : vector<16xi32> -> vector<16xf32>
        %parallel_loop3A_549 = arith.addf %parallel_loop3A_536, %parallel_loop3A_548 : vector<16xf32>
        %parallel_loop3A_550 = arith.constant 0.000000e+00 : f32
        %parallel_loop3A_551 = vector.broadcast %parallel_loop3A_550 : f32 to vector<16xf32>
        %parallel_loop3A_552 = arith.maximumf %parallel_loop3A_549, %parallel_loop3A_551 : vector<16xf32>
        %parallel_loop3A_553 = arith.addf %parallel_loop3A_544, %parallel_loop3A_540 : vector<16xf32>
        %parallel_loop3A_554 = arith.constant 0.000000e+00 : f32
        %parallel_loop3A_555 = vector.broadcast %parallel_loop3A_554 : f32 to vector<16xf32>
        %parallel_loop3A_556 = arith.maximumf %parallel_loop3A_553, %parallel_loop3A_555 : vector<16xf32>
        %parallel_loop3A_557 = arith.addf %parallel_loop3A_552, %parallel_loop3A_556 : vector<16xf32>
        %parallel_loop3A_558 = arith.index_cast %parallel_loop3A_522 : i32 to index
        %parallel_loop3A_559 = arith.constant 0 : index
        %parallel_loop3A_560 = tpu.vector_load %arg18[%parallel_loop3A_558, %parallel_loop3A_559] {strides = array<i32>} : memref<40x128xf32, #tpu.memory_space<vmem>>, vector<1x16xf32>,
        %parallel_loop3A_561 = vector.shape_cast %parallel_loop3A_560 : vector<1x16xf32> to vector<16xf32>
        %parallel_loop3A_562 = vector.shape_cast %parallel_loop3A_557 : vector<16xf32> to vector<1x16xf32>
        tpu.vector_store %arg18[%parallel_loop3A_558, %parallel_loop3A_559], %parallel_loop3A_562 {strides = array<i32>} : memref<40x128xf32, #tpu.memory_space<vmem>>, vector<1x16xf32>,
        %parallel_loop3A_563 = arith.index_cast %parallel_loop3A_522 : i32 to index
        %parallel_loop3A_564 = arith.constant 16 : index
        %parallel_loop3A_565 = tpu.vector_load %arg17[%parallel_loop3A_563, %parallel_loop3A_564] {strides = array<i32>} : memref<80x128xi32, #tpu.memory_space<vmem>>, vector<1x16xi32>,
        %parallel_loop3A_566 = vector.shape_cast %parallel_loop3A_565 : vector<1x16xi32> to vector<16xi32>
        %parallel_loop3A_567 = arith.constant 40 : i32
        %parallel_loop3A_568 = arith.addi %parallel_loop3A_567, %parallel_loop3A_522 : i32
        %parallel_loop3A_569 = arith.index_cast %parallel_loop3A_568 : i32 to index
        %parallel_loop3A_570 = arith.constant 16 : index
        %parallel_loop3A_571 = tpu.vector_load %arg17[%parallel_loop3A_569, %parallel_loop3A_570] {strides = array<i32>} : memref<80x128xi32, #tpu.memory_space<vmem>>, vector<1x16xi32>,
        %parallel_loop3A_572 = vector.shape_cast %parallel_loop3A_571 : vector<1x16xi32> to vector<16xi32>
        %parallel_loop3A_573 = arith.constant 16 : i32
        %parallel_loop3A_574 = vector.broadcast %parallel_loop3A_573 : i32 to vector<16xi32>
        %parallel_loop3A_575 = arith.shli %parallel_loop3A_566, %parallel_loop3A_574 : vector<16xi32>
        %parallel_loop3A_576 = tpu.bitcast %parallel_loop3A_575 : vector<16xi32> -> vector<16xf32>
        %parallel_loop3A_577 = arith.constant -65536 : i32
        %parallel_loop3A_578 = vector.broadcast %parallel_loop3A_577 : i32 to vector<16xi32>
        %parallel_loop3A_579 = arith.andi %parallel_loop3A_566, %parallel_loop3A_578 : vector<16xi32>
        %parallel_loop3A_580 = tpu.bitcast %parallel_loop3A_579 : vector<16xi32> -> vector<16xf32>
        %parallel_loop3A_581 = arith.constant 16 : i32
        %parallel_loop3A_582 = vector.broadcast %parallel_loop3A_581 : i32 to vector<16xi32>
        %parallel_loop3A_583 = arith.shli %parallel_loop3A_572, %parallel_loop3A_582 : vector<16xi32>
        %parallel_loop3A_584 = tpu.bitcast %parallel_loop3A_583 : vector<16xi32> -> vector<16xf32>
        %parallel_loop3A_585 = arith.constant -65536 : i32
        %parallel_loop3A_586 = vector.broadcast %parallel_loop3A_585 : i32 to vector<16xi32>
        %parallel_loop3A_587 = arith.andi %parallel_loop3A_572, %parallel_loop3A_586 : vector<16xi32>
        %parallel_loop3A_588 = tpu.bitcast %parallel_loop3A_587 : vector<16xi32> -> vector<16xf32>
        %parallel_loop3A_589 = arith.addf %parallel_loop3A_576, %parallel_loop3A_588 : vector<16xf32>
        %parallel_loop3A_590 = arith.constant 0.000000e+00 : f32
        %parallel_loop3A_591 = vector.broadcast %parallel_loop3A_590 : f32 to vector<16xf32>
        %parallel_loop3A_592 = arith.maximumf %parallel_loop3A_589, %parallel_loop3A_591 : vector<16xf32>
        %parallel_loop3A_593 = arith.addf %parallel_loop3A_584, %parallel_loop3A_580 : vector<16xf32>
        %parallel_loop3A_594 = arith.constant 0.000000e+00 : f32
        %parallel_loop3A_595 = vector.broadcast %parallel_loop3A_594 : f32 to vector<16xf32>
        %parallel_loop3A_596 = arith.maximumf %parallel_loop3A_593, %parallel_loop3A_595 : vector<16xf32>
        %parallel_loop3A_597 = arith.addf %parallel_loop3A_592, %parallel_loop3A_596 : vector<16xf32>
        %parallel_loop3A_598 = arith.index_cast %parallel_loop3A_522 : i32 to index
        %parallel_loop3A_599 = arith.constant 16 : index
        %parallel_loop3A_600 = tpu.vector_load %arg18[%parallel_loop3A_598, %parallel_loop3A_599] {strides = array<i32>} : memref<40x128xf32, #tpu.memory_space<vmem>>, vector<1x16xf32>,
        %parallel_loop3A_601 = vector.shape_cast %parallel_loop3A_600 : vector<1x16xf32> to vector<16xf32>
        %parallel_loop3A_602 = vector.shape_cast %parallel_loop3A_597 : vector<16xf32> to vector<1x16xf32>
        tpu.vector_store %arg18[%parallel_loop3A_598, %parallel_loop3A_599], %parallel_loop3A_602 {strides = array<i32>} : memref<40x128xf32, #tpu.memory_space<vmem>>, vector<1x16xf32>,
        %parallel_loop3A_603 = arith.index_cast %parallel_loop3A_522 : i32 to index
        %parallel_loop3A_604 = arith.constant 32 : index
        %parallel_loop3A_605 = tpu.vector_load %arg17[%parallel_loop3A_603, %parallel_loop3A_604] {strides = array<i32>} : memref<80x128xi32, #tpu.memory_space<vmem>>, vector<1x16xi32>,
        %parallel_loop3A_606 = vector.shape_cast %parallel_loop3A_605 : vector<1x16xi32> to vector<16xi32>
        %parallel_loop3A_607 = arith.constant 40 : i32
        %parallel_loop3A_608 = arith.addi %parallel_loop3A_607, %parallel_loop3A_522 : i32
        %parallel_loop3A_609 = arith.index_cast %parallel_loop3A_608 : i32 to index
        %parallel_loop3A_610 = arith.constant 32 : index
        %parallel_loop3A_611 = tpu.vector_load %arg17[%parallel_loop3A_609, %parallel_loop3A_610] {strides = array<i32>} : memref<80x128xi32, #tpu.memory_space<vmem>>, vector<1x16xi32>,
        %parallel_loop3A_612 = vector.shape_cast %parallel_loop3A_611 : vector<1x16xi32> to vector<16xi32>
        %parallel_loop3A_613 = arith.constant 16 : i32
        %parallel_loop3A_614 = vector.broadcast %parallel_loop3A_613 : i32 to vector<16xi32>
        %parallel_loop3A_615 = arith.shli %parallel_loop3A_606, %parallel_loop3A_614 : vector<16xi32>
        %parallel_loop3A_616 = tpu.bitcast %parallel_loop3A_615 : vector<16xi32> -> vector<16xf32>
        %parallel_loop3A_617 = arith.constant -65536 : i32
        %parallel_loop3A_618 = vector.broadcast %parallel_loop3A_617 : i32 to vector<16xi32>
        %parallel_loop3A_619 = arith.andi %parallel_loop3A_606, %parallel_loop3A_618 : vector<16xi32>
        %parallel_loop3A_620 = tpu.bitcast %parallel_loop3A_619 : vector<16xi32> -> vector<16xf32>
        %parallel_loop3A_621 = arith.constant 16 : i32
        %parallel_loop3A_622 = vector.broadcast %parallel_loop3A_621 : i32 to vector<16xi32>
        %parallel_loop3A_623 = arith.shli %parallel_loop3A_612, %parallel_loop3A_622 : vector<16xi32>
        %parallel_loop3A_624 = tpu.bitcast %parallel_loop3A_623 : vector<16xi32> -> vector<16xf32>
        %parallel_loop3A_625 = arith.constant -65536 : i32
        %parallel_loop3A_626 = vector.broadcast %parallel_loop3A_625 : i32 to vector<16xi32>
        %parallel_loop3A_627 = arith.andi %parallel_loop3A_612, %parallel_loop3A_626 : vector<16xi32>
        %parallel_loop3A_628 = tpu.bitcast %parallel_loop3A_627 : vector<16xi32> -> vector<16xf32>
        %parallel_loop3A_629 = arith.addf %parallel_loop3A_616, %parallel_loop3A_628 : vector<16xf32>
        %parallel_loop3A_630 = arith.constant 0.000000e+00 : f32
        %parallel_loop3A_631 = vector.broadcast %parallel_loop3A_630 : f32 to vector<16xf32>
        %parallel_loop3A_632 = arith.maximumf %parallel_loop3A_629, %parallel_loop3A_631 : vector<16xf32>
        %parallel_loop3A_633 = arith.addf %parallel_loop3A_624, %parallel_loop3A_620 : vector<16xf32>
        %parallel_loop3A_634 = arith.constant 0.000000e+00 : f32
        %parallel_loop3A_635 = vector.broadcast %parallel_loop3A_634 : f32 to vector<16xf32>
        %parallel_loop3A_636 = arith.maximumf %parallel_loop3A_633, %parallel_loop3A_635 : vector<16xf32>
        %parallel_loop3A_637 = arith.addf %parallel_loop3A_632, %parallel_loop3A_636 : vector<16xf32>
        %parallel_loop3A_638 = arith.index_cast %parallel_loop3A_522 : i32 to index
        %parallel_loop3A_639 = arith.constant 32 : index
        %parallel_loop3A_640 = tpu.vector_load %arg18[%parallel_loop3A_638, %parallel_loop3A_639] {strides = array<i32>} : memref<40x128xf32, #tpu.memory_space<vmem>>, vector<1x16xf32>,
        %parallel_loop3A_641 = vector.shape_cast %parallel_loop3A_640 : vector<1x16xf32> to vector<16xf32>
        %parallel_loop3A_642 = vector.shape_cast %parallel_loop3A_637 : vector<16xf32> to vector<1x16xf32>
        tpu.vector_store %arg18[%parallel_loop3A_638, %parallel_loop3A_639], %parallel_loop3A_642 {strides = array<i32>} : memref<40x128xf32, #tpu.memory_space<vmem>>, vector<1x16xf32>,
        %parallel_loop3A_643 = arith.index_cast %parallel_loop3A_522 : i32 to index
        %parallel_loop3A_644 = arith.constant 48 : index
        %parallel_loop3A_645 = tpu.vector_load %arg17[%parallel_loop3A_643, %parallel_loop3A_644] {strides = array<i32>} : memref<80x128xi32, #tpu.memory_space<vmem>>, vector<1x16xi32>,
        %parallel_loop3A_646 = vector.shape_cast %parallel_loop3A_645 : vector<1x16xi32> to vector<16xi32>
        %parallel_loop3A_647 = arith.constant 40 : i32
        %parallel_loop3A_648 = arith.addi %parallel_loop3A_647, %parallel_loop3A_522 : i32
        %parallel_loop3A_649 = arith.index_cast %parallel_loop3A_648 : i32 to index
        %parallel_loop3A_650 = arith.constant 48 : index
        %parallel_loop3A_651 = tpu.vector_load %arg17[%parallel_loop3A_649, %parallel_loop3A_650] {strides = array<i32>} : memref<80x128xi32, #tpu.memory_space<vmem>>, vector<1x16xi32>,
        %parallel_loop3A_652 = vector.shape_cast %parallel_loop3A_651 : vector<1x16xi32> to vector<16xi32>
        %parallel_loop3A_653 = arith.constant 16 : i32
        %parallel_loop3A_654 = vector.broadcast %parallel_loop3A_653 : i32 to vector<16xi32>
        %parallel_loop3A_655 = arith.shli %parallel_loop3A_646, %parallel_loop3A_654 : vector<16xi32>
        %parallel_loop3A_656 = tpu.bitcast %parallel_loop3A_655 : vector<16xi32> -> vector<16xf32>
        %parallel_loop3A_657 = arith.constant -65536 : i32
        %parallel_loop3A_658 = vector.broadcast %parallel_loop3A_657 : i32 to vector<16xi32>
        %parallel_loop3A_659 = arith.andi %parallel_loop3A_646, %parallel_loop3A_658 : vector<16xi32>
        %parallel_loop3A_660 = tpu.bitcast %parallel_loop3A_659 : vector<16xi32> -> vector<16xf32>
        %parallel_loop3A_661 = arith.constant 16 : i32
        %parallel_loop3A_662 = vector.broadcast %parallel_loop3A_661 : i32 to vector<16xi32>
        %parallel_loop3A_663 = arith.shli %parallel_loop3A_652, %parallel_loop3A_662 : vector<16xi32>
        %parallel_loop3A_664 = tpu.bitcast %parallel_loop3A_663 : vector<16xi32> -> vector<16xf32>
        %parallel_loop3A_665 = arith.constant -65536 : i32
        %parallel_loop3A_666 = vector.broadcast %parallel_loop3A_665 : i32 to vector<16xi32>
        %parallel_loop3A_667 = arith.andi %parallel_loop3A_652, %parallel_loop3A_666 : vector<16xi32>
        %parallel_loop3A_668 = tpu.bitcast %parallel_loop3A_667 : vector<16xi32> -> vector<16xf32>
        %parallel_loop3A_669 = arith.addf %parallel_loop3A_656, %parallel_loop3A_668 : vector<16xf32>
        %parallel_loop3A_670 = arith.constant 0.000000e+00 : f32
        %parallel_loop3A_671 = vector.broadcast %parallel_loop3A_670 : f32 to vector<16xf32>
        %parallel_loop3A_672 = arith.maximumf %parallel_loop3A_669, %parallel_loop3A_671 : vector<16xf32>
        %parallel_loop3A_673 = arith.addf %parallel_loop3A_664, %parallel_loop3A_660 : vector<16xf32>
        %parallel_loop3A_674 = arith.constant 0.000000e+00 : f32
        %parallel_loop3A_675 = vector.broadcast %parallel_loop3A_674 : f32 to vector<16xf32>
        %parallel_loop3A_676 = arith.maximumf %parallel_loop3A_673, %parallel_loop3A_675 : vector<16xf32>
        %parallel_loop3A_677 = arith.addf %parallel_loop3A_672, %parallel_loop3A_676 : vector<16xf32>
        %parallel_loop3A_678 = arith.index_cast %parallel_loop3A_522 : i32 to index
        %parallel_loop3A_679 = arith.constant 48 : index
        %parallel_loop3A_680 = tpu.vector_load %arg18[%parallel_loop3A_678, %parallel_loop3A_679] {strides = array<i32>} : memref<40x128xf32, #tpu.memory_space<vmem>>, vector<1x16xf32>,
        %parallel_loop3A_681 = vector.shape_cast %parallel_loop3A_680 : vector<1x16xf32> to vector<16xf32>
        %parallel_loop3A_682 = vector.shape_cast %parallel_loop3A_677 : vector<16xf32> to vector<1x16xf32>
        tpu.vector_store %arg18[%parallel_loop3A_678, %parallel_loop3A_679], %parallel_loop3A_682 {strides = array<i32>} : memref<40x128xf32, #tpu.memory_space<vmem>>, vector<1x16xf32>,
        %parallel_loop3A_683 = arith.index_cast %parallel_loop3A_522 : i32 to index
        %parallel_loop3A_684 = arith.constant 64 : index
        %parallel_loop3A_685 = tpu.vector_load %arg17[%parallel_loop3A_683, %parallel_loop3A_684] {strides = array<i32>} : memref<80x128xi32, #tpu.memory_space<vmem>>, vector<1x16xi32>,
        %parallel_loop3A_686 = vector.shape_cast %parallel_loop3A_685 : vector<1x16xi32> to vector<16xi32>
        %parallel_loop3A_687 = arith.constant 40 : i32
        %parallel_loop3A_688 = arith.addi %parallel_loop3A_687, %parallel_loop3A_522 : i32
        %parallel_loop3A_689 = arith.index_cast %parallel_loop3A_688 : i32 to index
        %parallel_loop3A_690 = arith.constant 64 : index
        %parallel_loop3A_691 = tpu.vector_load %arg17[%parallel_loop3A_689, %parallel_loop3A_690] {strides = array<i32>} : memref<80x128xi32, #tpu.memory_space<vmem>>, vector<1x16xi32>,
        %parallel_loop3A_692 = vector.shape_cast %parallel_loop3A_691 : vector<1x16xi32> to vector<16xi32>
        %parallel_loop3A_693 = arith.constant 16 : i32
        %parallel_loop3A_694 = vector.broadcast %parallel_loop3A_693 : i32 to vector<16xi32>
        %parallel_loop3A_695 = arith.shli %parallel_loop3A_686, %parallel_loop3A_694 : vector<16xi32>
        %parallel_loop3A_696 = tpu.bitcast %parallel_loop3A_695 : vector<16xi32> -> vector<16xf32>
        %parallel_loop3A_697 = arith.constant -65536 : i32
        %parallel_loop3A_698 = vector.broadcast %parallel_loop3A_697 : i32 to vector<16xi32>
        %parallel_loop3A_699 = arith.andi %parallel_loop3A_686, %parallel_loop3A_698 : vector<16xi32>
        %parallel_loop3A_700 = tpu.bitcast %parallel_loop3A_699 : vector<16xi32> -> vector<16xf32>
        %parallel_loop3A_701 = arith.constant 16 : i32
        %parallel_loop3A_702 = vector.broadcast %parallel_loop3A_701 : i32 to vector<16xi32>
        %parallel_loop3A_703 = arith.shli %parallel_loop3A_692, %parallel_loop3A_702 : vector<16xi32>
        %parallel_loop3A_704 = tpu.bitcast %parallel_loop3A_703 : vector<16xi32> -> vector<16xf32>
        %parallel_loop3A_705 = arith.constant -65536 : i32
        %parallel_loop3A_706 = vector.broadcast %parallel_loop3A_705 : i32 to vector<16xi32>
        %parallel_loop3A_707 = arith.andi %parallel_loop3A_692, %parallel_loop3A_706 : vector<16xi32>
        %parallel_loop3A_708 = tpu.bitcast %parallel_loop3A_707 : vector<16xi32> -> vector<16xf32>
        %parallel_loop3A_709 = arith.addf %parallel_loop3A_696, %parallel_loop3A_708 : vector<16xf32>
        %parallel_loop3A_710 = arith.constant 0.000000e+00 : f32
        %parallel_loop3A_711 = vector.broadcast %parallel_loop3A_710 : f32 to vector<16xf32>
        %parallel_loop3A_712 = arith.maximumf %parallel_loop3A_709, %parallel_loop3A_711 : vector<16xf32>
        %parallel_loop3A_713 = arith.addf %parallel_loop3A_704, %parallel_loop3A_700 : vector<16xf32>
        %parallel_loop3A_714 = arith.constant 0.000000e+00 : f32
        %parallel_loop3A_715 = vector.broadcast %parallel_loop3A_714 : f32 to vector<16xf32>
        %parallel_loop3A_716 = arith.maximumf %parallel_loop3A_713, %parallel_loop3A_715 : vector<16xf32>
        %parallel_loop3A_717 = arith.addf %parallel_loop3A_712, %parallel_loop3A_716 : vector<16xf32>
        %parallel_loop3A_718 = arith.index_cast %parallel_loop3A_522 : i32 to index
        %parallel_loop3A_719 = arith.constant 64 : index
        %parallel_loop3A_720 = tpu.vector_load %arg18[%parallel_loop3A_718, %parallel_loop3A_719] {strides = array<i32>} : memref<40x128xf32, #tpu.memory_space<vmem>>, vector<1x16xf32>,
        %parallel_loop3A_721 = vector.shape_cast %parallel_loop3A_720 : vector<1x16xf32> to vector<16xf32>
        %parallel_loop3A_722 = vector.shape_cast %parallel_loop3A_717 : vector<16xf32> to vector<1x16xf32>
        tpu.vector_store %arg18[%parallel_loop3A_718, %parallel_loop3A_719], %parallel_loop3A_722 {strides = array<i32>} : memref<40x128xf32, #tpu.memory_space<vmem>>, vector<1x16xf32>,
        %parallel_loop3A_723 = arith.index_cast %parallel_loop3A_522 : i32 to index
        %parallel_loop3A_724 = arith.constant 80 : index
        %parallel_loop3A_725 = tpu.vector_load %arg17[%parallel_loop3A_723, %parallel_loop3A_724] {strides = array<i32>} : memref<80x128xi32, #tpu.memory_space<vmem>>, vector<1x16xi32>,
        %parallel_loop3A_726 = vector.shape_cast %parallel_loop3A_725 : vector<1x16xi32> to vector<16xi32>
        %parallel_loop3A_727 = arith.constant 40 : i32
        %parallel_loop3A_728 = arith.addi %parallel_loop3A_727, %parallel_loop3A_522 : i32
        %parallel_loop3A_729 = arith.index_cast %parallel_loop3A_728 : i32 to index
        %parallel_loop3A_730 = arith.constant 80 : index
        %parallel_loop3A_731 = tpu.vector_load %arg17[%parallel_loop3A_729, %parallel_loop3A_730] {strides = array<i32>} : memref<80x128xi32, #tpu.memory_space<vmem>>, vector<1x16xi32>,
        %parallel_loop3A_732 = vector.shape_cast %parallel_loop3A_731 : vector<1x16xi32> to vector<16xi32>
        %parallel_loop3A_733 = arith.constant 16 : i32
        %parallel_loop3A_734 = vector.broadcast %parallel_loop3A_733 : i32 to vector<16xi32>
        %parallel_loop3A_735 = arith.shli %parallel_loop3A_726, %parallel_loop3A_734 : vector<16xi32>
        %parallel_loop3A_736 = tpu.bitcast %parallel_loop3A_735 : vector<16xi32> -> vector<16xf32>
        %parallel_loop3A_737 = arith.constant -65536 : i32
        %parallel_loop3A_738 = vector.broadcast %parallel_loop3A_737 : i32 to vector<16xi32>
        %parallel_loop3A_739 = arith.andi %parallel_loop3A_726, %parallel_loop3A_738 : vector<16xi32>
        %parallel_loop3A_740 = tpu.bitcast %parallel_loop3A_739 : vector<16xi32> -> vector<16xf32>
        %parallel_loop3A_741 = arith.constant 16 : i32
        %parallel_loop3A_742 = vector.broadcast %parallel_loop3A_741 : i32 to vector<16xi32>
        %parallel_loop3A_743 = arith.shli %parallel_loop3A_732, %parallel_loop3A_742 : vector<16xi32>
        %parallel_loop3A_744 = tpu.bitcast %parallel_loop3A_743 : vector<16xi32> -> vector<16xf32>
        %parallel_loop3A_745 = arith.constant -65536 : i32
        %parallel_loop3A_746 = vector.broadcast %parallel_loop3A_745 : i32 to vector<16xi32>
        %parallel_loop3A_747 = arith.andi %parallel_loop3A_732, %parallel_loop3A_746 : vector<16xi32>
        %parallel_loop3A_748 = tpu.bitcast %parallel_loop3A_747 : vector<16xi32> -> vector<16xf32>
        %parallel_loop3A_749 = arith.addf %parallel_loop3A_736, %parallel_loop3A_748 : vector<16xf32>
        %parallel_loop3A_750 = arith.constant 0.000000e+00 : f32
        %parallel_loop3A_751 = vector.broadcast %parallel_loop3A_750 : f32 to vector<16xf32>
        %parallel_loop3A_752 = arith.maximumf %parallel_loop3A_749, %parallel_loop3A_751 : vector<16xf32>
        %parallel_loop3A_753 = arith.addf %parallel_loop3A_744, %parallel_loop3A_740 : vector<16xf32>
        %parallel_loop3A_754 = arith.constant 0.000000e+00 : f32
        %parallel_loop3A_755 = vector.broadcast %parallel_loop3A_754 : f32 to vector<16xf32>
        %parallel_loop3A_756 = arith.maximumf %parallel_loop3A_753, %parallel_loop3A_755 : vector<16xf32>
        %parallel_loop3A_757 = arith.addf %parallel_loop3A_752, %parallel_loop3A_756 : vector<16xf32>
        %parallel_loop3A_758 = arith.index_cast %parallel_loop3A_522 : i32 to index
        %parallel_loop3A_759 = arith.constant 80 : index
        %parallel_loop3A_760 = tpu.vector_load %arg18[%parallel_loop3A_758, %parallel_loop3A_759] {strides = array<i32>} : memref<40x128xf32, #tpu.memory_space<vmem>>, vector<1x16xf32>,
        %parallel_loop3A_761 = vector.shape_cast %parallel_loop3A_760 : vector<1x16xf32> to vector<16xf32>
        %parallel_loop3A_762 = vector.shape_cast %parallel_loop3A_757 : vector<16xf32> to vector<1x16xf32>
        tpu.vector_store %arg18[%parallel_loop3A_758, %parallel_loop3A_759], %parallel_loop3A_762 {strides = array<i32>} : memref<40x128xf32, #tpu.memory_space<vmem>>, vector<1x16xf32>,
        %parallel_loop3A_763 = arith.index_cast %parallel_loop3A_522 : i32 to index
        %parallel_loop3A_764 = arith.constant 96 : index
        %parallel_loop3A_765 = tpu.vector_load %arg17[%parallel_loop3A_763, %parallel_loop3A_764] {strides = array<i32>} : memref<80x128xi32, #tpu.memory_space<vmem>>, vector<1x16xi32>,
        %parallel_loop3A_766 = vector.shape_cast %parallel_loop3A_765 : vector<1x16xi32> to vector<16xi32>
        %parallel_loop3A_767 = arith.constant 40 : i32
        %parallel_loop3A_768 = arith.addi %parallel_loop3A_767, %parallel_loop3A_522 : i32
        %parallel_loop3A_769 = arith.index_cast %parallel_loop3A_768 : i32 to index
        %parallel_loop3A_770 = arith.constant 96 : index
        %parallel_loop3A_771 = tpu.vector_load %arg17[%parallel_loop3A_769, %parallel_loop3A_770] {strides = array<i32>} : memref<80x128xi32, #tpu.memory_space<vmem>>, vector<1x16xi32>,
        %parallel_loop3A_772 = vector.shape_cast %parallel_loop3A_771 : vector<1x16xi32> to vector<16xi32>
        %parallel_loop3A_773 = arith.constant 16 : i32
        %parallel_loop3A_774 = vector.broadcast %parallel_loop3A_773 : i32 to vector<16xi32>
        %parallel_loop3A_775 = arith.shli %parallel_loop3A_766, %parallel_loop3A_774 : vector<16xi32>
        %parallel_loop3A_776 = tpu.bitcast %parallel_loop3A_775 : vector<16xi32> -> vector<16xf32>
        %parallel_loop3A_777 = arith.constant -65536 : i32
        %parallel_loop3A_778 = vector.broadcast %parallel_loop3A_777 : i32 to vector<16xi32>
        %parallel_loop3A_779 = arith.andi %parallel_loop3A_766, %parallel_loop3A_778 : vector<16xi32>
        %parallel_loop3A_780 = tpu.bitcast %parallel_loop3A_779 : vector<16xi32> -> vector<16xf32>
        %parallel_loop3A_781 = arith.constant 16 : i32
        %parallel_loop3A_782 = vector.broadcast %parallel_loop3A_781 : i32 to vector<16xi32>
        %parallel_loop3A_783 = arith.shli %parallel_loop3A_772, %parallel_loop3A_782 : vector<16xi32>
        %parallel_loop3A_784 = tpu.bitcast %parallel_loop3A_783 : vector<16xi32> -> vector<16xf32>
        %parallel_loop3A_785 = arith.constant -65536 : i32
        %parallel_loop3A_786 = vector.broadcast %parallel_loop3A_785 : i32 to vector<16xi32>
        %parallel_loop3A_787 = arith.andi %parallel_loop3A_772, %parallel_loop3A_786 : vector<16xi32>
        %parallel_loop3A_788 = tpu.bitcast %parallel_loop3A_787 : vector<16xi32> -> vector<16xf32>
        %parallel_loop3A_789 = arith.addf %parallel_loop3A_776, %parallel_loop3A_788 : vector<16xf32>
        %parallel_loop3A_790 = arith.constant 0.000000e+00 : f32
        %parallel_loop3A_791 = vector.broadcast %parallel_loop3A_790 : f32 to vector<16xf32>
        %parallel_loop3A_792 = arith.maximumf %parallel_loop3A_789, %parallel_loop3A_791 : vector<16xf32>
        %parallel_loop3A_793 = arith.addf %parallel_loop3A_784, %parallel_loop3A_780 : vector<16xf32>
        %parallel_loop3A_794 = arith.constant 0.000000e+00 : f32
        %parallel_loop3A_795 = vector.broadcast %parallel_loop3A_794 : f32 to vector<16xf32>
        %parallel_loop3A_796 = arith.maximumf %parallel_loop3A_793, %parallel_loop3A_795 : vector<16xf32>
        %parallel_loop3A_797 = arith.addf %parallel_loop3A_792, %parallel_loop3A_796 : vector<16xf32>
        %parallel_loop3A_798 = arith.index_cast %parallel_loop3A_522 : i32 to index
        %parallel_loop3A_799 = arith.constant 96 : index
        %parallel_loop3A_800 = tpu.vector_load %arg18[%parallel_loop3A_798, %parallel_loop3A_799] {strides = array<i32>} : memref<40x128xf32, #tpu.memory_space<vmem>>, vector<1x16xf32>,
        %parallel_loop3A_801 = vector.shape_cast %parallel_loop3A_800 : vector<1x16xf32> to vector<16xf32>
        %parallel_loop3A_802 = vector.shape_cast %parallel_loop3A_797 : vector<16xf32> to vector<1x16xf32>
        tpu.vector_store %arg18[%parallel_loop3A_798, %parallel_loop3A_799], %parallel_loop3A_802 {strides = array<i32>} : memref<40x128xf32, #tpu.memory_space<vmem>>, vector<1x16xf32>,
        %parallel_loop3A_803 = arith.index_cast %parallel_loop3A_522 : i32 to index
        %parallel_loop3A_804 = arith.constant 112 : index
        %parallel_loop3A_805 = tpu.vector_load %arg17[%parallel_loop3A_803, %parallel_loop3A_804] {strides = array<i32>} : memref<80x128xi32, #tpu.memory_space<vmem>>, vector<1x16xi32>,
        %parallel_loop3A_806 = vector.shape_cast %parallel_loop3A_805 : vector<1x16xi32> to vector<16xi32>
        %parallel_loop3A_807 = arith.constant 40 : i32
        %parallel_loop3A_808 = arith.addi %parallel_loop3A_807, %parallel_loop3A_522 : i32
        %parallel_loop3A_809 = arith.index_cast %parallel_loop3A_808 : i32 to index
        %parallel_loop3A_810 = arith.constant 112 : index
        %parallel_loop3A_811 = tpu.vector_load %arg17[%parallel_loop3A_809, %parallel_loop3A_810] {strides = array<i32>} : memref<80x128xi32, #tpu.memory_space<vmem>>, vector<1x16xi32>,
        %parallel_loop3A_812 = vector.shape_cast %parallel_loop3A_811 : vector<1x16xi32> to vector<16xi32>
        %parallel_loop3A_813 = arith.constant 16 : i32
        %parallel_loop3A_814 = vector.broadcast %parallel_loop3A_813 : i32 to vector<16xi32>
        %parallel_loop3A_815 = arith.shli %parallel_loop3A_806, %parallel_loop3A_814 : vector<16xi32>
        %parallel_loop3A_816 = tpu.bitcast %parallel_loop3A_815 : vector<16xi32> -> vector<16xf32>
        %parallel_loop3A_817 = arith.constant -65536 : i32
        %parallel_loop3A_818 = vector.broadcast %parallel_loop3A_817 : i32 to vector<16xi32>
        %parallel_loop3A_819 = arith.andi %parallel_loop3A_806, %parallel_loop3A_818 : vector<16xi32>
        %parallel_loop3A_820 = tpu.bitcast %parallel_loop3A_819 : vector<16xi32> -> vector<16xf32>
        %parallel_loop3A_821 = arith.constant 16 : i32
        %parallel_loop3A_822 = vector.broadcast %parallel_loop3A_821 : i32 to vector<16xi32>
        %parallel_loop3A_823 = arith.shli %parallel_loop3A_812, %parallel_loop3A_822 : vector<16xi32>
        %parallel_loop3A_824 = tpu.bitcast %parallel_loop3A_823 : vector<16xi32> -> vector<16xf32>
        %parallel_loop3A_825 = arith.constant -65536 : i32
        %parallel_loop3A_826 = vector.broadcast %parallel_loop3A_825 : i32 to vector<16xi32>
        %parallel_loop3A_827 = arith.andi %parallel_loop3A_812, %parallel_loop3A_826 : vector<16xi32>
        %parallel_loop3A_828 = tpu.bitcast %parallel_loop3A_827 : vector<16xi32> -> vector<16xf32>
        %parallel_loop3A_829 = arith.addf %parallel_loop3A_816, %parallel_loop3A_828 : vector<16xf32>
        %parallel_loop3A_830 = arith.constant 0.000000e+00 : f32
        %parallel_loop3A_831 = vector.broadcast %parallel_loop3A_830 : f32 to vector<16xf32>
        %parallel_loop3A_832 = arith.maximumf %parallel_loop3A_829, %parallel_loop3A_831 : vector<16xf32>
        %parallel_loop3A_833 = arith.addf %parallel_loop3A_824, %parallel_loop3A_820 : vector<16xf32>
        %parallel_loop3A_834 = arith.constant 0.000000e+00 : f32
        %parallel_loop3A_835 = vector.broadcast %parallel_loop3A_834 : f32 to vector<16xf32>
        %parallel_loop3A_836 = arith.maximumf %parallel_loop3A_833, %parallel_loop3A_835 : vector<16xf32>
        %parallel_loop3A_837 = arith.addf %parallel_loop3A_832, %parallel_loop3A_836 : vector<16xf32>
        %parallel_loop3A_838 = arith.index_cast %parallel_loop3A_522 : i32 to index
        %parallel_loop3A_839 = arith.constant 112 : index
        %parallel_loop3A_840 = tpu.vector_load %arg18[%parallel_loop3A_838, %parallel_loop3A_839] {strides = array<i32>} : memref<40x128xf32, #tpu.memory_space<vmem>>, vector<1x16xf32>,
        %parallel_loop3A_841 = vector.shape_cast %parallel_loop3A_840 : vector<1x16xf32> to vector<16xf32>
        %parallel_loop3A_842 = vector.shape_cast %parallel_loop3A_837 : vector<16xf32> to vector<1x16xf32>
        tpu.vector_store %arg18[%parallel_loop3A_838, %parallel_loop3A_839], %parallel_loop3A_842 {strides = array<i32>} : memref<40x128xf32, #tpu.memory_space<vmem>>, vector<1x16xf32>,
      } {sc.loop_unroll_factor = 1 : i64, sc.parallel_access}
      %mul3A_346 = arith.constant 40 : i32
      %mul3A_347 = arith.muli %add3A_323, %mul3A_346 : i32
      %add3A_348 = arith.addi %mul3A_2, %mul3A_347 : i32
      %dma_start3A_349 = arith.constant 0 : i32
      %dma_start3A_350 = tpu.memref_slice %arg4[%add3A_348, %dma_start3A_349] : memref<320000x128xf32, #tpu.memory_space<hbm>> -> memref<40x128xf32, #tpu.memory_space<hbm>>
      %dma_start3A_351 = arith.constant 0 : i32
      %dma_start3A_352 = tpu.memref_slice %arg4[%add3A_348, %dma_start3A_351] : memref<320000x128xf32, #tpu.memory_space<hbm>> -> memref<40x128xf32, #tpu.memory_space<hbm>>
      tpu.enqueue_dma source(%arg18 : memref<40x128xf32, #tpu.memory_space<vmem>>) target(%dma_start3A_352 : memref<40x128xf32, #tpu.memory_space<hbm>>) target_semaphore(%arg35 : memref<!tpu.dma_semaphore, #tpu.memory_space<semaphore_mem>>)
      %add3A_353 = arith.constant 5 : i32
      %add3A_354 = arith.addi %mul3A_124, %add3A_353 : i32
      %add3A_355 = arith.constant 2 : i32
      %add3A_356 = arith.addi %add3A_354, %add3A_355 : i32
      %lt3A_357 = arith.constant 250 : i32
      %lt3A_358 = arith.cmpi slt, %add3A_356, %lt3A_357 : i32
      %convert_element_type3A_359 = arith.extui %lt3A_358 : i1 to i32
      %cond3A_360 = arith.constant 0 : i32
      %cond3A_361 = arith.cmpi ne, %convert_element_type3A_359, %cond3A_360 : i32
      scf.if %cond3A_361 {
        %dma_wait3A_522 = arith.constant 0 : i32
        %dma_wait3A_523 = arith.constant 0 : i32
        %dma_wait3A_524 = tpu.memref_slice %arg3[%add3A, %dma_wait3A_522, %dma_wait3A_523] : memref<32x250x80xi32, #tpu.memory_space<hbm>> -> memref<1x1x80xi32, #tpu.memory_space<hbm>>
        %dma_wait3A_525 = tpu.memref_squeeze %dma_wait3A_524 : memref<1x1x80xi32, #tpu.memory_space<hbm>> -> memref<80xi32, #tpu.memory_space<hbm>>
        %dma_wait3A_526 = arith.constant 0 : i32
        %dma_wait3A_527 = tpu.memref_slice %arg3[%add3A, %dma_wait3A_522, %dma_wait3A_526] : memref<32x250x80xi32, #tpu.memory_space<hbm>> -> memref<1x1x80xi32, #tpu.memory_space<hbm>>
        %dma_wait3A_528 = tpu.memref_squeeze %dma_wait3A_527 : memref<1x1x80xi32, #tpu.memory_space<hbm>> -> memref<80xi32, #tpu.memory_space<hbm>>
        tpu.wait_dma2 semaphore(%arg30 : memref<!tpu.dma_semaphore, #tpu.memory_space<semaphore_mem>>) src(%dma_wait3A_528 : memref<80xi32, #tpu.memory_space<hbm>>) dst(%arg13 : memref<80xi32, #tpu.memory_space<vmem>>)
        %dma_start3A_529 = arith.constant 0 : i32
        %dma_start3A_530 = arith.constant 0 : i32
        %dma_start3A_531 = tpu.memref_slice %arg5[%dma_start3A_529, %dma_start3A_530] : memref<10000x128xi32, #tpu.memory_space<vmem_shared>> -> memref<10000x128xi32, #tpu.memory_space<vmem_shared>>
        tpu.enqueue_indirect_dma source(%dma_start3A_531 : memref<10000x128xi32, #tpu.memory_space<vmem_shared>>) target(%arg17 : memref<80x128xi32, #tpu.memory_space<vmem>>) offsets(%arg13 : memref<80xi32, #tpu.memory_space<vmem>>) semaphore(%arg34 : memref<!tpu.dma_semaphore, #tpu.memory_space<semaphore_mem>>)
      } else {
      }
      %add3A_362 = arith.constant 6 : i32
      %add3A_363 = arith.addi %mul3A_124, %add3A_362 : i32
      %dma_wait3A_364 = arith.constant 0 : i32
      %dma_wait3A_365 = arith.constant 0 : i32
      %dma_wait3A_366 = tpu.memref_slice %arg5[%dma_wait3A_364, %dma_wait3A_365] : memref<10000x128xi32, #tpu.memory_space<vmem_shared>> -> memref<10000x128xi32, #tpu.memory_space<vmem_shared>>
      tpu.wait_indirect_dma semaphore(%arg33 : memref<!tpu.dma_semaphore, #tpu.memory_space<semaphore_mem>>) src(%dma_wait3A_366 : memref<10000x128xi32, #tpu.memory_space<vmem_shared>>) dst(%arg16 : memref<80x128xi32, #tpu.memory_space<vmem>>)
      %add3A_367 = arith.constant 6 : i32
      %add3A_368 = arith.addi %mul3A_124, %add3A_367 : i32
      %add3A_369 = arith.constant 10 : i32
      %add3A_370 = arith.addi %add3A_368, %add3A_369 : i32
      %lt3A_371 = arith.constant 250 : i32
      %lt3A_372 = arith.cmpi slt, %add3A_370, %lt3A_371 : i32
      %convert_element_type3A_373 = arith.extui %lt3A_372 : i1 to i32
      %cond3A_374 = arith.constant 0 : i32
      %cond3A_375 = arith.cmpi ne, %convert_element_type3A_373, %cond3A_374 : i32
      scf.if %cond3A_375 {
        %add3A_522 = arith.constant 10 : i32
        %add3A_523 = arith.addi %add3A_363, %add3A_522 : i32
        %dma_start3A_524 = arith.constant 0 : i32
        %dma_start3A_525 = tpu.memref_slice %arg3[%add3A, %add3A_523, %dma_start3A_524] : memref<32x250x80xi32, #tpu.memory_space<hbm>> -> memref<1x1x80xi32, #tpu.memory_space<hbm>>
        %dma_start3A_526 = tpu.memref_squeeze %dma_start3A_525 : memref<1x1x80xi32, #tpu.memory_space<hbm>> -> memref<80xi32, #tpu.memory_space<hbm>>
        %dma_start3A_527 = arith.constant 0 : i32
        %dma_start3A_528 = tpu.memref_slice %arg3[%add3A, %add3A_523, %dma_start3A_527] : memref<32x250x80xi32, #tpu.memory_space<hbm>> -> memref<1x1x80xi32, #tpu.memory_space<hbm>>
        %dma_start3A_529 = tpu.memref_squeeze %dma_start3A_528 : memref<1x1x80xi32, #tpu.memory_space<hbm>> -> memref<80xi32, #tpu.memory_space<hbm>>
        tpu.enqueue_dma source(%dma_start3A_529 : memref<80xi32, #tpu.memory_space<hbm>>) target(%arg12 : memref<80xi32, #tpu.memory_space<vmem>>) target_semaphore(%arg29 : memref<!tpu.dma_semaphore, #tpu.memory_space<semaphore_mem>>)
      } else {
      }
      %add3A_376 = arith.constant 6 : i32
      %add3A_377 = arith.addi %mul3A_124, %add3A_376 : i32
      %ge3A_378 = arith.constant 5 : i32
      %ge3A_379 = arith.cmpi sge, %add3A_377, %ge3A_378 : i32
      %convert_element_type3A_380 = arith.extui %ge3A_379 : i1 to i32
      %cond3A_381 = arith.constant 0 : i32
      %cond3A_382 = arith.cmpi ne, %convert_element_type3A_380, %cond3A_381 : i32
      scf.if %cond3A_382 {
        %dma_wait3A_522 = arith.constant 0 : i32
        %dma_wait3A_523 = tpu.memref_slice %arg4[%mul3A_2, %dma_wait3A_522] : memref<320000x128xf32, #tpu.memory_space<hbm>> -> memref<40x128xf32, #tpu.memory_space<hbm>>
        %dma_wait3A_524 = arith.constant 0 : i32
        %dma_wait3A_525 = tpu.memref_slice %arg4[%mul3A_2, %dma_wait3A_524] : memref<320000x128xf32, #tpu.memory_space<hbm>> -> memref<40x128xf32, #tpu.memory_space<hbm>>
        tpu.wait_dma2 semaphore(%arg36 : memref<!tpu.dma_semaphore, #tpu.memory_space<semaphore_mem>>) src(%arg19 : memref<40x128xf32, #tpu.memory_space<vmem>>) dst(%dma_wait3A_525 : memref<40x128xf32, #tpu.memory_space<hbm>>)
      } else {
      }
      %parallel_loop3A_383 = arith.constant 0 : i32
      %parallel_loop3A_384 = arith.constant 40 : i32
      %parallel_loop3A_385 = arith.constant 1 : i32
      scf.for %parallel_loop3A_522 = %parallel_loop3A_383 to %parallel_loop3A_384 step %parallel_loop3A_385  : i32 {
        %parallel_loop3A_523 = arith.index_cast %parallel_loop3A_522 : i32 to index
        %parallel_loop3A_524 = arith.constant 0 : index
        %parallel_loop3A_525 = tpu.vector_load %arg16[%parallel_loop3A_523, %parallel_loop3A_524] {strides = array<i32>} : memref<80x128xi32, #tpu.memory_space<vmem>>, vector<1x16xi32>,
        %parallel_loop3A_526 = vector.shape_cast %parallel_loop3A_525 : vector<1x16xi32> to vector<16xi32>
        %parallel_loop3A_527 = arith.constant 40 : i32
        %parallel_loop3A_528 = arith.addi %parallel_loop3A_527, %parallel_loop3A_522 : i32
        %parallel_loop3A_529 = arith.index_cast %parallel_loop3A_528 : i32 to index
        %parallel_loop3A_530 = arith.constant 0 : index
        %parallel_loop3A_531 = tpu.vector_load %arg16[%parallel_loop3A_529, %parallel_loop3A_530] {strides = array<i32>} : memref<80x128xi32, #tpu.memory_space<vmem>>, vector<1x16xi32>,
        %parallel_loop3A_532 = vector.shape_cast %parallel_loop3A_531 : vector<1x16xi32> to vector<16xi32>
        %parallel_loop3A_533 = arith.constant 16 : i32
        %parallel_loop3A_534 = vector.broadcast %parallel_loop3A_533 : i32 to vector<16xi32>
        %parallel_loop3A_535 = arith.shli %parallel_loop3A_526, %parallel_loop3A_534 : vector<16xi32>
        %parallel_loop3A_536 = tpu.bitcast %parallel_loop3A_535 : vector<16xi32> -> vector<16xf32>
        %parallel_loop3A_537 = arith.constant -65536 : i32
        %parallel_loop3A_538 = vector.broadcast %parallel_loop3A_537 : i32 to vector<16xi32>
        %parallel_loop3A_539 = arith.andi %parallel_loop3A_526, %parallel_loop3A_538 : vector<16xi32>
        %parallel_loop3A_540 = tpu.bitcast %parallel_loop3A_539 : vector<16xi32> -> vector<16xf32>
        %parallel_loop3A_541 = arith.constant 16 : i32
        %parallel_loop3A_542 = vector.broadcast %parallel_loop3A_541 : i32 to vector<16xi32>
        %parallel_loop3A_543 = arith.shli %parallel_loop3A_532, %parallel_loop3A_542 : vector<16xi32>
        %parallel_loop3A_544 = tpu.bitcast %parallel_loop3A_543 : vector<16xi32> -> vector<16xf32>
        %parallel_loop3A_545 = arith.constant -65536 : i32
        %parallel_loop3A_546 = vector.broadcast %parallel_loop3A_545 : i32 to vector<16xi32>
        %parallel_loop3A_547 = arith.andi %parallel_loop3A_532, %parallel_loop3A_546 : vector<16xi32>
        %parallel_loop3A_548 = tpu.bitcast %parallel_loop3A_547 : vector<16xi32> -> vector<16xf32>
        %parallel_loop3A_549 = arith.addf %parallel_loop3A_536, %parallel_loop3A_548 : vector<16xf32>
        %parallel_loop3A_550 = arith.constant 0.000000e+00 : f32
        %parallel_loop3A_551 = vector.broadcast %parallel_loop3A_550 : f32 to vector<16xf32>
        %parallel_loop3A_552 = arith.maximumf %parallel_loop3A_549, %parallel_loop3A_551 : vector<16xf32>
        %parallel_loop3A_553 = arith.addf %parallel_loop3A_544, %parallel_loop3A_540 : vector<16xf32>
        %parallel_loop3A_554 = arith.constant 0.000000e+00 : f32
        %parallel_loop3A_555 = vector.broadcast %parallel_loop3A_554 : f32 to vector<16xf32>
        %parallel_loop3A_556 = arith.maximumf %parallel_loop3A_553, %parallel_loop3A_555 : vector<16xf32>
        %parallel_loop3A_557 = arith.addf %parallel_loop3A_552, %parallel_loop3A_556 : vector<16xf32>
        %parallel_loop3A_558 = arith.index_cast %parallel_loop3A_522 : i32 to index
        %parallel_loop3A_559 = arith.constant 0 : index
        %parallel_loop3A_560 = tpu.vector_load %arg19[%parallel_loop3A_558, %parallel_loop3A_559] {strides = array<i32>} : memref<40x128xf32, #tpu.memory_space<vmem>>, vector<1x16xf32>,
        %parallel_loop3A_561 = vector.shape_cast %parallel_loop3A_560 : vector<1x16xf32> to vector<16xf32>
        %parallel_loop3A_562 = vector.shape_cast %parallel_loop3A_557 : vector<16xf32> to vector<1x16xf32>
        tpu.vector_store %arg19[%parallel_loop3A_558, %parallel_loop3A_559], %parallel_loop3A_562 {strides = array<i32>} : memref<40x128xf32, #tpu.memory_space<vmem>>, vector<1x16xf32>,
        %parallel_loop3A_563 = arith.index_cast %parallel_loop3A_522 : i32 to index
        %parallel_loop3A_564 = arith.constant 16 : index
        %parallel_loop3A_565 = tpu.vector_load %arg16[%parallel_loop3A_563, %parallel_loop3A_564] {strides = array<i32>} : memref<80x128xi32, #tpu.memory_space<vmem>>, vector<1x16xi32>,
        %parallel_loop3A_566 = vector.shape_cast %parallel_loop3A_565 : vector<1x16xi32> to vector<16xi32>
        %parallel_loop3A_567 = arith.constant 40 : i32
        %parallel_loop3A_568 = arith.addi %parallel_loop3A_567, %parallel_loop3A_522 : i32
        %parallel_loop3A_569 = arith.index_cast %parallel_loop3A_568 : i32 to index
        %parallel_loop3A_570 = arith.constant 16 : index
        %parallel_loop3A_571 = tpu.vector_load %arg16[%parallel_loop3A_569, %parallel_loop3A_570] {strides = array<i32>} : memref<80x128xi32, #tpu.memory_space<vmem>>, vector<1x16xi32>,
        %parallel_loop3A_572 = vector.shape_cast %parallel_loop3A_571 : vector<1x16xi32> to vector<16xi32>
        %parallel_loop3A_573 = arith.constant 16 : i32
        %parallel_loop3A_574 = vector.broadcast %parallel_loop3A_573 : i32 to vector<16xi32>
        %parallel_loop3A_575 = arith.shli %parallel_loop3A_566, %parallel_loop3A_574 : vector<16xi32>
        %parallel_loop3A_576 = tpu.bitcast %parallel_loop3A_575 : vector<16xi32> -> vector<16xf32>
        %parallel_loop3A_577 = arith.constant -65536 : i32
        %parallel_loop3A_578 = vector.broadcast %parallel_loop3A_577 : i32 to vector<16xi32>
        %parallel_loop3A_579 = arith.andi %parallel_loop3A_566, %parallel_loop3A_578 : vector<16xi32>
        %parallel_loop3A_580 = tpu.bitcast %parallel_loop3A_579 : vector<16xi32> -> vector<16xf32>
        %parallel_loop3A_581 = arith.constant 16 : i32
        %parallel_loop3A_582 = vector.broadcast %parallel_loop3A_581 : i32 to vector<16xi32>
        %parallel_loop3A_583 = arith.shli %parallel_loop3A_572, %parallel_loop3A_582 : vector<16xi32>
        %parallel_loop3A_584 = tpu.bitcast %parallel_loop3A_583 : vector<16xi32> -> vector<16xf32>
        %parallel_loop3A_585 = arith.constant -65536 : i32
        %parallel_loop3A_586 = vector.broadcast %parallel_loop3A_585 : i32 to vector<16xi32>
        %parallel_loop3A_587 = arith.andi %parallel_loop3A_572, %parallel_loop3A_586 : vector<16xi32>
        %parallel_loop3A_588 = tpu.bitcast %parallel_loop3A_587 : vector<16xi32> -> vector<16xf32>
        %parallel_loop3A_589 = arith.addf %parallel_loop3A_576, %parallel_loop3A_588 : vector<16xf32>
        %parallel_loop3A_590 = arith.constant 0.000000e+00 : f32
        %parallel_loop3A_591 = vector.broadcast %parallel_loop3A_590 : f32 to vector<16xf32>
        %parallel_loop3A_592 = arith.maximumf %parallel_loop3A_589, %parallel_loop3A_591 : vector<16xf32>
        %parallel_loop3A_593 = arith.addf %parallel_loop3A_584, %parallel_loop3A_580 : vector<16xf32>
        %parallel_loop3A_594 = arith.constant 0.000000e+00 : f32
        %parallel_loop3A_595 = vector.broadcast %parallel_loop3A_594 : f32 to vector<16xf32>
        %parallel_loop3A_596 = arith.maximumf %parallel_loop3A_593, %parallel_loop3A_595 : vector<16xf32>
        %parallel_loop3A_597 = arith.addf %parallel_loop3A_592, %parallel_loop3A_596 : vector<16xf32>
        %parallel_loop3A_598 = arith.index_cast %parallel_loop3A_522 : i32 to index
        %parallel_loop3A_599 = arith.constant 16 : index
        %parallel_loop3A_600 = tpu.vector_load %arg19[%parallel_loop3A_598, %parallel_loop3A_599] {strides = array<i32>} : memref<40x128xf32, #tpu.memory_space<vmem>>, vector<1x16xf32>,
        %parallel_loop3A_601 = vector.shape_cast %parallel_loop3A_600 : vector<1x16xf32> to vector<16xf32>
        %parallel_loop3A_602 = vector.shape_cast %parallel_loop3A_597 : vector<16xf32> to vector<1x16xf32>
        tpu.vector_store %arg19[%parallel_loop3A_598, %parallel_loop3A_599], %parallel_loop3A_602 {strides = array<i32>} : memref<40x128xf32, #tpu.memory_space<vmem>>, vector<1x16xf32>,
        %parallel_loop3A_603 = arith.index_cast %parallel_loop3A_522 : i32 to index
        %parallel_loop3A_604 = arith.constant 32 : index
        %parallel_loop3A_605 = tpu.vector_load %arg16[%parallel_loop3A_603, %parallel_loop3A_604] {strides = array<i32>} : memref<80x128xi32, #tpu.memory_space<vmem>>, vector<1x16xi32>,
        %parallel_loop3A_606 = vector.shape_cast %parallel_loop3A_605 : vector<1x16xi32> to vector<16xi32>
        %parallel_loop3A_607 = arith.constant 40 : i32
        %parallel_loop3A_608 = arith.addi %parallel_loop3A_607, %parallel_loop3A_522 : i32
        %parallel_loop3A_609 = arith.index_cast %parallel_loop3A_608 : i32 to index
        %parallel_loop3A_610 = arith.constant 32 : index
        %parallel_loop3A_611 = tpu.vector_load %arg16[%parallel_loop3A_609, %parallel_loop3A_610] {strides = array<i32>} : memref<80x128xi32, #tpu.memory_space<vmem>>, vector<1x16xi32>,
        %parallel_loop3A_612 = vector.shape_cast %parallel_loop3A_611 : vector<1x16xi32> to vector<16xi32>
        %parallel_loop3A_613 = arith.constant 16 : i32
        %parallel_loop3A_614 = vector.broadcast %parallel_loop3A_613 : i32 to vector<16xi32>
        %parallel_loop3A_615 = arith.shli %parallel_loop3A_606, %parallel_loop3A_614 : vector<16xi32>
        %parallel_loop3A_616 = tpu.bitcast %parallel_loop3A_615 : vector<16xi32> -> vector<16xf32>
        %parallel_loop3A_617 = arith.constant -65536 : i32
        %parallel_loop3A_618 = vector.broadcast %parallel_loop3A_617 : i32 to vector<16xi32>
        %parallel_loop3A_619 = arith.andi %parallel_loop3A_606, %parallel_loop3A_618 : vector<16xi32>
        %parallel_loop3A_620 = tpu.bitcast %parallel_loop3A_619 : vector<16xi32> -> vector<16xf32>
        %parallel_loop3A_621 = arith.constant 16 : i32
        %parallel_loop3A_622 = vector.broadcast %parallel_loop3A_621 : i32 to vector<16xi32>
        %parallel_loop3A_623 = arith.shli %parallel_loop3A_612, %parallel_loop3A_622 : vector<16xi32>
        %parallel_loop3A_624 = tpu.bitcast %parallel_loop3A_623 : vector<16xi32> -> vector<16xf32>
        %parallel_loop3A_625 = arith.constant -65536 : i32
        %parallel_loop3A_626 = vector.broadcast %parallel_loop3A_625 : i32 to vector<16xi32>
        %parallel_loop3A_627 = arith.andi %parallel_loop3A_612, %parallel_loop3A_626 : vector<16xi32>
        %parallel_loop3A_628 = tpu.bitcast %parallel_loop3A_627 : vector<16xi32> -> vector<16xf32>
        %parallel_loop3A_629 = arith.addf %parallel_loop3A_616, %parallel_loop3A_628 : vector<16xf32>
        %parallel_loop3A_630 = arith.constant 0.000000e+00 : f32
        %parallel_loop3A_631 = vector.broadcast %parallel_loop3A_630 : f32 to vector<16xf32>
        %parallel_loop3A_632 = arith.maximumf %parallel_loop3A_629, %parallel_loop3A_631 : vector<16xf32>
        %parallel_loop3A_633 = arith.addf %parallel_loop3A_624, %parallel_loop3A_620 : vector<16xf32>
        %parallel_loop3A_634 = arith.constant 0.000000e+00 : f32
        %parallel_loop3A_635 = vector.broadcast %parallel_loop3A_634 : f32 to vector<16xf32>
        %parallel_loop3A_636 = arith.maximumf %parallel_loop3A_633, %parallel_loop3A_635 : vector<16xf32>
        %parallel_loop3A_637 = arith.addf %parallel_loop3A_632, %parallel_loop3A_636 : vector<16xf32>
        %parallel_loop3A_638 = arith.index_cast %parallel_loop3A_522 : i32 to index
        %parallel_loop3A_639 = arith.constant 32 : index
        %parallel_loop3A_640 = tpu.vector_load %arg19[%parallel_loop3A_638, %parallel_loop3A_639] {strides = array<i32>} : memref<40x128xf32, #tpu.memory_space<vmem>>, vector<1x16xf32>,
        %parallel_loop3A_641 = vector.shape_cast %parallel_loop3A_640 : vector<1x16xf32> to vector<16xf32>
        %parallel_loop3A_642 = vector.shape_cast %parallel_loop3A_637 : vector<16xf32> to vector<1x16xf32>
        tpu.vector_store %arg19[%parallel_loop3A_638, %parallel_loop3A_639], %parallel_loop3A_642 {strides = array<i32>} : memref<40x128xf32, #tpu.memory_space<vmem>>, vector<1x16xf32>,
        %parallel_loop3A_643 = arith.index_cast %parallel_loop3A_522 : i32 to index
        %parallel_loop3A_644 = arith.constant 48 : index
        %parallel_loop3A_645 = tpu.vector_load %arg16[%parallel_loop3A_643, %parallel_loop3A_644] {strides = array<i32>} : memref<80x128xi32, #tpu.memory_space<vmem>>, vector<1x16xi32>,
        %parallel_loop3A_646 = vector.shape_cast %parallel_loop3A_645 : vector<1x16xi32> to vector<16xi32>
        %parallel_loop3A_647 = arith.constant 40 : i32
        %parallel_loop3A_648 = arith.addi %parallel_loop3A_647, %parallel_loop3A_522 : i32
        %parallel_loop3A_649 = arith.index_cast %parallel_loop3A_648 : i32 to index
        %parallel_loop3A_650 = arith.constant 48 : index
        %parallel_loop3A_651 = tpu.vector_load %arg16[%parallel_loop3A_649, %parallel_loop3A_650] {strides = array<i32>} : memref<80x128xi32, #tpu.memory_space<vmem>>, vector<1x16xi32>,
        %parallel_loop3A_652 = vector.shape_cast %parallel_loop3A_651 : vector<1x16xi32> to vector<16xi32>
        %parallel_loop3A_653 = arith.constant 16 : i32
        %parallel_loop3A_654 = vector.broadcast %parallel_loop3A_653 : i32 to vector<16xi32>
        %parallel_loop3A_655 = arith.shli %parallel_loop3A_646, %parallel_loop3A_654 : vector<16xi32>
        %parallel_loop3A_656 = tpu.bitcast %parallel_loop3A_655 : vector<16xi32> -> vector<16xf32>
        %parallel_loop3A_657 = arith.constant -65536 : i32
        %parallel_loop3A_658 = vector.broadcast %parallel_loop3A_657 : i32 to vector<16xi32>
        %parallel_loop3A_659 = arith.andi %parallel_loop3A_646, %parallel_loop3A_658 : vector<16xi32>
        %parallel_loop3A_660 = tpu.bitcast %parallel_loop3A_659 : vector<16xi32> -> vector<16xf32>
        %parallel_loop3A_661 = arith.constant 16 : i32
        %parallel_loop3A_662 = vector.broadcast %parallel_loop3A_661 : i32 to vector<16xi32>
        %parallel_loop3A_663 = arith.shli %parallel_loop3A_652, %parallel_loop3A_662 : vector<16xi32>
        %parallel_loop3A_664 = tpu.bitcast %parallel_loop3A_663 : vector<16xi32> -> vector<16xf32>
        %parallel_loop3A_665 = arith.constant -65536 : i32
        %parallel_loop3A_666 = vector.broadcast %parallel_loop3A_665 : i32 to vector<16xi32>
        %parallel_loop3A_667 = arith.andi %parallel_loop3A_652, %parallel_loop3A_666 : vector<16xi32>
        %parallel_loop3A_668 = tpu.bitcast %parallel_loop3A_667 : vector<16xi32> -> vector<16xf32>
        %parallel_loop3A_669 = arith.addf %parallel_loop3A_656, %parallel_loop3A_668 : vector<16xf32>
        %parallel_loop3A_670 = arith.constant 0.000000e+00 : f32
        %parallel_loop3A_671 = vector.broadcast %parallel_loop3A_670 : f32 to vector<16xf32>
        %parallel_loop3A_672 = arith.maximumf %parallel_loop3A_669, %parallel_loop3A_671 : vector<16xf32>
        %parallel_loop3A_673 = arith.addf %parallel_loop3A_664, %parallel_loop3A_660 : vector<16xf32>
        %parallel_loop3A_674 = arith.constant 0.000000e+00 : f32
        %parallel_loop3A_675 = vector.broadcast %parallel_loop3A_674 : f32 to vector<16xf32>
        %parallel_loop3A_676 = arith.maximumf %parallel_loop3A_673, %parallel_loop3A_675 : vector<16xf32>
        %parallel_loop3A_677 = arith.addf %parallel_loop3A_672, %parallel_loop3A_676 : vector<16xf32>
        %parallel_loop3A_678 = arith.index_cast %parallel_loop3A_522 : i32 to index
        %parallel_loop3A_679 = arith.constant 48 : index
        %parallel_loop3A_680 = tpu.vector_load %arg19[%parallel_loop3A_678, %parallel_loop3A_679] {strides = array<i32>} : memref<40x128xf32, #tpu.memory_space<vmem>>, vector<1x16xf32>,
        %parallel_loop3A_681 = vector.shape_cast %parallel_loop3A_680 : vector<1x16xf32> to vector<16xf32>
        %parallel_loop3A_682 = vector.shape_cast %parallel_loop3A_677 : vector<16xf32> to vector<1x16xf32>
        tpu.vector_store %arg19[%parallel_loop3A_678, %parallel_loop3A_679], %parallel_loop3A_682 {strides = array<i32>} : memref<40x128xf32, #tpu.memory_space<vmem>>, vector<1x16xf32>,
        %parallel_loop3A_683 = arith.index_cast %parallel_loop3A_522 : i32 to index
        %parallel_loop3A_684 = arith.constant 64 : index
        %parallel_loop3A_685 = tpu.vector_load %arg16[%parallel_loop3A_683, %parallel_loop3A_684] {strides = array<i32>} : memref<80x128xi32, #tpu.memory_space<vmem>>, vector<1x16xi32>,
        %parallel_loop3A_686 = vector.shape_cast %parallel_loop3A_685 : vector<1x16xi32> to vector<16xi32>
        %parallel_loop3A_687 = arith.constant 40 : i32
        %parallel_loop3A_688 = arith.addi %parallel_loop3A_687, %parallel_loop3A_522 : i32
        %parallel_loop3A_689 = arith.index_cast %parallel_loop3A_688 : i32 to index
        %parallel_loop3A_690 = arith.constant 64 : index
        %parallel_loop3A_691 = tpu.vector_load %arg16[%parallel_loop3A_689, %parallel_loop3A_690] {strides = array<i32>} : memref<80x128xi32, #tpu.memory_space<vmem>>, vector<1x16xi32>,
        %parallel_loop3A_692 = vector.shape_cast %parallel_loop3A_691 : vector<1x16xi32> to vector<16xi32>
        %parallel_loop3A_693 = arith.constant 16 : i32
        %parallel_loop3A_694 = vector.broadcast %parallel_loop3A_693 : i32 to vector<16xi32>
        %parallel_loop3A_695 = arith.shli %parallel_loop3A_686, %parallel_loop3A_694 : vector<16xi32>
        %parallel_loop3A_696 = tpu.bitcast %parallel_loop3A_695 : vector<16xi32> -> vector<16xf32>
        %parallel_loop3A_697 = arith.constant -65536 : i32
        %parallel_loop3A_698 = vector.broadcast %parallel_loop3A_697 : i32 to vector<16xi32>
        %parallel_loop3A_699 = arith.andi %parallel_loop3A_686, %parallel_loop3A_698 : vector<16xi32>
        %parallel_loop3A_700 = tpu.bitcast %parallel_loop3A_699 : vector<16xi32> -> vector<16xf32>
        %parallel_loop3A_701 = arith.constant 16 : i32
        %parallel_loop3A_702 = vector.broadcast %parallel_loop3A_701 : i32 to vector<16xi32>
        %parallel_loop3A_703 = arith.shli %parallel_loop3A_692, %parallel_loop3A_702 : vector<16xi32>
        %parallel_loop3A_704 = tpu.bitcast %parallel_loop3A_703 : vector<16xi32> -> vector<16xf32>
        %parallel_loop3A_705 = arith.constant -65536 : i32
        %parallel_loop3A_706 = vector.broadcast %parallel_loop3A_705 : i32 to vector<16xi32>
        %parallel_loop3A_707 = arith.andi %parallel_loop3A_692, %parallel_loop3A_706 : vector<16xi32>
        %parallel_loop3A_708 = tpu.bitcast %parallel_loop3A_707 : vector<16xi32> -> vector<16xf32>
        %parallel_loop3A_709 = arith.addf %parallel_loop3A_696, %parallel_loop3A_708 : vector<16xf32>
        %parallel_loop3A_710 = arith.constant 0.000000e+00 : f32
        %parallel_loop3A_711 = vector.broadcast %parallel_loop3A_710 : f32 to vector<16xf32>
        %parallel_loop3A_712 = arith.maximumf %parallel_loop3A_709, %parallel_loop3A_711 : vector<16xf32>
        %parallel_loop3A_713 = arith.addf %parallel_loop3A_704, %parallel_loop3A_700 : vector<16xf32>
        %parallel_loop3A_714 = arith.constant 0.000000e+00 : f32
        %parallel_loop3A_715 = vector.broadcast %parallel_loop3A_714 : f32 to vector<16xf32>
        %parallel_loop3A_716 = arith.maximumf %parallel_loop3A_713, %parallel_loop3A_715 : vector<16xf32>
        %parallel_loop3A_717 = arith.addf %parallel_loop3A_712, %parallel_loop3A_716 : vector<16xf32>
        %parallel_loop3A_718 = arith.index_cast %parallel_loop3A_522 : i32 to index
        %parallel_loop3A_719 = arith.constant 64 : index
        %parallel_loop3A_720 = tpu.vector_load %arg19[%parallel_loop3A_718, %parallel_loop3A_719] {strides = array<i32>} : memref<40x128xf32, #tpu.memory_space<vmem>>, vector<1x16xf32>,
        %parallel_loop3A_721 = vector.shape_cast %parallel_loop3A_720 : vector<1x16xf32> to vector<16xf32>
        %parallel_loop3A_722 = vector.shape_cast %parallel_loop3A_717 : vector<16xf32> to vector<1x16xf32>
        tpu.vector_store %arg19[%parallel_loop3A_718, %parallel_loop3A_719], %parallel_loop3A_722 {strides = array<i32>} : memref<40x128xf32, #tpu.memory_space<vmem>>, vector<1x16xf32>,
        %parallel_loop3A_723 = arith.index_cast %parallel_loop3A_522 : i32 to index
        %parallel_loop3A_724 = arith.constant 80 : index
        %parallel_loop3A_725 = tpu.vector_load %arg16[%parallel_loop3A_723, %parallel_loop3A_724] {strides = array<i32>} : memref<80x128xi32, #tpu.memory_space<vmem>>, vector<1x16xi32>,
        %parallel_loop3A_726 = vector.shape_cast %parallel_loop3A_725 : vector<1x16xi32> to vector<16xi32>
        %parallel_loop3A_727 = arith.constant 40 : i32
        %parallel_loop3A_728 = arith.addi %parallel_loop3A_727, %parallel_loop3A_522 : i32
        %parallel_loop3A_729 = arith.index_cast %parallel_loop3A_728 : i32 to index
        %parallel_loop3A_730 = arith.constant 80 : index
        %parallel_loop3A_731 = tpu.vector_load %arg16[%parallel_loop3A_729, %parallel_loop3A_730] {strides = array<i32>} : memref<80x128xi32, #tpu.memory_space<vmem>>, vector<1x16xi32>,
        %parallel_loop3A_732 = vector.shape_cast %parallel_loop3A_731 : vector<1x16xi32> to vector<16xi32>
        %parallel_loop3A_733 = arith.constant 16 : i32
        %parallel_loop3A_734 = vector.broadcast %parallel_loop3A_733 : i32 to vector<16xi32>
        %parallel_loop3A_735 = arith.shli %parallel_loop3A_726, %parallel_loop3A_734 : vector<16xi32>
        %parallel_loop3A_736 = tpu.bitcast %parallel_loop3A_735 : vector<16xi32> -> vector<16xf32>
        %parallel_loop3A_737 = arith.constant -65536 : i32
        %parallel_loop3A_738 = vector.broadcast %parallel_loop3A_737 : i32 to vector<16xi32>
        %parallel_loop3A_739 = arith.andi %parallel_loop3A_726, %parallel_loop3A_738 : vector<16xi32>
        %parallel_loop3A_740 = tpu.bitcast %parallel_loop3A_739 : vector<16xi32> -> vector<16xf32>
        %parallel_loop3A_741 = arith.constant 16 : i32
        %parallel_loop3A_742 = vector.broadcast %parallel_loop3A_741 : i32 to vector<16xi32>
        %parallel_loop3A_743 = arith.shli %parallel_loop3A_732, %parallel_loop3A_742 : vector<16xi32>
        %parallel_loop3A_744 = tpu.bitcast %parallel_loop3A_743 : vector<16xi32> -> vector<16xf32>
        %parallel_loop3A_745 = arith.constant -65536 : i32
        %parallel_loop3A_746 = vector.broadcast %parallel_loop3A_745 : i32 to vector<16xi32>
        %parallel_loop3A_747 = arith.andi %parallel_loop3A_732, %parallel_loop3A_746 : vector<16xi32>
        %parallel_loop3A_748 = tpu.bitcast %parallel_loop3A_747 : vector<16xi32> -> vector<16xf32>
        %parallel_loop3A_749 = arith.addf %parallel_loop3A_736, %parallel_loop3A_748 : vector<16xf32>
        %parallel_loop3A_750 = arith.constant 0.000000e+00 : f32
        %parallel_loop3A_751 = vector.broadcast %parallel_loop3A_750 : f32 to vector<16xf32>
        %parallel_loop3A_752 = arith.maximumf %parallel_loop3A_749, %parallel_loop3A_751 : vector<16xf32>
        %parallel_loop3A_753 = arith.addf %parallel_loop3A_744, %parallel_loop3A_740 : vector<16xf32>
        %parallel_loop3A_754 = arith.constant 0.000000e+00 : f32
        %parallel_loop3A_755 = vector.broadcast %parallel_loop3A_754 : f32 to vector<16xf32>
        %parallel_loop3A_756 = arith.maximumf %parallel_loop3A_753, %parallel_loop3A_755 : vector<16xf32>
        %parallel_loop3A_757 = arith.addf %parallel_loop3A_752, %parallel_loop3A_756 : vector<16xf32>
        %parallel_loop3A_758 = arith.index_cast %parallel_loop3A_522 : i32 to index
        %parallel_loop3A_759 = arith.constant 80 : index
        %parallel_loop3A_760 = tpu.vector_load %arg19[%parallel_loop3A_758, %parallel_loop3A_759] {strides = array<i32>} : memref<40x128xf32, #tpu.memory_space<vmem>>, vector<1x16xf32>,
        %parallel_loop3A_761 = vector.shape_cast %parallel_loop3A_760 : vector<1x16xf32> to vector<16xf32>
        %parallel_loop3A_762 = vector.shape_cast %parallel_loop3A_757 : vector<16xf32> to vector<1x16xf32>
        tpu.vector_store %arg19[%parallel_loop3A_758, %parallel_loop3A_759], %parallel_loop3A_762 {strides = array<i32>} : memref<40x128xf32, #tpu.memory_space<vmem>>, vector<1x16xf32>,
        %parallel_loop3A_763 = arith.index_cast %parallel_loop3A_522 : i32 to index
        %parallel_loop3A_764 = arith.constant 96 : index
        %parallel_loop3A_765 = tpu.vector_load %arg16[%parallel_loop3A_763, %parallel_loop3A_764] {strides = array<i32>} : memref<80x128xi32, #tpu.memory_space<vmem>>, vector<1x16xi32>,
        %parallel_loop3A_766 = vector.shape_cast %parallel_loop3A_765 : vector<1x16xi32> to vector<16xi32>
        %parallel_loop3A_767 = arith.constant 40 : i32
        %parallel_loop3A_768 = arith.addi %parallel_loop3A_767, %parallel_loop3A_522 : i32
        %parallel_loop3A_769 = arith.index_cast %parallel_loop3A_768 : i32 to index
        %parallel_loop3A_770 = arith.constant 96 : index
        %parallel_loop3A_771 = tpu.vector_load %arg16[%parallel_loop3A_769, %parallel_loop3A_770] {strides = array<i32>} : memref<80x128xi32, #tpu.memory_space<vmem>>, vector<1x16xi32>,
        %parallel_loop3A_772 = vector.shape_cast %parallel_loop3A_771 : vector<1x16xi32> to vector<16xi32>
        %parallel_loop3A_773 = arith.constant 16 : i32
        %parallel_loop3A_774 = vector.broadcast %parallel_loop3A_773 : i32 to vector<16xi32>
        %parallel_loop3A_775 = arith.shli %parallel_loop3A_766, %parallel_loop3A_774 : vector<16xi32>
        %parallel_loop3A_776 = tpu.bitcast %parallel_loop3A_775 : vector<16xi32> -> vector<16xf32>
        %parallel_loop3A_777 = arith.constant -65536 : i32
        %parallel_loop3A_778 = vector.broadcast %parallel_loop3A_777 : i32 to vector<16xi32>
        %parallel_loop3A_779 = arith.andi %parallel_loop3A_766, %parallel_loop3A_778 : vector<16xi32>
        %parallel_loop3A_780 = tpu.bitcast %parallel_loop3A_779 : vector<16xi32> -> vector<16xf32>
        %parallel_loop3A_781 = arith.constant 16 : i32
        %parallel_loop3A_782 = vector.broadcast %parallel_loop3A_781 : i32 to vector<16xi32>
        %parallel_loop3A_783 = arith.shli %parallel_loop3A_772, %parallel_loop3A_782 : vector<16xi32>
        %parallel_loop3A_784 = tpu.bitcast %parallel_loop3A_783 : vector<16xi32> -> vector<16xf32>
        %parallel_loop3A_785 = arith.constant -65536 : i32
        %parallel_loop3A_786 = vector.broadcast %parallel_loop3A_785 : i32 to vector<16xi32>
        %parallel_loop3A_787 = arith.andi %parallel_loop3A_772, %parallel_loop3A_786 : vector<16xi32>
        %parallel_loop3A_788 = tpu.bitcast %parallel_loop3A_787 : vector<16xi32> -> vector<16xf32>
        %parallel_loop3A_789 = arith.addf %parallel_loop3A_776, %parallel_loop3A_788 : vector<16xf32>
        %parallel_loop3A_790 = arith.constant 0.000000e+00 : f32
        %parallel_loop3A_791 = vector.broadcast %parallel_loop3A_790 : f32 to vector<16xf32>
        %parallel_loop3A_792 = arith.maximumf %parallel_loop3A_789, %parallel_loop3A_791 : vector<16xf32>
        %parallel_loop3A_793 = arith.addf %parallel_loop3A_784, %parallel_loop3A_780 : vector<16xf32>
        %parallel_loop3A_794 = arith.constant 0.000000e+00 : f32
        %parallel_loop3A_795 = vector.broadcast %parallel_loop3A_794 : f32 to vector<16xf32>
        %parallel_loop3A_796 = arith.maximumf %parallel_loop3A_793, %parallel_loop3A_795 : vector<16xf32>
        %parallel_loop3A_797 = arith.addf %parallel_loop3A_792, %parallel_loop3A_796 : vector<16xf32>
        %parallel_loop3A_798 = arith.index_cast %parallel_loop3A_522 : i32 to index
        %parallel_loop3A_799 = arith.constant 96 : index
        %parallel_loop3A_800 = tpu.vector_load %arg19[%parallel_loop3A_798, %parallel_loop3A_799] {strides = array<i32>} : memref<40x128xf32, #tpu.memory_space<vmem>>, vector<1x16xf32>,
        %parallel_loop3A_801 = vector.shape_cast %parallel_loop3A_800 : vector<1x16xf32> to vector<16xf32>
        %parallel_loop3A_802 = vector.shape_cast %parallel_loop3A_797 : vector<16xf32> to vector<1x16xf32>
        tpu.vector_store %arg19[%parallel_loop3A_798, %parallel_loop3A_799], %parallel_loop3A_802 {strides = array<i32>} : memref<40x128xf32, #tpu.memory_space<vmem>>, vector<1x16xf32>,
        %parallel_loop3A_803 = arith.index_cast %parallel_loop3A_522 : i32 to index
        %parallel_loop3A_804 = arith.constant 112 : index
        %parallel_loop3A_805 = tpu.vector_load %arg16[%parallel_loop3A_803, %parallel_loop3A_804] {strides = array<i32>} : memref<80x128xi32, #tpu.memory_space<vmem>>, vector<1x16xi32>,
        %parallel_loop3A_806 = vector.shape_cast %parallel_loop3A_805 : vector<1x16xi32> to vector<16xi32>
        %parallel_loop3A_807 = arith.constant 40 : i32
        %parallel_loop3A_808 = arith.addi %parallel_loop3A_807, %parallel_loop3A_522 : i32
        %parallel_loop3A_809 = arith.index_cast %parallel_loop3A_808 : i32 to index
        %parallel_loop3A_810 = arith.constant 112 : index
        %parallel_loop3A_811 = tpu.vector_load %arg16[%parallel_loop3A_809, %parallel_loop3A_810] {strides = array<i32>} : memref<80x128xi32, #tpu.memory_space<vmem>>, vector<1x16xi32>,
        %parallel_loop3A_812 = vector.shape_cast %parallel_loop3A_811 : vector<1x16xi32> to vector<16xi32>
        %parallel_loop3A_813 = arith.constant 16 : i32
        %parallel_loop3A_814 = vector.broadcast %parallel_loop3A_813 : i32 to vector<16xi32>
        %parallel_loop3A_815 = arith.shli %parallel_loop3A_806, %parallel_loop3A_814 : vector<16xi32>
        %parallel_loop3A_816 = tpu.bitcast %parallel_loop3A_815 : vector<16xi32> -> vector<16xf32>
        %parallel_loop3A_817 = arith.constant -65536 : i32
        %parallel_loop3A_818 = vector.broadcast %parallel_loop3A_817 : i32 to vector<16xi32>
        %parallel_loop3A_819 = arith.andi %parallel_loop3A_806, %parallel_loop3A_818 : vector<16xi32>
        %parallel_loop3A_820 = tpu.bitcast %parallel_loop3A_819 : vector<16xi32> -> vector<16xf32>
        %parallel_loop3A_821 = arith.constant 16 : i32
        %parallel_loop3A_822 = vector.broadcast %parallel_loop3A_821 : i32 to vector<16xi32>
        %parallel_loop3A_823 = arith.shli %parallel_loop3A_812, %parallel_loop3A_822 : vector<16xi32>
        %parallel_loop3A_824 = tpu.bitcast %parallel_loop3A_823 : vector<16xi32> -> vector<16xf32>
        %parallel_loop3A_825 = arith.constant -65536 : i32
        %parallel_loop3A_826 = vector.broadcast %parallel_loop3A_825 : i32 to vector<16xi32>
        %parallel_loop3A_827 = arith.andi %parallel_loop3A_812, %parallel_loop3A_826 : vector<16xi32>
        %parallel_loop3A_828 = tpu.bitcast %parallel_loop3A_827 : vector<16xi32> -> vector<16xf32>
        %parallel_loop3A_829 = arith.addf %parallel_loop3A_816, %parallel_loop3A_828 : vector<16xf32>
        %parallel_loop3A_830 = arith.constant 0.000000e+00 : f32
        %parallel_loop3A_831 = vector.broadcast %parallel_loop3A_830 : f32 to vector<16xf32>
        %parallel_loop3A_832 = arith.maximumf %parallel_loop3A_829, %parallel_loop3A_831 : vector<16xf32>
        %parallel_loop3A_833 = arith.addf %parallel_loop3A_824, %parallel_loop3A_820 : vector<16xf32>
        %parallel_loop3A_834 = arith.constant 0.000000e+00 : f32
        %parallel_loop3A_835 = vector.broadcast %parallel_loop3A_834 : f32 to vector<16xf32>
        %parallel_loop3A_836 = arith.maximumf %parallel_loop3A_833, %parallel_loop3A_835 : vector<16xf32>
        %parallel_loop3A_837 = arith.addf %parallel_loop3A_832, %parallel_loop3A_836 : vector<16xf32>
        %parallel_loop3A_838 = arith.index_cast %parallel_loop3A_522 : i32 to index
        %parallel_loop3A_839 = arith.constant 112 : index
        %parallel_loop3A_840 = tpu.vector_load %arg19[%parallel_loop3A_838, %parallel_loop3A_839] {strides = array<i32>} : memref<40x128xf32, #tpu.memory_space<vmem>>, vector<1x16xf32>,
        %parallel_loop3A_841 = vector.shape_cast %parallel_loop3A_840 : vector<1x16xf32> to vector<16xf32>
        %parallel_loop3A_842 = vector.shape_cast %parallel_loop3A_837 : vector<16xf32> to vector<1x16xf32>
        tpu.vector_store %arg19[%parallel_loop3A_838, %parallel_loop3A_839], %parallel_loop3A_842 {strides = array<i32>} : memref<40x128xf32, #tpu.memory_space<vmem>>, vector<1x16xf32>,
      } {sc.loop_unroll_factor = 1 : i64, sc.parallel_access}
      %mul3A_386 = arith.constant 40 : i32
      %mul3A_387 = arith.muli %add3A_363, %mul3A_386 : i32
      %add3A_388 = arith.addi %mul3A_2, %mul3A_387 : i32
      %dma_start3A_389 = arith.constant 0 : i32
      %dma_start3A_390 = tpu.memref_slice %arg4[%add3A_388, %dma_start3A_389] : memref<320000x128xf32, #tpu.memory_space<hbm>> -> memref<40x128xf32, #tpu.memory_space<hbm>>
      %dma_start3A_391 = arith.constant 0 : i32
      %dma_start3A_392 = tpu.memref_slice %arg4[%add3A_388, %dma_start3A_391] : memref<320000x128xf32, #tpu.memory_space<hbm>> -> memref<40x128xf32, #tpu.memory_space<hbm>>
      tpu.enqueue_dma source(%arg19 : memref<40x128xf32, #tpu.memory_space<vmem>>) target(%dma_start3A_392 : memref<40x128xf32, #tpu.memory_space<hbm>>) target_semaphore(%arg36 : memref<!tpu.dma_semaphore, #tpu.memory_space<semaphore_mem>>)
      %add3A_393 = arith.constant 6 : i32
      %add3A_394 = arith.addi %mul3A_124, %add3A_393 : i32
      %add3A_395 = arith.constant 2 : i32
      %add3A_396 = arith.addi %add3A_394, %add3A_395 : i32
      %lt3A_397 = arith.constant 250 : i32
      %lt3A_398 = arith.cmpi slt, %add3A_396, %lt3A_397 : i32
      %convert_element_type3A_399 = arith.extui %lt3A_398 : i1 to i32
      %cond3A_400 = arith.constant 0 : i32
      %cond3A_401 = arith.cmpi ne, %convert_element_type3A_399, %cond3A_400 : i32
      scf.if %cond3A_401 {
        %dma_wait3A_522 = arith.constant 0 : i32
        %dma_wait3A_523 = arith.constant 0 : i32
        %dma_wait3A_524 = tpu.memref_slice %arg3[%add3A, %dma_wait3A_522, %dma_wait3A_523] : memref<32x250x80xi32, #tpu.memory_space<hbm>> -> memref<1x1x80xi32, #tpu.memory_space<hbm>>
        %dma_wait3A_525 = tpu.memref_squeeze %dma_wait3A_524 : memref<1x1x80xi32, #tpu.memory_space<hbm>> -> memref<80xi32, #tpu.memory_space<hbm>>
        %dma_wait3A_526 = arith.constant 0 : i32
        %dma_wait3A_527 = tpu.memref_slice %arg3[%add3A, %dma_wait3A_522, %dma_wait3A_526] : memref<32x250x80xi32, #tpu.memory_space<hbm>> -> memref<1x1x80xi32, #tpu.memory_space<hbm>>
        %dma_wait3A_528 = tpu.memref_squeeze %dma_wait3A_527 : memref<1x1x80xi32, #tpu.memory_space<hbm>> -> memref<80xi32, #tpu.memory_space<hbm>>
        tpu.wait_dma2 semaphore(%arg31 : memref<!tpu.dma_semaphore, #tpu.memory_space<semaphore_mem>>) src(%dma_wait3A_528 : memref<80xi32, #tpu.memory_space<hbm>>) dst(%arg14 : memref<80xi32, #tpu.memory_space<vmem>>)
        %dma_start3A_529 = arith.constant 0 : i32
        %dma_start3A_530 = arith.constant 0 : i32
        %dma_start3A_531 = tpu.memref_slice %arg5[%dma_start3A_529, %dma_start3A_530] : memref<10000x128xi32, #tpu.memory_space<vmem_shared>> -> memref<10000x128xi32, #tpu.memory_space<vmem_shared>>
        tpu.enqueue_indirect_dma source(%dma_start3A_531 : memref<10000x128xi32, #tpu.memory_space<vmem_shared>>) target(%arg16 : memref<80x128xi32, #tpu.memory_space<vmem>>) offsets(%arg14 : memref<80xi32, #tpu.memory_space<vmem>>) semaphore(%arg33 : memref<!tpu.dma_semaphore, #tpu.memory_space<semaphore_mem>>)
      } else {
      }
      %add3A_402 = arith.constant 7 : i32
      %add3A_403 = arith.addi %mul3A_124, %add3A_402 : i32
      %dma_wait3A_404 = arith.constant 0 : i32
      %dma_wait3A_405 = arith.constant 0 : i32
      %dma_wait3A_406 = tpu.memref_slice %arg5[%dma_wait3A_404, %dma_wait3A_405] : memref<10000x128xi32, #tpu.memory_space<vmem_shared>> -> memref<10000x128xi32, #tpu.memory_space<vmem_shared>>
      tpu.wait_indirect_dma semaphore(%arg34 : memref<!tpu.dma_semaphore, #tpu.memory_space<semaphore_mem>>) src(%dma_wait3A_406 : memref<10000x128xi32, #tpu.memory_space<vmem_shared>>) dst(%arg17 : memref<80x128xi32, #tpu.memory_space<vmem>>)
      %add3A_407 = arith.constant 7 : i32
      %add3A_408 = arith.addi %mul3A_124, %add3A_407 : i32
      %add3A_409 = arith.constant 10 : i32
      %add3A_410 = arith.addi %add3A_408, %add3A_409 : i32
      %lt3A_411 = arith.constant 250 : i32
      %lt3A_412 = arith.cmpi slt, %add3A_410, %lt3A_411 : i32
      %convert_element_type3A_413 = arith.extui %lt3A_412 : i1 to i32
      %cond3A_414 = arith.constant 0 : i32
      %cond3A_415 = arith.cmpi ne, %convert_element_type3A_413, %cond3A_414 : i32
      scf.if %cond3A_415 {
        %add3A_522 = arith.constant 10 : i32
        %add3A_523 = arith.addi %add3A_403, %add3A_522 : i32
        %dma_start3A_524 = arith.constant 0 : i32
        %dma_start3A_525 = tpu.memref_slice %arg3[%add3A, %add3A_523, %dma_start3A_524] : memref<32x250x80xi32, #tpu.memory_space<hbm>> -> memref<1x1x80xi32, #tpu.memory_space<hbm>>
        %dma_start3A_526 = tpu.memref_squeeze %dma_start3A_525 : memref<1x1x80xi32, #tpu.memory_space<hbm>> -> memref<80xi32, #tpu.memory_space<hbm>>
        %dma_start3A_527 = arith.constant 0 : i32
        %dma_start3A_528 = tpu.memref_slice %arg3[%add3A, %add3A_523, %dma_start3A_527] : memref<32x250x80xi32, #tpu.memory_space<hbm>> -> memref<1x1x80xi32, #tpu.memory_space<hbm>>
        %dma_start3A_529 = tpu.memref_squeeze %dma_start3A_528 : memref<1x1x80xi32, #tpu.memory_space<hbm>> -> memref<80xi32, #tpu.memory_space<hbm>>
        tpu.enqueue_dma source(%dma_start3A_529 : memref<80xi32, #tpu.memory_space<hbm>>) target(%arg13 : memref<80xi32, #tpu.memory_space<vmem>>) target_semaphore(%arg30 : memref<!tpu.dma_semaphore, #tpu.memory_space<semaphore_mem>>)
      } else {
      }
      %add3A_416 = arith.constant 7 : i32
      %add3A_417 = arith.addi %mul3A_124, %add3A_416 : i32
      %ge3A_418 = arith.constant 5 : i32
      %ge3A_419 = arith.cmpi sge, %add3A_417, %ge3A_418 : i32
      %convert_element_type3A_420 = arith.extui %ge3A_419 : i1 to i32
      %cond3A_421 = arith.constant 0 : i32
      %cond3A_422 = arith.cmpi ne, %convert_element_type3A_420, %cond3A_421 : i32
      scf.if %cond3A_422 {
        %dma_wait3A_522 = arith.constant 0 : i32
        %dma_wait3A_523 = tpu.memref_slice %arg4[%mul3A_2, %dma_wait3A_522] : memref<320000x128xf32, #tpu.memory_space<hbm>> -> memref<40x128xf32, #tpu.memory_space<hbm>>
        %dma_wait3A_524 = arith.constant 0 : i32
        %dma_wait3A_525 = tpu.memref_slice %arg4[%mul3A_2, %dma_wait3A_524] : memref<320000x128xf32, #tpu.memory_space<hbm>> -> memref<40x128xf32, #tpu.memory_space<hbm>>
        tpu.wait_dma2 semaphore(%arg37 : memref<!tpu.dma_semaphore, #tpu.memory_space<semaphore_mem>>) src(%arg20 : memref<40x128xf32, #tpu.memory_space<vmem>>) dst(%dma_wait3A_525 : memref<40x128xf32, #tpu.memory_space<hbm>>)
      } else {
      }
      %parallel_loop3A_423 = arith.constant 0 : i32
      %parallel_loop3A_424 = arith.constant 40 : i32
      %parallel_loop3A_425 = arith.constant 1 : i32
      scf.for %parallel_loop3A_522 = %parallel_loop3A_423 to %parallel_loop3A_424 step %parallel_loop3A_425  : i32 {
        %parallel_loop3A_523 = arith.index_cast %parallel_loop3A_522 : i32 to index
        %parallel_loop3A_524 = arith.constant 0 : index
        %parallel_loop3A_525 = tpu.vector_load %arg17[%parallel_loop3A_523, %parallel_loop3A_524] {strides = array<i32>} : memref<80x128xi32, #tpu.memory_space<vmem>>, vector<1x16xi32>,
        %parallel_loop3A_526 = vector.shape_cast %parallel_loop3A_525 : vector<1x16xi32> to vector<16xi32>
        %parallel_loop3A_527 = arith.constant 40 : i32
        %parallel_loop3A_528 = arith.addi %parallel_loop3A_527, %parallel_loop3A_522 : i32
        %parallel_loop3A_529 = arith.index_cast %parallel_loop3A_528 : i32 to index
        %parallel_loop3A_530 = arith.constant 0 : index
        %parallel_loop3A_531 = tpu.vector_load %arg17[%parallel_loop3A_529, %parallel_loop3A_530] {strides = array<i32>} : memref<80x128xi32, #tpu.memory_space<vmem>>, vector<1x16xi32>,
        %parallel_loop3A_532 = vector.shape_cast %parallel_loop3A_531 : vector<1x16xi32> to vector<16xi32>
        %parallel_loop3A_533 = arith.constant 16 : i32
        %parallel_loop3A_534 = vector.broadcast %parallel_loop3A_533 : i32 to vector<16xi32>
        %parallel_loop3A_535 = arith.shli %parallel_loop3A_526, %parallel_loop3A_534 : vector<16xi32>
        %parallel_loop3A_536 = tpu.bitcast %parallel_loop3A_535 : vector<16xi32> -> vector<16xf32>
        %parallel_loop3A_537 = arith.constant -65536 : i32
        %parallel_loop3A_538 = vector.broadcast %parallel_loop3A_537 : i32 to vector<16xi32>
        %parallel_loop3A_539 = arith.andi %parallel_loop3A_526, %parallel_loop3A_538 : vector<16xi32>
        %parallel_loop3A_540 = tpu.bitcast %parallel_loop3A_539 : vector<16xi32> -> vector<16xf32>
        %parallel_loop3A_541 = arith.constant 16 : i32
        %parallel_loop3A_542 = vector.broadcast %parallel_loop3A_541 : i32 to vector<16xi32>
        %parallel_loop3A_543 = arith.shli %parallel_loop3A_532, %parallel_loop3A_542 : vector<16xi32>
        %parallel_loop3A_544 = tpu.bitcast %parallel_loop3A_543 : vector<16xi32> -> vector<16xf32>
        %parallel_loop3A_545 = arith.constant -65536 : i32
        %parallel_loop3A_546 = vector.broadcast %parallel_loop3A_545 : i32 to vector<16xi32>
        %parallel_loop3A_547 = arith.andi %parallel_loop3A_532, %parallel_loop3A_546 : vector<16xi32>
        %parallel_loop3A_548 = tpu.bitcast %parallel_loop3A_547 : vector<16xi32> -> vector<16xf32>
        %parallel_loop3A_549 = arith.addf %parallel_loop3A_536, %parallel_loop3A_548 : vector<16xf32>
        %parallel_loop3A_550 = arith.constant 0.000000e+00 : f32
        %parallel_loop3A_551 = vector.broadcast %parallel_loop3A_550 : f32 to vector<16xf32>
        %parallel_loop3A_552 = arith.maximumf %parallel_loop3A_549, %parallel_loop3A_551 : vector<16xf32>
        %parallel_loop3A_553 = arith.addf %parallel_loop3A_544, %parallel_loop3A_540 : vector<16xf32>
        %parallel_loop3A_554 = arith.constant 0.000000e+00 : f32
        %parallel_loop3A_555 = vector.broadcast %parallel_loop3A_554 : f32 to vector<16xf32>
        %parallel_loop3A_556 = arith.maximumf %parallel_loop3A_553, %parallel_loop3A_555 : vector<16xf32>
        %parallel_loop3A_557 = arith.addf %parallel_loop3A_552, %parallel_loop3A_556 : vector<16xf32>
        %parallel_loop3A_558 = arith.index_cast %parallel_loop3A_522 : i32 to index
        %parallel_loop3A_559 = arith.constant 0 : index
        %parallel_loop3A_560 = tpu.vector_load %arg20[%parallel_loop3A_558, %parallel_loop3A_559] {strides = array<i32>} : memref<40x128xf32, #tpu.memory_space<vmem>>, vector<1x16xf32>,
        %parallel_loop3A_561 = vector.shape_cast %parallel_loop3A_560 : vector<1x16xf32> to vector<16xf32>
        %parallel_loop3A_562 = vector.shape_cast %parallel_loop3A_557 : vector<16xf32> to vector<1x16xf32>
        tpu.vector_store %arg20[%parallel_loop3A_558, %parallel_loop3A_559], %parallel_loop3A_562 {strides = array<i32>} : memref<40x128xf32, #tpu.memory_space<vmem>>, vector<1x16xf32>,
        %parallel_loop3A_563 = arith.index_cast %parallel_loop3A_522 : i32 to index
        %parallel_loop3A_564 = arith.constant 16 : index
        %parallel_loop3A_565 = tpu.vector_load %arg17[%parallel_loop3A_563, %parallel_loop3A_564] {strides = array<i32>} : memref<80x128xi32, #tpu.memory_space<vmem>>, vector<1x16xi32>,
        %parallel_loop3A_566 = vector.shape_cast %parallel_loop3A_565 : vector<1x16xi32> to vector<16xi32>
        %parallel_loop3A_567 = arith.constant 40 : i32
        %parallel_loop3A_568 = arith.addi %parallel_loop3A_567, %parallel_loop3A_522 : i32
        %parallel_loop3A_569 = arith.index_cast %parallel_loop3A_568 : i32 to index
        %parallel_loop3A_570 = arith.constant 16 : index
        %parallel_loop3A_571 = tpu.vector_load %arg17[%parallel_loop3A_569, %parallel_loop3A_570] {strides = array<i32>} : memref<80x128xi32, #tpu.memory_space<vmem>>, vector<1x16xi32>,
        %parallel_loop3A_572 = vector.shape_cast %parallel_loop3A_571 : vector<1x16xi32> to vector<16xi32>
        %parallel_loop3A_573 = arith.constant 16 : i32
        %parallel_loop3A_574 = vector.broadcast %parallel_loop3A_573 : i32 to vector<16xi32>
        %parallel_loop3A_575 = arith.shli %parallel_loop3A_566, %parallel_loop3A_574 : vector<16xi32>
        %parallel_loop3A_576 = tpu.bitcast %parallel_loop3A_575 : vector<16xi32> -> vector<16xf32>
        %parallel_loop3A_577 = arith.constant -65536 : i32
        %parallel_loop3A_578 = vector.broadcast %parallel_loop3A_577 : i32 to vector<16xi32>
        %parallel_loop3A_579 = arith.andi %parallel_loop3A_566, %parallel_loop3A_578 : vector<16xi32>
        %parallel_loop3A_580 = tpu.bitcast %parallel_loop3A_579 : vector<16xi32> -> vector<16xf32>
        %parallel_loop3A_581 = arith.constant 16 : i32
        %parallel_loop3A_582 = vector.broadcast %parallel_loop3A_581 : i32 to vector<16xi32>
        %parallel_loop3A_583 = arith.shli %parallel_loop3A_572, %parallel_loop3A_582 : vector<16xi32>
        %parallel_loop3A_584 = tpu.bitcast %parallel_loop3A_583 : vector<16xi32> -> vector<16xf32>
        %parallel_loop3A_585 = arith.constant -65536 : i32
        %parallel_loop3A_586 = vector.broadcast %parallel_loop3A_585 : i32 to vector<16xi32>
        %parallel_loop3A_587 = arith.andi %parallel_loop3A_572, %parallel_loop3A_586 : vector<16xi32>
        %parallel_loop3A_588 = tpu.bitcast %parallel_loop3A_587 : vector<16xi32> -> vector<16xf32>
        %parallel_loop3A_589 = arith.addf %parallel_loop3A_576, %parallel_loop3A_588 : vector<16xf32>
        %parallel_loop3A_590 = arith.constant 0.000000e+00 : f32
        %parallel_loop3A_591 = vector.broadcast %parallel_loop3A_590 : f32 to vector<16xf32>
        %parallel_loop3A_592 = arith.maximumf %parallel_loop3A_589, %parallel_loop3A_591 : vector<16xf32>
        %parallel_loop3A_593 = arith.addf %parallel_loop3A_584, %parallel_loop3A_580 : vector<16xf32>
        %parallel_loop3A_594 = arith.constant 0.000000e+00 : f32
        %parallel_loop3A_595 = vector.broadcast %parallel_loop3A_594 : f32 to vector<16xf32>
        %parallel_loop3A_596 = arith.maximumf %parallel_loop3A_593, %parallel_loop3A_595 : vector<16xf32>
        %parallel_loop3A_597 = arith.addf %parallel_loop3A_592, %parallel_loop3A_596 : vector<16xf32>
        %parallel_loop3A_598 = arith.index_cast %parallel_loop3A_522 : i32 to index
        %parallel_loop3A_599 = arith.constant 16 : index
        %parallel_loop3A_600 = tpu.vector_load %arg20[%parallel_loop3A_598, %parallel_loop3A_599] {strides = array<i32>} : memref<40x128xf32, #tpu.memory_space<vmem>>, vector<1x16xf32>,
        %parallel_loop3A_601 = vector.shape_cast %parallel_loop3A_600 : vector<1x16xf32> to vector<16xf32>
        %parallel_loop3A_602 = vector.shape_cast %parallel_loop3A_597 : vector<16xf32> to vector<1x16xf32>
        tpu.vector_store %arg20[%parallel_loop3A_598, %parallel_loop3A_599], %parallel_loop3A_602 {strides = array<i32>} : memref<40x128xf32, #tpu.memory_space<vmem>>, vector<1x16xf32>,
        %parallel_loop3A_603 = arith.index_cast %parallel_loop3A_522 : i32 to index
        %parallel_loop3A_604 = arith.constant 32 : index
        %parallel_loop3A_605 = tpu.vector_load %arg17[%parallel_loop3A_603, %parallel_loop3A_604] {strides = array<i32>} : memref<80x128xi32, #tpu.memory_space<vmem>>, vector<1x16xi32>,
        %parallel_loop3A_606 = vector.shape_cast %parallel_loop3A_605 : vector<1x16xi32> to vector<16xi32>
        %parallel_loop3A_607 = arith.constant 40 : i32
        %parallel_loop3A_608 = arith.addi %parallel_loop3A_607, %parallel_loop3A_522 : i32
        %parallel_loop3A_609 = arith.index_cast %parallel_loop3A_608 : i32 to index
        %parallel_loop3A_610 = arith.constant 32 : index
        %parallel_loop3A_611 = tpu.vector_load %arg17[%parallel_loop3A_609, %parallel_loop3A_610] {strides = array<i32>} : memref<80x128xi32, #tpu.memory_space<vmem>>, vector<1x16xi32>,
        %parallel_loop3A_612 = vector.shape_cast %parallel_loop3A_611 : vector<1x16xi32> to vector<16xi32>
        %parallel_loop3A_613 = arith.constant 16 : i32
        %parallel_loop3A_614 = vector.broadcast %parallel_loop3A_613 : i32 to vector<16xi32>
        %parallel_loop3A_615 = arith.shli %parallel_loop3A_606, %parallel_loop3A_614 : vector<16xi32>
        %parallel_loop3A_616 = tpu.bitcast %parallel_loop3A_615 : vector<16xi32> -> vector<16xf32>
        %parallel_loop3A_617 = arith.constant -65536 : i32
        %parallel_loop3A_618 = vector.broadcast %parallel_loop3A_617 : i32 to vector<16xi32>
        %parallel_loop3A_619 = arith.andi %parallel_loop3A_606, %parallel_loop3A_618 : vector<16xi32>
        %parallel_loop3A_620 = tpu.bitcast %parallel_loop3A_619 : vector<16xi32> -> vector<16xf32>
        %parallel_loop3A_621 = arith.constant 16 : i32
        %parallel_loop3A_622 = vector.broadcast %parallel_loop3A_621 : i32 to vector<16xi32>
        %parallel_loop3A_623 = arith.shli %parallel_loop3A_612, %parallel_loop3A_622 : vector<16xi32>
        %parallel_loop3A_624 = tpu.bitcast %parallel_loop3A_623 : vector<16xi32> -> vector<16xf32>
        %parallel_loop3A_625 = arith.constant -65536 : i32
        %parallel_loop3A_626 = vector.broadcast %parallel_loop3A_625 : i32 to vector<16xi32>
        %parallel_loop3A_627 = arith.andi %parallel_loop3A_612, %parallel_loop3A_626 : vector<16xi32>
        %parallel_loop3A_628 = tpu.bitcast %parallel_loop3A_627 : vector<16xi32> -> vector<16xf32>
        %parallel_loop3A_629 = arith.addf %parallel_loop3A_616, %parallel_loop3A_628 : vector<16xf32>
        %parallel_loop3A_630 = arith.constant 0.000000e+00 : f32
        %parallel_loop3A_631 = vector.broadcast %parallel_loop3A_630 : f32 to vector<16xf32>
        %parallel_loop3A_632 = arith.maximumf %parallel_loop3A_629, %parallel_loop3A_631 : vector<16xf32>
        %parallel_loop3A_633 = arith.addf %parallel_loop3A_624, %parallel_loop3A_620 : vector<16xf32>
        %parallel_loop3A_634 = arith.constant 0.000000e+00 : f32
        %parallel_loop3A_635 = vector.broadcast %parallel_loop3A_634 : f32 to vector<16xf32>
        %parallel_loop3A_636 = arith.maximumf %parallel_loop3A_633, %parallel_loop3A_635 : vector<16xf32>
        %parallel_loop3A_637 = arith.addf %parallel_loop3A_632, %parallel_loop3A_636 : vector<16xf32>
        %parallel_loop3A_638 = arith.index_cast %parallel_loop3A_522 : i32 to index
        %parallel_loop3A_639 = arith.constant 32 : index
        %parallel_loop3A_640 = tpu.vector_load %arg20[%parallel_loop3A_638, %parallel_loop3A_639] {strides = array<i32>} : memref<40x128xf32, #tpu.memory_space<vmem>>, vector<1x16xf32>,
        %parallel_loop3A_641 = vector.shape_cast %parallel_loop3A_640 : vector<1x16xf32> to vector<16xf32>
        %parallel_loop3A_642 = vector.shape_cast %parallel_loop3A_637 : vector<16xf32> to vector<1x16xf32>
        tpu.vector_store %arg20[%parallel_loop3A_638, %parallel_loop3A_639], %parallel_loop3A_642 {strides = array<i32>} : memref<40x128xf32, #tpu.memory_space<vmem>>, vector<1x16xf32>,
        %parallel_loop3A_643 = arith.index_cast %parallel_loop3A_522 : i32 to index
        %parallel_loop3A_644 = arith.constant 48 : index
        %parallel_loop3A_645 = tpu.vector_load %arg17[%parallel_loop3A_643, %parallel_loop3A_644] {strides = array<i32>} : memref<80x128xi32, #tpu.memory_space<vmem>>, vector<1x16xi32>,
        %parallel_loop3A_646 = vector.shape_cast %parallel_loop3A_645 : vector<1x16xi32> to vector<16xi32>
        %parallel_loop3A_647 = arith.constant 40 : i32
        %parallel_loop3A_648 = arith.addi %parallel_loop3A_647, %parallel_loop3A_522 : i32
        %parallel_loop3A_649 = arith.index_cast %parallel_loop3A_648 : i32 to index
        %parallel_loop3A_650 = arith.constant 48 : index
        %parallel_loop3A_651 = tpu.vector_load %arg17[%parallel_loop3A_649, %parallel_loop3A_650] {strides = array<i32>} : memref<80x128xi32, #tpu.memory_space<vmem>>, vector<1x16xi32>,
        %parallel_loop3A_652 = vector.shape_cast %parallel_loop3A_651 : vector<1x16xi32> to vector<16xi32>
        %parallel_loop3A_653 = arith.constant 16 : i32
        %parallel_loop3A_654 = vector.broadcast %parallel_loop3A_653 : i32 to vector<16xi32>
        %parallel_loop3A_655 = arith.shli %parallel_loop3A_646, %parallel_loop3A_654 : vector<16xi32>
        %parallel_loop3A_656 = tpu.bitcast %parallel_loop3A_655 : vector<16xi32> -> vector<16xf32>
        %parallel_loop3A_657 = arith.constant -65536 : i32
        %parallel_loop3A_658 = vector.broadcast %parallel_loop3A_657 : i32 to vector<16xi32>
        %parallel_loop3A_659 = arith.andi %parallel_loop3A_646, %parallel_loop3A_658 : vector<16xi32>
        %parallel_loop3A_660 = tpu.bitcast %parallel_loop3A_659 : vector<16xi32> -> vector<16xf32>
        %parallel_loop3A_661 = arith.constant 16 : i32
        %parallel_loop3A_662 = vector.broadcast %parallel_loop3A_661 : i32 to vector<16xi32>
        %parallel_loop3A_663 = arith.shli %parallel_loop3A_652, %parallel_loop3A_662 : vector<16xi32>
        %parallel_loop3A_664 = tpu.bitcast %parallel_loop3A_663 : vector<16xi32> -> vector<16xf32>
        %parallel_loop3A_665 = arith.constant -65536 : i32
        %parallel_loop3A_666 = vector.broadcast %parallel_loop3A_665 : i32 to vector<16xi32>
        %parallel_loop3A_667 = arith.andi %parallel_loop3A_652, %parallel_loop3A_666 : vector<16xi32>
        %parallel_loop3A_668 = tpu.bitcast %parallel_loop3A_667 : vector<16xi32> -> vector<16xf32>
        %parallel_loop3A_669 = arith.addf %parallel_loop3A_656, %parallel_loop3A_668 : vector<16xf32>
        %parallel_loop3A_670 = arith.constant 0.000000e+00 : f32
        %parallel_loop3A_671 = vector.broadcast %parallel_loop3A_670 : f32 to vector<16xf32>
        %parallel_loop3A_672 = arith.maximumf %parallel_loop3A_669, %parallel_loop3A_671 : vector<16xf32>
        %parallel_loop3A_673 = arith.addf %parallel_loop3A_664, %parallel_loop3A_660 : vector<16xf32>
        %parallel_loop3A_674 = arith.constant 0.000000e+00 : f32
        %parallel_loop3A_675 = vector.broadcast %parallel_loop3A_674 : f32 to vector<16xf32>
        %parallel_loop3A_676 = arith.maximumf %parallel_loop3A_673, %parallel_loop3A_675 : vector<16xf32>
        %parallel_loop3A_677 = arith.addf %parallel_loop3A_672, %parallel_loop3A_676 : vector<16xf32>
        %parallel_loop3A_678 = arith.index_cast %parallel_loop3A_522 : i32 to index
        %parallel_loop3A_679 = arith.constant 48 : index
        %parallel_loop3A_680 = tpu.vector_load %arg20[%parallel_loop3A_678, %parallel_loop3A_679] {strides = array<i32>} : memref<40x128xf32, #tpu.memory_space<vmem>>, vector<1x16xf32>,
        %parallel_loop3A_681 = vector.shape_cast %parallel_loop3A_680 : vector<1x16xf32> to vector<16xf32>
        %parallel_loop3A_682 = vector.shape_cast %parallel_loop3A_677 : vector<16xf32> to vector<1x16xf32>
        tpu.vector_store %arg20[%parallel_loop3A_678, %parallel_loop3A_679], %parallel_loop3A_682 {strides = array<i32>} : memref<40x128xf32, #tpu.memory_space<vmem>>, vector<1x16xf32>,
        %parallel_loop3A_683 = arith.index_cast %parallel_loop3A_522 : i32 to index
        %parallel_loop3A_684 = arith.constant 64 : index
        %parallel_loop3A_685 = tpu.vector_load %arg17[%parallel_loop3A_683, %parallel_loop3A_684] {strides = array<i32>} : memref<80x128xi32, #tpu.memory_space<vmem>>, vector<1x16xi32>,
        %parallel_loop3A_686 = vector.shape_cast %parallel_loop3A_685 : vector<1x16xi32> to vector<16xi32>
        %parallel_loop3A_687 = arith.constant 40 : i32
        %parallel_loop3A_688 = arith.addi %parallel_loop3A_687, %parallel_loop3A_522 : i32
        %parallel_loop3A_689 = arith.index_cast %parallel_loop3A_688 : i32 to index
        %parallel_loop3A_690 = arith.constant 64 : index
        %parallel_loop3A_691 = tpu.vector_load %arg17[%parallel_loop3A_689, %parallel_loop3A_690] {strides = array<i32>} : memref<80x128xi32, #tpu.memory_space<vmem>>, vector<1x16xi32>,
        %parallel_loop3A_692 = vector.shape_cast %parallel_loop3A_691 : vector<1x16xi32> to vector<16xi32>
        %parallel_loop3A_693 = arith.constant 16 : i32
        %parallel_loop3A_694 = vector.broadcast %parallel_loop3A_693 : i32 to vector<16xi32>
        %parallel_loop3A_695 = arith.shli %parallel_loop3A_686, %parallel_loop3A_694 : vector<16xi32>
        %parallel_loop3A_696 = tpu.bitcast %parallel_loop3A_695 : vector<16xi32> -> vector<16xf32>
        %parallel_loop3A_697 = arith.constant -65536 : i32
        %parallel_loop3A_698 = vector.broadcast %parallel_loop3A_697 : i32 to vector<16xi32>
        %parallel_loop3A_699 = arith.andi %parallel_loop3A_686, %parallel_loop3A_698 : vector<16xi32>
        %parallel_loop3A_700 = tpu.bitcast %parallel_loop3A_699 : vector<16xi32> -> vector<16xf32>
        %parallel_loop3A_701 = arith.constant 16 : i32
        %parallel_loop3A_702 = vector.broadcast %parallel_loop3A_701 : i32 to vector<16xi32>
        %parallel_loop3A_703 = arith.shli %parallel_loop3A_692, %parallel_loop3A_702 : vector<16xi32>
        %parallel_loop3A_704 = tpu.bitcast %parallel_loop3A_703 : vector<16xi32> -> vector<16xf32>
        %parallel_loop3A_705 = arith.constant -65536 : i32
        %parallel_loop3A_706 = vector.broadcast %parallel_loop3A_705 : i32 to vector<16xi32>
        %parallel_loop3A_707 = arith.andi %parallel_loop3A_692, %parallel_loop3A_706 : vector<16xi32>
        %parallel_loop3A_708 = tpu.bitcast %parallel_loop3A_707 : vector<16xi32> -> vector<16xf32>
        %parallel_loop3A_709 = arith.addf %parallel_loop3A_696, %parallel_loop3A_708 : vector<16xf32>
        %parallel_loop3A_710 = arith.constant 0.000000e+00 : f32
        %parallel_loop3A_711 = vector.broadcast %parallel_loop3A_710 : f32 to vector<16xf32>
        %parallel_loop3A_712 = arith.maximumf %parallel_loop3A_709, %parallel_loop3A_711 : vector<16xf32>
        %parallel_loop3A_713 = arith.addf %parallel_loop3A_704, %parallel_loop3A_700 : vector<16xf32>
        %parallel_loop3A_714 = arith.constant 0.000000e+00 : f32
        %parallel_loop3A_715 = vector.broadcast %parallel_loop3A_714 : f32 to vector<16xf32>
        %parallel_loop3A_716 = arith.maximumf %parallel_loop3A_713, %parallel_loop3A_715 : vector<16xf32>
        %parallel_loop3A_717 = arith.addf %parallel_loop3A_712, %parallel_loop3A_716 : vector<16xf32>
        %parallel_loop3A_718 = arith.index_cast %parallel_loop3A_522 : i32 to index
        %parallel_loop3A_719 = arith.constant 64 : index
        %parallel_loop3A_720 = tpu.vector_load %arg20[%parallel_loop3A_718, %parallel_loop3A_719] {strides = array<i32>} : memref<40x128xf32, #tpu.memory_space<vmem>>, vector<1x16xf32>,
        %parallel_loop3A_721 = vector.shape_cast %parallel_loop3A_720 : vector<1x16xf32> to vector<16xf32>
        %parallel_loop3A_722 = vector.shape_cast %parallel_loop3A_717 : vector<16xf32> to vector<1x16xf32>
        tpu.vector_store %arg20[%parallel_loop3A_718, %parallel_loop3A_719], %parallel_loop3A_722 {strides = array<i32>} : memref<40x128xf32, #tpu.memory_space<vmem>>, vector<1x16xf32>,
        %parallel_loop3A_723 = arith.index_cast %parallel_loop3A_522 : i32 to index
        %parallel_loop3A_724 = arith.constant 80 : index
        %parallel_loop3A_725 = tpu.vector_load %arg17[%parallel_loop3A_723, %parallel_loop3A_724] {strides = array<i32>} : memref<80x128xi32, #tpu.memory_space<vmem>>, vector<1x16xi32>,
        %parallel_loop3A_726 = vector.shape_cast %parallel_loop3A_725 : vector<1x16xi32> to vector<16xi32>
        %parallel_loop3A_727 = arith.constant 40 : i32
        %parallel_loop3A_728 = arith.addi %parallel_loop3A_727, %parallel_loop3A_522 : i32
        %parallel_loop3A_729 = arith.index_cast %parallel_loop3A_728 : i32 to index
        %parallel_loop3A_730 = arith.constant 80 : index
        %parallel_loop3A_731 = tpu.vector_load %arg17[%parallel_loop3A_729, %parallel_loop3A_730] {strides = array<i32>} : memref<80x128xi32, #tpu.memory_space<vmem>>, vector<1x16xi32>,
        %parallel_loop3A_732 = vector.shape_cast %parallel_loop3A_731 : vector<1x16xi32> to vector<16xi32>
        %parallel_loop3A_733 = arith.constant 16 : i32
        %parallel_loop3A_734 = vector.broadcast %parallel_loop3A_733 : i32 to vector<16xi32>
        %parallel_loop3A_735 = arith.shli %parallel_loop3A_726, %parallel_loop3A_734 : vector<16xi32>
        %parallel_loop3A_736 = tpu.bitcast %parallel_loop3A_735 : vector<16xi32> -> vector<16xf32>
        %parallel_loop3A_737 = arith.constant -65536 : i32
        %parallel_loop3A_738 = vector.broadcast %parallel_loop3A_737 : i32 to vector<16xi32>
        %parallel_loop3A_739 = arith.andi %parallel_loop3A_726, %parallel_loop3A_738 : vector<16xi32>
        %parallel_loop3A_740 = tpu.bitcast %parallel_loop3A_739 : vector<16xi32> -> vector<16xf32>
        %parallel_loop3A_741 = arith.constant 16 : i32
        %parallel_loop3A_742 = vector.broadcast %parallel_loop3A_741 : i32 to vector<16xi32>
        %parallel_loop3A_743 = arith.shli %parallel_loop3A_732, %parallel_loop3A_742 : vector<16xi32>
        %parallel_loop3A_744 = tpu.bitcast %parallel_loop3A_743 : vector<16xi32> -> vector<16xf32>
        %parallel_loop3A_745 = arith.constant -65536 : i32
        %parallel_loop3A_746 = vector.broadcast %parallel_loop3A_745 : i32 to vector<16xi32>
        %parallel_loop3A_747 = arith.andi %parallel_loop3A_732, %parallel_loop3A_746 : vector<16xi32>
        %parallel_loop3A_748 = tpu.bitcast %parallel_loop3A_747 : vector<16xi32> -> vector<16xf32>
        %parallel_loop3A_749 = arith.addf %parallel_loop3A_736, %parallel_loop3A_748 : vector<16xf32>
        %parallel_loop3A_750 = arith.constant 0.000000e+00 : f32
        %parallel_loop3A_751 = vector.broadcast %parallel_loop3A_750 : f32 to vector<16xf32>
        %parallel_loop3A_752 = arith.maximumf %parallel_loop3A_749, %parallel_loop3A_751 : vector<16xf32>
        %parallel_loop3A_753 = arith.addf %parallel_loop3A_744, %parallel_loop3A_740 : vector<16xf32>
        %parallel_loop3A_754 = arith.constant 0.000000e+00 : f32
        %parallel_loop3A_755 = vector.broadcast %parallel_loop3A_754 : f32 to vector<16xf32>
        %parallel_loop3A_756 = arith.maximumf %parallel_loop3A_753, %parallel_loop3A_755 : vector<16xf32>
        %parallel_loop3A_757 = arith.addf %parallel_loop3A_752, %parallel_loop3A_756 : vector<16xf32>
        %parallel_loop3A_758 = arith.index_cast %parallel_loop3A_522 : i32 to index
        %parallel_loop3A_759 = arith.constant 80 : index
        %parallel_loop3A_760 = tpu.vector_load %arg20[%parallel_loop3A_758, %parallel_loop3A_759] {strides = array<i32>} : memref<40x128xf32, #tpu.memory_space<vmem>>, vector<1x16xf32>,
        %parallel_loop3A_761 = vector.shape_cast %parallel_loop3A_760 : vector<1x16xf32> to vector<16xf32>
        %parallel_loop3A_762 = vector.shape_cast %parallel_loop3A_757 : vector<16xf32> to vector<1x16xf32>
        tpu.vector_store %arg20[%parallel_loop3A_758, %parallel_loop3A_759], %parallel_loop3A_762 {strides = array<i32>} : memref<40x128xf32, #tpu.memory_space<vmem>>, vector<1x16xf32>,
        %parallel_loop3A_763 = arith.index_cast %parallel_loop3A_522 : i32 to index
        %parallel_loop3A_764 = arith.constant 96 : index
        %parallel_loop3A_765 = tpu.vector_load %arg17[%parallel_loop3A_763, %parallel_loop3A_764] {strides = array<i32>} : memref<80x128xi32, #tpu.memory_space<vmem>>, vector<1x16xi32>,
        %parallel_loop3A_766 = vector.shape_cast %parallel_loop3A_765 : vector<1x16xi32> to vector<16xi32>
        %parallel_loop3A_767 = arith.constant 40 : i32
        %parallel_loop3A_768 = arith.addi %parallel_loop3A_767, %parallel_loop3A_522 : i32
        %parallel_loop3A_769 = arith.index_cast %parallel_loop3A_768 : i32 to index
        %parallel_loop3A_770 = arith.constant 96 : index
        %parallel_loop3A_771 = tpu.vector_load %arg17[%parallel_loop3A_769, %parallel_loop3A_770] {strides = array<i32>} : memref<80x128xi32, #tpu.memory_space<vmem>>, vector<1x16xi32>,
        %parallel_loop3A_772 = vector.shape_cast %parallel_loop3A_771 : vector<1x16xi32> to vector<16xi32>
        %parallel_loop3A_773 = arith.constant 16 : i32
        %parallel_loop3A_774 = vector.broadcast %parallel_loop3A_773 : i32 to vector<16xi32>
        %parallel_loop3A_775 = arith.shli %parallel_loop3A_766, %parallel_loop3A_774 : vector<16xi32>
        %parallel_loop3A_776 = tpu.bitcast %parallel_loop3A_775 : vector<16xi32> -> vector<16xf32>
        %parallel_loop3A_777 = arith.constant -65536 : i32
        %parallel_loop3A_778 = vector.broadcast %parallel_loop3A_777 : i32 to vector<16xi32>
        %parallel_loop3A_779 = arith.andi %parallel_loop3A_766, %parallel_loop3A_778 : vector<16xi32>
        %parallel_loop3A_780 = tpu.bitcast %parallel_loop3A_779 : vector<16xi32> -> vector<16xf32>
        %parallel_loop3A_781 = arith.constant 16 : i32
        %parallel_loop3A_782 = vector.broadcast %parallel_loop3A_781 : i32 to vector<16xi32>
        %parallel_loop3A_783 = arith.shli %parallel_loop3A_772, %parallel_loop3A_782 : vector<16xi32>
        %parallel_loop3A_784 = tpu.bitcast %parallel_loop3A_783 : vector<16xi32> -> vector<16xf32>
        %parallel_loop3A_785 = arith.constant -65536 : i32
        %parallel_loop3A_786 = vector.broadcast %parallel_loop3A_785 : i32 to vector<16xi32>
        %parallel_loop3A_787 = arith.andi %parallel_loop3A_772, %parallel_loop3A_786 : vector<16xi32>
        %parallel_loop3A_788 = tpu.bitcast %parallel_loop3A_787 : vector<16xi32> -> vector<16xf32>
        %parallel_loop3A_789 = arith.addf %parallel_loop3A_776, %parallel_loop3A_788 : vector<16xf32>
        %parallel_loop3A_790 = arith.constant 0.000000e+00 : f32
        %parallel_loop3A_791 = vector.broadcast %parallel_loop3A_790 : f32 to vector<16xf32>
        %parallel_loop3A_792 = arith.maximumf %parallel_loop3A_789, %parallel_loop3A_791 : vector<16xf32>
        %parallel_loop3A_793 = arith.addf %parallel_loop3A_784, %parallel_loop3A_780 : vector<16xf32>
        %parallel_loop3A_794 = arith.constant 0.000000e+00 : f32
        %parallel_loop3A_795 = vector.broadcast %parallel_loop3A_794 : f32 to vector<16xf32>
        %parallel_loop3A_796 = arith.maximumf %parallel_loop3A_793, %parallel_loop3A_795 : vector<16xf32>
        %parallel_loop3A_797 = arith.addf %parallel_loop3A_792, %parallel_loop3A_796 : vector<16xf32>
        %parallel_loop3A_798 = arith.index_cast %parallel_loop3A_522 : i32 to index
        %parallel_loop3A_799 = arith.constant 96 : index
        %parallel_loop3A_800 = tpu.vector_load %arg20[%parallel_loop3A_798, %parallel_loop3A_799] {strides = array<i32>} : memref<40x128xf32, #tpu.memory_space<vmem>>, vector<1x16xf32>,
        %parallel_loop3A_801 = vector.shape_cast %parallel_loop3A_800 : vector<1x16xf32> to vector<16xf32>
        %parallel_loop3A_802 = vector.shape_cast %parallel_loop3A_797 : vector<16xf32> to vector<1x16xf32>
        tpu.vector_store %arg20[%parallel_loop3A_798, %parallel_loop3A_799], %parallel_loop3A_802 {strides = array<i32>} : memref<40x128xf32, #tpu.memory_space<vmem>>, vector<1x16xf32>,
        %parallel_loop3A_803 = arith.index_cast %parallel_loop3A_522 : i32 to index
        %parallel_loop3A_804 = arith.constant 112 : index
        %parallel_loop3A_805 = tpu.vector_load %arg17[%parallel_loop3A_803, %parallel_loop3A_804] {strides = array<i32>} : memref<80x128xi32, #tpu.memory_space<vmem>>, vector<1x16xi32>,
        %parallel_loop3A_806 = vector.shape_cast %parallel_loop3A_805 : vector<1x16xi32> to vector<16xi32>
        %parallel_loop3A_807 = arith.constant 40 : i32
        %parallel_loop3A_808 = arith.addi %parallel_loop3A_807, %parallel_loop3A_522 : i32
        %parallel_loop3A_809 = arith.index_cast %parallel_loop3A_808 : i32 to index
        %parallel_loop3A_810 = arith.constant 112 : index
        %parallel_loop3A_811 = tpu.vector_load %arg17[%parallel_loop3A_809, %parallel_loop3A_810] {strides = array<i32>} : memref<80x128xi32, #tpu.memory_space<vmem>>, vector<1x16xi32>,
        %parallel_loop3A_812 = vector.shape_cast %parallel_loop3A_811 : vector<1x16xi32> to vector<16xi32>
        %parallel_loop3A_813 = arith.constant 16 : i32
        %parallel_loop3A_814 = vector.broadcast %parallel_loop3A_813 : i32 to vector<16xi32>
        %parallel_loop3A_815 = arith.shli %parallel_loop3A_806, %parallel_loop3A_814 : vector<16xi32>
        %parallel_loop3A_816 = tpu.bitcast %parallel_loop3A_815 : vector<16xi32> -> vector<16xf32>
        %parallel_loop3A_817 = arith.constant -65536 : i32
        %parallel_loop3A_818 = vector.broadcast %parallel_loop3A_817 : i32 to vector<16xi32>
        %parallel_loop3A_819 = arith.andi %parallel_loop3A_806, %parallel_loop3A_818 : vector<16xi32>
        %parallel_loop3A_820 = tpu.bitcast %parallel_loop3A_819 : vector<16xi32> -> vector<16xf32>
        %parallel_loop3A_821 = arith.constant 16 : i32
        %parallel_loop3A_822 = vector.broadcast %parallel_loop3A_821 : i32 to vector<16xi32>
        %parallel_loop3A_823 = arith.shli %parallel_loop3A_812, %parallel_loop3A_822 : vector<16xi32>
        %parallel_loop3A_824 = tpu.bitcast %parallel_loop3A_823 : vector<16xi32> -> vector<16xf32>
        %parallel_loop3A_825 = arith.constant -65536 : i32
        %parallel_loop3A_826 = vector.broadcast %parallel_loop3A_825 : i32 to vector<16xi32>
        %parallel_loop3A_827 = arith.andi %parallel_loop3A_812, %parallel_loop3A_826 : vector<16xi32>
        %parallel_loop3A_828 = tpu.bitcast %parallel_loop3A_827 : vector<16xi32> -> vector<16xf32>
        %parallel_loop3A_829 = arith.addf %parallel_loop3A_816, %parallel_loop3A_828 : vector<16xf32>
        %parallel_loop3A_830 = arith.constant 0.000000e+00 : f32
        %parallel_loop3A_831 = vector.broadcast %parallel_loop3A_830 : f32 to vector<16xf32>
        %parallel_loop3A_832 = arith.maximumf %parallel_loop3A_829, %parallel_loop3A_831 : vector<16xf32>
        %parallel_loop3A_833 = arith.addf %parallel_loop3A_824, %parallel_loop3A_820 : vector<16xf32>
        %parallel_loop3A_834 = arith.constant 0.000000e+00 : f32
        %parallel_loop3A_835 = vector.broadcast %parallel_loop3A_834 : f32 to vector<16xf32>
        %parallel_loop3A_836 = arith.maximumf %parallel_loop3A_833, %parallel_loop3A_835 : vector<16xf32>
        %parallel_loop3A_837 = arith.addf %parallel_loop3A_832, %parallel_loop3A_836 : vector<16xf32>
        %parallel_loop3A_838 = arith.index_cast %parallel_loop3A_522 : i32 to index
        %parallel_loop3A_839 = arith.constant 112 : index
        %parallel_loop3A_840 = tpu.vector_load %arg20[%parallel_loop3A_838, %parallel_loop3A_839] {strides = array<i32>} : memref<40x128xf32, #tpu.memory_space<vmem>>, vector<1x16xf32>,
        %parallel_loop3A_841 = vector.shape_cast %parallel_loop3A_840 : vector<1x16xf32> to vector<16xf32>
        %parallel_loop3A_842 = vector.shape_cast %parallel_loop3A_837 : vector<16xf32> to vector<1x16xf32>
        tpu.vector_store %arg20[%parallel_loop3A_838, %parallel_loop3A_839], %parallel_loop3A_842 {strides = array<i32>} : memref<40x128xf32, #tpu.memory_space<vmem>>, vector<1x16xf32>,
      } {sc.loop_unroll_factor = 1 : i64, sc.parallel_access}
      %mul3A_426 = arith.constant 40 : i32
      %mul3A_427 = arith.muli %add3A_403, %mul3A_426 : i32
      %add3A_428 = arith.addi %mul3A_2, %mul3A_427 : i32
      %dma_start3A_429 = arith.constant 0 : i32
      %dma_start3A_430 = tpu.memref_slice %arg4[%add3A_428, %dma_start3A_429] : memref<320000x128xf32, #tpu.memory_space<hbm>> -> memref<40x128xf32, #tpu.memory_space<hbm>>
      %dma_start3A_431 = arith.constant 0 : i32
      %dma_start3A_432 = tpu.memref_slice %arg4[%add3A_428, %dma_start3A_431] : memref<320000x128xf32, #tpu.memory_space<hbm>> -> memref<40x128xf32, #tpu.memory_space<hbm>>
      tpu.enqueue_dma source(%arg20 : memref<40x128xf32, #tpu.memory_space<vmem>>) target(%dma_start3A_432 : memref<40x128xf32, #tpu.memory_space<hbm>>) target_semaphore(%arg37 : memref<!tpu.dma_semaphore, #tpu.memory_space<semaphore_mem>>)
      %add3A_433 = arith.constant 7 : i32
      %add3A_434 = arith.addi %mul3A_124, %add3A_433 : i32
      %add3A_435 = arith.constant 2 : i32
      %add3A_436 = arith.addi %add3A_434, %add3A_435 : i32
      %lt3A_437 = arith.constant 250 : i32
      %lt3A_438 = arith.cmpi slt, %add3A_436, %lt3A_437 : i32
      %convert_element_type3A_439 = arith.extui %lt3A_438 : i1 to i32
      %cond3A_440 = arith.constant 0 : i32
      %cond3A_441 = arith.cmpi ne, %convert_element_type3A_439, %cond3A_440 : i32
      scf.if %cond3A_441 {
        %dma_wait3A_522 = arith.constant 0 : i32
        %dma_wait3A_523 = arith.constant 0 : i32
        %dma_wait3A_524 = tpu.memref_slice %arg3[%add3A, %dma_wait3A_522, %dma_wait3A_523] : memref<32x250x80xi32, #tpu.memory_space<hbm>> -> memref<1x1x80xi32, #tpu.memory_space<hbm>>
        %dma_wait3A_525 = tpu.memref_squeeze %dma_wait3A_524 : memref<1x1x80xi32, #tpu.memory_space<hbm>> -> memref<80xi32, #tpu.memory_space<hbm>>
        %dma_wait3A_526 = arith.constant 0 : i32
        %dma_wait3A_527 = tpu.memref_slice %arg3[%add3A, %dma_wait3A_522, %dma_wait3A_526] : memref<32x250x80xi32, #tpu.memory_space<hbm>> -> memref<1x1x80xi32, #tpu.memory_space<hbm>>
        %dma_wait3A_528 = tpu.memref_squeeze %dma_wait3A_527 : memref<1x1x80xi32, #tpu.memory_space<hbm>> -> memref<80xi32, #tpu.memory_space<hbm>>
        tpu.wait_dma2 semaphore(%arg32 : memref<!tpu.dma_semaphore, #tpu.memory_space<semaphore_mem>>) src(%dma_wait3A_528 : memref<80xi32, #tpu.memory_space<hbm>>) dst(%arg15 : memref<80xi32, #tpu.memory_space<vmem>>)
        %dma_start3A_529 = arith.constant 0 : i32
        %dma_start3A_530 = arith.constant 0 : i32
        %dma_start3A_531 = tpu.memref_slice %arg5[%dma_start3A_529, %dma_start3A_530] : memref<10000x128xi32, #tpu.memory_space<vmem_shared>> -> memref<10000x128xi32, #tpu.memory_space<vmem_shared>>
        tpu.enqueue_indirect_dma source(%dma_start3A_531 : memref<10000x128xi32, #tpu.memory_space<vmem_shared>>) target(%arg17 : memref<80x128xi32, #tpu.memory_space<vmem>>) offsets(%arg15 : memref<80xi32, #tpu.memory_space<vmem>>) semaphore(%arg34 : memref<!tpu.dma_semaphore, #tpu.memory_space<semaphore_mem>>)
      } else {
      }
      %add3A_442 = arith.constant 8 : i32
      %add3A_443 = arith.addi %mul3A_124, %add3A_442 : i32
      %dma_wait3A_444 = arith.constant 0 : i32
      %dma_wait3A_445 = arith.constant 0 : i32
      %dma_wait3A_446 = tpu.memref_slice %arg5[%dma_wait3A_444, %dma_wait3A_445] : memref<10000x128xi32, #tpu.memory_space<vmem_shared>> -> memref<10000x128xi32, #tpu.memory_space<vmem_shared>>
      tpu.wait_indirect_dma semaphore(%arg33 : memref<!tpu.dma_semaphore, #tpu.memory_space<semaphore_mem>>) src(%dma_wait3A_446 : memref<10000x128xi32, #tpu.memory_space<vmem_shared>>) dst(%arg16 : memref<80x128xi32, #tpu.memory_space<vmem>>)
      %add3A_447 = arith.constant 8 : i32
      %add3A_448 = arith.addi %mul3A_124, %add3A_447 : i32
      %add3A_449 = arith.constant 10 : i32
      %add3A_450 = arith.addi %add3A_448, %add3A_449 : i32
      %lt3A_451 = arith.constant 250 : i32
      %lt3A_452 = arith.cmpi slt, %add3A_450, %lt3A_451 : i32
      %convert_element_type3A_453 = arith.extui %lt3A_452 : i1 to i32
      %cond3A_454 = arith.constant 0 : i32
      %cond3A_455 = arith.cmpi ne, %convert_element_type3A_453, %cond3A_454 : i32
      scf.if %cond3A_455 {
        %add3A_522 = arith.constant 10 : i32
        %add3A_523 = arith.addi %add3A_443, %add3A_522 : i32
        %dma_start3A_524 = arith.constant 0 : i32
        %dma_start3A_525 = tpu.memref_slice %arg3[%add3A, %add3A_523, %dma_start3A_524] : memref<32x250x80xi32, #tpu.memory_space<hbm>> -> memref<1x1x80xi32, #tpu.memory_space<hbm>>
        %dma_start3A_526 = tpu.memref_squeeze %dma_start3A_525 : memref<1x1x80xi32, #tpu.memory_space<hbm>> -> memref<80xi32, #tpu.memory_space<hbm>>
        %dma_start3A_527 = arith.constant 0 : i32
        %dma_start3A_528 = tpu.memref_slice %arg3[%add3A, %add3A_523, %dma_start3A_527] : memref<32x250x80xi32, #tpu.memory_space<hbm>> -> memref<1x1x80xi32, #tpu.memory_space<hbm>>
        %dma_start3A_529 = tpu.memref_squeeze %dma_start3A_528 : memref<1x1x80xi32, #tpu.memory_space<hbm>> -> memref<80xi32, #tpu.memory_space<hbm>>
        tpu.enqueue_dma source(%dma_start3A_529 : memref<80xi32, #tpu.memory_space<hbm>>) target(%arg14 : memref<80xi32, #tpu.memory_space<vmem>>) target_semaphore(%arg31 : memref<!tpu.dma_semaphore, #tpu.memory_space<semaphore_mem>>)
      } else {
      }
      %add3A_456 = arith.constant 8 : i32
      %add3A_457 = arith.addi %mul3A_124, %add3A_456 : i32
      %ge3A_458 = arith.constant 5 : i32
      %ge3A_459 = arith.cmpi sge, %add3A_457, %ge3A_458 : i32
      %convert_element_type3A_460 = arith.extui %ge3A_459 : i1 to i32
      %cond3A_461 = arith.constant 0 : i32
      %cond3A_462 = arith.cmpi ne, %convert_element_type3A_460, %cond3A_461 : i32
      scf.if %cond3A_462 {
        %dma_wait3A_522 = arith.constant 0 : i32
        %dma_wait3A_523 = tpu.memref_slice %arg4[%mul3A_2, %dma_wait3A_522] : memref<320000x128xf32, #tpu.memory_space<hbm>> -> memref<40x128xf32, #tpu.memory_space<hbm>>
        %dma_wait3A_524 = arith.constant 0 : i32
        %dma_wait3A_525 = tpu.memref_slice %arg4[%mul3A_2, %dma_wait3A_524] : memref<320000x128xf32, #tpu.memory_space<hbm>> -> memref<40x128xf32, #tpu.memory_space<hbm>>
        tpu.wait_dma2 semaphore(%arg38 : memref<!tpu.dma_semaphore, #tpu.memory_space<semaphore_mem>>) src(%arg21 : memref<40x128xf32, #tpu.memory_space<vmem>>) dst(%dma_wait3A_525 : memref<40x128xf32, #tpu.memory_space<hbm>>)
      } else {
      }
      %parallel_loop3A_463 = arith.constant 0 : i32
      %parallel_loop3A_464 = arith.constant 40 : i32
      %parallel_loop3A_465 = arith.constant 1 : i32
      scf.for %parallel_loop3A_522 = %parallel_loop3A_463 to %parallel_loop3A_464 step %parallel_loop3A_465  : i32 {
        %parallel_loop3A_523 = arith.index_cast %parallel_loop3A_522 : i32 to index
        %parallel_loop3A_524 = arith.constant 0 : index
        %parallel_loop3A_525 = tpu.vector_load %arg16[%parallel_loop3A_523, %parallel_loop3A_524] {strides = array<i32>} : memref<80x128xi32, #tpu.memory_space<vmem>>, vector<1x16xi32>,
        %parallel_loop3A_526 = vector.shape_cast %parallel_loop3A_525 : vector<1x16xi32> to vector<16xi32>
        %parallel_loop3A_527 = arith.constant 40 : i32
        %parallel_loop3A_528 = arith.addi %parallel_loop3A_527, %parallel_loop3A_522 : i32
        %parallel_loop3A_529 = arith.index_cast %parallel_loop3A_528 : i32 to index
        %parallel_loop3A_530 = arith.constant 0 : index
        %parallel_loop3A_531 = tpu.vector_load %arg16[%parallel_loop3A_529, %parallel_loop3A_530] {strides = array<i32>} : memref<80x128xi32, #tpu.memory_space<vmem>>, vector<1x16xi32>,
        %parallel_loop3A_532 = vector.shape_cast %parallel_loop3A_531 : vector<1x16xi32> to vector<16xi32>
        %parallel_loop3A_533 = arith.constant 16 : i32
        %parallel_loop3A_534 = vector.broadcast %parallel_loop3A_533 : i32 to vector<16xi32>
        %parallel_loop3A_535 = arith.shli %parallel_loop3A_526, %parallel_loop3A_534 : vector<16xi32>
        %parallel_loop3A_536 = tpu.bitcast %parallel_loop3A_535 : vector<16xi32> -> vector<16xf32>
        %parallel_loop3A_537 = arith.constant -65536 : i32
        %parallel_loop3A_538 = vector.broadcast %parallel_loop3A_537 : i32 to vector<16xi32>
        %parallel_loop3A_539 = arith.andi %parallel_loop3A_526, %parallel_loop3A_538 : vector<16xi32>
        %parallel_loop3A_540 = tpu.bitcast %parallel_loop3A_539 : vector<16xi32> -> vector<16xf32>
        %parallel_loop3A_541 = arith.constant 16 : i32
        %parallel_loop3A_542 = vector.broadcast %parallel_loop3A_541 : i32 to vector<16xi32>
        %parallel_loop3A_543 = arith.shli %parallel_loop3A_532, %parallel_loop3A_542 : vector<16xi32>
        %parallel_loop3A_544 = tpu.bitcast %parallel_loop3A_543 : vector<16xi32> -> vector<16xf32>
        %parallel_loop3A_545 = arith.constant -65536 : i32
        %parallel_loop3A_546 = vector.broadcast %parallel_loop3A_545 : i32 to vector<16xi32>
        %parallel_loop3A_547 = arith.andi %parallel_loop3A_532, %parallel_loop3A_546 : vector<16xi32>
        %parallel_loop3A_548 = tpu.bitcast %parallel_loop3A_547 : vector<16xi32> -> vector<16xf32>
        %parallel_loop3A_549 = arith.addf %parallel_loop3A_536, %parallel_loop3A_548 : vector<16xf32>
        %parallel_loop3A_550 = arith.constant 0.000000e+00 : f32
        %parallel_loop3A_551 = vector.broadcast %parallel_loop3A_550 : f32 to vector<16xf32>
        %parallel_loop3A_552 = arith.maximumf %parallel_loop3A_549, %parallel_loop3A_551 : vector<16xf32>
        %parallel_loop3A_553 = arith.addf %parallel_loop3A_544, %parallel_loop3A_540 : vector<16xf32>
        %parallel_loop3A_554 = arith.constant 0.000000e+00 : f32
        %parallel_loop3A_555 = vector.broadcast %parallel_loop3A_554 : f32 to vector<16xf32>
        %parallel_loop3A_556 = arith.maximumf %parallel_loop3A_553, %parallel_loop3A_555 : vector<16xf32>
        %parallel_loop3A_557 = arith.addf %parallel_loop3A_552, %parallel_loop3A_556 : vector<16xf32>
        %parallel_loop3A_558 = arith.index_cast %parallel_loop3A_522 : i32 to index
        %parallel_loop3A_559 = arith.constant 0 : index
        %parallel_loop3A_560 = tpu.vector_load %arg21[%parallel_loop3A_558, %parallel_loop3A_559] {strides = array<i32>} : memref<40x128xf32, #tpu.memory_space<vmem>>, vector<1x16xf32>,
        %parallel_loop3A_561 = vector.shape_cast %parallel_loop3A_560 : vector<1x16xf32> to vector<16xf32>
        %parallel_loop3A_562 = vector.shape_cast %parallel_loop3A_557 : vector<16xf32> to vector<1x16xf32>
        tpu.vector_store %arg21[%parallel_loop3A_558, %parallel_loop3A_559], %parallel_loop3A_562 {strides = array<i32>} : memref<40x128xf32, #tpu.memory_space<vmem>>, vector<1x16xf32>,
        %parallel_loop3A_563 = arith.index_cast %parallel_loop3A_522 : i32 to index
        %parallel_loop3A_564 = arith.constant 16 : index
        %parallel_loop3A_565 = tpu.vector_load %arg16[%parallel_loop3A_563, %parallel_loop3A_564] {strides = array<i32>} : memref<80x128xi32, #tpu.memory_space<vmem>>, vector<1x16xi32>,
        %parallel_loop3A_566 = vector.shape_cast %parallel_loop3A_565 : vector<1x16xi32> to vector<16xi32>
        %parallel_loop3A_567 = arith.constant 40 : i32
        %parallel_loop3A_568 = arith.addi %parallel_loop3A_567, %parallel_loop3A_522 : i32
        %parallel_loop3A_569 = arith.index_cast %parallel_loop3A_568 : i32 to index
        %parallel_loop3A_570 = arith.constant 16 : index
        %parallel_loop3A_571 = tpu.vector_load %arg16[%parallel_loop3A_569, %parallel_loop3A_570] {strides = array<i32>} : memref<80x128xi32, #tpu.memory_space<vmem>>, vector<1x16xi32>,
        %parallel_loop3A_572 = vector.shape_cast %parallel_loop3A_571 : vector<1x16xi32> to vector<16xi32>
        %parallel_loop3A_573 = arith.constant 16 : i32
        %parallel_loop3A_574 = vector.broadcast %parallel_loop3A_573 : i32 to vector<16xi32>
        %parallel_loop3A_575 = arith.shli %parallel_loop3A_566, %parallel_loop3A_574 : vector<16xi32>
        %parallel_loop3A_576 = tpu.bitcast %parallel_loop3A_575 : vector<16xi32> -> vector<16xf32>
        %parallel_loop3A_577 = arith.constant -65536 : i32
        %parallel_loop3A_578 = vector.broadcast %parallel_loop3A_577 : i32 to vector<16xi32>
        %parallel_loop3A_579 = arith.andi %parallel_loop3A_566, %parallel_loop3A_578 : vector<16xi32>
        %parallel_loop3A_580 = tpu.bitcast %parallel_loop3A_579 : vector<16xi32> -> vector<16xf32>
        %parallel_loop3A_581 = arith.constant 16 : i32
        %parallel_loop3A_582 = vector.broadcast %parallel_loop3A_581 : i32 to vector<16xi32>
        %parallel_loop3A_583 = arith.shli %parallel_loop3A_572, %parallel_loop3A_582 : vector<16xi32>
        %parallel_loop3A_584 = tpu.bitcast %parallel_loop3A_583 : vector<16xi32> -> vector<16xf32>
        %parallel_loop3A_585 = arith.constant -65536 : i32
        %parallel_loop3A_586 = vector.broadcast %parallel_loop3A_585 : i32 to vector<16xi32>
        %parallel_loop3A_587 = arith.andi %parallel_loop3A_572, %parallel_loop3A_586 : vector<16xi32>
        %parallel_loop3A_588 = tpu.bitcast %parallel_loop3A_587 : vector<16xi32> -> vector<16xf32>
        %parallel_loop3A_589 = arith.addf %parallel_loop3A_576, %parallel_loop3A_588 : vector<16xf32>
        %parallel_loop3A_590 = arith.constant 0.000000e+00 : f32
        %parallel_loop3A_591 = vector.broadcast %parallel_loop3A_590 : f32 to vector<16xf32>
        %parallel_loop3A_592 = arith.maximumf %parallel_loop3A_589, %parallel_loop3A_591 : vector<16xf32>
        %parallel_loop3A_593 = arith.addf %parallel_loop3A_584, %parallel_loop3A_580 : vector<16xf32>
        %parallel_loop3A_594 = arith.constant 0.000000e+00 : f32
        %parallel_loop3A_595 = vector.broadcast %parallel_loop3A_594 : f32 to vector<16xf32>
        %parallel_loop3A_596 = arith.maximumf %parallel_loop3A_593, %parallel_loop3A_595 : vector<16xf32>
        %parallel_loop3A_597 = arith.addf %parallel_loop3A_592, %parallel_loop3A_596 : vector<16xf32>
        %parallel_loop3A_598 = arith.index_cast %parallel_loop3A_522 : i32 to index
        %parallel_loop3A_599 = arith.constant 16 : index
        %parallel_loop3A_600 = tpu.vector_load %arg21[%parallel_loop3A_598, %parallel_loop3A_599] {strides = array<i32>} : memref<40x128xf32, #tpu.memory_space<vmem>>, vector<1x16xf32>,
        %parallel_loop3A_601 = vector.shape_cast %parallel_loop3A_600 : vector<1x16xf32> to vector<16xf32>
        %parallel_loop3A_602 = vector.shape_cast %parallel_loop3A_597 : vector<16xf32> to vector<1x16xf32>
        tpu.vector_store %arg21[%parallel_loop3A_598, %parallel_loop3A_599], %parallel_loop3A_602 {strides = array<i32>} : memref<40x128xf32, #tpu.memory_space<vmem>>, vector<1x16xf32>,
        %parallel_loop3A_603 = arith.index_cast %parallel_loop3A_522 : i32 to index
        %parallel_loop3A_604 = arith.constant 32 : index
        %parallel_loop3A_605 = tpu.vector_load %arg16[%parallel_loop3A_603, %parallel_loop3A_604] {strides = array<i32>} : memref<80x128xi32, #tpu.memory_space<vmem>>, vector<1x16xi32>,
        %parallel_loop3A_606 = vector.shape_cast %parallel_loop3A_605 : vector<1x16xi32> to vector<16xi32>
        %parallel_loop3A_607 = arith.constant 40 : i32
        %parallel_loop3A_608 = arith.addi %parallel_loop3A_607, %parallel_loop3A_522 : i32
        %parallel_loop3A_609 = arith.index_cast %parallel_loop3A_608 : i32 to index
        %parallel_loop3A_610 = arith.constant 32 : index
        %parallel_loop3A_611 = tpu.vector_load %arg16[%parallel_loop3A_609, %parallel_loop3A_610] {strides = array<i32>} : memref<80x128xi32, #tpu.memory_space<vmem>>, vector<1x16xi32>,
        %parallel_loop3A_612 = vector.shape_cast %parallel_loop3A_611 : vector<1x16xi32> to vector<16xi32>
        %parallel_loop3A_613 = arith.constant 16 : i32
        %parallel_loop3A_614 = vector.broadcast %parallel_loop3A_613 : i32 to vector<16xi32>
        %parallel_loop3A_615 = arith.shli %parallel_loop3A_606, %parallel_loop3A_614 : vector<16xi32>
        %parallel_loop3A_616 = tpu.bitcast %parallel_loop3A_615 : vector<16xi32> -> vector<16xf32>
        %parallel_loop3A_617 = arith.constant -65536 : i32
        %parallel_loop3A_618 = vector.broadcast %parallel_loop3A_617 : i32 to vector<16xi32>
        %parallel_loop3A_619 = arith.andi %parallel_loop3A_606, %parallel_loop3A_618 : vector<16xi32>
        %parallel_loop3A_620 = tpu.bitcast %parallel_loop3A_619 : vector<16xi32> -> vector<16xf32>
        %parallel_loop3A_621 = arith.constant 16 : i32
        %parallel_loop3A_622 = vector.broadcast %parallel_loop3A_621 : i32 to vector<16xi32>
        %parallel_loop3A_623 = arith.shli %parallel_loop3A_612, %parallel_loop3A_622 : vector<16xi32>
        %parallel_loop3A_624 = tpu.bitcast %parallel_loop3A_623 : vector<16xi32> -> vector<16xf32>
        %parallel_loop3A_625 = arith.constant -65536 : i32
        %parallel_loop3A_626 = vector.broadcast %parallel_loop3A_625 : i32 to vector<16xi32>
        %parallel_loop3A_627 = arith.andi %parallel_loop3A_612, %parallel_loop3A_626 : vector<16xi32>
        %parallel_loop3A_628 = tpu.bitcast %parallel_loop3A_627 : vector<16xi32> -> vector<16xf32>
        %parallel_loop3A_629 = arith.addf %parallel_loop3A_616, %parallel_loop3A_628 : vector<16xf32>
        %parallel_loop3A_630 = arith.constant 0.000000e+00 : f32
        %parallel_loop3A_631 = vector.broadcast %parallel_loop3A_630 : f32 to vector<16xf32>
        %parallel_loop3A_632 = arith.maximumf %parallel_loop3A_629, %parallel_loop3A_631 : vector<16xf32>
        %parallel_loop3A_633 = arith.addf %parallel_loop3A_624, %parallel_loop3A_620 : vector<16xf32>
        %parallel_loop3A_634 = arith.constant 0.000000e+00 : f32
        %parallel_loop3A_635 = vector.broadcast %parallel_loop3A_634 : f32 to vector<16xf32>
        %parallel_loop3A_636 = arith.maximumf %parallel_loop3A_633, %parallel_loop3A_635 : vector<16xf32>
        %parallel_loop3A_637 = arith.addf %parallel_loop3A_632, %parallel_loop3A_636 : vector<16xf32>
        %parallel_loop3A_638 = arith.index_cast %parallel_loop3A_522 : i32 to index
        %parallel_loop3A_639 = arith.constant 32 : index
        %parallel_loop3A_640 = tpu.vector_load %arg21[%parallel_loop3A_638, %parallel_loop3A_639] {strides = array<i32>} : memref<40x128xf32, #tpu.memory_space<vmem>>, vector<1x16xf32>,
        %parallel_loop3A_641 = vector.shape_cast %parallel_loop3A_640 : vector<1x16xf32> to vector<16xf32>
        %parallel_loop3A_642 = vector.shape_cast %parallel_loop3A_637 : vector<16xf32> to vector<1x16xf32>
        tpu.vector_store %arg21[%parallel_loop3A_638, %parallel_loop3A_639], %parallel_loop3A_642 {strides = array<i32>} : memref<40x128xf32, #tpu.memory_space<vmem>>, vector<1x16xf32>,
        %parallel_loop3A_643 = arith.index_cast %parallel_loop3A_522 : i32 to index
        %parallel_loop3A_644 = arith.constant 48 : index
        %parallel_loop3A_645 = tpu.vector_load %arg16[%parallel_loop3A_643, %parallel_loop3A_644] {strides = array<i32>} : memref<80x128xi32, #tpu.memory_space<vmem>>, vector<1x16xi32>,
        %parallel_loop3A_646 = vector.shape_cast %parallel_loop3A_645 : vector<1x16xi32> to vector<16xi32>
        %parallel_loop3A_647 = arith.constant 40 : i32
        %parallel_loop3A_648 = arith.addi %parallel_loop3A_647, %parallel_loop3A_522 : i32
        %parallel_loop3A_649 = arith.index_cast %parallel_loop3A_648 : i32 to index
        %parallel_loop3A_650 = arith.constant 48 : index
        %parallel_loop3A_651 = tpu.vector_load %arg16[%parallel_loop3A_649, %parallel_loop3A_650] {strides = array<i32>} : memref<80x128xi32, #tpu.memory_space<vmem>>, vector<1x16xi32>,
        %parallel_loop3A_652 = vector.shape_cast %parallel_loop3A_651 : vector<1x16xi32> to vector<16xi32>
        %parallel_loop3A_653 = arith.constant 16 : i32
        %parallel_loop3A_654 = vector.broadcast %parallel_loop3A_653 : i32 to vector<16xi32>
        %parallel_loop3A_655 = arith.shli %parallel_loop3A_646, %parallel_loop3A_654 : vector<16xi32>
        %parallel_loop3A_656 = tpu.bitcast %parallel_loop3A_655 : vector<16xi32> -> vector<16xf32>
        %parallel_loop3A_657 = arith.constant -65536 : i32
        %parallel_loop3A_658 = vector.broadcast %parallel_loop3A_657 : i32 to vector<16xi32>
        %parallel_loop3A_659 = arith.andi %parallel_loop3A_646, %parallel_loop3A_658 : vector<16xi32>
        %parallel_loop3A_660 = tpu.bitcast %parallel_loop3A_659 : vector<16xi32> -> vector<16xf32>
        %parallel_loop3A_661 = arith.constant 16 : i32
        %parallel_loop3A_662 = vector.broadcast %parallel_loop3A_661 : i32 to vector<16xi32>
        %parallel_loop3A_663 = arith.shli %parallel_loop3A_652, %parallel_loop3A_662 : vector<16xi32>
        %parallel_loop3A_664 = tpu.bitcast %parallel_loop3A_663 : vector<16xi32> -> vector<16xf32>
        %parallel_loop3A_665 = arith.constant -65536 : i32
        %parallel_loop3A_666 = vector.broadcast %parallel_loop3A_665 : i32 to vector<16xi32>
        %parallel_loop3A_667 = arith.andi %parallel_loop3A_652, %parallel_loop3A_666 : vector<16xi32>
        %parallel_loop3A_668 = tpu.bitcast %parallel_loop3A_667 : vector<16xi32> -> vector<16xf32>
        %parallel_loop3A_669 = arith.addf %parallel_loop3A_656, %parallel_loop3A_668 : vector<16xf32>
        %parallel_loop3A_670 = arith.constant 0.000000e+00 : f32
        %parallel_loop3A_671 = vector.broadcast %parallel_loop3A_670 : f32 to vector<16xf32>
        %parallel_loop3A_672 = arith.maximumf %parallel_loop3A_669, %parallel_loop3A_671 : vector<16xf32>
        %parallel_loop3A_673 = arith.addf %parallel_loop3A_664, %parallel_loop3A_660 : vector<16xf32>
        %parallel_loop3A_674 = arith.constant 0.000000e+00 : f32
        %parallel_loop3A_675 = vector.broadcast %parallel_loop3A_674 : f32 to vector<16xf32>
        %parallel_loop3A_676 = arith.maximumf %parallel_loop3A_673, %parallel_loop3A_675 : vector<16xf32>
        %parallel_loop3A_677 = arith.addf %parallel_loop3A_672, %parallel_loop3A_676 : vector<16xf32>
        %parallel_loop3A_678 = arith.index_cast %parallel_loop3A_522 : i32 to index
        %parallel_loop3A_679 = arith.constant 48 : index
        %parallel_loop3A_680 = tpu.vector_load %arg21[%parallel_loop3A_678, %parallel_loop3A_679] {strides = array<i32>} : memref<40x128xf32, #tpu.memory_space<vmem>>, vector<1x16xf32>,
        %parallel_loop3A_681 = vector.shape_cast %parallel_loop3A_680 : vector<1x16xf32> to vector<16xf32>
        %parallel_loop3A_682 = vector.shape_cast %parallel_loop3A_677 : vector<16xf32> to vector<1x16xf32>
        tpu.vector_store %arg21[%parallel_loop3A_678, %parallel_loop3A_679], %parallel_loop3A_682 {strides = array<i32>} : memref<40x128xf32, #tpu.memory_space<vmem>>, vector<1x16xf32>,
        %parallel_loop3A_683 = arith.index_cast %parallel_loop3A_522 : i32 to index
        %parallel_loop3A_684 = arith.constant 64 : index
        %parallel_loop3A_685 = tpu.vector_load %arg16[%parallel_loop3A_683, %parallel_loop3A_684] {strides = array<i32>} : memref<80x128xi32, #tpu.memory_space<vmem>>, vector<1x16xi32>,
        %parallel_loop3A_686 = vector.shape_cast %parallel_loop3A_685 : vector<1x16xi32> to vector<16xi32>
        %parallel_loop3A_687 = arith.constant 40 : i32
        %parallel_loop3A_688 = arith.addi %parallel_loop3A_687, %parallel_loop3A_522 : i32
        %parallel_loop3A_689 = arith.index_cast %parallel_loop3A_688 : i32 to index
        %parallel_loop3A_690 = arith.constant 64 : index
        %parallel_loop3A_691 = tpu.vector_load %arg16[%parallel_loop3A_689, %parallel_loop3A_690] {strides = array<i32>} : memref<80x128xi32, #tpu.memory_space<vmem>>, vector<1x16xi32>,
        %parallel_loop3A_692 = vector.shape_cast %parallel_loop3A_691 : vector<1x16xi32> to vector<16xi32>
        %parallel_loop3A_693 = arith.constant 16 : i32
        %parallel_loop3A_694 = vector.broadcast %parallel_loop3A_693 : i32 to vector<16xi32>
        %parallel_loop3A_695 = arith.shli %parallel_loop3A_686, %parallel_loop3A_694 : vector<16xi32>
        %parallel_loop3A_696 = tpu.bitcast %parallel_loop3A_695 : vector<16xi32> -> vector<16xf32>
        %parallel_loop3A_697 = arith.constant -65536 : i32
        %parallel_loop3A_698 = vector.broadcast %parallel_loop3A_697 : i32 to vector<16xi32>
        %parallel_loop3A_699 = arith.andi %parallel_loop3A_686, %parallel_loop3A_698 : vector<16xi32>
        %parallel_loop3A_700 = tpu.bitcast %parallel_loop3A_699 : vector<16xi32> -> vector<16xf32>
        %parallel_loop3A_701 = arith.constant 16 : i32
        %parallel_loop3A_702 = vector.broadcast %parallel_loop3A_701 : i32 to vector<16xi32>
        %parallel_loop3A_703 = arith.shli %parallel_loop3A_692, %parallel_loop3A_702 : vector<16xi32>
        %parallel_loop3A_704 = tpu.bitcast %parallel_loop3A_703 : vector<16xi32> -> vector<16xf32>
        %parallel_loop3A_705 = arith.constant -65536 : i32
        %parallel_loop3A_706 = vector.broadcast %parallel_loop3A_705 : i32 to vector<16xi32>
        %parallel_loop3A_707 = arith.andi %parallel_loop3A_692, %parallel_loop3A_706 : vector<16xi32>
        %parallel_loop3A_708 = tpu.bitcast %parallel_loop3A_707 : vector<16xi32> -> vector<16xf32>
        %parallel_loop3A_709 = arith.addf %parallel_loop3A_696, %parallel_loop3A_708 : vector<16xf32>
        %parallel_loop3A_710 = arith.constant 0.000000e+00 : f32
        %parallel_loop3A_711 = vector.broadcast %parallel_loop3A_710 : f32 to vector<16xf32>
        %parallel_loop3A_712 = arith.maximumf %parallel_loop3A_709, %parallel_loop3A_711 : vector<16xf32>
        %parallel_loop3A_713 = arith.addf %parallel_loop3A_704, %parallel_loop3A_700 : vector<16xf32>
        %parallel_loop3A_714 = arith.constant 0.000000e+00 : f32
        %parallel_loop3A_715 = vector.broadcast %parallel_loop3A_714 : f32 to vector<16xf32>
        %parallel_loop3A_716 = arith.maximumf %parallel_loop3A_713, %parallel_loop3A_715 : vector<16xf32>
        %parallel_loop3A_717 = arith.addf %parallel_loop3A_712, %parallel_loop3A_716 : vector<16xf32>
        %parallel_loop3A_718 = arith.index_cast %parallel_loop3A_522 : i32 to index
        %parallel_loop3A_719 = arith.constant 64 : index
        %parallel_loop3A_720 = tpu.vector_load %arg21[%parallel_loop3A_718, %parallel_loop3A_719] {strides = array<i32>} : memref<40x128xf32, #tpu.memory_space<vmem>>, vector<1x16xf32>,
        %parallel_loop3A_721 = vector.shape_cast %parallel_loop3A_720 : vector<1x16xf32> to vector<16xf32>
        %parallel_loop3A_722 = vector.shape_cast %parallel_loop3A_717 : vector<16xf32> to vector<1x16xf32>
        tpu.vector_store %arg21[%parallel_loop3A_718, %parallel_loop3A_719], %parallel_loop3A_722 {strides = array<i32>} : memref<40x128xf32, #tpu.memory_space<vmem>>, vector<1x16xf32>,
        %parallel_loop3A_723 = arith.index_cast %parallel_loop3A_522 : i32 to index
        %parallel_loop3A_724 = arith.constant 80 : index
        %parallel_loop3A_725 = tpu.vector_load %arg16[%parallel_loop3A_723, %parallel_loop3A_724] {strides = array<i32>} : memref<80x128xi32, #tpu.memory_space<vmem>>, vector<1x16xi32>,
        %parallel_loop3A_726 = vector.shape_cast %parallel_loop3A_725 : vector<1x16xi32> to vector<16xi32>
        %parallel_loop3A_727 = arith.constant 40 : i32
        %parallel_loop3A_728 = arith.addi %parallel_loop3A_727, %parallel_loop3A_522 : i32
        %parallel_loop3A_729 = arith.index_cast %parallel_loop3A_728 : i32 to index
        %parallel_loop3A_730 = arith.constant 80 : index
        %parallel_loop3A_731 = tpu.vector_load %arg16[%parallel_loop3A_729, %parallel_loop3A_730] {strides = array<i32>} : memref<80x128xi32, #tpu.memory_space<vmem>>, vector<1x16xi32>,
        %parallel_loop3A_732 = vector.shape_cast %parallel_loop3A_731 : vector<1x16xi32> to vector<16xi32>
        %parallel_loop3A_733 = arith.constant 16 : i32
        %parallel_loop3A_734 = vector.broadcast %parallel_loop3A_733 : i32 to vector<16xi32>
        %parallel_loop3A_735 = arith.shli %parallel_loop3A_726, %parallel_loop3A_734 : vector<16xi32>
        %parallel_loop3A_736 = tpu.bitcast %parallel_loop3A_735 : vector<16xi32> -> vector<16xf32>
        %parallel_loop3A_737 = arith.constant -65536 : i32
        %parallel_loop3A_738 = vector.broadcast %parallel_loop3A_737 : i32 to vector<16xi32>
        %parallel_loop3A_739 = arith.andi %parallel_loop3A_726, %parallel_loop3A_738 : vector<16xi32>
        %parallel_loop3A_740 = tpu.bitcast %parallel_loop3A_739 : vector<16xi32> -> vector<16xf32>
        %parallel_loop3A_741 = arith.constant 16 : i32
        %parallel_loop3A_742 = vector.broadcast %parallel_loop3A_741 : i32 to vector<16xi32>
        %parallel_loop3A_743 = arith.shli %parallel_loop3A_732, %parallel_loop3A_742 : vector<16xi32>
        %parallel_loop3A_744 = tpu.bitcast %parallel_loop3A_743 : vector<16xi32> -> vector<16xf32>
        %parallel_loop3A_745 = arith.constant -65536 : i32
        %parallel_loop3A_746 = vector.broadcast %parallel_loop3A_745 : i32 to vector<16xi32>
        %parallel_loop3A_747 = arith.andi %parallel_loop3A_732, %parallel_loop3A_746 : vector<16xi32>
        %parallel_loop3A_748 = tpu.bitcast %parallel_loop3A_747 : vector<16xi32> -> vector<16xf32>
        %parallel_loop3A_749 = arith.addf %parallel_loop3A_736, %parallel_loop3A_748 : vector<16xf32>
        %parallel_loop3A_750 = arith.constant 0.000000e+00 : f32
        %parallel_loop3A_751 = vector.broadcast %parallel_loop3A_750 : f32 to vector<16xf32>
        %parallel_loop3A_752 = arith.maximumf %parallel_loop3A_749, %parallel_loop3A_751 : vector<16xf32>
        %parallel_loop3A_753 = arith.addf %parallel_loop3A_744, %parallel_loop3A_740 : vector<16xf32>
        %parallel_loop3A_754 = arith.constant 0.000000e+00 : f32
        %parallel_loop3A_755 = vector.broadcast %parallel_loop3A_754 : f32 to vector<16xf32>
        %parallel_loop3A_756 = arith.maximumf %parallel_loop3A_753, %parallel_loop3A_755 : vector<16xf32>
        %parallel_loop3A_757 = arith.addf %parallel_loop3A_752, %parallel_loop3A_756 : vector<16xf32>
        %parallel_loop3A_758 = arith.index_cast %parallel_loop3A_522 : i32 to index
        %parallel_loop3A_759 = arith.constant 80 : index
        %parallel_loop3A_760 = tpu.vector_load %arg21[%parallel_loop3A_758, %parallel_loop3A_759] {strides = array<i32>} : memref<40x128xf32, #tpu.memory_space<vmem>>, vector<1x16xf32>,
        %parallel_loop3A_761 = vector.shape_cast %parallel_loop3A_760 : vector<1x16xf32> to vector<16xf32>
        %parallel_loop3A_762 = vector.shape_cast %parallel_loop3A_757 : vector<16xf32> to vector<1x16xf32>
        tpu.vector_store %arg21[%parallel_loop3A_758, %parallel_loop3A_759], %parallel_loop3A_762 {strides = array<i32>} : memref<40x128xf32, #tpu.memory_space<vmem>>, vector<1x16xf32>,
        %parallel_loop3A_763 = arith.index_cast %parallel_loop3A_522 : i32 to index
        %parallel_loop3A_764 = arith.constant 96 : index
        %parallel_loop3A_765 = tpu.vector_load %arg16[%parallel_loop3A_763, %parallel_loop3A_764] {strides = array<i32>} : memref<80x128xi32, #tpu.memory_space<vmem>>, vector<1x16xi32>,
        %parallel_loop3A_766 = vector.shape_cast %parallel_loop3A_765 : vector<1x16xi32> to vector<16xi32>
        %parallel_loop3A_767 = arith.constant 40 : i32
        %parallel_loop3A_768 = arith.addi %parallel_loop3A_767, %parallel_loop3A_522 : i32
        %parallel_loop3A_769 = arith.index_cast %parallel_loop3A_768 : i32 to index
        %parallel_loop3A_770 = arith.constant 96 : index
        %parallel_loop3A_771 = tpu.vector_load %arg16[%parallel_loop3A_769, %parallel_loop3A_770] {strides = array<i32>} : memref<80x128xi32, #tpu.memory_space<vmem>>, vector<1x16xi32>,
        %parallel_loop3A_772 = vector.shape_cast %parallel_loop3A_771 : vector<1x16xi32> to vector<16xi32>
        %parallel_loop3A_773 = arith.constant 16 : i32
        %parallel_loop3A_774 = vector.broadcast %parallel_loop3A_773 : i32 to vector<16xi32>
        %parallel_loop3A_775 = arith.shli %parallel_loop3A_766, %parallel_loop3A_774 : vector<16xi32>
        %parallel_loop3A_776 = tpu.bitcast %parallel_loop3A_775 : vector<16xi32> -> vector<16xf32>
        %parallel_loop3A_777 = arith.constant -65536 : i32
        %parallel_loop3A_778 = vector.broadcast %parallel_loop3A_777 : i32 to vector<16xi32>
        %parallel_loop3A_779 = arith.andi %parallel_loop3A_766, %parallel_loop3A_778 : vector<16xi32>
        %parallel_loop3A_780 = tpu.bitcast %parallel_loop3A_779 : vector<16xi32> -> vector<16xf32>
        %parallel_loop3A_781 = arith.constant 16 : i32
        %parallel_loop3A_782 = vector.broadcast %parallel_loop3A_781 : i32 to vector<16xi32>
        %parallel_loop3A_783 = arith.shli %parallel_loop3A_772, %parallel_loop3A_782 : vector<16xi32>
        %parallel_loop3A_784 = tpu.bitcast %parallel_loop3A_783 : vector<16xi32> -> vector<16xf32>
        %parallel_loop3A_785 = arith.constant -65536 : i32
        %parallel_loop3A_786 = vector.broadcast %parallel_loop3A_785 : i32 to vector<16xi32>
        %parallel_loop3A_787 = arith.andi %parallel_loop3A_772, %parallel_loop3A_786 : vector<16xi32>
        %parallel_loop3A_788 = tpu.bitcast %parallel_loop3A_787 : vector<16xi32> -> vector<16xf32>
        %parallel_loop3A_789 = arith.addf %parallel_loop3A_776, %parallel_loop3A_788 : vector<16xf32>
        %parallel_loop3A_790 = arith.constant 0.000000e+00 : f32
        %parallel_loop3A_791 = vector.broadcast %parallel_loop3A_790 : f32 to vector<16xf32>
        %parallel_loop3A_792 = arith.maximumf %parallel_loop3A_789, %parallel_loop3A_791 : vector<16xf32>
        %parallel_loop3A_793 = arith.addf %parallel_loop3A_784, %parallel_loop3A_780 : vector<16xf32>
        %parallel_loop3A_794 = arith.constant 0.000000e+00 : f32
        %parallel_loop3A_795 = vector.broadcast %parallel_loop3A_794 : f32 to vector<16xf32>
        %parallel_loop3A_796 = arith.maximumf %parallel_loop3A_793, %parallel_loop3A_795 : vector<16xf32>
        %parallel_loop3A_797 = arith.addf %parallel_loop3A_792, %parallel_loop3A_796 : vector<16xf32>
        %parallel_loop3A_798 = arith.index_cast %parallel_loop3A_522 : i32 to index
        %parallel_loop3A_799 = arith.constant 96 : index
        %parallel_loop3A_800 = tpu.vector_load %arg21[%parallel_loop3A_798, %parallel_loop3A_799] {strides = array<i32>} : memref<40x128xf32, #tpu.memory_space<vmem>>, vector<1x16xf32>,
        %parallel_loop3A_801 = vector.shape_cast %parallel_loop3A_800 : vector<1x16xf32> to vector<16xf32>
        %parallel_loop3A_802 = vector.shape_cast %parallel_loop3A_797 : vector<16xf32> to vector<1x16xf32>
        tpu.vector_store %arg21[%parallel_loop3A_798, %parallel_loop3A_799], %parallel_loop3A_802 {strides = array<i32>} : memref<40x128xf32, #tpu.memory_space<vmem>>, vector<1x16xf32>,
        %parallel_loop3A_803 = arith.index_cast %parallel_loop3A_522 : i32 to index
        %parallel_loop3A_804 = arith.constant 112 : index
        %parallel_loop3A_805 = tpu.vector_load %arg16[%parallel_loop3A_803, %parallel_loop3A_804] {strides = array<i32>} : memref<80x128xi32, #tpu.memory_space<vmem>>, vector<1x16xi32>,
        %parallel_loop3A_806 = vector.shape_cast %parallel_loop3A_805 : vector<1x16xi32> to vector<16xi32>
        %parallel_loop3A_807 = arith.constant 40 : i32
        %parallel_loop3A_808 = arith.addi %parallel_loop3A_807, %parallel_loop3A_522 : i32
        %parallel_loop3A_809 = arith.index_cast %parallel_loop3A_808 : i32 to index
        %parallel_loop3A_810 = arith.constant 112 : index
        %parallel_loop3A_811 = tpu.vector_load %arg16[%parallel_loop3A_809, %parallel_loop3A_810] {strides = array<i32>} : memref<80x128xi32, #tpu.memory_space<vmem>>, vector<1x16xi32>,
        %parallel_loop3A_812 = vector.shape_cast %parallel_loop3A_811 : vector<1x16xi32> to vector<16xi32>
        %parallel_loop3A_813 = arith.constant 16 : i32
        %parallel_loop3A_814 = vector.broadcast %parallel_loop3A_813 : i32 to vector<16xi32>
        %parallel_loop3A_815 = arith.shli %parallel_loop3A_806, %parallel_loop3A_814 : vector<16xi32>
        %parallel_loop3A_816 = tpu.bitcast %parallel_loop3A_815 : vector<16xi32> -> vector<16xf32>
        %parallel_loop3A_817 = arith.constant -65536 : i32
        %parallel_loop3A_818 = vector.broadcast %parallel_loop3A_817 : i32 to vector<16xi32>
        %parallel_loop3A_819 = arith.andi %parallel_loop3A_806, %parallel_loop3A_818 : vector<16xi32>
        %parallel_loop3A_820 = tpu.bitcast %parallel_loop3A_819 : vector<16xi32> -> vector<16xf32>
        %parallel_loop3A_821 = arith.constant 16 : i32
        %parallel_loop3A_822 = vector.broadcast %parallel_loop3A_821 : i32 to vector<16xi32>
        %parallel_loop3A_823 = arith.shli %parallel_loop3A_812, %parallel_loop3A_822 : vector<16xi32>
        %parallel_loop3A_824 = tpu.bitcast %parallel_loop3A_823 : vector<16xi32> -> vector<16xf32>
        %parallel_loop3A_825 = arith.constant -65536 : i32
        %parallel_loop3A_826 = vector.broadcast %parallel_loop3A_825 : i32 to vector<16xi32>
        %parallel_loop3A_827 = arith.andi %parallel_loop3A_812, %parallel_loop3A_826 : vector<16xi32>
        %parallel_loop3A_828 = tpu.bitcast %parallel_loop3A_827 : vector<16xi32> -> vector<16xf32>
        %parallel_loop3A_829 = arith.addf %parallel_loop3A_816, %parallel_loop3A_828 : vector<16xf32>
        %parallel_loop3A_830 = arith.constant 0.000000e+00 : f32
        %parallel_loop3A_831 = vector.broadcast %parallel_loop3A_830 : f32 to vector<16xf32>
        %parallel_loop3A_832 = arith.maximumf %parallel_loop3A_829, %parallel_loop3A_831 : vector<16xf32>
        %parallel_loop3A_833 = arith.addf %parallel_loop3A_824, %parallel_loop3A_820 : vector<16xf32>
        %parallel_loop3A_834 = arith.constant 0.000000e+00 : f32
        %parallel_loop3A_835 = vector.broadcast %parallel_loop3A_834 : f32 to vector<16xf32>
        %parallel_loop3A_836 = arith.maximumf %parallel_loop3A_833, %parallel_loop3A_835 : vector<16xf32>
        %parallel_loop3A_837 = arith.addf %parallel_loop3A_832, %parallel_loop3A_836 : vector<16xf32>
        %parallel_loop3A_838 = arith.index_cast %parallel_loop3A_522 : i32 to index
        %parallel_loop3A_839 = arith.constant 112 : index
        %parallel_loop3A_840 = tpu.vector_load %arg21[%parallel_loop3A_838, %parallel_loop3A_839] {strides = array<i32>} : memref<40x128xf32, #tpu.memory_space<vmem>>, vector<1x16xf32>,
        %parallel_loop3A_841 = vector.shape_cast %parallel_loop3A_840 : vector<1x16xf32> to vector<16xf32>
        %parallel_loop3A_842 = vector.shape_cast %parallel_loop3A_837 : vector<16xf32> to vector<1x16xf32>
        tpu.vector_store %arg21[%parallel_loop3A_838, %parallel_loop3A_839], %parallel_loop3A_842 {strides = array<i32>} : memref<40x128xf32, #tpu.memory_space<vmem>>, vector<1x16xf32>,
      } {sc.loop_unroll_factor = 1 : i64, sc.parallel_access}
      %mul3A_466 = arith.constant 40 : i32
      %mul3A_467 = arith.muli %add3A_443, %mul3A_466 : i32
      %add3A_468 = arith.addi %mul3A_2, %mul3A_467 : i32
      %dma_start3A_469 = arith.constant 0 : i32
      %dma_start3A_470 = tpu.memref_slice %arg4[%add3A_468, %dma_start3A_469] : memref<320000x128xf32, #tpu.memory_space<hbm>> -> memref<40x128xf32, #tpu.memory_space<hbm>>
      %dma_start3A_471 = arith.constant 0 : i32
      %dma_start3A_472 = tpu.memref_slice %arg4[%add3A_468, %dma_start3A_471] : memref<320000x128xf32, #tpu.memory_space<hbm>> -> memref<40x128xf32, #tpu.memory_space<hbm>>
      tpu.enqueue_dma source(%arg21 : memref<40x128xf32, #tpu.memory_space<vmem>>) target(%dma_start3A_472 : memref<40x128xf32, #tpu.memory_space<hbm>>) target_semaphore(%arg38 : memref<!tpu.dma_semaphore, #tpu.memory_space<semaphore_mem>>)
      %add3A_473 = arith.constant 8 : i32
      %add3A_474 = arith.addi %mul3A_124, %add3A_473 : i32
      %add3A_475 = arith.constant 2 : i32
      %add3A_476 = arith.addi %add3A_474, %add3A_475 : i32
      %lt3A_477 = arith.constant 250 : i32
      %lt3A_478 = arith.cmpi slt, %add3A_476, %lt3A_477 : i32
      %convert_element_type3A_479 = arith.extui %lt3A_478 : i1 to i32
      %cond3A_480 = arith.constant 0 : i32
      %cond3A_481 = arith.cmpi ne, %convert_element_type3A_479, %cond3A_480 : i32
      scf.if %cond3A_481 {
        %dma_wait3A_522 = arith.constant 0 : i32
        %dma_wait3A_523 = arith.constant 0 : i32
        %dma_wait3A_524 = tpu.memref_slice %arg3[%add3A, %dma_wait3A_522, %dma_wait3A_523] : memref<32x250x80xi32, #tpu.memory_space<hbm>> -> memref<1x1x80xi32, #tpu.memory_space<hbm>>
        %dma_wait3A_525 = tpu.memref_squeeze %dma_wait3A_524 : memref<1x1x80xi32, #tpu.memory_space<hbm>> -> memref<80xi32, #tpu.memory_space<hbm>>
        %dma_wait3A_526 = arith.constant 0 : i32
        %dma_wait3A_527 = tpu.memref_slice %arg3[%add3A, %dma_wait3A_522, %dma_wait3A_526] : memref<32x250x80xi32, #tpu.memory_space<hbm>> -> memref<1x1x80xi32, #tpu.memory_space<hbm>>
        %dma_wait3A_528 = tpu.memref_squeeze %dma_wait3A_527 : memref<1x1x80xi32, #tpu.memory_space<hbm>> -> memref<80xi32, #tpu.memory_space<hbm>>
        tpu.wait_dma2 semaphore(%arg23 : memref<!tpu.dma_semaphore, #tpu.memory_space<semaphore_mem>>) src(%dma_wait3A_528 : memref<80xi32, #tpu.memory_space<hbm>>) dst(%arg6 : memref<80xi32, #tpu.memory_space<vmem>>)
        %dma_start3A_529 = arith.constant 0 : i32
        %dma_start3A_530 = arith.constant 0 : i32
        %dma_start3A_531 = tpu.memref_slice %arg5[%dma_start3A_529, %dma_start3A_530] : memref<10000x128xi32, #tpu.memory_space<vmem_shared>> -> memref<10000x128xi32, #tpu.memory_space<vmem_shared>>
        tpu.enqueue_indirect_dma source(%dma_start3A_531 : memref<10000x128xi32, #tpu.memory_space<vmem_shared>>) target(%arg16 : memref<80x128xi32, #tpu.memory_space<vmem>>) offsets(%arg6 : memref<80xi32, #tpu.memory_space<vmem>>) semaphore(%arg33 : memref<!tpu.dma_semaphore, #tpu.memory_space<semaphore_mem>>)
      } else {
      }
      %add3A_482 = arith.constant 9 : i32
      %add3A_483 = arith.addi %mul3A_124, %add3A_482 : i32
      %dma_wait3A_484 = arith.constant 0 : i32
      %dma_wait3A_485 = arith.constant 0 : i32
      %dma_wait3A_486 = tpu.memref_slice %arg5[%dma_wait3A_484, %dma_wait3A_485] : memref<10000x128xi32, #tpu.memory_space<vmem_shared>> -> memref<10000x128xi32, #tpu.memory_space<vmem_shared>>
      tpu.wait_indirect_dma semaphore(%arg34 : memref<!tpu.dma_semaphore, #tpu.memory_space<semaphore_mem>>) src(%dma_wait3A_486 : memref<10000x128xi32, #tpu.memory_space<vmem_shared>>) dst(%arg17 : memref<80x128xi32, #tpu.memory_space<vmem>>)
      %add3A_487 = arith.constant 9 : i32
      %add3A_488 = arith.addi %mul3A_124, %add3A_487 : i32
      %add3A_489 = arith.constant 10 : i32
      %add3A_490 = arith.addi %add3A_488, %add3A_489 : i32
      %lt3A_491 = arith.constant 250 : i32
      %lt3A_492 = arith.cmpi slt, %add3A_490, %lt3A_491 : i32
      %convert_element_type3A_493 = arith.extui %lt3A_492 : i1 to i32
      %cond3A_494 = arith.constant 0 : i32
      %cond3A_495 = arith.cmpi ne, %convert_element_type3A_493, %cond3A_494 : i32
      scf.if %cond3A_495 {
        %add3A_522 = arith.constant 10 : i32
        %add3A_523 = arith.addi %add3A_483, %add3A_522 : i32
        %dma_start3A_524 = arith.constant 0 : i32
        %dma_start3A_525 = tpu.memref_slice %arg3[%add3A, %add3A_523, %dma_start3A_524] : memref<32x250x80xi32, #tpu.memory_space<hbm>> -> memref<1x1x80xi32, #tpu.memory_space<hbm>>
        %dma_start3A_526 = tpu.memref_squeeze %dma_start3A_525 : memref<1x1x80xi32, #tpu.memory_space<hbm>> -> memref<80xi32, #tpu.memory_space<hbm>>
        %dma_start3A_527 = arith.constant 0 : i32
        %dma_start3A_528 = tpu.memref_slice %arg3[%add3A, %add3A_523, %dma_start3A_527] : memref<32x250x80xi32, #tpu.memory_space<hbm>> -> memref<1x1x80xi32, #tpu.memory_space<hbm>>
        %dma_start3A_529 = tpu.memref_squeeze %dma_start3A_528 : memref<1x1x80xi32, #tpu.memory_space<hbm>> -> memref<80xi32, #tpu.memory_space<hbm>>
        tpu.enqueue_dma source(%dma_start3A_529 : memref<80xi32, #tpu.memory_space<hbm>>) target(%arg15 : memref<80xi32, #tpu.memory_space<vmem>>) target_semaphore(%arg32 : memref<!tpu.dma_semaphore, #tpu.memory_space<semaphore_mem>>)
      } else {
      }
      %add3A_496 = arith.constant 9 : i32
      %add3A_497 = arith.addi %mul3A_124, %add3A_496 : i32
      %ge3A_498 = arith.constant 5 : i32
      %ge3A_499 = arith.cmpi sge, %add3A_497, %ge3A_498 : i32
      %convert_element_type3A_500 = arith.extui %ge3A_499 : i1 to i32
      %cond3A_501 = arith.constant 0 : i32
      %cond3A_502 = arith.cmpi ne, %convert_element_type3A_500, %cond3A_501 : i32
      scf.if %cond3A_502 {
        %dma_wait3A_522 = arith.constant 0 : i32
        %dma_wait3A_523 = tpu.memref_slice %arg4[%mul3A_2, %dma_wait3A_522] : memref<320000x128xf32, #tpu.memory_space<hbm>> -> memref<40x128xf32, #tpu.memory_space<hbm>>
        %dma_wait3A_524 = arith.constant 0 : i32
        %dma_wait3A_525 = tpu.memref_slice %arg4[%mul3A_2, %dma_wait3A_524] : memref<320000x128xf32, #tpu.memory_space<hbm>> -> memref<40x128xf32, #tpu.memory_space<hbm>>
        tpu.wait_dma2 semaphore(%arg39 : memref<!tpu.dma_semaphore, #tpu.memory_space<semaphore_mem>>) src(%arg22 : memref<40x128xf32, #tpu.memory_space<vmem>>) dst(%dma_wait3A_525 : memref<40x128xf32, #tpu.memory_space<hbm>>)
      } else {
      }
      %parallel_loop3A_503 = arith.constant 0 : i32
      %parallel_loop3A_504 = arith.constant 40 : i32
      %parallel_loop3A_505 = arith.constant 1 : i32
      scf.for %parallel_loop3A_522 = %parallel_loop3A_503 to %parallel_loop3A_504 step %parallel_loop3A_505  : i32 {
        %parallel_loop3A_523 = arith.index_cast %parallel_loop3A_522 : i32 to index
        %parallel_loop3A_524 = arith.constant 0 : index
        %parallel_loop3A_525 = tpu.vector_load %arg17[%parallel_loop3A_523, %parallel_loop3A_524] {strides = array<i32>} : memref<80x128xi32, #tpu.memory_space<vmem>>, vector<1x16xi32>,
        %parallel_loop3A_526 = vector.shape_cast %parallel_loop3A_525 : vector<1x16xi32> to vector<16xi32>
        %parallel_loop3A_527 = arith.constant 40 : i32
        %parallel_loop3A_528 = arith.addi %parallel_loop3A_527, %parallel_loop3A_522 : i32
        %parallel_loop3A_529 = arith.index_cast %parallel_loop3A_528 : i32 to index
        %parallel_loop3A_530 = arith.constant 0 : index
        %parallel_loop3A_531 = tpu.vector_load %arg17[%parallel_loop3A_529, %parallel_loop3A_530] {strides = array<i32>} : memref<80x128xi32, #tpu.memory_space<vmem>>, vector<1x16xi32>,
        %parallel_loop3A_532 = vector.shape_cast %parallel_loop3A_531 : vector<1x16xi32> to vector<16xi32>
        %parallel_loop3A_533 = arith.constant 16 : i32
        %parallel_loop3A_534 = vector.broadcast %parallel_loop3A_533 : i32 to vector<16xi32>
        %parallel_loop3A_535 = arith.shli %parallel_loop3A_526, %parallel_loop3A_534 : vector<16xi32>
        %parallel_loop3A_536 = tpu.bitcast %parallel_loop3A_535 : vector<16xi32> -> vector<16xf32>
        %parallel_loop3A_537 = arith.constant -65536 : i32
        %parallel_loop3A_538 = vector.broadcast %parallel_loop3A_537 : i32 to vector<16xi32>
        %parallel_loop3A_539 = arith.andi %parallel_loop3A_526, %parallel_loop3A_538 : vector<16xi32>
        %parallel_loop3A_540 = tpu.bitcast %parallel_loop3A_539 : vector<16xi32> -> vector<16xf32>
        %parallel_loop3A_541 = arith.constant 16 : i32
        %parallel_loop3A_542 = vector.broadcast %parallel_loop3A_541 : i32 to vector<16xi32>
        %parallel_loop3A_543 = arith.shli %parallel_loop3A_532, %parallel_loop3A_542 : vector<16xi32>
        %parallel_loop3A_544 = tpu.bitcast %parallel_loop3A_543 : vector<16xi32> -> vector<16xf32>
        %parallel_loop3A_545 = arith.constant -65536 : i32
        %parallel_loop3A_546 = vector.broadcast %parallel_loop3A_545 : i32 to vector<16xi32>
        %parallel_loop3A_547 = arith.andi %parallel_loop3A_532, %parallel_loop3A_546 : vector<16xi32>
        %parallel_loop3A_548 = tpu.bitcast %parallel_loop3A_547 : vector<16xi32> -> vector<16xf32>
        %parallel_loop3A_549 = arith.addf %parallel_loop3A_536, %parallel_loop3A_548 : vector<16xf32>
        %parallel_loop3A_550 = arith.constant 0.000000e+00 : f32
        %parallel_loop3A_551 = vector.broadcast %parallel_loop3A_550 : f32 to vector<16xf32>
        %parallel_loop3A_552 = arith.maximumf %parallel_loop3A_549, %parallel_loop3A_551 : vector<16xf32>
        %parallel_loop3A_553 = arith.addf %parallel_loop3A_544, %parallel_loop3A_540 : vector<16xf32>
        %parallel_loop3A_554 = arith.constant 0.000000e+00 : f32
        %parallel_loop3A_555 = vector.broadcast %parallel_loop3A_554 : f32 to vector<16xf32>
        %parallel_loop3A_556 = arith.maximumf %parallel_loop3A_553, %parallel_loop3A_555 : vector<16xf32>
        %parallel_loop3A_557 = arith.addf %parallel_loop3A_552, %parallel_loop3A_556 : vector<16xf32>
        %parallel_loop3A_558 = arith.index_cast %parallel_loop3A_522 : i32 to index
        %parallel_loop3A_559 = arith.constant 0 : index
        %parallel_loop3A_560 = tpu.vector_load %arg22[%parallel_loop3A_558, %parallel_loop3A_559] {strides = array<i32>} : memref<40x128xf32, #tpu.memory_space<vmem>>, vector<1x16xf32>,
        %parallel_loop3A_561 = vector.shape_cast %parallel_loop3A_560 : vector<1x16xf32> to vector<16xf32>
        %parallel_loop3A_562 = vector.shape_cast %parallel_loop3A_557 : vector<16xf32> to vector<1x16xf32>
        tpu.vector_store %arg22[%parallel_loop3A_558, %parallel_loop3A_559], %parallel_loop3A_562 {strides = array<i32>} : memref<40x128xf32, #tpu.memory_space<vmem>>, vector<1x16xf32>,
        %parallel_loop3A_563 = arith.index_cast %parallel_loop3A_522 : i32 to index
        %parallel_loop3A_564 = arith.constant 16 : index
        %parallel_loop3A_565 = tpu.vector_load %arg17[%parallel_loop3A_563, %parallel_loop3A_564] {strides = array<i32>} : memref<80x128xi32, #tpu.memory_space<vmem>>, vector<1x16xi32>,
        %parallel_loop3A_566 = vector.shape_cast %parallel_loop3A_565 : vector<1x16xi32> to vector<16xi32>
        %parallel_loop3A_567 = arith.constant 40 : i32
        %parallel_loop3A_568 = arith.addi %parallel_loop3A_567, %parallel_loop3A_522 : i32
        %parallel_loop3A_569 = arith.index_cast %parallel_loop3A_568 : i32 to index
        %parallel_loop3A_570 = arith.constant 16 : index
        %parallel_loop3A_571 = tpu.vector_load %arg17[%parallel_loop3A_569, %parallel_loop3A_570] {strides = array<i32>} : memref<80x128xi32, #tpu.memory_space<vmem>>, vector<1x16xi32>,
        %parallel_loop3A_572 = vector.shape_cast %parallel_loop3A_571 : vector<1x16xi32> to vector<16xi32>
        %parallel_loop3A_573 = arith.constant 16 : i32
        %parallel_loop3A_574 = vector.broadcast %parallel_loop3A_573 : i32 to vector<16xi32>
        %parallel_loop3A_575 = arith.shli %parallel_loop3A_566, %parallel_loop3A_574 : vector<16xi32>
        %parallel_loop3A_576 = tpu.bitcast %parallel_loop3A_575 : vector<16xi32> -> vector<16xf32>
        %parallel_loop3A_577 = arith.constant -65536 : i32
        %parallel_loop3A_578 = vector.broadcast %parallel_loop3A_577 : i32 to vector<16xi32>
        %parallel_loop3A_579 = arith.andi %parallel_loop3A_566, %parallel_loop3A_578 : vector<16xi32>
        %parallel_loop3A_580 = tpu.bitcast %parallel_loop3A_579 : vector<16xi32> -> vector<16xf32>
        %parallel_loop3A_581 = arith.constant 16 : i32
        %parallel_loop3A_582 = vector.broadcast %parallel_loop3A_581 : i32 to vector<16xi32>
        %parallel_loop3A_583 = arith.shli %parallel_loop3A_572, %parallel_loop3A_582 : vector<16xi32>
        %parallel_loop3A_584 = tpu.bitcast %parallel_loop3A_583 : vector<16xi32> -> vector<16xf32>
        %parallel_loop3A_585 = arith.constant -65536 : i32
        %parallel_loop3A_586 = vector.broadcast %parallel_loop3A_585 : i32 to vector<16xi32>
        %parallel_loop3A_587 = arith.andi %parallel_loop3A_572, %parallel_loop3A_586 : vector<16xi32>
        %parallel_loop3A_588 = tpu.bitcast %parallel_loop3A_587 : vector<16xi32> -> vector<16xf32>
        %parallel_loop3A_589 = arith.addf %parallel_loop3A_576, %parallel_loop3A_588 : vector<16xf32>
        %parallel_loop3A_590 = arith.constant 0.000000e+00 : f32
        %parallel_loop3A_591 = vector.broadcast %parallel_loop3A_590 : f32 to vector<16xf32>
        %parallel_loop3A_592 = arith.maximumf %parallel_loop3A_589, %parallel_loop3A_591 : vector<16xf32>
        %parallel_loop3A_593 = arith.addf %parallel_loop3A_584, %parallel_loop3A_580 : vector<16xf32>
        %parallel_loop3A_594 = arith.constant 0.000000e+00 : f32
        %parallel_loop3A_595 = vector.broadcast %parallel_loop3A_594 : f32 to vector<16xf32>
        %parallel_loop3A_596 = arith.maximumf %parallel_loop3A_593, %parallel_loop3A_595 : vector<16xf32>
        %parallel_loop3A_597 = arith.addf %parallel_loop3A_592, %parallel_loop3A_596 : vector<16xf32>
        %parallel_loop3A_598 = arith.index_cast %parallel_loop3A_522 : i32 to index
        %parallel_loop3A_599 = arith.constant 16 : index
        %parallel_loop3A_600 = tpu.vector_load %arg22[%parallel_loop3A_598, %parallel_loop3A_599] {strides = array<i32>} : memref<40x128xf32, #tpu.memory_space<vmem>>, vector<1x16xf32>,
        %parallel_loop3A_601 = vector.shape_cast %parallel_loop3A_600 : vector<1x16xf32> to vector<16xf32>
        %parallel_loop3A_602 = vector.shape_cast %parallel_loop3A_597 : vector<16xf32> to vector<1x16xf32>
        tpu.vector_store %arg22[%parallel_loop3A_598, %parallel_loop3A_599], %parallel_loop3A_602 {strides = array<i32>} : memref<40x128xf32, #tpu.memory_space<vmem>>, vector<1x16xf32>,
        %parallel_loop3A_603 = arith.index_cast %parallel_loop3A_522 : i32 to index
        %parallel_loop3A_604 = arith.constant 32 : index
        %parallel_loop3A_605 = tpu.vector_load %arg17[%parallel_loop3A_603, %parallel_loop3A_604] {strides = array<i32>} : memref<80x128xi32, #tpu.memory_space<vmem>>, vector<1x16xi32>,
        %parallel_loop3A_606 = vector.shape_cast %parallel_loop3A_605 : vector<1x16xi32> to vector<16xi32>
        %parallel_loop3A_607 = arith.constant 40 : i32
        %parallel_loop3A_608 = arith.addi %parallel_loop3A_607, %parallel_loop3A_522 : i32
        %parallel_loop3A_609 = arith.index_cast %parallel_loop3A_608 : i32 to index
        %parallel_loop3A_610 = arith.constant 32 : index
        %parallel_loop3A_611 = tpu.vector_load %arg17[%parallel_loop3A_609, %parallel_loop3A_610] {strides = array<i32>} : memref<80x128xi32, #tpu.memory_space<vmem>>, vector<1x16xi32>,
        %parallel_loop3A_612 = vector.shape_cast %parallel_loop3A_611 : vector<1x16xi32> to vector<16xi32>
        %parallel_loop3A_613 = arith.constant 16 : i32
        %parallel_loop3A_614 = vector.broadcast %parallel_loop3A_613 : i32 to vector<16xi32>
        %parallel_loop3A_615 = arith.shli %parallel_loop3A_606, %parallel_loop3A_614 : vector<16xi32>
        %parallel_loop3A_616 = tpu.bitcast %parallel_loop3A_615 : vector<16xi32> -> vector<16xf32>
        %parallel_loop3A_617 = arith.constant -65536 : i32
        %parallel_loop3A_618 = vector.broadcast %parallel_loop3A_617 : i32 to vector<16xi32>
        %parallel_loop3A_619 = arith.andi %parallel_loop3A_606, %parallel_loop3A_618 : vector<16xi32>
        %parallel_loop3A_620 = tpu.bitcast %parallel_loop3A_619 : vector<16xi32> -> vector<16xf32>
        %parallel_loop3A_621 = arith.constant 16 : i32
        %parallel_loop3A_622 = vector.broadcast %parallel_loop3A_621 : i32 to vector<16xi32>
        %parallel_loop3A_623 = arith.shli %parallel_loop3A_612, %parallel_loop3A_622 : vector<16xi32>
        %parallel_loop3A_624 = tpu.bitcast %parallel_loop3A_623 : vector<16xi32> -> vector<16xf32>
        %parallel_loop3A_625 = arith.constant -65536 : i32
        %parallel_loop3A_626 = vector.broadcast %parallel_loop3A_625 : i32 to vector<16xi32>
        %parallel_loop3A_627 = arith.andi %parallel_loop3A_612, %parallel_loop3A_626 : vector<16xi32>
        %parallel_loop3A_628 = tpu.bitcast %parallel_loop3A_627 : vector<16xi32> -> vector<16xf32>
        %parallel_loop3A_629 = arith.addf %parallel_loop3A_616, %parallel_loop3A_628 : vector<16xf32>
        %parallel_loop3A_630 = arith.constant 0.000000e+00 : f32
        %parallel_loop3A_631 = vector.broadcast %parallel_loop3A_630 : f32 to vector<16xf32>
        %parallel_loop3A_632 = arith.maximumf %parallel_loop3A_629, %parallel_loop3A_631 : vector<16xf32>
        %parallel_loop3A_633 = arith.addf %parallel_loop3A_624, %parallel_loop3A_620 : vector<16xf32>
        %parallel_loop3A_634 = arith.constant 0.000000e+00 : f32
        %parallel_loop3A_635 = vector.broadcast %parallel_loop3A_634 : f32 to vector<16xf32>
        %parallel_loop3A_636 = arith.maximumf %parallel_loop3A_633, %parallel_loop3A_635 : vector<16xf32>
        %parallel_loop3A_637 = arith.addf %parallel_loop3A_632, %parallel_loop3A_636 : vector<16xf32>
        %parallel_loop3A_638 = arith.index_cast %parallel_loop3A_522 : i32 to index
        %parallel_loop3A_639 = arith.constant 32 : index
        %parallel_loop3A_640 = tpu.vector_load %arg22[%parallel_loop3A_638, %parallel_loop3A_639] {strides = array<i32>} : memref<40x128xf32, #tpu.memory_space<vmem>>, vector<1x16xf32>,
        %parallel_loop3A_641 = vector.shape_cast %parallel_loop3A_640 : vector<1x16xf32> to vector<16xf32>
        %parallel_loop3A_642 = vector.shape_cast %parallel_loop3A_637 : vector<16xf32> to vector<1x16xf32>
        tpu.vector_store %arg22[%parallel_loop3A_638, %parallel_loop3A_639], %parallel_loop3A_642 {strides = array<i32>} : memref<40x128xf32, #tpu.memory_space<vmem>>, vector<1x16xf32>,
        %parallel_loop3A_643 = arith.index_cast %parallel_loop3A_522 : i32 to index
        %parallel_loop3A_644 = arith.constant 48 : index
        %parallel_loop3A_645 = tpu.vector_load %arg17[%parallel_loop3A_643, %parallel_loop3A_644] {strides = array<i32>} : memref<80x128xi32, #tpu.memory_space<vmem>>, vector<1x16xi32>,
        %parallel_loop3A_646 = vector.shape_cast %parallel_loop3A_645 : vector<1x16xi32> to vector<16xi32>
        %parallel_loop3A_647 = arith.constant 40 : i32
        %parallel_loop3A_648 = arith.addi %parallel_loop3A_647, %parallel_loop3A_522 : i32
        %parallel_loop3A_649 = arith.index_cast %parallel_loop3A_648 : i32 to index
        %parallel_loop3A_650 = arith.constant 48 : index
        %parallel_loop3A_651 = tpu.vector_load %arg17[%parallel_loop3A_649, %parallel_loop3A_650] {strides = array<i32>} : memref<80x128xi32, #tpu.memory_space<vmem>>, vector<1x16xi32>,
        %parallel_loop3A_652 = vector.shape_cast %parallel_loop3A_651 : vector<1x16xi32> to vector<16xi32>
        %parallel_loop3A_653 = arith.constant 16 : i32
        %parallel_loop3A_654 = vector.broadcast %parallel_loop3A_653 : i32 to vector<16xi32>
        %parallel_loop3A_655 = arith.shli %parallel_loop3A_646, %parallel_loop3A_654 : vector<16xi32>
        %parallel_loop3A_656 = tpu.bitcast %parallel_loop3A_655 : vector<16xi32> -> vector<16xf32>
        %parallel_loop3A_657 = arith.constant -65536 : i32
        %parallel_loop3A_658 = vector.broadcast %parallel_loop3A_657 : i32 to vector<16xi32>
        %parallel_loop3A_659 = arith.andi %parallel_loop3A_646, %parallel_loop3A_658 : vector<16xi32>
        %parallel_loop3A_660 = tpu.bitcast %parallel_loop3A_659 : vector<16xi32> -> vector<16xf32>
        %parallel_loop3A_661 = arith.constant 16 : i32
        %parallel_loop3A_662 = vector.broadcast %parallel_loop3A_661 : i32 to vector<16xi32>
        %parallel_loop3A_663 = arith.shli %parallel_loop3A_652, %parallel_loop3A_662 : vector<16xi32>
        %parallel_loop3A_664 = tpu.bitcast %parallel_loop3A_663 : vector<16xi32> -> vector<16xf32>
        %parallel_loop3A_665 = arith.constant -65536 : i32
        %parallel_loop3A_666 = vector.broadcast %parallel_loop3A_665 : i32 to vector<16xi32>
        %parallel_loop3A_667 = arith.andi %parallel_loop3A_652, %parallel_loop3A_666 : vector<16xi32>
        %parallel_loop3A_668 = tpu.bitcast %parallel_loop3A_667 : vector<16xi32> -> vector<16xf32>
        %parallel_loop3A_669 = arith.addf %parallel_loop3A_656, %parallel_loop3A_668 : vector<16xf32>
        %parallel_loop3A_670 = arith.constant 0.000000e+00 : f32
        %parallel_loop3A_671 = vector.broadcast %parallel_loop3A_670 : f32 to vector<16xf32>
        %parallel_loop3A_672 = arith.maximumf %parallel_loop3A_669, %parallel_loop3A_671 : vector<16xf32>
        %parallel_loop3A_673 = arith.addf %parallel_loop3A_664, %parallel_loop3A_660 : vector<16xf32>
        %parallel_loop3A_674 = arith.constant 0.000000e+00 : f32
        %parallel_loop3A_675 = vector.broadcast %parallel_loop3A_674 : f32 to vector<16xf32>
        %parallel_loop3A_676 = arith.maximumf %parallel_loop3A_673, %parallel_loop3A_675 : vector<16xf32>
        %parallel_loop3A_677 = arith.addf %parallel_loop3A_672, %parallel_loop3A_676 : vector<16xf32>
        %parallel_loop3A_678 = arith.index_cast %parallel_loop3A_522 : i32 to index
        %parallel_loop3A_679 = arith.constant 48 : index
        %parallel_loop3A_680 = tpu.vector_load %arg22[%parallel_loop3A_678, %parallel_loop3A_679] {strides = array<i32>} : memref<40x128xf32, #tpu.memory_space<vmem>>, vector<1x16xf32>,
        %parallel_loop3A_681 = vector.shape_cast %parallel_loop3A_680 : vector<1x16xf32> to vector<16xf32>
        %parallel_loop3A_682 = vector.shape_cast %parallel_loop3A_677 : vector<16xf32> to vector<1x16xf32>
        tpu.vector_store %arg22[%parallel_loop3A_678, %parallel_loop3A_679], %parallel_loop3A_682 {strides = array<i32>} : memref<40x128xf32, #tpu.memory_space<vmem>>, vector<1x16xf32>,
        %parallel_loop3A_683 = arith.index_cast %parallel_loop3A_522 : i32 to index
        %parallel_loop3A_684 = arith.constant 64 : index
        %parallel_loop3A_685 = tpu.vector_load %arg17[%parallel_loop3A_683, %parallel_loop3A_684] {strides = array<i32>} : memref<80x128xi32, #tpu.memory_space<vmem>>, vector<1x16xi32>,
        %parallel_loop3A_686 = vector.shape_cast %parallel_loop3A_685 : vector<1x16xi32> to vector<16xi32>
        %parallel_loop3A_687 = arith.constant 40 : i32
        %parallel_loop3A_688 = arith.addi %parallel_loop3A_687, %parallel_loop3A_522 : i32
        %parallel_loop3A_689 = arith.index_cast %parallel_loop3A_688 : i32 to index
        %parallel_loop3A_690 = arith.constant 64 : index
        %parallel_loop3A_691 = tpu.vector_load %arg17[%parallel_loop3A_689, %parallel_loop3A_690] {strides = array<i32>} : memref<80x128xi32, #tpu.memory_space<vmem>>, vector<1x16xi32>,
        %parallel_loop3A_692 = vector.shape_cast %parallel_loop3A_691 : vector<1x16xi32> to vector<16xi32>
        %parallel_loop3A_693 = arith.constant 16 : i32
        %parallel_loop3A_694 = vector.broadcast %parallel_loop3A_693 : i32 to vector<16xi32>
        %parallel_loop3A_695 = arith.shli %parallel_loop3A_686, %parallel_loop3A_694 : vector<16xi32>
        %parallel_loop3A_696 = tpu.bitcast %parallel_loop3A_695 : vector<16xi32> -> vector<16xf32>
        %parallel_loop3A_697 = arith.constant -65536 : i32
        %parallel_loop3A_698 = vector.broadcast %parallel_loop3A_697 : i32 to vector<16xi32>
        %parallel_loop3A_699 = arith.andi %parallel_loop3A_686, %parallel_loop3A_698 : vector<16xi32>
        %parallel_loop3A_700 = tpu.bitcast %parallel_loop3A_699 : vector<16xi32> -> vector<16xf32>
        %parallel_loop3A_701 = arith.constant 16 : i32
        %parallel_loop3A_702 = vector.broadcast %parallel_loop3A_701 : i32 to vector<16xi32>
        %parallel_loop3A_703 = arith.shli %parallel_loop3A_692, %parallel_loop3A_702 : vector<16xi32>
        %parallel_loop3A_704 = tpu.bitcast %parallel_loop3A_703 : vector<16xi32> -> vector<16xf32>
        %parallel_loop3A_705 = arith.constant -65536 : i32
        %parallel_loop3A_706 = vector.broadcast %parallel_loop3A_705 : i32 to vector<16xi32>
        %parallel_loop3A_707 = arith.andi %parallel_loop3A_692, %parallel_loop3A_706 : vector<16xi32>
        %parallel_loop3A_708 = tpu.bitcast %parallel_loop3A_707 : vector<16xi32> -> vector<16xf32>
        %parallel_loop3A_709 = arith.addf %parallel_loop3A_696, %parallel_loop3A_708 : vector<16xf32>
        %parallel_loop3A_710 = arith.constant 0.000000e+00 : f32
        %parallel_loop3A_711 = vector.broadcast %parallel_loop3A_710 : f32 to vector<16xf32>
        %parallel_loop3A_712 = arith.maximumf %parallel_loop3A_709, %parallel_loop3A_711 : vector<16xf32>
        %parallel_loop3A_713 = arith.addf %parallel_loop3A_704, %parallel_loop3A_700 : vector<16xf32>
        %parallel_loop3A_714 = arith.constant 0.000000e+00 : f32
        %parallel_loop3A_715 = vector.broadcast %parallel_loop3A_714 : f32 to vector<16xf32>
        %parallel_loop3A_716 = arith.maximumf %parallel_loop3A_713, %parallel_loop3A_715 : vector<16xf32>
        %parallel_loop3A_717 = arith.addf %parallel_loop3A_712, %parallel_loop3A_716 : vector<16xf32>
        %parallel_loop3A_718 = arith.index_cast %parallel_loop3A_522 : i32 to index
        %parallel_loop3A_719 = arith.constant 64 : index
        %parallel_loop3A_720 = tpu.vector_load %arg22[%parallel_loop3A_718, %parallel_loop3A_719] {strides = array<i32>} : memref<40x128xf32, #tpu.memory_space<vmem>>, vector<1x16xf32>,
        %parallel_loop3A_721 = vector.shape_cast %parallel_loop3A_720 : vector<1x16xf32> to vector<16xf32>
        %parallel_loop3A_722 = vector.shape_cast %parallel_loop3A_717 : vector<16xf32> to vector<1x16xf32>
        tpu.vector_store %arg22[%parallel_loop3A_718, %parallel_loop3A_719], %parallel_loop3A_722 {strides = array<i32>} : memref<40x128xf32, #tpu.memory_space<vmem>>, vector<1x16xf32>,
        %parallel_loop3A_723 = arith.index_cast %parallel_loop3A_522 : i32 to index
        %parallel_loop3A_724 = arith.constant 80 : index
        %parallel_loop3A_725 = tpu.vector_load %arg17[%parallel_loop3A_723, %parallel_loop3A_724] {strides = array<i32>} : memref<80x128xi32, #tpu.memory_space<vmem>>, vector<1x16xi32>,
        %parallel_loop3A_726 = vector.shape_cast %parallel_loop3A_725 : vector<1x16xi32> to vector<16xi32>
        %parallel_loop3A_727 = arith.constant 40 : i32
        %parallel_loop3A_728 = arith.addi %parallel_loop3A_727, %parallel_loop3A_522 : i32
        %parallel_loop3A_729 = arith.index_cast %parallel_loop3A_728 : i32 to index
        %parallel_loop3A_730 = arith.constant 80 : index
        %parallel_loop3A_731 = tpu.vector_load %arg17[%parallel_loop3A_729, %parallel_loop3A_730] {strides = array<i32>} : memref<80x128xi32, #tpu.memory_space<vmem>>, vector<1x16xi32>,
        %parallel_loop3A_732 = vector.shape_cast %parallel_loop3A_731 : vector<1x16xi32> to vector<16xi32>
        %parallel_loop3A_733 = arith.constant 16 : i32
        %parallel_loop3A_734 = vector.broadcast %parallel_loop3A_733 : i32 to vector<16xi32>
        %parallel_loop3A_735 = arith.shli %parallel_loop3A_726, %parallel_loop3A_734 : vector<16xi32>
        %parallel_loop3A_736 = tpu.bitcast %parallel_loop3A_735 : vector<16xi32> -> vector<16xf32>
        %parallel_loop3A_737 = arith.constant -65536 : i32
        %parallel_loop3A_738 = vector.broadcast %parallel_loop3A_737 : i32 to vector<16xi32>
        %parallel_loop3A_739 = arith.andi %parallel_loop3A_726, %parallel_loop3A_738 : vector<16xi32>
        %parallel_loop3A_740 = tpu.bitcast %parallel_loop3A_739 : vector<16xi32> -> vector<16xf32>
        %parallel_loop3A_741 = arith.constant 16 : i32
        %parallel_loop3A_742 = vector.broadcast %parallel_loop3A_741 : i32 to vector<16xi32>
        %parallel_loop3A_743 = arith.shli %parallel_loop3A_732, %parallel_loop3A_742 : vector<16xi32>
        %parallel_loop3A_744 = tpu.bitcast %parallel_loop3A_743 : vector<16xi32> -> vector<16xf32>
        %parallel_loop3A_745 = arith.constant -65536 : i32
        %parallel_loop3A_746 = vector.broadcast %parallel_loop3A_745 : i32 to vector<16xi32>
        %parallel_loop3A_747 = arith.andi %parallel_loop3A_732, %parallel_loop3A_746 : vector<16xi32>
        %parallel_loop3A_748 = tpu.bitcast %parallel_loop3A_747 : vector<16xi32> -> vector<16xf32>
        %parallel_loop3A_749 = arith.addf %parallel_loop3A_736, %parallel_loop3A_748 : vector<16xf32>
        %parallel_loop3A_750 = arith.constant 0.000000e+00 : f32
        %parallel_loop3A_751 = vector.broadcast %parallel_loop3A_750 : f32 to vector<16xf32>
        %parallel_loop3A_752 = arith.maximumf %parallel_loop3A_749, %parallel_loop3A_751 : vector<16xf32>
        %parallel_loop3A_753 = arith.addf %parallel_loop3A_744, %parallel_loop3A_740 : vector<16xf32>
        %parallel_loop3A_754 = arith.constant 0.000000e+00 : f32
        %parallel_loop3A_755 = vector.broadcast %parallel_loop3A_754 : f32 to vector<16xf32>
        %parallel_loop3A_756 = arith.maximumf %parallel_loop3A_753, %parallel_loop3A_755 : vector<16xf32>
        %parallel_loop3A_757 = arith.addf %parallel_loop3A_752, %parallel_loop3A_756 : vector<16xf32>
        %parallel_loop3A_758 = arith.index_cast %parallel_loop3A_522 : i32 to index
        %parallel_loop3A_759 = arith.constant 80 : index
        %parallel_loop3A_760 = tpu.vector_load %arg22[%parallel_loop3A_758, %parallel_loop3A_759] {strides = array<i32>} : memref<40x128xf32, #tpu.memory_space<vmem>>, vector<1x16xf32>,
        %parallel_loop3A_761 = vector.shape_cast %parallel_loop3A_760 : vector<1x16xf32> to vector<16xf32>
        %parallel_loop3A_762 = vector.shape_cast %parallel_loop3A_757 : vector<16xf32> to vector<1x16xf32>
        tpu.vector_store %arg22[%parallel_loop3A_758, %parallel_loop3A_759], %parallel_loop3A_762 {strides = array<i32>} : memref<40x128xf32, #tpu.memory_space<vmem>>, vector<1x16xf32>,
        %parallel_loop3A_763 = arith.index_cast %parallel_loop3A_522 : i32 to index
        %parallel_loop3A_764 = arith.constant 96 : index
        %parallel_loop3A_765 = tpu.vector_load %arg17[%parallel_loop3A_763, %parallel_loop3A_764] {strides = array<i32>} : memref<80x128xi32, #tpu.memory_space<vmem>>, vector<1x16xi32>,
        %parallel_loop3A_766 = vector.shape_cast %parallel_loop3A_765 : vector<1x16xi32> to vector<16xi32>
        %parallel_loop3A_767 = arith.constant 40 : i32
        %parallel_loop3A_768 = arith.addi %parallel_loop3A_767, %parallel_loop3A_522 : i32
        %parallel_loop3A_769 = arith.index_cast %parallel_loop3A_768 : i32 to index
        %parallel_loop3A_770 = arith.constant 96 : index
        %parallel_loop3A_771 = tpu.vector_load %arg17[%parallel_loop3A_769, %parallel_loop3A_770] {strides = array<i32>} : memref<80x128xi32, #tpu.memory_space<vmem>>, vector<1x16xi32>,
        %parallel_loop3A_772 = vector.shape_cast %parallel_loop3A_771 : vector<1x16xi32> to vector<16xi32>
        %parallel_loop3A_773 = arith.constant 16 : i32
        %parallel_loop3A_774 = vector.broadcast %parallel_loop3A_773 : i32 to vector<16xi32>
        %parallel_loop3A_775 = arith.shli %parallel_loop3A_766, %parallel_loop3A_774 : vector<16xi32>
        %parallel_loop3A_776 = tpu.bitcast %parallel_loop3A_775 : vector<16xi32> -> vector<16xf32>
        %parallel_loop3A_777 = arith.constant -65536 : i32
        %parallel_loop3A_778 = vector.broadcast %parallel_loop3A_777 : i32 to vector<16xi32>
        %parallel_loop3A_779 = arith.andi %parallel_loop3A_766, %parallel_loop3A_778 : vector<16xi32>
        %parallel_loop3A_780 = tpu.bitcast %parallel_loop3A_779 : vector<16xi32> -> vector<16xf32>
        %parallel_loop3A_781 = arith.constant 16 : i32
        %parallel_loop3A_782 = vector.broadcast %parallel_loop3A_781 : i32 to vector<16xi32>
        %parallel_loop3A_783 = arith.shli %parallel_loop3A_772, %parallel_loop3A_782 : vector<16xi32>
        %parallel_loop3A_784 = tpu.bitcast %parallel_loop3A_783 : vector<16xi32> -> vector<16xf32>
        %parallel_loop3A_785 = arith.constant -65536 : i32
        %parallel_loop3A_786 = vector.broadcast %parallel_loop3A_785 : i32 to vector<16xi32>
        %parallel_loop3A_787 = arith.andi %parallel_loop3A_772, %parallel_loop3A_786 : vector<16xi32>
        %parallel_loop3A_788 = tpu.bitcast %parallel_loop3A_787 : vector<16xi32> -> vector<16xf32>
        %parallel_loop3A_789 = arith.addf %parallel_loop3A_776, %parallel_loop3A_788 : vector<16xf32>
        %parallel_loop3A_790 = arith.constant 0.000000e+00 : f32
        %parallel_loop3A_791 = vector.broadcast %parallel_loop3A_790 : f32 to vector<16xf32>
        %parallel_loop3A_792 = arith.maximumf %parallel_loop3A_789, %parallel_loop3A_791 : vector<16xf32>
        %parallel_loop3A_793 = arith.addf %parallel_loop3A_784, %parallel_loop3A_780 : vector<16xf32>
        %parallel_loop3A_794 = arith.constant 0.000000e+00 : f32
        %parallel_loop3A_795 = vector.broadcast %parallel_loop3A_794 : f32 to vector<16xf32>
        %parallel_loop3A_796 = arith.maximumf %parallel_loop3A_793, %parallel_loop3A_795 : vector<16xf32>
        %parallel_loop3A_797 = arith.addf %parallel_loop3A_792, %parallel_loop3A_796 : vector<16xf32>
        %parallel_loop3A_798 = arith.index_cast %parallel_loop3A_522 : i32 to index
        %parallel_loop3A_799 = arith.constant 96 : index
        %parallel_loop3A_800 = tpu.vector_load %arg22[%parallel_loop3A_798, %parallel_loop3A_799] {strides = array<i32>} : memref<40x128xf32, #tpu.memory_space<vmem>>, vector<1x16xf32>,
        %parallel_loop3A_801 = vector.shape_cast %parallel_loop3A_800 : vector<1x16xf32> to vector<16xf32>
        %parallel_loop3A_802 = vector.shape_cast %parallel_loop3A_797 : vector<16xf32> to vector<1x16xf32>
        tpu.vector_store %arg22[%parallel_loop3A_798, %parallel_loop3A_799], %parallel_loop3A_802 {strides = array<i32>} : memref<40x128xf32, #tpu.memory_space<vmem>>, vector<1x16xf32>,
        %parallel_loop3A_803 = arith.index_cast %parallel_loop3A_522 : i32 to index
        %parallel_loop3A_804 = arith.constant 112 : index
        %parallel_loop3A_805 = tpu.vector_load %arg17[%parallel_loop3A_803, %parallel_loop3A_804] {strides = array<i32>} : memref<80x128xi32, #tpu.memory_space<vmem>>, vector<1x16xi32>,
        %parallel_loop3A_806 = vector.shape_cast %parallel_loop3A_805 : vector<1x16xi32> to vector<16xi32>
        %parallel_loop3A_807 = arith.constant 40 : i32
        %parallel_loop3A_808 = arith.addi %parallel_loop3A_807, %parallel_loop3A_522 : i32
        %parallel_loop3A_809 = arith.index_cast %parallel_loop3A_808 : i32 to index
        %parallel_loop3A_810 = arith.constant 112 : index
        %parallel_loop3A_811 = tpu.vector_load %arg17[%parallel_loop3A_809, %parallel_loop3A_810] {strides = array<i32>} : memref<80x128xi32, #tpu.memory_space<vmem>>, vector<1x16xi32>,
        %parallel_loop3A_812 = vector.shape_cast %parallel_loop3A_811 : vector<1x16xi32> to vector<16xi32>
        %parallel_loop3A_813 = arith.constant 16 : i32
        %parallel_loop3A_814 = vector.broadcast %parallel_loop3A_813 : i32 to vector<16xi32>
        %parallel_loop3A_815 = arith.shli %parallel_loop3A_806, %parallel_loop3A_814 : vector<16xi32>
        %parallel_loop3A_816 = tpu.bitcast %parallel_loop3A_815 : vector<16xi32> -> vector<16xf32>
        %parallel_loop3A_817 = arith.constant -65536 : i32
        %parallel_loop3A_818 = vector.broadcast %parallel_loop3A_817 : i32 to vector<16xi32>
        %parallel_loop3A_819 = arith.andi %parallel_loop3A_806, %parallel_loop3A_818 : vector<16xi32>
        %parallel_loop3A_820 = tpu.bitcast %parallel_loop3A_819 : vector<16xi32> -> vector<16xf32>
        %parallel_loop3A_821 = arith.constant 16 : i32
        %parallel_loop3A_822 = vector.broadcast %parallel_loop3A_821 : i32 to vector<16xi32>
        %parallel_loop3A_823 = arith.shli %parallel_loop3A_812, %parallel_loop3A_822 : vector<16xi32>
        %parallel_loop3A_824 = tpu.bitcast %parallel_loop3A_823 : vector<16xi32> -> vector<16xf32>
        %parallel_loop3A_825 = arith.constant -65536 : i32
        %parallel_loop3A_826 = vector.broadcast %parallel_loop3A_825 : i32 to vector<16xi32>
        %parallel_loop3A_827 = arith.andi %parallel_loop3A_812, %parallel_loop3A_826 : vector<16xi32>
        %parallel_loop3A_828 = tpu.bitcast %parallel_loop3A_827 : vector<16xi32> -> vector<16xf32>
        %parallel_loop3A_829 = arith.addf %parallel_loop3A_816, %parallel_loop3A_828 : vector<16xf32>
        %parallel_loop3A_830 = arith.constant 0.000000e+00 : f32
        %parallel_loop3A_831 = vector.broadcast %parallel_loop3A_830 : f32 to vector<16xf32>
        %parallel_loop3A_832 = arith.maximumf %parallel_loop3A_829, %parallel_loop3A_831 : vector<16xf32>
        %parallel_loop3A_833 = arith.addf %parallel_loop3A_824, %parallel_loop3A_820 : vector<16xf32>
        %parallel_loop3A_834 = arith.constant 0.000000e+00 : f32
        %parallel_loop3A_835 = vector.broadcast %parallel_loop3A_834 : f32 to vector<16xf32>
        %parallel_loop3A_836 = arith.maximumf %parallel_loop3A_833, %parallel_loop3A_835 : vector<16xf32>
        %parallel_loop3A_837 = arith.addf %parallel_loop3A_832, %parallel_loop3A_836 : vector<16xf32>
        %parallel_loop3A_838 = arith.index_cast %parallel_loop3A_522 : i32 to index
        %parallel_loop3A_839 = arith.constant 112 : index
        %parallel_loop3A_840 = tpu.vector_load %arg22[%parallel_loop3A_838, %parallel_loop3A_839] {strides = array<i32>} : memref<40x128xf32, #tpu.memory_space<vmem>>, vector<1x16xf32>,
        %parallel_loop3A_841 = vector.shape_cast %parallel_loop3A_840 : vector<1x16xf32> to vector<16xf32>
        %parallel_loop3A_842 = vector.shape_cast %parallel_loop3A_837 : vector<16xf32> to vector<1x16xf32>
        tpu.vector_store %arg22[%parallel_loop3A_838, %parallel_loop3A_839], %parallel_loop3A_842 {strides = array<i32>} : memref<40x128xf32, #tpu.memory_space<vmem>>, vector<1x16xf32>,
      } {sc.loop_unroll_factor = 1 : i64, sc.parallel_access}
      %mul3A_506 = arith.constant 40 : i32
      %mul3A_507 = arith.muli %add3A_483, %mul3A_506 : i32
      %add3A_508 = arith.addi %mul3A_2, %mul3A_507 : i32
      %dma_start3A_509 = arith.constant 0 : i32
      %dma_start3A_510 = tpu.memref_slice %arg4[%add3A_508, %dma_start3A_509] : memref<320000x128xf32, #tpu.memory_space<hbm>> -> memref<40x128xf32, #tpu.memory_space<hbm>>
      %dma_start3A_511 = arith.constant 0 : i32
      %dma_start3A_512 = tpu.memref_slice %arg4[%add3A_508, %dma_start3A_511] : memref<320000x128xf32, #tpu.memory_space<hbm>> -> memref<40x128xf32, #tpu.memory_space<hbm>>
      tpu.enqueue_dma source(%arg22 : memref<40x128xf32, #tpu.memory_space<vmem>>) target(%dma_start3A_512 : memref<40x128xf32, #tpu.memory_space<hbm>>) target_semaphore(%arg39 : memref<!tpu.dma_semaphore, #tpu.memory_space<semaphore_mem>>)
      %add3A_513 = arith.constant 9 : i32
      %add3A_514 = arith.addi %mul3A_124, %add3A_513 : i32
      %add3A_515 = arith.constant 2 : i32
      %add3A_516 = arith.addi %add3A_514, %add3A_515 : i32
      %lt3A_517 = arith.constant 250 : i32
      %lt3A_518 = arith.cmpi slt, %add3A_516, %lt3A_517 : i32
      %convert_element_type3A_519 = arith.extui %lt3A_518 : i1 to i32
      %cond3A_520 = arith.constant 0 : i32
      %cond3A_521 = arith.cmpi ne, %convert_element_type3A_519, %cond3A_520 : i32
      scf.if %cond3A_521 {
        %dma_wait3A_522 = arith.constant 0 : i32
        %dma_wait3A_523 = arith.constant 0 : i32
        %dma_wait3A_524 = tpu.memref_slice %arg3[%add3A, %dma_wait3A_522, %dma_wait3A_523] : memref<32x250x80xi32, #tpu.memory_space<hbm>> -> memref<1x1x80xi32, #tpu.memory_space<hbm>>
        %dma_wait3A_525 = tpu.memref_squeeze %dma_wait3A_524 : memref<1x1x80xi32, #tpu.memory_space<hbm>> -> memref<80xi32, #tpu.memory_space<hbm>>
        %dma_wait3A_526 = arith.constant 0 : i32
        %dma_wait3A_527 = tpu.memref_slice %arg3[%add3A, %dma_wait3A_522, %dma_wait3A_526] : memref<32x250x80xi32, #tpu.memory_space<hbm>> -> memref<1x1x80xi32, #tpu.memory_space<hbm>>
        %dma_wait3A_528 = tpu.memref_squeeze %dma_wait3A_527 : memref<1x1x80xi32, #tpu.memory_space<hbm>> -> memref<80xi32, #tpu.memory_space<hbm>>
        tpu.wait_dma2 semaphore(%arg24 : memref<!tpu.dma_semaphore, #tpu.memory_space<semaphore_mem>>) src(%dma_wait3A_528 : memref<80xi32, #tpu.memory_space<hbm>>) dst(%arg7 : memref<80xi32, #tpu.memory_space<vmem>>)
        %dma_start3A_529 = arith.constant 0 : i32
        %dma_start3A_530 = arith.constant 0 : i32
        %dma_start3A_531 = tpu.memref_slice %arg5[%dma_start3A_529, %dma_start3A_530] : memref<10000x128xi32, #tpu.memory_space<vmem_shared>> -> memref<10000x128xi32, #tpu.memory_space<vmem_shared>>
        tpu.enqueue_indirect_dma source(%dma_start3A_531 : memref<10000x128xi32, #tpu.memory_space<vmem_shared>>) target(%arg17 : memref<80x128xi32, #tpu.memory_space<vmem>>) offsets(%arg7 : memref<80xi32, #tpu.memory_space<vmem>>) semaphore(%arg34 : memref<!tpu.dma_semaphore, #tpu.memory_space<semaphore_mem>>)
      } else {
      }
    }
    %scan3A_101 = arith.constant 25 : i32
    %dma_wait3A_102 = arith.constant 0 : i32
    %dma_wait3A_103 = tpu.memref_slice %arg4[%mul3A_2, %dma_wait3A_102] : memref<320000x128xf32, #tpu.memory_space<hbm>> -> memref<40x128xf32, #tpu.memory_space<hbm>>
    %dma_wait3A_104 = arith.constant 0 : i32
    %dma_wait3A_105 = tpu.memref_slice %arg4[%mul3A_2, %dma_wait3A_104] : memref<320000x128xf32, #tpu.memory_space<hbm>> -> memref<40x128xf32, #tpu.memory_space<hbm>>
    tpu.wait_dma2 semaphore(%arg35 : memref<!tpu.dma_semaphore, #tpu.memory_space<semaphore_mem>>) src(%arg18 : memref<40x128xf32, #tpu.memory_space<vmem>>) dst(%dma_wait3A_105 : memref<40x128xf32, #tpu.memory_space<hbm>>)
    %dma_wait3A_106 = arith.constant 0 : i32
    %dma_wait3A_107 = tpu.memref_slice %arg4[%mul3A_2, %dma_wait3A_106] : memref<320000x128xf32, #tpu.memory_space<hbm>> -> memref<40x128xf32, #tpu.memory_space<hbm>>
    %dma_wait3A_108 = arith.constant 0 : i32
    %dma_wait3A_109 = tpu.memref_slice %arg4[%mul3A_2, %dma_wait3A_108] : memref<320000x128xf32, #tpu.memory_space<hbm>> -> memref<40x128xf32, #tpu.memory_space<hbm>>
    tpu.wait_dma2 semaphore(%arg36 : memref<!tpu.dma_semaphore, #tpu.memory_space<semaphore_mem>>) src(%arg19 : memref<40x128xf32, #tpu.memory_space<vmem>>) dst(%dma_wait3A_109 : memref<40x128xf32, #tpu.memory_space<hbm>>)
    %dma_wait3A_110 = arith.constant 0 : i32
    %dma_wait3A_111 = tpu.memref_slice %arg4[%mul3A_2, %dma_wait3A_110] : memref<320000x128xf32, #tpu.memory_space<hbm>> -> memref<40x128xf32, #tpu.memory_space<hbm>>
    %dma_wait3A_112 = arith.constant 0 : i32
    %dma_wait3A_113 = tpu.memref_slice %arg4[%mul3A_2, %dma_wait3A_112] : memref<320000x128xf32, #tpu.memory_space<hbm>> -> memref<40x128xf32, #tpu.memory_space<hbm>>
    tpu.wait_dma2 semaphore(%arg37 : memref<!tpu.dma_semaphore, #tpu.memory_space<semaphore_mem>>) src(%arg20 : memref<40x128xf32, #tpu.memory_space<vmem>>) dst(%dma_wait3A_113 : memref<40x128xf32, #tpu.memory_space<hbm>>)
    %dma_wait3A_114 = arith.constant 0 : i32
    %dma_wait3A_115 = tpu.memref_slice %arg4[%mul3A_2, %dma_wait3A_114] : memref<320000x128xf32, #tpu.memory_space<hbm>> -> memref<40x128xf32, #tpu.memory_space<hbm>>
    %dma_wait3A_116 = arith.constant 0 : i32
    %dma_wait3A_117 = tpu.memref_slice %arg4[%mul3A_2, %dma_wait3A_116] : memref<320000x128xf32, #tpu.memory_space<hbm>> -> memref<40x128xf32, #tpu.memory_space<hbm>>
    tpu.wait_dma2 semaphore(%arg38 : memref<!tpu.dma_semaphore, #tpu.memory_space<semaphore_mem>>) src(%arg21 : memref<40x128xf32, #tpu.memory_space<vmem>>) dst(%dma_wait3A_117 : memref<40x128xf32, #tpu.memory_space<hbm>>)
    %dma_wait3A_118 = arith.constant 0 : i32
    %dma_wait3A_119 = tpu.memref_slice %arg4[%mul3A_2, %dma_wait3A_118] : memref<320000x128xf32, #tpu.memory_space<hbm>> -> memref<40x128xf32, #tpu.memory_space<hbm>>
    %dma_wait3A_120 = arith.constant 0 : i32
    %dma_wait3A_121 = tpu.memref_slice %arg4[%mul3A_2, %dma_wait3A_120] : memref<320000x128xf32, #tpu.memory_space<hbm>> -> memref<40x128xf32, #tpu.memory_space<hbm>>
    tpu.wait_dma2 semaphore(%arg39 : memref<!tpu.dma_semaphore, #tpu.memory_space<semaphore_mem>>) src(%arg22 : memref<40x128xf32, #tpu.memory_space<vmem>>) dst(%dma_wait3A_121 : memref<40x128xf32, #tpu.memory_space<hbm>>)
    return
  }
}

module attributes {stable_mosaic.version = 14 : i64} {
  func.func @_table_body(%arg0: i32, %arg1: memref<1000x128xf32, #tpu.memory_space<vmem>>, %arg2: memref<256x128xf32, #tpu.memory_space<vmem>>, %arg3: memref<1x128xf32, #tpu.memory_space<vmem>>, %arg4: memref<1000x128xi32, #tpu.memory_space<vmem>>) attributes {dimension_semantics = [#tpu.dimension_semantics<arbitrary>], iteration_bounds = array<i64: 10>, scalar_prefetch = 0 : i64, scratch_operands = 0 : i64, tpu.core_type = #tpu.core_type<tc>, window_params = [{transform_indices = @transform_0, window_bounds = array<i64: 1000, 128>}, {pipeline_mode = #tpu.pipeline_mode<synchronous>, transform_indices = @transform_1, window_bounds = array<i64: 256, 128>}, {pipeline_mode = #tpu.pipeline_mode<synchronous>, transform_indices = @transform_2, window_bounds = array<i64: 1, 128>}, {transform_indices = @transform_3, window_bounds = array<i64: 1000, 128>}]} {
    %get3A = arith.constant 0 : index
    %get3A_0 = arith.constant 0 : index
    %get3A_1 = vector.load %arg1[%get3A, %get3A_0] : memref<1000x128xf32, #tpu.memory_space<vmem>>, vector<1000x128xf32>
    %get3A_2 = arith.constant 0 : index
    %get3A_3 = arith.constant 0 : index
    %get3A_4 = vector.load %arg2[%get3A_2, %get3A_3] : memref<256x128xf32, #tpu.memory_space<vmem>>, vector<128x128xf32>
    %dot_general3A = arith.constant dense<0.000000e+00> : vector<1000x128xf32>
    %dot_general3A_5 = tpu.matmul %get3A_1, %get3A_4, %dot_general3A {dimension_numbers = #tpu.dot_dimension_numbers<[1], [0], [0], [1], [0, 0, 1, 1], [], []>, transpose_lhs_hint = false} : vector<1000x128xf32>, vector<128x128xf32>, vector<1000x128xf32> -> vector<1000x128xf32>
    %get3A_6 = arith.constant 128 : index
    %get3A_7 = arith.constant 0 : index
    %get3A_8 = vector.load %arg2[%get3A_6, %get3A_7] : memref<256x128xf32, #tpu.memory_space<vmem>>, vector<128x128xf32>
    %dot_general3A_9 = arith.constant dense<0.000000e+00> : vector<1000x128xf32>
    %dot_general3A_10 = tpu.matmul %get3A_1, %get3A_8, %dot_general3A_9 {dimension_numbers = #tpu.dot_dimension_numbers<[1], [0], [0], [1], [0, 0, 1, 1], [], []>, transpose_lhs_hint = false} : vector<1000x128xf32>, vector<128x128xf32>, vector<1000x128xf32> -> vector<1000x128xf32>
    %get3A_11 = arith.constant 0 : index
    %get3A_12 = arith.constant 0 : index
    %get3A_13 = vector.load %arg3[%get3A_11, %get3A_12] : memref<1x128xf32, #tpu.memory_space<vmem>>, vector<1x128xf32>
    %add3A = vector.broadcast %get3A_13 : vector<1x128xf32> to vector<1000x128xf32>
    %add3A_14 = arith.addf %dot_general3A_10, %add3A : vector<1000x128xf32>
    %convert_element_type3A = arith.truncf %dot_general3A_5 : vector<1000x128xf32> to vector<1000x128xbf16>
    %bitcast_convert_type3A = tpu.bitcast %convert_element_type3A : vector<1000x128xbf16> -> vector<1000x128xi16>
    %convert_element_type3A_15 = arith.extui %bitcast_convert_type3A : vector<1000x128xi16> to vector<1000x128xi32>
    %convert_element_type3A_16 = arith.truncf %add3A_14 : vector<1000x128xf32> to vector<1000x128xbf16>
    %bitcast_convert_type3A_17 = tpu.bitcast %convert_element_type3A_16 : vector<1000x128xbf16> -> vector<1000x128xi16>
    %convert_element_type3A_18 = arith.extui %bitcast_convert_type3A_17 : vector<1000x128xi16> to vector<1000x128xi32>
    %shift_left3A = arith.constant 16 : i32
    %shift_left3A_19 = vector.broadcast %shift_left3A : i32 to vector<1000x128xi32>
    %shift_left3A_20 = arith.shli %convert_element_type3A_18, %shift_left3A_19 : vector<1000x128xi32>
    %or3A = arith.ori %convert_element_type3A_15, %shift_left3A_20 : vector<1000x128xi32>
    %bitcast_convert_type3A_21 = tpu.bitcast %or3A : vector<1000x128xi32> -> vector<1000x128xi32>
    %swap3A = arith.constant 0 : index
    %swap3A_22 = arith.constant 0 : index
    %swap3A_23 = vector.load %arg4[%swap3A, %swap3A_22] : memref<1000x128xi32, #tpu.memory_space<vmem>>, vector<1000x128xi32>
    tpu.vector_store %arg4[%swap3A, %swap3A_22], %bitcast_convert_type3A_21 {strides = array<i32>} : memref<1000x128xi32, #tpu.memory_space<vmem>>, vector<1000x128xi32>,
    return
  }
  func.func @transform_0(%arg0: i32) -> (i32, i32) {
    %c0_i32 = arith.constant 0 : i32
    %c0_i32_0 = arith.constant 0 : i32
    return %arg0, %c0_i32 : i32, i32
  }
  func.func @transform_1(%arg0: i32) -> (i32, i32) {
    %c0_i32 = arith.constant 0 : i32
    %c0_i32_0 = arith.constant 0 : i32
    %c0_i32_1 = arith.constant 0 : i32
    return %c0_i32, %c0_i32_0 : i32, i32
  }
  func.func @transform_2(%arg0: i32) -> (i32, i32) {
    %c0_i32 = arith.constant 0 : i32
    %c0_i32_0 = arith.constant 0 : i32
    %c0_i32_1 = arith.constant 0 : i32
    return %c0_i32, %c0_i32_0 : i32, i32
  }
  func.func @transform_3(%arg0: i32) -> (i32, i32) {
    %c0_i32 = arith.constant 0 : i32
    %c0_i32_0 = arith.constant 0 : i32
    return %arg0, %c0_i32 : i32, i32
  }
}

</mosaic_0001>

<sc_bundles>
// kernel: kernel.4.cloned.1.call-start
scs
__scs_entry_jumppad:
0x0: {  	(pc) =	sbr.rel $0x88, $3  }
0x1: {  	(tag) =	ssettag $0x0;
	lr =	simm.s32 $0x1  }
0x2: {  	[smem:$0x3F9D] =	sst lr;
	_ =	strace $0xD0000000  }
0x3: {  	_ = 	snop  }
0x4: {  	_ = 	snop  }
0x5: {  	_ = 	snop  }
0x6: {  	_ = 	snop  }
0x7: {  	_ = 	snop  }
__scs_overlays_trampoline_lowered:
0x8: {  	[smem:$0x3FAC] =	sst s0  }
0x9: {  	[smem:$0x3FAD] =	sst s1  }
0xa: {  	[smem:$0x3FAE] =	sst s2  }
0xb: {  	[smem:$0x3FAF] =	sst s3  }
0xc: {  	[smem:$0x3FB0] =	sst s4  }
0xd: {  	[smem:$0x3FB1] =	sst s5  }
0xe: {  	[smem:$0x3FB2] =	sst s6  }
0xf: {  	[smem:$0x3FB3] =	sst s7  }
0x10: {  	[smem:$0x3FB4] =	sst s8  }
0x11: {  	[smem:$0x3FB5] =	sst s9;
	s0 =	simm.s32 @!p0 $0x0  }
0x12: {  	s1 =	sld [smem:$0x3F9B];
	s0 =	simm.s32 @p0 $0x1  }
0x13: {  	[smem:$0x3FB6] =	sst s0;
	s0 =	simm.s32 @!p1 $0x0  }
0x14: {  	s2 =	sld [smem:$0x3F9A];
	s0 =	simm.s32 @p1 $0x1  }
0x15: {  	[smem:$0x3FB7] =	sst s0;
	s0 =	simm.s32 @!p2 $0x0  }
0x16: {  	s3 =	sld [smem:$0x3FDB];
	s0 =	simm.s32 @p2 $0x1  }
0x17: {  	s4 =	simm.s32 $0x1BF5;
	[smem:$0x3FB9] =	sst s0  }
0x18: {  	s0 =	sld [smem:$0x3F9C];
	_ =	swait.ge [sflag:s4], $0x0  }
0x19: {  	s7 =	sld [smem:$0x3F9D]  }
0x1a: {  	s8 =	sadd.s32 $0xFFFFE003, lr  }
0x1b: {  	s9 =	sadd.s32 $0xFFFFFEF7, lr;
	s5 =	simm.s32 $0xFFFFFFFF;
	p2 =	slt.u32 s8, $0xFFFFF086  }
0x1c: {  	p1 =	slt.u32 s9, $0xF7A;
	s5 =	simm.s32 @!p2 $0x0  }
0x1d: {  	s5 =	simm.s32 @p1 $0x1;
	p0 =	seq.s32 s7, s2  }
0x1e: {  	s7 =	smul.u32 @!p0 $0xF7A, s2;
	p2 =	seq.s32 @!p0 s5, $0x0  }
0x1f: {  	s9 =	smul.u32 $0xF7A, s1;
	s8 =	simm.s32 @!p0 $0x1BF5;
	p2 =	por !p2, p0  }
0x20: {  	[sflag:s8] =	ssyncset.s32 @!p0 $0xFFFFF086;
	s6 =	sadd.s32 @!p0 s3, s7;
	s7 =	simm.s32 @!p0 $0x108  }
0x21: {  	s3 =	sadd.s32 s3, s9;
	s6 =	sadd.s32 @!p0 $0x88, s6;
	s7 =	simm.s32 @p2 $0x1082  }
0x22: {  	[simem:s7], [sflag:s8] =	dma.local @!p0 [hbm:s6], $0xF7A  }
0x23: {  	s9 =	sor.u32 $0xD0000000, s2;
	s6 =	simm.s32 $0x108;
	_ =	swait.ge @!p0 [sflag:s8], $0x0  }
0x24: {  	s3 =	sadd.s32 $0x88, s3;
	s6 =	simm.s32 @!p1 $0x1082;
	[sflag:s4] =	ssyncset.s32 $0xFFFFF086  }
0x25: {  	[simem:s6], [sflag:s4] =	dma.local [hbm:s3], $0xF7A  }
0x26: {  	[smem:$0x3F9D] =	sst s1;
	(tag) =	ssettag s2;
	_ =	strace s9  }
0x27: {  	s1 =	sld [smem:$0x3FAD]  }
0x28: {  	s2 =	sld [smem:$0x3FAE]  }
0x29: {  	s4 =	sld [smem:$0x3FB0]  }
0x2a: {  	p0 =	seq.s32 s5, $0x0;
	s5 =	sld [smem:$0x3FB1]  }
0x2b: {  	s6 =	sld [smem:$0x3FB2]  }
0x2c: {  	s7 =	sld [smem:$0x3FB3]  }
0x2d: {  	s3 =	simm.s32 $0x108;
	s8 =	sld [smem:$0x3FB4]  }
0x2e: {  	s3 =	simm.s32 @!p0 $0x1082;
	s9 =	sld [smem:$0x3FB5]  }
0x2f: {  	lr =	sadd.s32 s0, s3;
	s0 =	sld [smem:$0x3FAC]  }
0x30: {  	s3 =	sld [smem:$0x3FAF]  }
0x31: {  	[smem:$0x3FB8] =	sst s10  }
0x32: {  	s10 =	sld [smem:$0x3FB6];
	_ =	sdelay $0x3  }
0x33: {  	p0 =	seq.s32 s10, $0x1;
	s10 =	sld [smem:$0x3FB8];
	_ =	sdelay $0x3  }
0x34: {  	[smem:$0x3FB8] =	sst s10  }
0x35: {  	s10 =	sld [smem:$0x3FB7];
	_ =	sdelay $0x3  }
0x36: {  	p1 =	seq.s32 s10, $0x1;
	s10 =	sld [smem:$0x3FB8];
	_ =	sdelay $0x3  }
0x37: {  	[smem:$0x3FB8] =	sst s10  }
0x38: {  	s10 =	sld [smem:$0x3FB9]  }
0x39: {  	_ = 	snop;
	(pc) =	sbr.ind lr, $3  }
0x3a: {  	_ = 	snop  }
0x3b: {  	_ = 	snop  }
0x3c: {  	p2 =	seq.s32 s10, $0x1;
	s10 =	sld [smem:$0x3FB8]  }
0x3d: {  	_ =	shalt  }
0x3e: {  	_ =	shalt  }
0x3f: {  	_ =	shalt  }
0x40: {  	_ =	shalt  }
0x41: {  	_ =	shalt  }
0x42: {  	_ =	shalt  }
0x43: {  	_ =	shalt  }
0x44: {  	_ =	shalt  }
0x45: {  	_ =	shalt  }
0x46: {  	_ =	shalt  }
0x47: {  	_ =	shalt  }
0x48: {  	_ =	shalt  }
0x49: {  	_ =	shalt  }
0x4a: {  	_ =	shalt  }
0x4b: {  	_ =	shalt  }
0x4c: {  	_ =	shalt  }
0x4d: {  	_ =	shalt  }
0x4e: {  	_ =	shalt  }
0x4f: {  	_ =	shalt  }
0x50: {  	_ =	shalt  }
0x51: {  	_ =	shalt  }
0x52: {  	_ =	shalt  }
0x53: {  	_ =	shalt  }
0x54: {  	_ =	shalt  }
0x55: {  	_ =	shalt  }
0x56: {  	_ =	shalt  }
0x57: {  	_ =	shalt  }
0x58: {  	_ =	shalt  }
0x59: {  	_ =	shalt  }
0x5a: {  	_ =	shalt  }
0x5b: {  	_ =	shalt  }
0x5c: {  	_ =	shalt  }
0x5d: {  	_ =	shalt  }
0x5e: {  	_ =	shalt  }
0x5f: {  	_ =	shalt  }
0x60: {  	_ =	shalt  }
0x61: {  	_ =	shalt  }
0x62: {  	_ =	shalt  }
0x63: {  	_ =	shalt  }
0x64: {  	_ =	shalt  }
0x65: {  	_ =	shalt  }
0x66: {  	_ =	shalt  }
0x67: {  	_ =	shalt  }
0x68: {  	_ =	shalt  }
0x69: {  	_ =	shalt  }
0x6a: {  	_ =	shalt  }
0x6b: {  	_ =	shalt  }
0x6c: {  	_ =	shalt  }
0x6d: {  	_ =	shalt  }
0x6e: {  	_ =	shalt  }
0x6f: {  	_ =	shalt  }
0x70: {  	_ =	shalt  }
0x71: {  	_ =	shalt  }
0x72: {  	_ =	shalt  }
0x73: {  	_ =	shalt  }
0x74: {  	_ =	shalt  }
0x75: {  	_ =	shalt  }
0x76: {  	_ =	shalt  }
0x77: {  	_ =	shalt  }
0x78: {  	_ =	shalt  }
0x79: {  	_ =	shalt  }
0x7a: {  	_ =	shalt  }
0x7b: {  	_ =	shalt  }
0x7c: {  	_ =	shalt  }
0x7d: {  	_ =	shalt  }
0x7e: {  	_ =	shalt  }
0x7f: {  	_ =	shalt  }
0x80: {  	_ =	shalt  }
0x81: {  	_ =	shalt  }
0x82: {  	_ =	shalt  }
0x83: {  	_ =	shalt  }
0x84: {  	_ =	shalt  }
0x85: {  	_ =	shalt  }
0x86: {  	_ =	shalt  }
0x87: {  	_ =	shalt  }
.Lfunc_end0:
.L_simem_size_0:
called_computation_lowered:
.L_overlay_start_0:
0x88: {  	s2 =	sld [smem:$0x3FD9]  }
0x89: {  	s3 =	sld [smem:$0x3FFE];
	_ =	sdelay $0x1  }
0x8a: {  	s1 =	srdreg.scid  }
0x8b: {  	s0 =	sand.u32 $0x1, s1  }
0x8c: {  	s17 =	sshll.u32 s0, $0xA;
	s2 =	sadd.s32 s3, s2  }
0x8d: {  	s2 =	sadd.s32 s2, s17  }
0x8e: {  	[smem:$0x3FC4] =	sst s2  }
0x8f: {  	_ = 	snop  }
0x90: {  	s2 =	sld [smem:$0x3FD0];
	(tm) =	ssettm $0x1  }
0x91: {  	s18 =	sld [smem:$0x3FFB];
	_ =	sdelay $0x3  }
0x92: {  	_ =	strace s18  }
0x93: {  	s3 =	sld [smem:$0x3FFC];
	_ =	sdelay $0x3  }
0x94: {  	_ =	strace s3  }
0x95: {  	s3 =	sld [smem:$0x3FFD];
	_ =	sdelay $0x3  }
0x96: {  	_ =	strace s3  }
0x97: {  	_ =	strace $0x8FFFFFFF  }
0x98: {  	s19 =	sld [smem:$0x3FDB];
	_ =	sdelay $0x1  }
0x99: {  	s4 =	simm.s32 $_scs_section_size  }
0x9a: {  	s5 =	simm.s32 $_size__tile_overlayer_lowered;
	s6 =	simm.s32 $_tile_overlayer_lowered  }
0x9b: {  	s22 =	simm.s32 $0x1BFF;
	s21 =	sshll.u32 s6, $0x1;
	s3 =	sadd.s32 s4, s19  }
0x9c: {  	s7 =	simm.s32 $0x0;
	s20 =	sshll.u32 s5, $0x1;
	s5 =	sadd.s32 s21, s3  }
0x9d: {  	[timem:s7], [sflag:s22] =	dma.local [hbm:s5], s20  }
0x9e: {  	_ =	swait.ge [sflag:s22], s20  }
0x9f: {  	s4 =	ssub.s32 $0x0, s20;
	[sflag:s22] =	ssyncset.done $0x0  }
0xa0: {  	[sflag:s22] =	ssyncadd.s32 s4;
	_ =	sdelay $0x1  }
0xa1: {  	s23 =	simm.s32 $0x1B8B  }
0xa2: {  	_ =	swait.ge [sflag:s23], $0x1  }
0xa3: {  	[sflag:s23] =	ssyncset.done $0x0  }
0xa4: {  	s25 =	simm.s32 $0x1B8E;
	s24 =	sld [smem:$0x3FFE];
	[sflag:s23] =	ssyncadd.s32 $0xFFFFFFFF  }
0xa5: {  	s26 =	simm.s32 $execute0_lowered;
	[smem:$0x3FD2] =	sst s25  }
0xa6: {  	s5 =	sshll.u32 s26, $0x1;
	_ =	strace $0x80000046;
	[dreg:$0x1] =	wrdreg $0xFFFFFFFF  }
0xa7: {  	s28 =	simm.s32 $_size_execute0_lowered;
	s3 =	sadd.s32 s3, s5;
	[dreg:$0x0] =	wrdreg $0x0  }
0xa8: {  	s5 =	sshll.u32 s28, $0x1;
	[dreg:$0x2] =	wrdreg s3  }
0xa9: {  	[dreg:$0x3] =	wrdreg s5  }
0xaa: {  	[dreg:$0x4] =	wrdreg $0xC0  }
0xab: {  	_ =	task [dreg:s7], $0x5FFFF  }
0xac: {  	[dreg:$0x1] =	wrdreg $0xFFFFFFFF  }
0xad: {  	[dreg:$0x0] =	wrdreg $0x60  }
0xae: {  	[dreg:$0x2] =	wrdreg s24  }
0xaf: {  	[dreg:$0x3] =	wrdreg s2  }
0xb0: {  	[dreg:$0x4] =	wrdreg $0x0  }
0xb1: {  	[dreg:$0x5] =	wrdreg $0x9  }
0xb2: {  	_ =	task.clear_ibuf [dreg:s7], $0x6FFFF;
	_ =	strace $0x90000046  }
0xb3: {  	s29 =	simm.s32 $0x9;
	_ =	strace $0x80000048  }
0xb4: {  	_ =	swait.ge [sflag:s29], $0x1  }
0xb5: {  	[sflag:s29] =	ssyncadd.s32 $0xFFFFFFFF  }
0xb6: {  	_ =	strace $0x90000048  }
0xb7: {  	_ =	sfence  }
0xb8: {  	s30 =	sld [smem:$0x0];
	_ =	sdelay $0x2  }
0xb9: {  	s31 =	sshll.u32 s1, $0xD;
	s1 =	sshrl.u32 s1, $0x2  }
0xba: {  	s3 =	sand.u32 $0x4000, s31;
	s1 =	sadd.s32 s1, s30  }
0xbb: {  	s0 =	sor.u32 s3, s0;
	s1 =	sshll.u32 s1, $0x11  }
0xbc: {  	s0 =	sor.u32 s1, s0  }
0xbd: {  	s0 =	sadd.s32 $0x8F2B, s0  }
0xbe: {  	[sflag:s0] =	ssyncadd.remote.s32 $0x1  }
0xbf: {  	_ =	sfence.sel $0xFFFF  }
0xc0: {  	[dreg:$0x0] =	wrdreg $0xFFFFFFFF;
	(pc) =	sbr.abs _section_cstart, $3  }
0xc1: {  	[dreg:$0x1] =	wrdreg $0xFFFFFFFF  }
0xc2: {  	_ =	task.clear_ibuf [dreg:s7], $0x2FFFF;
	_ =	strace $0x9FFFFFFF  }
0xc3: {  	(tm) =	ssettm $0x7FFFFFFF  }
tec
execute0_lowered:
.L_overlay_start_1:
0x0: {  	(tag) =	ssettag $0x1  }
0x1: {  	s0 =	rddreg [dreg:$0x0]  }
0x2: {  	s1 =	rddreg [dreg:$0x1]  }
0x3: {  	s2 =	rddreg [dreg:$0x2];
	s3 =	simm.s32 $0x0;
	s5 =	stileid.u32  }
0x4: {  	s6 =	srdreg.scid;
	[smem:$0x7FF] =	sst s3  }
0x5: {  	s4 =	smul.u32 $0x2700, s5;
	s6 =	sand.u32 $0x1, s6;
	s11 =	sshll.u32 s5, $0x1  }
0x6: {  	s21 =	sshll.u32 s5, $0x6;
	_ =	strace $0x80000047;
	s8 =	ssub.s32 $0x2, s6  }
0x7: {  	s6 =	sor.u32 s6, s11;
	s22 =	sor.u32 $0x1C12, s21;
	s7 =	sadd.s32 s4, s0  }
0x8: {  	s4 =	sadd.s32 $0x1200, s0;
	[dreg:$0x5] =	wrdreg s22;
	s0 =	sadd.s32 $0x48200, s0  }
0x9: {  	s23 =	sshll.u32 s6, $0xC;
	s7 =	sadd.s32 $0x21200, s7;
	[dreg:$0x6] =	wrdreg s0  }
0xa: {  	s24 =	sadd.s32 s4, s23;
	[dreg:$0x4] =	wrdreg s7  }
0xb: {  	s25 =	sadd.s32 $0x10, s24;
	[dreg:$0x7] =	wrdreg s24  }
0xc: {  	s28 =	simm.s32 $0xA;
	s26 =	sadd.s32 $0x20, s24;
	[dreg:$0x8] =	wrdreg s25  }
0xd: {  	s29 =	simm.s32 $0x10;
	s31 =	sadd.s32 $0x30, s24;
	[dreg:$0x9] =	wrdreg s26  }
0xe: {  	s30 =	simm.s32 $0x11;
	s7 =	sadd.s32 $0x40, s24;
	[dreg:$0xa] =	wrdreg s31  }
0xf: {  	s9 =	smul.u32 $0x4E000, s5;
	s13 =	sadd.s32 $0x50, s24;
	[dreg:$0xb] =	wrdreg s7  }
0x10: {  	p0 =	sne.s32 s5, $0x0;
	s14 =	sadd.s32 $0x60, s24;
	[dreg:$0xc] =	wrdreg s13  }
0x11: {  	s5 =	simm.s32 $0x9;
	s15 =	sadd.s32 $0x70, s24;
	[dreg:$0xd] =	wrdreg s14  }
0x12: {  	s12 =	smul.u32 $0x2710, s6;
	s16 =	sadd.s32 $0x80, s24;
	[dreg:$0xe] =	wrdreg s15  }
0x13: {  	s11 =	sadd.s32 $0x138000, s2;
	s0 =	sadd.s32 $0x90, s24;
	[dreg:$0xf] =	wrdreg s16  }
0x14: {  	s10 =	sshrl.u32 s8, $0x1;
	s17 =	sadd.s32 $0x28, s12;
	[dreg:$0x10] =	wrdreg s0  }
0x15: {  	s9 =	sshrl.u32 s9, $0x2;
	s18 =	sadd.s32 $0x50, s12;
	[dreg:$0x11] =	wrdreg s17  }
0x16: {  	s8 =	ssub.s32 s8, s10;
	s19 =	sadd.s32 $0x78, s12;
	[dreg:$0x12] =	wrdreg s18  }
0x17: {  	s9 =	sadd.s32 s9, s2;
	s20 =	smax.u32 s8, $0x1;
	[dreg:$0x13] =	wrdreg s19  }
0x18: {  	s10 =	sshll.u32 s6, $0xF;
	s21 =	sshrl.u32 s9, $0x3;
	[dreg:$0x14] =	wrdreg s20  }
0x19: {  	s6 =	simm.s32 $0xB;
	s22 =	sadd.s32 $0xA0, s12;
	[dreg:$0x15] =	wrdreg s21  }
0x1a: {  	s23 =	sadd.s32 $0xC8, s12;
	s24 =	sadd.s32 $0xF0, s12;
	[dreg:$0x17] =	wrdreg s22  }
0x1b: {  	s9 =	simm.s32 $0x16580;
	s8 =	simm.s32 $0xC;
	[dreg:$0x18] =	wrdreg s23  }
0x1c: {  	s0 =	sshrl.u32 @!p0 s11, $0x3;
	[dreg:$0x19] =	wrdreg s24;
	s25 =	sadd.s32 $0x118, s12  }
0x1d: {  	s26 =	sadd.s32 $0x140, s12;
	s17 =	smov.u32 s12;
	s31 =	sadd.s32 $0x168, s12  }
0x1e: {  	s23 =	simm.s32 $0x50;
	s24 =	simm.s32 $0x13D80;
	s7 =	simm.s32 $0x3  }
.Ltmp0:
0x1f: {  	s12 =	simm.s32 $0x4;
	s14 =	simm.s32 $0x5;
	(pc) =	sbr.rel .LBB2_1-.Ltmp0, $4  }
0x20: {  	s16 =	simm.s32 $0x6;
	s18 =	simm.s32 $0x7;
	[dreg:$0x16] =	wrdreg s0  }
0x21: {  	s20 =	simm.s32 $0xD;
	s21 =	simm.s32 $0x8;
	[dreg:$0x1a] =	wrdreg s25  }
0x22: {  	s22 =	simm.s32 $0xE;
	s11 =	simm.s32 $0x0;
	[dreg:$0x1b] =	wrdreg s26  }
0x23: {  	[dreg:$0x1c] =	wrdreg s31;
	s25 =	simm.s32 $0x2;
	s26 =	simm.s32 $0xF  }
.LBB2_27:
0x24: {  	_ =	swait.ge [sflag:s20], $0x1400  }
0x25: {  	[sflag:s20] =	ssyncset.done $0x0  }
0x26: {  	[sflag:s20] =	ssyncadd.s32 $0xFFFFEC00  }
0x27: {  	_ =	swait.ge [sflag:s22], $0x1400  }
0x28: {  	[sflag:s22] =	ssyncset.done $0x0  }
0x29: {  	[sflag:s22] =	ssyncadd.s32 $0xFFFFEC00  }
0x2a: {  	_ =	swait.ge [sflag:s26], $0x1400  }
0x2b: {  	[sflag:s26] =	ssyncset.done $0x0  }
0x2c: {  	[sflag:s26] =	ssyncadd.s32 $0xFFFFEC00  }
0x2d: {  	_ =	swait.ge [sflag:s29], $0x1400  }
0x2e: {  	[sflag:s29] =	ssyncset.done $0x0  }
0x2f: {  	[sflag:s29] =	ssyncadd.s32 $0xFFFFEC00  }
0x30: {  	_ =	swait.ge [sflag:s30], $0x1400  }
0x31: {  	s11 =	rddreg [dreg:$0x1d]  }
0x32: {  	s0 =	rddreg [dreg:$0x14];
	s11 =	sadd.s32 $0x1, s11  }
0x33: {  	p1 =	sne.s32 s11, s0  }
.Ltmp1:
0x34: {  	_ = 	snop;
	(pc) =	sbr.rel @!p1 .LBB2_28-.Ltmp1, $3  }
0x35: {  	_ =	sdelay $0x1  }
0x36: {  	[sflag:s30] =	ssyncset.done $0x0  }
0x37: {  	[sflag:s30] =	ssyncadd.s32 $0xFFFFEC00  }
.LBB2_1:
0x38: {  	[dreg:$0x1d] =	wrdreg s11  }
0x39: {  	s0 =	rddreg [dreg:$0x4]  }
0x3a: {  	s11 =	rddreg [dreg:$0x5]  }
0x3b: {  	s13 =	rddreg [dreg:$0x15];
	s19 =	simm.s32 $0x12  }
0x3c: {  	[spmem:s13], [sflag:s11] =	dma.local [hbm:s0], $0x2700  }
0x3d: {  	_ =	swait.ge [sflag:s19], $0x2700  }
0x3e: {  	[sflag:s19] =	ssyncset.done $0x0;
	s0 =	rddreg [dreg:$0x6]  }
0x3f: {  	s13 =	rddreg [dreg:$0x16];
	[sflag:s19] =	ssyncadd.s32 $0xFFFFD900  }
0x40: {  	[spmem:s13], [sflag:s11] =	dma.local @!p0 [hbm:s0], $0x100  }
0x41: {  	s0 =	simm.s32 @!p0 $0x12  }
0x42: {  	_ =	swait.ge @!p0 [sflag:s0], $0x100  }
0x43: {  	[sflag:s0] =	ssyncset.done @!p0 $0x0  }
0x44: {  	[sflag:s0] =	ssyncadd.s32 @!p0 $0xFFFFFF00  }
0x45: {  	[bflag:$0x0] =	sbarrier.arrive $0xFFFF  }
0x46: {  	s11 =	simm.s32 $0x13880;
	s13 =	rddreg [dreg:$0x7]  }
0x47: {  	[tilespmem:s11], [sflag:$0x1] =	stream.linear.gather [hbm4b:s13+s3], $0x80, $0x38;
	[tilespmem:$0x1F180] =	vst v63  }
0x48: {  	s15 =	rddreg [dreg:$0x8];
	s13 =	simm.s32 $0x13900  }
0x49: {  	[tilespmem:s13], [sflag:$0x2] =	stream.linear.gather [hbm4b:s15+s3], $0x80, $0x38;
	[tilespmem:$0x1F180] =	vst v63  }
0x4a: {  	s19 =	rddreg [dreg:$0x9];
	s15 =	simm.s32 $0x13980  }
0x4b: {  	[tilespmem:s15], [sflag:$0x3] =	stream.linear.gather [hbm4b:s19+s3], $0x80, $0x38;
	[tilespmem:$0x1F180] =	vst v63  }
0x4c: {  	s15 =	rddreg [dreg:$0xa];
	s19 =	simm.s32 $0x13A00  }
0x4d: {  	[tilespmem:s19], [sflag:$0x4] =	stream.linear.gather [hbm4b:s15+s3], $0x80, $0x38;
	[tilespmem:$0x1F180] =	vst v63  }
0x4e: {  	s15 =	rddreg [dreg:$0xb];
	s19 =	simm.s32 $0x13A80  }
0x4f: {  	[tilespmem:s19], [sflag:$0x5] =	stream.linear.gather [hbm4b:s15+s3], $0x80, $0x38;
	[tilespmem:$0x1F180] =	vst v63  }
0x50: {  	s15 =	rddreg [dreg:$0xc];
	s19 =	simm.s32 $0x13B00  }
0x51: {  	[tilespmem:s19], [sflag:$0x6] =	stream.linear.gather [hbm4b:s15+s3], $0x80, $0x38;
	[tilespmem:$0x1F180] =	vst v63  }
0x52: {  	s15 =	rddreg [dreg:$0xd];
	s19 =	simm.s32 $0x13B80  }
0x53: {  	[tilespmem:s19], [sflag:$0x7] =	stream.linear.gather [hbm4b:s15+s3], $0x80, $0x38;
	[tilespmem:$0x1F180] =	vst v63  }
0x54: {  	s15 =	rddreg [dreg:$0xe];
	s19 =	simm.s32 $0x13C00  }
0x55: {  	[tilespmem:s19], [sflag:$0x8] =	stream.linear.gather [hbm4b:s15+s3], $0x80, $0x38;
	[tilespmem:$0x1F180] =	vst v63  }
0x56: {  	s15 =	rddreg [dreg:$0xf];
	s19 =	simm.s32 $0x13C80  }
0x57: {  	[tilespmem:s19], [sflag:$0x9] =	stream.linear.gather [hbm4b:s15+s3], $0x80, $0x38;
	[tilespmem:$0x1F180] =	vst v63  }
0x58: {  	s15 =	rddreg [dreg:$0x10];
	s19 =	simm.s32 $0x13D00  }
0x59: {  	[tilespmem:s19], [sflag:$0xA] =	stream.linear.gather [hbm4b:s15+s3], $0x80, $0x38;
	[tilespmem:$0x1F180] =	vst v63  }
0x5a: {  	s19 =	simm.s32 $0x1  }
0x5b: {  	_ =	swait.ge [sflag:s19], $0x80  }
0x5c: {  	[sflag:s19] =	ssyncset.done $0x0  }
0x5d: {  	[sflag:s19] =	ssyncadd.s32 $0xFFFFFF80  }
0x5e: {  	[tilespmem:s24], [sflag:$0xB] =	stream.indirect.gather [spmem:s2], $0x80, s11, s23, $0xb8;
	[tilespmem:$0x1F180] =	vst v63  }
0x5f: {  	_ =	swait.ge [sflag:s25], $0x80  }
0x60: {  	[sflag:s25] =	ssyncset.done $0x0  }
0x61: {  	s31 =	simm.s32 $0x0;
	[sflag:s25] =	ssyncadd.s32 $0xFFFFFF80  }
0x62: {  	[tilespmem:s9], [sflag:$0xC] =	stream.indirect.gather [spmem:s2], $0x80, s13, s23, $0xb8;
	[tilespmem:$0x1F180] =	vst v63  }
.LBB2_2:
0x63: {  	p1 =	seq.s32 s31, $0x18  }
0x64: {  	s19 =	smul.u32 @!p1 $0x500, s31;
	_ =	sdelay $0x1  }
0x65: {  	p2 =	seq.s32 @!p1 s31, $0x0;
	s0 =	sadd.s32 @!p1 $0x500, s19  }
0x66: {  	p2 =	por p1, !p2;
	s11 =	sand.u32 @!p1 $0x1FC00, s0  }
.Ltmp2:
0x67: {  	s0 =	sand.u32 @!p1 $0x300, s0;
	s11 =	sadd.s32 @!p1 s10, s11;
	(pc) =	sbr.rel @!p2 .LBB2_3-.Ltmp2, $4  }
0x68: {  	_ =	swait.ge [sflag:s6], $0x2800;
	s0 =	sor.u32 @!p1 s0, s11  }
0x69: {  	[sflag:s6] =	ssyncset.done $0x0;
	s13 =	simm.s32 @!p1 $0x13880;
	s0 =	sshrl.u32 @!p1 s0, $0x3  }
0x6a: {  	[sflag:s6] =	ssyncadd.s32 $0xFFFFD800;
	s11 =	simm.s32 @!p1 $0x0;
	s0 =	sadd.s32 @!p1 s4, s0  }
0x6b: {  	[tilespmem:s13], [sflag:$0x1] =	stream.linear.gather @!p1 [hbm4b:s0+s11], $0x80, $0x38;
	[tilespmem:$0x1F180] =	vst v63  }
.Ltmp3:
0x6c: {  	(pc) =	sbr.rel .LBB2_5-.Ltmp3, $4  }
0x6d: {  	_ = 	snop  }
0x6e: {  	_ =	swait.ge [sflag:s20], $0x1400  }
0x6f: {  	[sflag:s20] =	ssyncset.done $0x0  }
0x70: {  	p2 =	por $0x0, $0x0;
	[sflag:s20] =	ssyncadd.s32 $0xFFFFEC00  }
.LBB2_3:
0x71: {  	p2 =	por @!p1 $0x1, $0x1  }
.LBB2_5:
0x72: {  	s11 =	simm.s32 $0x0  }
0x73: {  	v0 =	vld [tilespmem:s11+$0x13DF0]  }
0x74: {  	v2 =	vld [tilespmem:s11+$0x13DC0]  }
0x75: {  	v1 =	vld [tilespmem:s11+$0x151F0]  }
0x76: {  	v3 =	vld [tilespmem:s11+$0x13D90]  }
0x77: {  	v4 =	vld [tilespmem:s11+$0x151E0]  }
0x78: {  	v5 =	vld [tilespmem:s11+$0x13DE0]  }
0x79: {  	v8 =	vld [tilespmem:s11+$0x13DD0]  }
0x7a: {  	v6 =	vld [tilespmem:s11+$0x151B0]  }
0x7b: {  	v10 =	vld [tilespmem:s11+$0x15190]  }
0x7c: {  	v12 =	vld [tilespmem:s11+$0x15180]  }
0x7d: {  	v25 =	vld [tilespmem:s11+$0x151C0];
	v7 =	vshll.u32 v0, $0x10;
	v9 =	vand.u32 $0xFFFF0000, v1  }
0x7e: {  	v26 =	vld [tilespmem:s11+$0x13D80];
	v0 =	vand.u32 $0xFFFF0000, v0;
	v1 =	vshll.u32 v1, $0x10;
	v11 =	vshll.u32 v4, $0x10  }
0x7f: {  	v4 =	vand.u32 $0xFFFF0000, v4;
	v13 =	vshll.u32 v5, $0x10;
	v5 =	vand.u32 $0xFFFF0000, v5  }
0x80: {  	v18 =	vld [tilespmem:s11+$0x13DA0];
	v22 =	vand.u32 $0xFFFF0000, v2;
	v20 =	vshll.u32 v6, $0x10;
	v23 =	vand.u32 $0xFFFF0000, v6  }
0x81: {  	v16 =	vld [tilespmem:s11+$0x13DB0];
	v24 =	vshll.u32 v10, $0x10;
	v10 =	vand.u32 $0xFFFF0000, v10;
	v27 =	vand.u32 $0xFFFF0000, v3  }
0x82: {  	v14 =	vand.u32 $0xFFFF0000, v8;
	v17 =	vand.u32 $0xFFFF0000, v12;
	v7 =	vadd.f32 v9, v7;
	v9 =	vld [tilespmem:s11+$0x151A0]  }
0x83: {  	v28 =	vshll.u32 v25, $0x10;
	v19 =	vshll.u32 v26, $0x10;
	v0 =	vadd.f32 v1, v0  }
0x84: {  	v1 =	vshll.u32 v2, $0x10;
	v15 =	vadd.f32 v4, v13;
	v11 =	vadd.f32 v11, v5;
	v2 =	vld [tilespmem:s11+$0x151D0]  }
0x85: {  	v4 =	vshll.u32 v8, $0x10;
	v13 =	vand.u32 $0xFFFF0000, v18;
	v22 =	vadd.f32 v28, v22  }
0x86: {  	v6 =	vmax.f32 v7, $0.0e+00;
	v8 =	vmax.f32 v11, $0.0e+00;
	v11 =	vshll.u32 v16, $0x10  }
0x87: {  	v15 =	vmax.f32 v15, $0.0e+00;
	v11 =	vadd.f32 v23, v11;
	v7 =	vshll.u32 v9, $0x10  }
0x88: {  	v5 =	vand.u32 $0xFFFF0000, v9;
	v9 =	vshll.u32 v3, $0x10;
	v3 =	vshll.u32 v12, $0x10  }
0x89: {  	v12 =	vand.u32 $0xFFFF0000, v16;
	v21 =	vshll.u32 v2, $0x10;
	v9 =	vadd.f32 v10, v9  }
0x8a: {  	v16 =	vadd.f32 v24, v27;
	v10 =	vshll.u32 v18, $0x10;
	v20 =	vadd.f32 v20, v12  }
0x8b: {  	s0 =	simm.s32 $0x200;
	v18 =	vand.u32 $0xFFFF0000, v25;
	v12 =	vand.u32 $0xFFFF0000, v26;
	v9 =	vmax.f32 v9, $0.0e+00  }
.LBB2_6:
0x8c: {  	s13 =	sshra.s32 s0, $0x2;
	p3 =	sne.s32 s0, $0x4E00;
	s0 =	sadd.s32 $0x200, s0;
	v17 =	vadd.f32 v17, v19;
	v14 =	vadd.f32 v21, v14;
	v0 =	vmax.f32 v0, $0.0e+00  }
0x8d: {  	v20 =	vmax.f32 v20, $0.0e+00;
	v19 =	vld [tilespmem:s13+$0x13DF0];
	v21 =	vmax.f32 v22, $0.0e+00;
	v0 =	vadd.f32 v0, v6  }
0x8e: {  	v7 =	vadd.f32 v7, v13;
	v1 =	vadd.f32 v18, v1;
	v6 =	vld [tilespmem:s13+$0x13DC0];
	v17 =	vmax.f32 v17, $0.0e+00  }
0x8f: {  	v2 =	vand.u32 $0xFFFF0000, v2;
	v8 =	vadd.f32 v8, v15;
	v14 =	vmax.f32 v14, $0.0e+00;
	v13 =	vld [tilespmem:s13+$0x151F0];
	[tilespmem:s11+$0x18DF0] =	vst v0  }
0x90: {  	v5 =	vadd.f32 v5, v10;
	v1 =	vmax.f32 v1, $0.0e+00;
	v0 =	vmax.f32 v16, $0.0e+00;
	v15 =	vld [tilespmem:s13+$0x13D90]  }
0x91: {  	v2 =	vadd.f32 v2, v4;
	v7 =	vmax.f32 v7, $0.0e+00;
	v0 =	vadd.f32 v0, v9;
	v10 =	vld [tilespmem:s13+$0x151E0]  }
0x92: {  	v3 =	vadd.f32 v3, v12;
	v4 =	vld [tilespmem:s13+$0x13DE0];
	v9 =	vshll.u32 v19, $0x10;
	v16 =	vand.u32 $0xFFFF0000, v19;
	[tilespmem:s11+$0x18DE0] =	vst v8  }
0x93: {  	v11 =	vmax.f32 v11, $0.0e+00;
	v5 =	vmax.f32 v5, $0.0e+00;
	v1 =	vadd.f32 v21, v1;
	v8 =	vld [tilespmem:s13+$0x13DD0];
	[tilespmem:s11+$0x18D90] =	vst v0  }
0x94: {  	v3 =	vmax.f32 v3, $0.0e+00;
	v12 =	vld [tilespmem:s13+$0x151B0];
	v0 =	vshll.u32 v13, $0x10;
	v13 =	vand.u32 $0xFFFF0000, v13  }
0x95: {  	v2 =	vmax.f32 v2, $0.0e+00;
	v18 =	vld [tilespmem:s13+$0x15190];
	v9 =	vadd.f32 v13, v9;
	v0 =	vadd.f32 v0, v16;
	[tilespmem:s11+$0x18DC0] =	vst v1  }
0x96: {  	v11 =	vadd.f32 v20, v11;
	v13 =	vld [tilespmem:s13+$0x151A0];
	v16 =	vshll.u32 v10, $0x10;
	v10 =	vand.u32 $0xFFFF0000, v10  }
0x97: {  	v5 =	vadd.f32 v7, v5;
	v19 =	vld [tilespmem:s13+$0x15180];
	v20 =	vshll.u32 v4, $0x10;
	v4 =	vand.u32 $0xFFFF0000, v4  }
0x98: {  	v7 =	vadd.f32 v14, v2;
	v1 =	vshll.u32 v6, $0x10;
	v21 =	vld [tilespmem:s13+$0x13DB0];
	v20 =	vadd.f32 v10, v20;
	[tilespmem:s11+$0x18DB0] =	vst v11  }
0x99: {  	v3 =	vadd.f32 v3, v17;
	v22 =	vand.u32 $0xFFFF0000, v6;
	v11 =	vadd.f32 v16, v4;
	v10 =	vld [tilespmem:s13+$0x13DA0];
	[tilespmem:s11+$0x18DA0] =	vst v5  }
0x9a: {  	v6 =	vmax.f32 v9, $0.0e+00;
	v23 =	vshll.u32 v12, $0x10;
	v24 =	vand.u32 $0xFFFF0000, v12;
	v2 =	vld [tilespmem:s13+$0x151D0];
	[tilespmem:s11+$0x18DD0] =	vst v7  }
0x9b: {  	v12 =	vshll.u32 v18, $0x10;
	v9 =	vand.u32 $0xFFFF0000, v18;
	v7 =	vshll.u32 v13, $0x10;
	v18 =	vld [tilespmem:s13+$0x151C0];
	[tilespmem:s11+$0x18D80] =	vst v3;
	s11 =	smov.u32 s13  }
0x9c: {  	v16 =	vand.u32 $0xFFFF0000, v15;
	v14 =	vand.u32 $0xFFFF0000, v8;
	v5 =	vand.u32 $0xFFFF0000, v13;
	v25 =	vld [tilespmem:s11+$0x13D80]  }
0x9d: {  	v4 =	vshll.u32 v8, $0x10;
	v8 =	vmax.f32 v11, $0.0e+00;
	v13 =	vshll.u32 v15, $0x10  }
0x9e: {  	v3 =	vshll.u32 v19, $0x10;
	v9 =	vadd.f32 v9, v13;
	v13 =	vand.u32 $0xFFFF0000, v10  }
.Ltmp4:
0x9f: {  	v17 =	vand.u32 $0xFFFF0000, v19;
	v11 =	vshll.u32 v21, $0x10;
	v10 =	vshll.u32 v10, $0x10;
	(pc) =	sbr.rel @p3 .LBB2_6-.Ltmp4, $4  }
0xa0: {  	v15 =	vmax.f32 v20, $0.0e+00;
	v9 =	vmax.f32 v9, $0.0e+00;
	v26 =	vshll.u32 v18, $0x10  }
0xa1: {  	v20 =	vand.u32 $0xFFFF0000, v21;
	v21 =	vshll.u32 v2, $0x10;
	v19 =	vshll.u32 v25, $0x10  }
0xa2: {  	v16 =	vadd.f32 v12, v16;
	v20 =	vadd.f32 v23, v20;
	v18 =	vand.u32 $0xFFFF0000, v18  }
0xa3: {  	v11 =	vadd.f32 v24, v11;
	v12 =	vand.u32 $0xFFFF0000, v25;
	v22 =	vadd.f32 v26, v22  }
0xa4: {  	v17 =	vadd.f32 v17, v19;
	v14 =	vadd.f32 v21, v14;
	v0 =	vmax.f32 v0, $0.0e+00  }
0xa5: {  	v19 =	vmax.f32 v20, $0.0e+00;
	v1 =	vadd.f32 v18, v1;
	v5 =	vadd.f32 v5, v10  }
0xa6: {  	v2 =	vand.u32 $0xFFFF0000, v2;
	v3 =	vadd.f32 v3, v12;
	v0 =	vadd.f32 v0, v6  }
0xa7: {  	v6 =	vadd.f32 v7, v13;
	v7 =	vadd.f32 v8, v15;
	v8 =	vmax.f32 v16, $0.0e+00  }
0xa8: {  	v20 =	vmax.f32 v22, $0.0e+00;
	[tilespmem:s11+$0x18DF0] =	vst v0;
	v0 =	vmax.f32 v1, $0.0e+00;
	v1 =	vadd.f32 v8, v9  }
0xa9: {  	v2 =	vadd.f32 v2, v4;
	v4 =	vmax.f32 v11, $0.0e+00;
	[tilespmem:s11+$0x18DE0] =	vst v7;
	v0 =	vadd.f32 v20, v0  }
0xaa: {  	v4 =	vadd.f32 v19, v4;
	v6 =	vmax.f32 v6, $0.0e+00;
	[tilespmem:s11+$0x18D90] =	vst v1;
	v1 =	vmax.f32 v5, $0.0e+00  }
0xab: {  	s0 =	smul.u32 $0x190, s31;
	v5 =	vmax.f32 v14, $0.0e+00;
	[tilespmem:s11+$0x18DC0] =	vst v0;
	v0 =	vmax.f32 v2, $0.0e+00;
	v1 =	vadd.f32 v6, v1  }
0xac: {  	v3 =	vmax.f32 v3, $0.0e+00;
	[tilespmem:s11+$0x18DB0] =	vst v4;
	v2 =	vmax.f32 v17, $0.0e+00;
	v0 =	vadd.f32 v5, v0  }
0xad: {  	s13 =	sadd.s32 s17, s0;
	v2 =	vadd.f32 v3, v2;
	[tilespmem:s11+$0x18DA0] =	vst v1  }
0xae: {  	s13 =	sshll.u32 s13, $0x4;
	[tilespmem:s11+$0x18DD0] =	vst v0  }
0xaf: {  	s15 =	simm.s32 $0x18D80;
	s13 =	sadd.s32 s1, s13;
	[tilespmem:s11+$0x18D80] =	vst v2  }
0xb0: {  	[hbm4b:s13+s3] =	stream.linear.scatter [tilespmem:s15], [sflag:$0xD], $0x1400, $0x38;
	[tilespmem:$0x1F180] =	vst v63  }
0xb1: {  	s11 =	sadd.s32 @!p1 $0x580, s19;
	_ =	swait.ge [sflag:s7], $0x80  }
0xb2: {  	s15 =	simm.s32 $0x13980;
	s13 =	sand.u32 @!p1 $0x1FC00, s11;
	[sflag:s7] =	ssyncset.done $0x0  }
0xb3: {  	s11 =	sand.u32 @!p1 $0x380, s11;
	s13 =	sadd.s32 @!p1 s10, s13;
	[sflag:s7] =	ssyncadd.s32 $0xFFFFFF80  }
0xb4: {  	[tilespmem:s24], [sflag:$0xB] =	stream.indirect.gather [spmem:s2], $0x80, s15, s23, $0xb8;
	[tilespmem:$0x1F180] =	vst v63  }
0xb5: {  	s11 =	sor.u32 @!p1 s11, s13;
	_ =	swait.ge [sflag:s8], $0x2800  }
0xb6: {  	s13 =	simm.s32 @!p1 $0x0;
	s11 =	sshrl.u32 @!p1 s11, $0x3;
	[sflag:s8] =	ssyncset.done $0x0  }
0xb7: {  	s11 =	sadd.s32 @!p1 s4, s11;
	s15 =	simm.s32 @!p1 $0x13900;
	[sflag:s8] =	ssyncadd.s32 $0xFFFFD800  }
0xb8: {  	[tilespmem:s15], [sflag:$0x2] =	stream.linear.gather @!p1 [hbm4b:s11+s13], $0x80, $0x38;
	[tilespmem:$0x1F180] =	vst v63  }
0xb9: {  	s11 =	simm.s32 @!p2 $0xE  }
0xba: {  	_ =	swait.ge @!p2 [sflag:s11], $0x1400  }
0xbb: {  	[sflag:s11] =	ssyncset.done @!p2 $0x0  }
0xbc: {  	[sflag:s11] =	ssyncadd.s32 @!p2 $0xFFFFEC00;
	s11 =	simm.s32 $0x0  }
0xbd: {  	v0 =	vld [tilespmem:s11+$0x165F0]  }
0xbe: {  	v2 =	vld [tilespmem:s11+$0x165C0]  }
0xbf: {  	v1 =	vld [tilespmem:s11+$0x179F0]  }
0xc0: {  	v3 =	vld [tilespmem:s11+$0x16590]  }
0xc1: {  	v4 =	vld [tilespmem:s11+$0x179E0]  }
0xc2: {  	v5 =	vld [tilespmem:s11+$0x165E0]  }
0xc3: {  	v8 =	vld [tilespmem:s11+$0x165D0]  }
0xc4: {  	v6 =	vld [tilespmem:s11+$0x179B0]  }
0xc5: {  	v10 =	vld [tilespmem:s11+$0x17990]  }
0xc6: {  	v12 =	vld [tilespmem:s11+$0x17980]  }
0xc7: {  	v25 =	vld [tilespmem:s11+$0x179C0];
	v7 =	vshll.u32 v0, $0x10;
	v9 =	vand.u32 $0xFFFF0000, v1  }
0xc8: {  	v26 =	vld [tilespmem:s11+$0x16580];
	v0 =	vand.u32 $0xFFFF0000, v0;
	v1 =	vshll.u32 v1, $0x10;
	v11 =	vshll.u32 v4, $0x10  }
0xc9: {  	v4 =	vand.u32 $0xFFFF0000, v4;
	v13 =	vshll.u32 v5, $0x10;
	v5 =	vand.u32 $0xFFFF0000, v5  }
0xca: {  	v18 =	vld [tilespmem:s11+$0x165A0];
	v22 =	vand.u32 $0xFFFF0000, v2;
	v20 =	vshll.u32 v6, $0x10;
	v23 =	vand.u32 $0xFFFF0000, v6  }
0xcb: {  	v16 =	vld [tilespmem:s11+$0x165B0];
	v24 =	vshll.u32 v10, $0x10;
	v10 =	vand.u32 $0xFFFF0000, v10;
	v27 =	vand.u32 $0xFFFF0000, v3  }
0xcc: {  	v14 =	vand.u32 $0xFFFF0000, v8;
	v17 =	vand.u32 $0xFFFF0000, v12;
	v7 =	vadd.f32 v9, v7;
	v9 =	vld [tilespmem:s11+$0x179A0]  }
0xcd: {  	v28 =	vshll.u32 v25, $0x10;
	v19 =	vshll.u32 v26, $0x10;
	v0 =	vadd.f32 v1, v0  }
0xce: {  	v1 =	vshll.u32 v2, $0x10;
	v15 =	vadd.f32 v4, v13;
	v11 =	vadd.f32 v11, v5;
	v2 =	vld [tilespmem:s11+$0x179D0]  }
0xcf: {  	v4 =	vshll.u32 v8, $0x10;
	v13 =	vand.u32 $0xFFFF0000, v18;
	v22 =	vadd.f32 v28, v22  }
0xd0: {  	v6 =	vmax.f32 v7, $0.0e+00;
	v8 =	vmax.f32 v11, $0.0e+00;
	v11 =	vshll.u32 v16, $0x10  }
0xd1: {  	v15 =	vmax.f32 v15, $0.0e+00;
	v11 =	vadd.f32 v23, v11;
	v7 =	vshll.u32 v9, $0x10  }
0xd2: {  	v5 =	vand.u32 $0xFFFF0000, v9;
	v9 =	vshll.u32 v3, $0x10;
	v3 =	vshll.u32 v12, $0x10  }
0xd3: {  	v12 =	vand.u32 $0xFFFF0000, v16;
	v21 =	vshll.u32 v2, $0x10;
	v9 =	vadd.f32 v10, v9  }
0xd4: {  	v16 =	vadd.f32 v24, v27;
	v10 =	vshll.u32 v18, $0x10;
	v20 =	vadd.f32 v20, v12  }
0xd5: {  	s13 =	simm.s32 $0x200;
	v18 =	vand.u32 $0xFFFF0000, v25;
	v12 =	vand.u32 $0xFFFF0000, v26;
	v9 =	vmax.f32 v9, $0.0e+00  }
.LBB2_8:
0xd6: {  	s15 =	sshra.s32 s13, $0x2;
	p3 =	sne.s32 s13, $0x4E00;
	s13 =	sadd.s32 $0x200, s13;
	v17 =	vadd.f32 v17, v19;
	v14 =	vadd.f32 v21, v14;
	v0 =	vmax.f32 v0, $0.0e+00  }
0xd7: {  	v20 =	vmax.f32 v20, $0.0e+00;
	v19 =	vld [tilespmem:s15+$0x165F0];
	v21 =	vmax.f32 v22, $0.0e+00;
	v0 =	vadd.f32 v0, v6  }
0xd8: {  	v7 =	vadd.f32 v7, v13;
	v1 =	vadd.f32 v18, v1;
	v6 =	vld [tilespmem:s15+$0x165C0];
	v17 =	vmax.f32 v17, $0.0e+00  }
0xd9: {  	v2 =	vand.u32 $0xFFFF0000, v2;
	v8 =	vadd.f32 v8, v15;
	v14 =	vmax.f32 v14, $0.0e+00;
	v13 =	vld [tilespmem:s15+$0x179F0];
	[tilespmem:s11+$0x1A1F0] =	vst v0  }
0xda: {  	v5 =	vadd.f32 v5, v10;
	v1 =	vmax.f32 v1, $0.0e+00;
	v0 =	vmax.f32 v16, $0.0e+00;
	v15 =	vld [tilespmem:s15+$0x16590]  }
0xdb: {  	v2 =	vadd.f32 v2, v4;
	v7 =	vmax.f32 v7, $0.0e+00;
	v0 =	vadd.f32 v0, v9;
	v10 =	vld [tilespmem:s15+$0x179E0]  }
0xdc: {  	v3 =	vadd.f32 v3, v12;
	v4 =	vld [tilespmem:s15+$0x165E0];
	v9 =	vshll.u32 v19, $0x10;
	v16 =	vand.u32 $0xFFFF0000, v19;
	[tilespmem:s11+$0x1A1E0] =	vst v8  }
0xdd: {  	v11 =	vmax.f32 v11, $0.0e+00;
	v5 =	vmax.f32 v5, $0.0e+00;
	v1 =	vadd.f32 v21, v1;
	v8 =	vld [tilespmem:s15+$0x165D0];
	[tilespmem:s11+$0x1A190] =	vst v0  }
0xde: {  	v3 =	vmax.f32 v3, $0.0e+00;
	v12 =	vld [tilespmem:s15+$0x179B0];
	v0 =	vshll.u32 v13, $0x10;
	v13 =	vand.u32 $0xFFFF0000, v13  }
0xdf: {  	v2 =	vmax.f32 v2, $0.0e+00;
	v18 =	vld [tilespmem:s15+$0x17990];
	v9 =	vadd.f32 v13, v9;
	v0 =	vadd.f32 v0, v16;
	[tilespmem:s11+$0x1A1C0] =	vst v1  }
0xe0: {  	v11 =	vadd.f32 v20, v11;
	v13 =	vld [tilespmem:s15+$0x179A0];
	v16 =	vshll.u32 v10, $0x10;
	v10 =	vand.u32 $0xFFFF0000, v10  }
0xe1: {  	v5 =	vadd.f32 v7, v5;
	v19 =	vld [tilespmem:s15+$0x17980];
	v20 =	vshll.u32 v4, $0x10;
	v4 =	vand.u32 $0xFFFF0000, v4  }
0xe2: {  	v7 =	vadd.f32 v14, v2;
	v1 =	vshll.u32 v6, $0x10;
	v21 =	vld [tilespmem:s15+$0x165B0];
	v20 =	vadd.f32 v10, v20;
	[tilespmem:s11+$0x1A1B0] =	vst v11  }
0xe3: {  	v3 =	vadd.f32 v3, v17;
	v22 =	vand.u32 $0xFFFF0000, v6;
	v11 =	vadd.f32 v16, v4;
	v10 =	vld [tilespmem:s15+$0x165A0];
	[tilespmem:s11+$0x1A1A0] =	vst v5  }
0xe4: {  	v6 =	vmax.f32 v9, $0.0e+00;
	v23 =	vshll.u32 v12, $0x10;
	v24 =	vand.u32 $0xFFFF0000, v12;
	v2 =	vld [tilespmem:s15+$0x179D0];
	[tilespmem:s11+$0x1A1D0] =	vst v7  }
0xe5: {  	v12 =	vshll.u32 v18, $0x10;
	v9 =	vand.u32 $0xFFFF0000, v18;
	v7 =	vshll.u32 v13, $0x10;
	v18 =	vld [tilespmem:s15+$0x179C0];
	[tilespmem:s11+$0x1A180] =	vst v3;
	s11 =	smov.u32 s15  }
0xe6: {  	v16 =	vand.u32 $0xFFFF0000, v15;
	v14 =	vand.u32 $0xFFFF0000, v8;
	v5 =	vand.u32 $0xFFFF0000, v13;
	v25 =	vld [tilespmem:s11+$0x16580]  }
0xe7: {  	v4 =	vshll.u32 v8, $0x10;
	v8 =	vmax.f32 v11, $0.0e+00;
	v13 =	vshll.u32 v15, $0x10  }
0xe8: {  	v3 =	vshll.u32 v19, $0x10;
	v9 =	vadd.f32 v9, v13;
	v13 =	vand.u32 $0xFFFF0000, v10  }
.Ltmp5:
0xe9: {  	v17 =	vand.u32 $0xFFFF0000, v19;
	v11 =	vshll.u32 v21, $0x10;
	v10 =	vshll.u32 v10, $0x10;
	(pc) =	sbr.rel @p3 .LBB2_8-.Ltmp5, $4  }
0xea: {  	v15 =	vmax.f32 v20, $0.0e+00;
	v9 =	vmax.f32 v9, $0.0e+00;
	v26 =	vshll.u32 v18, $0x10  }
0xeb: {  	v20 =	vand.u32 $0xFFFF0000, v21;
	v21 =	vshll.u32 v2, $0x10;
	v19 =	vshll.u32 v25, $0x10  }
0xec: {  	v16 =	vadd.f32 v12, v16;
	v20 =	vadd.f32 v23, v20;
	v18 =	vand.u32 $0xFFFF0000, v18  }
0xed: {  	v11 =	vadd.f32 v24, v11;
	v12 =	vand.u32 $0xFFFF0000, v25;
	v22 =	vadd.f32 v26, v22  }
0xee: {  	v17 =	vadd.f32 v17, v19;
	v0 =	vmax.f32 v0, $0.0e+00  }
0xef: {  	v19 =	vmax.f32 v20, $0.0e+00;
	v1 =	vadd.f32 v18, v1;
	v5 =	vadd.f32 v5, v10  }
0xf0: {  	v2 =	vand.u32 $0xFFFF0000, v2;
	v0 =	vadd.f32 v0, v6;
	v6 =	vadd.f32 v7, v13  }
0xf1: {  	v7 =	vadd.f32 v8, v15;
	v8 =	vmax.f32 v16, $0.0e+00;
	v2 =	vadd.f32 v2, v4  }
0xf2: {  	v4 =	vmax.f32 v11, $0.0e+00;
	[tilespmem:s11+$0x1A1F0] =	vst v0;
	v0 =	vmax.f32 v1, $0.0e+00;
	v1 =	vadd.f32 v8, v9  }
0xf3: {  	v20 =	vmax.f32 v22, $0.0e+00;
	v4 =	vadd.f32 v19, v4;
	[tilespmem:s11+$0x1A1E0] =	vst v7  }
0xf4: {  	v6 =	vmax.f32 v6, $0.0e+00;
	v0 =	vadd.f32 v20, v0;
	[tilespmem:s11+$0x1A190] =	vst v1;
	v1 =	vmax.f32 v5, $0.0e+00  }
0xf5: {  	v14 =	vadd.f32 v21, v14;
	[tilespmem:s11+$0x1A1B0] =	vst v4;
	v1 =	vadd.f32 v6, v1  }
0xf6: {  	v3 =	vadd.f32 v3, v12;
	[tilespmem:s11+$0x1A1C0] =	vst v0  }
0xf7: {  	v5 =	vmax.f32 v14, $0.0e+00;
	v0 =	vmax.f32 v2, $0.0e+00;
	[tilespmem:s11+$0x1A1A0] =	vst v1  }
0xf8: {  	v3 =	vmax.f32 v3, $0.0e+00;
	v2 =	vmax.f32 v17, $0.0e+00;
	v0 =	vadd.f32 v5, v0;
	s13 =	rddreg [dreg:$0x11]  }
0xf9: {  	v2 =	vadd.f32 v3, v2;
	s13 =	sadd.s32 s0, s13  }
0xfa: {  	[tilespmem:s11+$0x1A1D0] =	vst v0;
	s13 =	sshll.u32 s13, $0x4  }
0xfb: {  	s15 =	simm.s32 $0x1A180;
	[tilespmem:s11+$0x1A180] =	vst v2;
	s13 =	sadd.s32 s1, s13  }
0xfc: {  	[hbm4b:s13+s3] =	stream.linear.scatter [tilespmem:s15], [sflag:$0xE], $0x1400, $0x38;
	[tilespmem:$0x1F180] =	vst v63  }
0xfd: {  	s11 =	sadd.s32 @!p1 $0x600, s19;
	_ =	swait.ge [sflag:s12], $0x80  }
0xfe: {  	s15 =	simm.s32 $0x13A00;
	s13 =	sand.u32 @!p1 $0x1FC00, s11;
	[sflag:s12] =	ssyncset.done $0x0  }
0xff: {  	s11 =	sand.u32 @!p1 $0x300, s11;
	s13 =	sadd.s32 @!p1 s10, s13;
	[sflag:s12] =	ssyncadd.s32 $0xFFFFFF80  }
0x100: {  	[tilespmem:s9], [sflag:$0xC] =	stream.indirect.gather [spmem:s2], $0x80, s15, s23, $0xb8;
	[tilespmem:$0x1F180] =	vst v63  }
0x101: {  	p2 =	por p1, !p2;
	s11 =	sor.u32 @!p1 s11, s13;
	_ =	swait.ge [sflag:s6], $0x2800  }
0x102: {  	s13 =	simm.s32 @!p1 $0x0;
	s11 =	sshrl.u32 @!p1 s11, $0x3;
	[sflag:s6] =	ssyncset.done $0x0  }
0x103: {  	s11 =	sadd.s32 @!p1 s4, s11;
	s15 =	simm.s32 @!p1 $0x13980;
	[sflag:s6] =	ssyncadd.s32 $0xFFFFD800  }
0x104: {  	[tilespmem:s15], [sflag:$0x3] =	stream.linear.gather @!p1 [hbm4b:s11+s13], $0x80, $0x38;
	[tilespmem:$0x1F180] =	vst v63  }
0x105: {  	_ =	swait.ge @p2 [sflag:s26], $0x1400  }
0x106: {  	[sflag:s26] =	ssyncset.done @p2 $0x0  }
0x107: {  	s11 =	simm.s32 $0x0;
	[sflag:s26] =	ssyncadd.s32 @p2 $0xFFFFEC00  }
0x108: {  	v0 =	vld [tilespmem:s11+$0x13DF0]  }
0x109: {  	v2 =	vld [tilespmem:s11+$0x13DC0]  }
0x10a: {  	v1 =	vld [tilespmem:s11+$0x151F0]  }
0x10b: {  	v3 =	vld [tilespmem:s11+$0x13D90]  }
0x10c: {  	v4 =	vld [tilespmem:s11+$0x151E0]  }
0x10d: {  	v5 =	vld [tilespmem:s11+$0x13DE0]  }
0x10e: {  	v8 =	vld [tilespmem:s11+$0x13DD0]  }
0x10f: {  	v6 =	vld [tilespmem:s11+$0x151B0]  }
0x110: {  	v10 =	vld [tilespmem:s11+$0x15190]  }
0x111: {  	v12 =	vld [tilespmem:s11+$0x15180]  }
0x112: {  	v25 =	vld [tilespmem:s11+$0x151C0];
	v7 =	vshll.u32 v0, $0x10;
	v9 =	vand.u32 $0xFFFF0000, v1  }
0x113: {  	v26 =	vld [tilespmem:s11+$0x13D80];
	v0 =	vand.u32 $0xFFFF0000, v0;
	v1 =	vshll.u32 v1, $0x10;
	v11 =	vshll.u32 v4, $0x10  }
0x114: {  	v4 =	vand.u32 $0xFFFF0000, v4;
	v13 =	vshll.u32 v5, $0x10;
	v5 =	vand.u32 $0xFFFF0000, v5  }
0x115: {  	v18 =	vld [tilespmem:s11+$0x13DA0];
	v22 =	vand.u32 $0xFFFF0000, v2;
	v20 =	vshll.u32 v6, $0x10;
	v23 =	vand.u32 $0xFFFF0000, v6  }
0x116: {  	v16 =	vld [tilespmem:s11+$0x13DB0];
	v24 =	vshll.u32 v10, $0x10;
	v10 =	vand.u32 $0xFFFF0000, v10;
	v27 =	vand.u32 $0xFFFF0000, v3  }
0x117: {  	v14 =	vand.u32 $0xFFFF0000, v8;
	v17 =	vand.u32 $0xFFFF0000, v12;
	v7 =	vadd.f32 v9, v7;
	v9 =	vld [tilespmem:s11+$0x151A0]  }
0x118: {  	v28 =	vshll.u32 v25, $0x10;
	v19 =	vshll.u32 v26, $0x10;
	v0 =	vadd.f32 v1, v0  }
0x119: {  	v1 =	vshll.u32 v2, $0x10;
	v15 =	vadd.f32 v4, v13;
	v11 =	vadd.f32 v11, v5;
	v2 =	vld [tilespmem:s11+$0x151D0]  }
0x11a: {  	v4 =	vshll.u32 v8, $0x10;
	v13 =	vand.u32 $0xFFFF0000, v18;
	v22 =	vadd.f32 v28, v22  }
0x11b: {  	v6 =	vmax.f32 v7, $0.0e+00;
	v8 =	vmax.f32 v11, $0.0e+00;
	v11 =	vshll.u32 v16, $0x10  }
0x11c: {  	v15 =	vmax.f32 v15, $0.0e+00;
	v11 =	vadd.f32 v23, v11;
	v7 =	vshll.u32 v9, $0x10  }
0x11d: {  	v5 =	vand.u32 $0xFFFF0000, v9;
	v9 =	vshll.u32 v3, $0x10;
	v3 =	vshll.u32 v12, $0x10  }
0x11e: {  	v12 =	vand.u32 $0xFFFF0000, v16;
	v21 =	vshll.u32 v2, $0x10;
	v9 =	vadd.f32 v10, v9  }
0x11f: {  	v16 =	vadd.f32 v24, v27;
	v10 =	vshll.u32 v18, $0x10;
	v20 =	vadd.f32 v20, v12  }
0x120: {  	s13 =	simm.s32 $0x200;
	v18 =	vand.u32 $0xFFFF0000, v25;
	v12 =	vand.u32 $0xFFFF0000, v26;
	v9 =	vmax.f32 v9, $0.0e+00  }
.LBB2_10:
0x121: {  	s15 =	sshra.s32 s13, $0x2;
	p3 =	sne.s32 s13, $0x4E00;
	s13 =	sadd.s32 $0x200, s13;
	v17 =	vadd.f32 v17, v19;
	v14 =	vadd.f32 v21, v14;
	v0 =	vmax.f32 v0, $0.0e+00  }
0x122: {  	v20 =	vmax.f32 v20, $0.0e+00;
	v19 =	vld [tilespmem:s15+$0x13DF0];
	v21 =	vmax.f32 v22, $0.0e+00;
	v0 =	vadd.f32 v0, v6  }
0x123: {  	v7 =	vadd.f32 v7, v13;
	v1 =	vadd.f32 v18, v1;
	v6 =	vld [tilespmem:s15+$0x13DC0];
	v17 =	vmax.f32 v17, $0.0e+00  }
0x124: {  	v2 =	vand.u32 $0xFFFF0000, v2;
	v8 =	vadd.f32 v8, v15;
	v14 =	vmax.f32 v14, $0.0e+00;
	v13 =	vld [tilespmem:s15+$0x151F0];
	[tilespmem:s11+$0x1B5F0] =	vst v0  }
0x125: {  	v5 =	vadd.f32 v5, v10;
	v1 =	vmax.f32 v1, $0.0e+00;
	v0 =	vmax.f32 v16, $0.0e+00;
	v15 =	vld [tilespmem:s15+$0x13D90]  }
0x126: {  	v2 =	vadd.f32 v2, v4;
	v7 =	vmax.f32 v7, $0.0e+00;
	v0 =	vadd.f32 v0, v9;
	v10 =	vld [tilespmem:s15+$0x151E0]  }
0x127: {  	v3 =	vadd.f32 v3, v12;
	v4 =	vld [tilespmem:s15+$0x13DE0];
	v9 =	vshll.u32 v19, $0x10;
	v16 =	vand.u32 $0xFFFF0000, v19;
	[tilespmem:s11+$0x1B5E0] =	vst v8  }
0x128: {  	v11 =	vmax.f32 v11, $0.0e+00;
	v5 =	vmax.f32 v5, $0.0e+00;
	v1 =	vadd.f32 v21, v1;
	v8 =	vld [tilespmem:s15+$0x13DD0];
	[tilespmem:s11+$0x1B590] =	vst v0  }
0x129: {  	v3 =	vmax.f32 v3, $0.0e+00;
	v12 =	vld [tilespmem:s15+$0x151B0];
	v0 =	vshll.u32 v13, $0x10;
	v13 =	vand.u32 $0xFFFF0000, v13  }
0x12a: {  	v2 =	vmax.f32 v2, $0.0e+00;
	v18 =	vld [tilespmem:s15+$0x15190];
	v9 =	vadd.f32 v13, v9;
	v0 =	vadd.f32 v0, v16;
	[tilespmem:s11+$0x1B5C0] =	vst v1  }
0x12b: {  	v11 =	vadd.f32 v20, v11;
	v13 =	vld [tilespmem:s15+$0x151A0];
	v16 =	vshll.u32 v10, $0x10;
	v10 =	vand.u32 $0xFFFF0000, v10  }
0x12c: {  	v5 =	vadd.f32 v7, v5;
	v19 =	vld [tilespmem:s15+$0x15180];
	v20 =	vshll.u32 v4, $0x10;
	v4 =	vand.u32 $0xFFFF0000, v4  }
0x12d: {  	v7 =	vadd.f32 v14, v2;
	v1 =	vshll.u32 v6, $0x10;
	v21 =	vld [tilespmem:s15+$0x13DB0];
	v20 =	vadd.f32 v10, v20;
	[tilespmem:s11+$0x1B5B0] =	vst v11  }
0x12e: {  	v3 =	vadd.f32 v3, v17;
	v22 =	vand.u32 $0xFFFF0000, v6;
	v11 =	vadd.f32 v16, v4;
	v10 =	vld [tilespmem:s15+$0x13DA0];
	[tilespmem:s11+$0x1B5A0] =	vst v5  }
0x12f: {  	v6 =	vmax.f32 v9, $0.0e+00;
	v23 =	vshll.u32 v12, $0x10;
	v24 =	vand.u32 $0xFFFF0000, v12;
	v2 =	vld [tilespmem:s15+$0x151D0];
	[tilespmem:s11+$0x1B5D0] =	vst v7  }
0x130: {  	v12 =	vshll.u32 v18, $0x10;
	v9 =	vand.u32 $0xFFFF0000, v18;
	v7 =	vshll.u32 v13, $0x10;
	v18 =	vld [tilespmem:s15+$0x151C0];
	[tilespmem:s11+$0x1B580] =	vst v3;
	s11 =	smov.u32 s15  }
0x131: {  	v16 =	vand.u32 $0xFFFF0000, v15;
	v14 =	vand.u32 $0xFFFF0000, v8;
	v5 =	vand.u32 $0xFFFF0000, v13;
	v25 =	vld [tilespmem:s11+$0x13D80]  }
0x132: {  	v4 =	vshll.u32 v8, $0x10;
	v8 =	vmax.f32 v11, $0.0e+00;
	v13 =	vshll.u32 v15, $0x10  }
0x133: {  	v3 =	vshll.u32 v19, $0x10;
	v9 =	vadd.f32 v9, v13;
	v13 =	vand.u32 $0xFFFF0000, v10  }
.Ltmp6:
0x134: {  	v17 =	vand.u32 $0xFFFF0000, v19;
	v11 =	vshll.u32 v21, $0x10;
	v10 =	vshll.u32 v10, $0x10;
	(pc) =	sbr.rel @p3 .LBB2_10-.Ltmp6, $4  }
0x135: {  	v15 =	vmax.f32 v20, $0.0e+00;
	v9 =	vmax.f32 v9, $0.0e+00;
	v26 =	vshll.u32 v18, $0x10  }
0x136: {  	v20 =	vand.u32 $0xFFFF0000, v21;
	v21 =	vshll.u32 v2, $0x10;
	v19 =	vshll.u32 v25, $0x10  }
0x137: {  	v16 =	vadd.f32 v12, v16;
	v20 =	vadd.f32 v23, v20;
	v18 =	vand.u32 $0xFFFF0000, v18  }
0x138: {  	v11 =	vadd.f32 v24, v11;
	v12 =	vand.u32 $0xFFFF0000, v25;
	v22 =	vadd.f32 v26, v22  }
0x139: {  	v17 =	vadd.f32 v17, v19;
	v0 =	vmax.f32 v0, $0.0e+00  }
0x13a: {  	v19 =	vmax.f32 v20, $0.0e+00;
	v1 =	vadd.f32 v18, v1;
	v5 =	vadd.f32 v5, v10  }
0x13b: {  	v2 =	vand.u32 $0xFFFF0000, v2;
	v0 =	vadd.f32 v0, v6;
	v6 =	vadd.f32 v7, v13  }
0x13c: {  	v7 =	vadd.f32 v8, v15;
	v8 =	vmax.f32 v16, $0.0e+00;
	v2 =	vadd.f32 v2, v4  }
0x13d: {  	v4 =	vmax.f32 v11, $0.0e+00;
	[tilespmem:s11+$0x1B5F0] =	vst v0;
	v0 =	vmax.f32 v1, $0.0e+00;
	v1 =	vadd.f32 v8, v9  }
0x13e: {  	v20 =	vmax.f32 v22, $0.0e+00;
	v4 =	vadd.f32 v19, v4;
	[tilespmem:s11+$0x1B5E0] =	vst v7  }
0x13f: {  	v6 =	vmax.f32 v6, $0.0e+00;
	v0 =	vadd.f32 v20, v0;
	[tilespmem:s11+$0x1B590] =	vst v1;
	v1 =	vmax.f32 v5, $0.0e+00  }
0x140: {  	v14 =	vadd.f32 v21, v14;
	[tilespmem:s11+$0x1B5B0] =	vst v4;
	v1 =	vadd.f32 v6, v1  }
0x141: {  	v3 =	vadd.f32 v3, v12;
	[tilespmem:s11+$0x1B5C0] =	vst v0  }
0x142: {  	v5 =	vmax.f32 v14, $0.0e+00;
	v0 =	vmax.f32 v2, $0.0e+00;
	[tilespmem:s11+$0x1B5A0] =	vst v1  }
0x143: {  	v3 =	vmax.f32 v3, $0.0e+00;
	v2 =	vmax.f32 v17, $0.0e+00;
	v0 =	vadd.f32 v5, v0;
	s13 =	rddreg [dreg:$0x12]  }
0x144: {  	v2 =	vadd.f32 v3, v2;
	s13 =	sadd.s32 s0, s13  }
0x145: {  	[tilespmem:s11+$0x1B5D0] =	vst v0;
	s13 =	sshll.u32 s13, $0x4  }
0x146: {  	s15 =	simm.s32 $0x1B580;
	[tilespmem:s11+$0x1B580] =	vst v2;
	s13 =	sadd.s32 s1, s13  }
0x147: {  	[hbm4b:s13+s3] =	stream.linear.scatter [tilespmem:s15], [sflag:$0xF], $0x1400, $0x38;
	[tilespmem:$0x1F180] =	vst v63  }
0x148: {  	s11 =	sadd.s32 @!p1 $0x680, s19;
	_ =	swait.ge [sflag:s14], $0x80  }
0x149: {  	s15 =	simm.s32 $0x13A80;
	s13 =	sand.u32 @!p1 $0x1FC00, s11;
	[sflag:s14] =	ssyncset.done $0x0  }
0x14a: {  	s11 =	sand.u32 @!p1 $0x380, s11;
	s13 =	sadd.s32 @!p1 s10, s13;
	[sflag:s14] =	ssyncadd.s32 $0xFFFFFF80  }
0x14b: {  	[tilespmem:s24], [sflag:$0xB] =	stream.indirect.gather [spmem:s2], $0x80, s15, s23, $0xb8;
	[tilespmem:$0x1F180] =	vst v63  }
0x14c: {  	s11 =	sor.u32 @!p1 s11, s13;
	_ =	swait.ge [sflag:s8], $0x2800  }
0x14d: {  	s13 =	simm.s32 @!p1 $0x0;
	s11 =	sshrl.u32 @!p1 s11, $0x3;
	[sflag:s8] =	ssyncset.done $0x0  }
0x14e: {  	s11 =	sadd.s32 @!p1 s4, s11;
	s15 =	simm.s32 @!p1 $0x13A00;
	[sflag:s8] =	ssyncadd.s32 $0xFFFFD800  }
0x14f: {  	[tilespmem:s15], [sflag:$0x4] =	stream.linear.gather @!p1 [hbm4b:s11+s13], $0x80, $0x38;
	[tilespmem:$0x1F180] =	vst v63  }
0x150: {  	_ =	swait.ge @p2 [sflag:s29], $0x1400  }
0x151: {  	[sflag:s29] =	ssyncset.done @p2 $0x0  }
0x152: {  	s11 =	simm.s32 $0x0;
	[sflag:s29] =	ssyncadd.s32 @p2 $0xFFFFEC00  }
0x153: {  	v0 =	vld [tilespmem:s11+$0x165F0]  }
0x154: {  	v2 =	vld [tilespmem:s11+$0x165C0]  }
0x155: {  	v1 =	vld [tilespmem:s11+$0x179F0]  }
0x156: {  	v3 =	vld [tilespmem:s11+$0x16590]  }
0x157: {  	v4 =	vld [tilespmem:s11+$0x179E0]  }
0x158: {  	v5 =	vld [tilespmem:s11+$0x165E0]  }
0x159: {  	v8 =	vld [tilespmem:s11+$0x165D0]  }
0x15a: {  	v6 =	vld [tilespmem:s11+$0x179B0]  }
0x15b: {  	v10 =	vld [tilespmem:s11+$0x17990]  }
0x15c: {  	v12 =	vld [tilespmem:s11+$0x17980]  }
0x15d: {  	v25 =	vld [tilespmem:s11+$0x179C0];
	v7 =	vshll.u32 v0, $0x10;
	v9 =	vand.u32 $0xFFFF0000, v1  }
0x15e: {  	v26 =	vld [tilespmem:s11+$0x16580];
	v0 =	vand.u32 $0xFFFF0000, v0;
	v1 =	vshll.u32 v1, $0x10;
	v11 =	vshll.u32 v4, $0x10  }
0x15f: {  	v4 =	vand.u32 $0xFFFF0000, v4;
	v13 =	vshll.u32 v5, $0x10;
	v5 =	vand.u32 $0xFFFF0000, v5  }
0x160: {  	v18 =	vld [tilespmem:s11+$0x165A0];
	v22 =	vand.u32 $0xFFFF0000, v2;
	v20 =	vshll.u32 v6, $0x10;
	v23 =	vand.u32 $0xFFFF0000, v6  }
0x161: {  	v16 =	vld [tilespmem:s11+$0x165B0];
	v24 =	vshll.u32 v10, $0x10;
	v10 =	vand.u32 $0xFFFF0000, v10;
	v27 =	vand.u32 $0xFFFF0000, v3  }
0x162: {  	v14 =	vand.u32 $0xFFFF0000, v8;
	v17 =	vand.u32 $0xFFFF0000, v12;
	v7 =	vadd.f32 v9, v7;
	v9 =	vld [tilespmem:s11+$0x179A0]  }
0x163: {  	v28 =	vshll.u32 v25, $0x10;
	v19 =	vshll.u32 v26, $0x10;
	v0 =	vadd.f32 v1, v0  }
0x164: {  	v1 =	vshll.u32 v2, $0x10;
	v15 =	vadd.f32 v4, v13;
	v11 =	vadd.f32 v11, v5;
	v2 =	vld [tilespmem:s11+$0x179D0]  }
0x165: {  	v4 =	vshll.u32 v8, $0x10;
	v13 =	vand.u32 $0xFFFF0000, v18;
	v22 =	vadd.f32 v28, v22  }
0x166: {  	v6 =	vmax.f32 v7, $0.0e+00;
	v8 =	vmax.f32 v11, $0.0e+00;
	v11 =	vshll.u32 v16, $0x10  }
0x167: {  	v15 =	vmax.f32 v15, $0.0e+00;
	v11 =	vadd.f32 v23, v11;
	v7 =	vshll.u32 v9, $0x10  }
0x168: {  	v5 =	vand.u32 $0xFFFF0000, v9;
	v9 =	vshll.u32 v3, $0x10;
	v3 =	vshll.u32 v12, $0x10  }
0x169: {  	v12 =	vand.u32 $0xFFFF0000, v16;
	v21 =	vshll.u32 v2, $0x10;
	v9 =	vadd.f32 v10, v9  }
0x16a: {  	v16 =	vadd.f32 v24, v27;
	v10 =	vshll.u32 v18, $0x10;
	v20 =	vadd.f32 v20, v12  }
0x16b: {  	s13 =	simm.s32 $0x200;
	v18 =	vand.u32 $0xFFFF0000, v25;
	v12 =	vand.u32 $0xFFFF0000, v26;
	v9 =	vmax.f32 v9, $0.0e+00  }
.LBB2_12:
0x16c: {  	s15 =	sshra.s32 s13, $0x2;
	p3 =	sne.s32 s13, $0x4E00;
	s13 =	sadd.s32 $0x200, s13;
	v17 =	vadd.f32 v17, v19;
	v14 =	vadd.f32 v21, v14;
	v0 =	vmax.f32 v0, $0.0e+00  }
0x16d: {  	v20 =	vmax.f32 v20, $0.0e+00;
	v19 =	vld [tilespmem:s15+$0x165F0];
	v21 =	vmax.f32 v22, $0.0e+00;
	v0 =	vadd.f32 v0, v6  }
0x16e: {  	v7 =	vadd.f32 v7, v13;
	v1 =	vadd.f32 v18, v1;
	v6 =	vld [tilespmem:s15+$0x165C0];
	v17 =	vmax.f32 v17, $0.0e+00  }
0x16f: {  	v2 =	vand.u32 $0xFFFF0000, v2;
	v8 =	vadd.f32 v8, v15;
	v14 =	vmax.f32 v14, $0.0e+00;
	v13 =	vld [tilespmem:s15+$0x179F0];
	[tilespmem:s11+$0x1C9F0] =	vst v0  }
0x170: {  	v5 =	vadd.f32 v5, v10;
	v1 =	vmax.f32 v1, $0.0e+00;
	v0 =	vmax.f32 v16, $0.0e+00;
	v15 =	vld [tilespmem:s15+$0x16590]  }
0x171: {  	v2 =	vadd.f32 v2, v4;
	v7 =	vmax.f32 v7, $0.0e+00;
	v0 =	vadd.f32 v0, v9;
	v10 =	vld [tilespmem:s15+$0x179E0]  }
0x172: {  	v3 =	vadd.f32 v3, v12;
	v4 =	vld [tilespmem:s15+$0x165E0];
	v9 =	vshll.u32 v19, $0x10;
	v16 =	vand.u32 $0xFFFF0000, v19;
	[tilespmem:s11+$0x1C9E0] =	vst v8  }
0x173: {  	v11 =	vmax.f32 v11, $0.0e+00;
	v5 =	vmax.f32 v5, $0.0e+00;
	v1 =	vadd.f32 v21, v1;
	v8 =	vld [tilespmem:s15+$0x165D0];
	[tilespmem:s11+$0x1C990] =	vst v0  }
0x174: {  	v3 =	vmax.f32 v3, $0.0e+00;
	v12 =	vld [tilespmem:s15+$0x179B0];
	v0 =	vshll.u32 v13, $0x10;
	v13 =	vand.u32 $0xFFFF0000, v13  }
0x175: {  	v2 =	vmax.f32 v2, $0.0e+00;
	v18 =	vld [tilespmem:s15+$0x17990];
	v9 =	vadd.f32 v13, v9;
	v0 =	vadd.f32 v0, v16;
	[tilespmem:s11+$0x1C9C0] =	vst v1  }
0x176: {  	v11 =	vadd.f32 v20, v11;
	v13 =	vld [tilespmem:s15+$0x179A0];
	v16 =	vshll.u32 v10, $0x10;
	v10 =	vand.u32 $0xFFFF0000, v10  }
0x177: {  	v5 =	vadd.f32 v7, v5;
	v19 =	vld [tilespmem:s15+$0x17980];
	v20 =	vshll.u32 v4, $0x10;
	v4 =	vand.u32 $0xFFFF0000, v4  }
0x178: {  	v7 =	vadd.f32 v14, v2;
	v1 =	vshll.u32 v6, $0x10;
	v21 =	vld [tilespmem:s15+$0x165B0];
	v20 =	vadd.f32 v10, v20;
	[tilespmem:s11+$0x1C9B0] =	vst v11  }
0x179: {  	v3 =	vadd.f32 v3, v17;
	v22 =	vand.u32 $0xFFFF0000, v6;
	v11 =	vadd.f32 v16, v4;
	v10 =	vld [tilespmem:s15+$0x165A0];
	[tilespmem:s11+$0x1C9A0] =	vst v5  }
0x17a: {  	v6 =	vmax.f32 v9, $0.0e+00;
	v23 =	vshll.u32 v12, $0x10;
	v24 =	vand.u32 $0xFFFF0000, v12;
	v2 =	vld [tilespmem:s15+$0x179D0];
	[tilespmem:s11+$0x1C9D0] =	vst v7  }
0x17b: {  	v12 =	vshll.u32 v18, $0x10;
	v9 =	vand.u32 $0xFFFF0000, v18;
	v7 =	vshll.u32 v13, $0x10;
	v18 =	vld [tilespmem:s15+$0x179C0];
	[tilespmem:s11+$0x1C980] =	vst v3;
	s11 =	smov.u32 s15  }
0x17c: {  	v16 =	vand.u32 $0xFFFF0000, v15;
	v14 =	vand.u32 $0xFFFF0000, v8;
	v5 =	vand.u32 $0xFFFF0000, v13;
	v25 =	vld [tilespmem:s11+$0x16580]  }
0x17d: {  	v4 =	vshll.u32 v8, $0x10;
	v8 =	vmax.f32 v11, $0.0e+00;
	v13 =	vshll.u32 v15, $0x10  }
0x17e: {  	v3 =	vshll.u32 v19, $0x10;
	v9 =	vadd.f32 v9, v13;
	v13 =	vand.u32 $0xFFFF0000, v10  }
.Ltmp7:
0x17f: {  	v17 =	vand.u32 $0xFFFF0000, v19;
	v11 =	vshll.u32 v21, $0x10;
	v10 =	vshll.u32 v10, $0x10;
	(pc) =	sbr.rel @p3 .LBB2_12-.Ltmp7, $4  }
0x180: {  	v15 =	vmax.f32 v20, $0.0e+00;
	v9 =	vmax.f32 v9, $0.0e+00;
	v26 =	vshll.u32 v18, $0x10  }
0x181: {  	v20 =	vand.u32 $0xFFFF0000, v21;
	v21 =	vshll.u32 v2, $0x10;
	v19 =	vshll.u32 v25, $0x10  }
0x182: {  	v16 =	vadd.f32 v12, v16;
	v20 =	vadd.f32 v23, v20;
	v18 =	vand.u32 $0xFFFF0000, v18  }
0x183: {  	v11 =	vadd.f32 v24, v11;
	v12 =	vand.u32 $0xFFFF0000, v25;
	v22 =	vadd.f32 v26, v22  }
0x184: {  	v17 =	vadd.f32 v17, v19;
	v0 =	vmax.f32 v0, $0.0e+00  }
0x185: {  	v19 =	vmax.f32 v20, $0.0e+00;
	v1 =	vadd.f32 v18, v1;
	v5 =	vadd.f32 v5, v10  }
0x186: {  	v2 =	vand.u32 $0xFFFF0000, v2;
	v0 =	vadd.f32 v0, v6;
	v6 =	vadd.f32 v7, v13  }
0x187: {  	v7 =	vadd.f32 v8, v15;
	v8 =	vmax.f32 v16, $0.0e+00;
	v2 =	vadd.f32 v2, v4  }
0x188: {  	v4 =	vmax.f32 v11, $0.0e+00;
	[tilespmem:s11+$0x1C9F0] =	vst v0;
	v0 =	vmax.f32 v1, $0.0e+00;
	v1 =	vadd.f32 v8, v9  }
0x189: {  	v20 =	vmax.f32 v22, $0.0e+00;
	v4 =	vadd.f32 v19, v4;
	[tilespmem:s11+$0x1C9E0] =	vst v7  }
0x18a: {  	v6 =	vmax.f32 v6, $0.0e+00;
	v0 =	vadd.f32 v20, v0;
	[tilespmem:s11+$0x1C990] =	vst v1;
	v1 =	vmax.f32 v5, $0.0e+00  }
0x18b: {  	v14 =	vadd.f32 v21, v14;
	[tilespmem:s11+$0x1C9B0] =	vst v4;
	v1 =	vadd.f32 v6, v1  }
0x18c: {  	v3 =	vadd.f32 v3, v12;
	[tilespmem:s11+$0x1C9C0] =	vst v0  }
0x18d: {  	v5 =	vmax.f32 v14, $0.0e+00;
	v0 =	vmax.f32 v2, $0.0e+00;
	[tilespmem:s11+$0x1C9A0] =	vst v1  }
0x18e: {  	v3 =	vmax.f32 v3, $0.0e+00;
	v2 =	vmax.f32 v17, $0.0e+00;
	v0 =	vadd.f32 v5, v0;
	s13 =	rddreg [dreg:$0x13]  }
0x18f: {  	v2 =	vadd.f32 v3, v2;
	s13 =	sadd.s32 s0, s13  }
0x190: {  	[tilespmem:s11+$0x1C9D0] =	vst v0;
	s13 =	sshll.u32 s13, $0x4  }
0x191: {  	s15 =	simm.s32 $0x1C980;
	[tilespmem:s11+$0x1C980] =	vst v2;
	s13 =	sadd.s32 s1, s13  }
0x192: {  	[hbm4b:s13+s3] =	stream.linear.scatter [tilespmem:s15], [sflag:$0x10], $0x1400, $0x38;
	[tilespmem:$0x1F180] =	vst v63  }
0x193: {  	s11 =	sadd.s32 @!p1 $0x700, s19;
	_ =	swait.ge [sflag:s16], $0x80  }
0x194: {  	s15 =	simm.s32 $0x13B00;
	s13 =	sand.u32 @!p1 $0x1FC00, s11;
	[sflag:s16] =	ssyncset.done $0x0  }
0x195: {  	s11 =	sand.u32 @!p1 $0x300, s11;
	s13 =	sadd.s32 @!p1 s10, s13;
	[sflag:s16] =	ssyncadd.s32 $0xFFFFFF80  }
0x196: {  	[tilespmem:s9], [sflag:$0xC] =	stream.indirect.gather [spmem:s2], $0x80, s15, s23, $0xb8;
	[tilespmem:$0x1F180] =	vst v63  }
0x197: {  	s11 =	sor.u32 @!p1 s11, s13;
	_ =	swait.ge [sflag:s6], $0x2800  }
0x198: {  	s13 =	simm.s32 @!p1 $0x0;
	s11 =	sshrl.u32 @!p1 s11, $0x3;
	[sflag:s6] =	ssyncset.done $0x0  }
0x199: {  	s11 =	sadd.s32 @!p1 s4, s11;
	s15 =	simm.s32 @!p1 $0x13A80;
	[sflag:s6] =	ssyncadd.s32 $0xFFFFD800  }
0x19a: {  	[tilespmem:s15], [sflag:$0x5] =	stream.linear.gather @!p1 [hbm4b:s11+s13], $0x80, $0x38;
	[tilespmem:$0x1F180] =	vst v63  }
0x19b: {  	_ =	swait.ge @p2 [sflag:s30], $0x1400  }
0x19c: {  	[sflag:s30] =	ssyncset.done @p2 $0x0  }
0x19d: {  	s11 =	simm.s32 $0x0;
	[sflag:s30] =	ssyncadd.s32 @p2 $0xFFFFEC00  }
0x19e: {  	v0 =	vld [tilespmem:s11+$0x13DF0]  }
0x19f: {  	v2 =	vld [tilespmem:s11+$0x13DC0]  }
0x1a0: {  	v1 =	vld [tilespmem:s11+$0x151F0]  }
0x1a1: {  	v3 =	vld [tilespmem:s11+$0x13D90]  }
0x1a2: {  	v4 =	vld [tilespmem:s11+$0x151E0]  }
0x1a3: {  	v5 =	vld [tilespmem:s11+$0x13DE0]  }
0x1a4: {  	v8 =	vld [tilespmem:s11+$0x13DD0]  }
0x1a5: {  	v6 =	vld [tilespmem:s11+$0x151B0]  }
0x1a6: {  	v10 =	vld [tilespmem:s11+$0x15190]  }
0x1a7: {  	v12 =	vld [tilespmem:s11+$0x15180]  }
0x1a8: {  	v25 =	vld [tilespmem:s11+$0x151C0];
	v7 =	vshll.u32 v0, $0x10;
	v9 =	vand.u32 $0xFFFF0000, v1  }
0x1a9: {  	v26 =	vld [tilespmem:s11+$0x13D80];
	v0 =	vand.u32 $0xFFFF0000, v0;
	v1 =	vshll.u32 v1, $0x10;
	v11 =	vshll.u32 v4, $0x10  }
0x1aa: {  	v4 =	vand.u32 $0xFFFF0000, v4;
	v13 =	vshll.u32 v5, $0x10;
	v5 =	vand.u32 $0xFFFF0000, v5  }
0x1ab: {  	v18 =	vld [tilespmem:s11+$0x13DA0];
	v22 =	vand.u32 $0xFFFF0000, v2;
	v20 =	vshll.u32 v6, $0x10;
	v23 =	vand.u32 $0xFFFF0000, v6  }
0x1ac: {  	v16 =	vld [tilespmem:s11+$0x13DB0];
	v24 =	vshll.u32 v10, $0x10;
	v10 =	vand.u32 $0xFFFF0000, v10;
	v27 =	vand.u32 $0xFFFF0000, v3  }
0x1ad: {  	v14 =	vand.u32 $0xFFFF0000, v8;
	v17 =	vand.u32 $0xFFFF0000, v12;
	v7 =	vadd.f32 v9, v7;
	v9 =	vld [tilespmem:s11+$0x151A0]  }
0x1ae: {  	v28 =	vshll.u32 v25, $0x10;
	v19 =	vshll.u32 v26, $0x10;
	v0 =	vadd.f32 v1, v0  }
0x1af: {  	v1 =	vshll.u32 v2, $0x10;
	v15 =	vadd.f32 v4, v13;
	v11 =	vadd.f32 v11, v5;
	v2 =	vld [tilespmem:s11+$0x151D0]  }
0x1b0: {  	v4 =	vshll.u32 v8, $0x10;
	v13 =	vand.u32 $0xFFFF0000, v18;
	v22 =	vadd.f32 v28, v22  }
0x1b1: {  	v6 =	vmax.f32 v7, $0.0e+00;
	v8 =	vmax.f32 v11, $0.0e+00;
	v11 =	vshll.u32 v16, $0x10  }
0x1b2: {  	v15 =	vmax.f32 v15, $0.0e+00;
	v11 =	vadd.f32 v23, v11;
	v7 =	vshll.u32 v9, $0x10  }
0x1b3: {  	v5 =	vand.u32 $0xFFFF0000, v9;
	v9 =	vshll.u32 v3, $0x10;
	v3 =	vshll.u32 v12, $0x10  }
0x1b4: {  	v12 =	vand.u32 $0xFFFF0000, v16;
	v21 =	vshll.u32 v2, $0x10;
	v9 =	vadd.f32 v10, v9  }
0x1b5: {  	v16 =	vadd.f32 v24, v27;
	v10 =	vshll.u32 v18, $0x10;
	v20 =	vadd.f32 v20, v12  }
0x1b6: {  	s13 =	simm.s32 $0x200;
	v18 =	vand.u32 $0xFFFF0000, v25;
	v12 =	vand.u32 $0xFFFF0000, v26;
	v9 =	vmax.f32 v9, $0.0e+00  }
.LBB2_14:
0x1b7: {  	s15 =	sshra.s32 s13, $0x2;
	p2 =	sne.s32 s13, $0x4E00;
	s13 =	sadd.s32 $0x200, s13;
	v17 =	vadd.f32 v17, v19;
	v14 =	vadd.f32 v21, v14;
	v0 =	vmax.f32 v0, $0.0e+00  }
0x1b8: {  	v20 =	vmax.f32 v20, $0.0e+00;
	v19 =	vld [tilespmem:s15+$0x13DF0];
	v21 =	vmax.f32 v22, $0.0e+00;
	v0 =	vadd.f32 v0, v6  }
0x1b9: {  	v7 =	vadd.f32 v7, v13;
	v1 =	vadd.f32 v18, v1;
	v6 =	vld [tilespmem:s15+$0x13DC0];
	v17 =	vmax.f32 v17, $0.0e+00  }
0x1ba: {  	v2 =	vand.u32 $0xFFFF0000, v2;
	v8 =	vadd.f32 v8, v15;
	v14 =	vmax.f32 v14, $0.0e+00;
	v13 =	vld [tilespmem:s15+$0x151F0];
	[tilespmem:s11+$0x1DDF0] =	vst v0  }
0x1bb: {  	v5 =	vadd.f32 v5, v10;
	v1 =	vmax.f32 v1, $0.0e+00;
	v0 =	vmax.f32 v16, $0.0e+00;
	v15 =	vld [tilespmem:s15+$0x13D90]  }
0x1bc: {  	v2 =	vadd.f32 v2, v4;
	v7 =	vmax.f32 v7, $0.0e+00;
	v0 =	vadd.f32 v0, v9;
	v10 =	vld [tilespmem:s15+$0x151E0]  }
0x1bd: {  	v3 =	vadd.f32 v3, v12;
	v4 =	vld [tilespmem:s15+$0x13DE0];
	v9 =	vshll.u32 v19, $0x10;
	v16 =	vand.u32 $0xFFFF0000, v19;
	[tilespmem:s11+$0x1DDE0] =	vst v8  }
0x1be: {  	v11 =	vmax.f32 v11, $0.0e+00;
	v5 =	vmax.f32 v5, $0.0e+00;
	v1 =	vadd.f32 v21, v1;
	v8 =	vld [tilespmem:s15+$0x13DD0];
	[tilespmem:s11+$0x1DD90] =	vst v0  }
0x1bf: {  	v3 =	vmax.f32 v3, $0.0e+00;
	v12 =	vld [tilespmem:s15+$0x151B0];
	v0 =	vshll.u32 v13, $0x10;
	v13 =	vand.u32 $0xFFFF0000, v13  }
0x1c0: {  	v2 =	vmax.f32 v2, $0.0e+00;
	v18 =	vld [tilespmem:s15+$0x15190];
	v9 =	vadd.f32 v13, v9;
	v0 =	vadd.f32 v0, v16;
	[tilespmem:s11+$0x1DDC0] =	vst v1  }
0x1c1: {  	v11 =	vadd.f32 v20, v11;
	v13 =	vld [tilespmem:s15+$0x151A0];
	v16 =	vshll.u32 v10, $0x10;
	v10 =	vand.u32 $0xFFFF0000, v10  }
0x1c2: {  	v5 =	vadd.f32 v7, v5;
	v19 =	vld [tilespmem:s15+$0x15180];
	v20 =	vshll.u32 v4, $0x10;
	v4 =	vand.u32 $0xFFFF0000, v4  }
0x1c3: {  	v7 =	vadd.f32 v14, v2;
	v1 =	vshll.u32 v6, $0x10;
	v21 =	vld [tilespmem:s15+$0x13DB0];
	v20 =	vadd.f32 v10, v20;
	[tilespmem:s11+$0x1DDB0] =	vst v11  }
0x1c4: {  	v3 =	vadd.f32 v3, v17;
	v22 =	vand.u32 $0xFFFF0000, v6;
	v11 =	vadd.f32 v16, v4;
	v10 =	vld [tilespmem:s15+$0x13DA0];
	[tilespmem:s11+$0x1DDA0] =	vst v5  }
0x1c5: {  	v6 =	vmax.f32 v9, $0.0e+00;
	v23 =	vshll.u32 v12, $0x10;
	v24 =	vand.u32 $0xFFFF0000, v12;
	v2 =	vld [tilespmem:s15+$0x151D0];
	[tilespmem:s11+$0x1DDD0] =	vst v7  }
0x1c6: {  	v12 =	vshll.u32 v18, $0x10;
	v9 =	vand.u32 $0xFFFF0000, v18;
	v7 =	vshll.u32 v13, $0x10;
	v18 =	vld [tilespmem:s15+$0x151C0];
	[tilespmem:s11+$0x1DD80] =	vst v3;
	s11 =	smov.u32 s15  }
0x1c7: {  	v16 =	vand.u32 $0xFFFF0000, v15;
	v14 =	vand.u32 $0xFFFF0000, v8;
	v5 =	vand.u32 $0xFFFF0000, v13;
	v25 =	vld [tilespmem:s11+$0x13D80]  }
0x1c8: {  	v4 =	vshll.u32 v8, $0x10;
	v8 =	vmax.f32 v11, $0.0e+00;
	v13 =	vshll.u32 v15, $0x10  }
0x1c9: {  	v3 =	vshll.u32 v19, $0x10;
	v9 =	vadd.f32 v9, v13;
	v13 =	vand.u32 $0xFFFF0000, v10  }
.Ltmp8:
0x1ca: {  	v17 =	vand.u32 $0xFFFF0000, v19;
	v11 =	vshll.u32 v21, $0x10;
	v10 =	vshll.u32 v10, $0x10;
	(pc) =	sbr.rel @p2 .LBB2_14-.Ltmp8, $4  }
0x1cb: {  	v15 =	vmax.f32 v20, $0.0e+00;
	v9 =	vmax.f32 v9, $0.0e+00;
	v26 =	vshll.u32 v18, $0x10  }
0x1cc: {  	v20 =	vand.u32 $0xFFFF0000, v21;
	v21 =	vshll.u32 v2, $0x10;
	v19 =	vshll.u32 v25, $0x10  }
0x1cd: {  	v16 =	vadd.f32 v12, v16;
	v20 =	vadd.f32 v23, v20;
	v18 =	vand.u32 $0xFFFF0000, v18  }
0x1ce: {  	v11 =	vadd.f32 v24, v11;
	v12 =	vand.u32 $0xFFFF0000, v25;
	v22 =	vadd.f32 v26, v22  }
0x1cf: {  	v17 =	vadd.f32 v17, v19;
	v0 =	vmax.f32 v0, $0.0e+00  }
0x1d0: {  	v19 =	vmax.f32 v20, $0.0e+00;
	v1 =	vadd.f32 v18, v1;
	v5 =	vadd.f32 v5, v10  }
0x1d1: {  	v2 =	vand.u32 $0xFFFF0000, v2;
	v0 =	vadd.f32 v0, v6;
	v6 =	vadd.f32 v7, v13  }
0x1d2: {  	v7 =	vadd.f32 v8, v15;
	v8 =	vmax.f32 v16, $0.0e+00;
	v2 =	vadd.f32 v2, v4  }
0x1d3: {  	v4 =	vmax.f32 v11, $0.0e+00;
	[tilespmem:s11+$0x1DDF0] =	vst v0;
	v0 =	vmax.f32 v1, $0.0e+00;
	v1 =	vadd.f32 v8, v9  }
0x1d4: {  	v20 =	vmax.f32 v22, $0.0e+00;
	v4 =	vadd.f32 v19, v4;
	[tilespmem:s11+$0x1DDE0] =	vst v7  }
0x1d5: {  	v6 =	vmax.f32 v6, $0.0e+00;
	v0 =	vadd.f32 v20, v0;
	[tilespmem:s11+$0x1DD90] =	vst v1;
	v1 =	vmax.f32 v5, $0.0e+00  }
0x1d6: {  	v14 =	vadd.f32 v21, v14;
	[tilespmem:s11+$0x1DDB0] =	vst v4;
	v1 =	vadd.f32 v6, v1  }
0x1d7: {  	v3 =	vadd.f32 v3, v12;
	[tilespmem:s11+$0x1DDC0] =	vst v0  }
0x1d8: {  	v5 =	vmax.f32 v14, $0.0e+00;
	v0 =	vmax.f32 v2, $0.0e+00;
	[tilespmem:s11+$0x1DDA0] =	vst v1  }
0x1d9: {  	v3 =	vmax.f32 v3, $0.0e+00;
	v2 =	vmax.f32 v17, $0.0e+00;
	v0 =	vadd.f32 v5, v0;
	s13 =	rddreg [dreg:$0x17]  }
0x1da: {  	v2 =	vadd.f32 v3, v2;
	s13 =	sadd.s32 s0, s13  }
0x1db: {  	[tilespmem:s11+$0x1DDD0] =	vst v0;
	s13 =	sshll.u32 s13, $0x4  }
0x1dc: {  	s15 =	simm.s32 $0x1DD80;
	[tilespmem:s11+$0x1DD80] =	vst v2;
	s13 =	sadd.s32 s1, s13  }
0x1dd: {  	[hbm4b:s13+s3] =	stream.linear.scatter [tilespmem:s15], [sflag:$0x11], $0x1400, $0x38;
	[tilespmem:$0x1F180] =	vst v63  }
0x1de: {  	s11 =	sadd.s32 @!p1 $0x780, s19;
	_ =	swait.ge [sflag:s18], $0x80  }
0x1df: {  	s15 =	simm.s32 $0x13B80;
	s13 =	sand.u32 @!p1 $0x1FC00, s11;
	[sflag:s18] =	ssyncset.done $0x0  }
0x1e0: {  	s11 =	sand.u32 @!p1 $0x380, s11;
	s13 =	sadd.s32 @!p1 s10, s13;
	[sflag:s18] =	ssyncadd.s32 $0xFFFFFF80  }
0x1e1: {  	[tilespmem:s24], [sflag:$0xB] =	stream.indirect.gather [spmem:s2], $0x80, s15, s23, $0xb8;
	[tilespmem:$0x1F180] =	vst v63  }
0x1e2: {  	s11 =	sor.u32 @!p1 s11, s13;
	_ =	swait.ge [sflag:s8], $0x2800  }
0x1e3: {  	s13 =	simm.s32 @!p1 $0x0;
	s11 =	sshrl.u32 @!p1 s11, $0x3;
	[sflag:s8] =	ssyncset.done $0x0  }
0x1e4: {  	s11 =	sadd.s32 @!p1 s4, s11;
	s15 =	simm.s32 @!p1 $0x13B00;
	[sflag:s8] =	ssyncadd.s32 $0xFFFFD800  }
0x1e5: {  	[tilespmem:s15], [sflag:$0x6] =	stream.linear.gather @!p1 [hbm4b:s11+s13], $0x80, $0x38;
	[tilespmem:$0x1F180] =	vst v63  }
0x1e6: {  	_ =	swait.ge [sflag:s20], $0x1400  }
0x1e7: {  	[sflag:s20] =	ssyncset.done $0x0  }
0x1e8: {  	s11 =	simm.s32 $0x0;
	[sflag:s20] =	ssyncadd.s32 $0xFFFFEC00  }
0x1e9: {  	v0 =	vld [tilespmem:s11+$0x165F0]  }
0x1ea: {  	v2 =	vld [tilespmem:s11+$0x165C0]  }
0x1eb: {  	v1 =	vld [tilespmem:s11+$0x179F0]  }
0x1ec: {  	v3 =	vld [tilespmem:s11+$0x16590]  }
0x1ed: {  	v4 =	vld [tilespmem:s11+$0x179E0]  }
0x1ee: {  	v5 =	vld [tilespmem:s11+$0x165E0]  }
0x1ef: {  	v8 =	vld [tilespmem:s11+$0x165D0]  }
0x1f0: {  	v6 =	vld [tilespmem:s11+$0x179B0]  }
0x1f1: {  	v10 =	vld [tilespmem:s11+$0x17990]  }
0x1f2: {  	v12 =	vld [tilespmem:s11+$0x17980]  }
0x1f3: {  	v25 =	vld [tilespmem:s11+$0x179C0];
	v7 =	vshll.u32 v0, $0x10;
	v9 =	vand.u32 $0xFFFF0000, v1  }
0x1f4: {  	v26 =	vld [tilespmem:s11+$0x16580];
	v0 =	vand.u32 $0xFFFF0000, v0;
	v1 =	vshll.u32 v1, $0x10;
	v11 =	vshll.u32 v4, $0x10  }
0x1f5: {  	v4 =	vand.u32 $0xFFFF0000, v4;
	v13 =	vshll.u32 v5, $0x10;
	v5 =	vand.u32 $0xFFFF0000, v5  }
0x1f6: {  	v18 =	vld [tilespmem:s11+$0x165A0];
	v22 =	vand.u32 $0xFFFF0000, v2;
	v20 =	vshll.u32 v6, $0x10;
	v23 =	vand.u32 $0xFFFF0000, v6  }
0x1f7: {  	v16 =	vld [tilespmem:s11+$0x165B0];
	v24 =	vshll.u32 v10, $0x10;
	v10 =	vand.u32 $0xFFFF0000, v10;
	v27 =	vand.u32 $0xFFFF0000, v3  }
0x1f8: {  	v14 =	vand.u32 $0xFFFF0000, v8;
	v17 =	vand.u32 $0xFFFF0000, v12;
	v7 =	vadd.f32 v9, v7;
	v9 =	vld [tilespmem:s11+$0x179A0]  }
0x1f9: {  	v28 =	vshll.u32 v25, $0x10;
	v19 =	vshll.u32 v26, $0x10;
	v0 =	vadd.f32 v1, v0  }
0x1fa: {  	v1 =	vshll.u32 v2, $0x10;
	v15 =	vadd.f32 v4, v13;
	v11 =	vadd.f32 v11, v5;
	v2 =	vld [tilespmem:s11+$0x179D0]  }
0x1fb: {  	v4 =	vshll.u32 v8, $0x10;
	v13 =	vand.u32 $0xFFFF0000, v18;
	v22 =	vadd.f32 v28, v22  }
0x1fc: {  	v6 =	vmax.f32 v7, $0.0e+00;
	v8 =	vmax.f32 v11, $0.0e+00;
	v11 =	vshll.u32 v16, $0x10  }
0x1fd: {  	v15 =	vmax.f32 v15, $0.0e+00;
	v11 =	vadd.f32 v23, v11;
	v7 =	vshll.u32 v9, $0x10  }
0x1fe: {  	v5 =	vand.u32 $0xFFFF0000, v9;
	v9 =	vshll.u32 v3, $0x10;
	v3 =	vshll.u32 v12, $0x10  }
0x1ff: {  	v12 =	vand.u32 $0xFFFF0000, v16;
	v21 =	vshll.u32 v2, $0x10;
	v9 =	vadd.f32 v10, v9  }
0x200: {  	v16 =	vadd.f32 v24, v27;
	v10 =	vshll.u32 v18, $0x10;
	v20 =	vadd.f32 v20, v12  }
0x201: {  	s13 =	simm.s32 $0x200;
	v18 =	vand.u32 $0xFFFF0000, v25;
	v12 =	vand.u32 $0xFFFF0000, v26;
	v9 =	vmax.f32 v9, $0.0e+00  }
.LBB2_16:
0x202: {  	s15 =	sshra.s32 s13, $0x2;
	p2 =	sne.s32 s13, $0x4E00;
	s13 =	sadd.s32 $0x200, s13;
	v17 =	vadd.f32 v17, v19;
	v14 =	vadd.f32 v21, v14;
	v0 =	vmax.f32 v0, $0.0e+00  }
0x203: {  	v20 =	vmax.f32 v20, $0.0e+00;
	v19 =	vld [tilespmem:s15+$0x165F0];
	v21 =	vmax.f32 v22, $0.0e+00;
	v0 =	vadd.f32 v0, v6  }
0x204: {  	v7 =	vadd.f32 v7, v13;
	v1 =	vadd.f32 v18, v1;
	v6 =	vld [tilespmem:s15+$0x165C0];
	v17 =	vmax.f32 v17, $0.0e+00  }
0x205: {  	v2 =	vand.u32 $0xFFFF0000, v2;
	v8 =	vadd.f32 v8, v15;
	v14 =	vmax.f32 v14, $0.0e+00;
	v13 =	vld [tilespmem:s15+$0x179F0];
	[tilespmem:s11+$0x18DF0] =	vst v0  }
0x206: {  	v5 =	vadd.f32 v5, v10;
	v1 =	vmax.f32 v1, $0.0e+00;
	v0 =	vmax.f32 v16, $0.0e+00;
	v15 =	vld [tilespmem:s15+$0x16590]  }
0x207: {  	v2 =	vadd.f32 v2, v4;
	v7 =	vmax.f32 v7, $0.0e+00;
	v0 =	vadd.f32 v0, v9;
	v10 =	vld [tilespmem:s15+$0x179E0]  }
0x208: {  	v3 =	vadd.f32 v3, v12;
	v4 =	vld [tilespmem:s15+$0x165E0];
	v9 =	vshll.u32 v19, $0x10;
	v16 =	vand.u32 $0xFFFF0000, v19;
	[tilespmem:s11+$0x18DE0] =	vst v8  }
0x209: {  	v11 =	vmax.f32 v11, $0.0e+00;
	v5 =	vmax.f32 v5, $0.0e+00;
	v1 =	vadd.f32 v21, v1;
	v8 =	vld [tilespmem:s15+$0x165D0];
	[tilespmem:s11+$0x18D90] =	vst v0  }
0x20a: {  	v3 =	vmax.f32 v3, $0.0e+00;
	v12 =	vld [tilespmem:s15+$0x179B0];
	v0 =	vshll.u32 v13, $0x10;
	v13 =	vand.u32 $0xFFFF0000, v13  }
0x20b: {  	v2 =	vmax.f32 v2, $0.0e+00;
	v18 =	vld [tilespmem:s15+$0x17990];
	v9 =	vadd.f32 v13, v9;
	v0 =	vadd.f32 v0, v16;
	[tilespmem:s11+$0x18DC0] =	vst v1  }
0x20c: {  	v11 =	vadd.f32 v20, v11;
	v13 =	vld [tilespmem:s15+$0x179A0];
	v16 =	vshll.u32 v10, $0x10;
	v10 =	vand.u32 $0xFFFF0000, v10  }
0x20d: {  	v5 =	vadd.f32 v7, v5;
	v19 =	vld [tilespmem:s15+$0x17980];
	v20 =	vshll.u32 v4, $0x10;
	v4 =	vand.u32 $0xFFFF0000, v4  }
0x20e: {  	v7 =	vadd.f32 v14, v2;
	v1 =	vshll.u32 v6, $0x10;
	v21 =	vld [tilespmem:s15+$0x165B0];
	v20 =	vadd.f32 v10, v20;
	[tilespmem:s11+$0x18DB0] =	vst v11  }
0x20f: {  	v3 =	vadd.f32 v3, v17;
	v22 =	vand.u32 $0xFFFF0000, v6;
	v11 =	vadd.f32 v16, v4;
	v10 =	vld [tilespmem:s15+$0x165A0];
	[tilespmem:s11+$0x18DA0] =	vst v5  }
0x210: {  	v6 =	vmax.f32 v9, $0.0e+00;
	v23 =	vshll.u32 v12, $0x10;
	v24 =	vand.u32 $0xFFFF0000, v12;
	v2 =	vld [tilespmem:s15+$0x179D0];
	[tilespmem:s11+$0x18DD0] =	vst v7  }
0x211: {  	v12 =	vshll.u32 v18, $0x10;
	v9 =	vand.u32 $0xFFFF0000, v18;
	v7 =	vshll.u32 v13, $0x10;
	v18 =	vld [tilespmem:s15+$0x179C0];
	[tilespmem:s11+$0x18D80] =	vst v3;
	s11 =	smov.u32 s15  }
0x212: {  	v16 =	vand.u32 $0xFFFF0000, v15;
	v14 =	vand.u32 $0xFFFF0000, v8;
	v5 =	vand.u32 $0xFFFF0000, v13;
	v25 =	vld [tilespmem:s11+$0x16580]  }
0x213: {  	v4 =	vshll.u32 v8, $0x10;
	v8 =	vmax.f32 v11, $0.0e+00;
	v13 =	vshll.u32 v15, $0x10  }
0x214: {  	v3 =	vshll.u32 v19, $0x10;
	v9 =	vadd.f32 v9, v13;
	v13 =	vand.u32 $0xFFFF0000, v10  }
.Ltmp9:
0x215: {  	v17 =	vand.u32 $0xFFFF0000, v19;
	v11 =	vshll.u32 v21, $0x10;
	v10 =	vshll.u32 v10, $0x10;
	(pc) =	sbr.rel @p2 .LBB2_16-.Ltmp9, $4  }
0x216: {  	v15 =	vmax.f32 v20, $0.0e+00;
	v9 =	vmax.f32 v9, $0.0e+00;
	v26 =	vshll.u32 v18, $0x10  }
0x217: {  	v20 =	vand.u32 $0xFFFF0000, v21;
	v21 =	vshll.u32 v2, $0x10;
	v19 =	vshll.u32 v25, $0x10  }
0x218: {  	v16 =	vadd.f32 v12, v16;
	v20 =	vadd.f32 v23, v20;
	v18 =	vand.u32 $0xFFFF0000, v18  }
0x219: {  	v11 =	vadd.f32 v24, v11;
	v12 =	vand.u32 $0xFFFF0000, v25;
	v22 =	vadd.f32 v26, v22  }
0x21a: {  	v17 =	vadd.f32 v17, v19;
	v0 =	vmax.f32 v0, $0.0e+00  }
0x21b: {  	v19 =	vmax.f32 v20, $0.0e+00;
	v1 =	vadd.f32 v18, v1;
	v5 =	vadd.f32 v5, v10  }
0x21c: {  	v2 =	vand.u32 $0xFFFF0000, v2;
	v0 =	vadd.f32 v0, v6;
	v6 =	vadd.f32 v7, v13  }
0x21d: {  	v7 =	vadd.f32 v8, v15;
	v8 =	vmax.f32 v16, $0.0e+00;
	v2 =	vadd.f32 v2, v4  }
0x21e: {  	v4 =	vmax.f32 v11, $0.0e+00;
	[tilespmem:s11+$0x18DF0] =	vst v0;
	v0 =	vmax.f32 v1, $0.0e+00;
	v1 =	vadd.f32 v8, v9  }
0x21f: {  	v20 =	vmax.f32 v22, $0.0e+00;
	v4 =	vadd.f32 v19, v4;
	[tilespmem:s11+$0x18DE0] =	vst v7  }
0x220: {  	v6 =	vmax.f32 v6, $0.0e+00;
	v0 =	vadd.f32 v20, v0;
	[tilespmem:s11+$0x18D90] =	vst v1;
	v1 =	vmax.f32 v5, $0.0e+00  }
0x221: {  	v14 =	vadd.f32 v21, v14;
	[tilespmem:s11+$0x18DB0] =	vst v4;
	v1 =	vadd.f32 v6, v1  }
0x222: {  	v3 =	vadd.f32 v3, v12;
	[tilespmem:s11+$0x18DC0] =	vst v0  }
0x223: {  	v5 =	vmax.f32 v14, $0.0e+00;
	v0 =	vmax.f32 v2, $0.0e+00;
	[tilespmem:s11+$0x18DA0] =	vst v1  }
0x224: {  	v3 =	vmax.f32 v3, $0.0e+00;
	v2 =	vmax.f32 v17, $0.0e+00;
	v0 =	vadd.f32 v5, v0;
	s13 =	rddreg [dreg:$0x18]  }
0x225: {  	v2 =	vadd.f32 v3, v2;
	s13 =	sadd.s32 s0, s13  }
0x226: {  	[tilespmem:s11+$0x18DD0] =	vst v0;
	s13 =	sshll.u32 s13, $0x4  }
0x227: {  	s15 =	simm.s32 $0x18D80;
	[tilespmem:s11+$0x18D80] =	vst v2;
	s11 =	sadd.s32 @!p1 $0x800, s19;
	s13 =	sadd.s32 s1, s13  }
0x228: {  	[hbm4b:s13+s3] =	stream.linear.scatter [tilespmem:s15], [sflag:$0xD], $0x1400, $0x38;
	[tilespmem:$0x1F180] =	vst v63  }
0x229: {  	s11 =	sand.u32 @!p1 $0x1FC00, s11;
	_ =	swait.ge [sflag:s21], $0x80  }
0x22a: {  	s11 =	sadd.s32 @!p1 s10, s11;
	s13 =	sshll.u32 @!p1 s31, $0x8;
	[sflag:s21] =	ssyncset.done $0x0  }
0x22b: {  	s15 =	simm.s32 $0x13C00;
	s13 =	sand.u32 @!p1 $0x300, s13;
	[sflag:s21] =	ssyncadd.s32 $0xFFFFFF80  }
0x22c: {  	[tilespmem:s9], [sflag:$0xC] =	stream.indirect.gather [spmem:s2], $0x80, s15, s23, $0xb8;
	[tilespmem:$0x1F180] =	vst v63  }
0x22d: {  	s11 =	sor.u32 @!p1 s13, s11;
	_ =	swait.ge [sflag:s6], $0x2800  }
0x22e: {  	s13 =	simm.s32 @!p1 $0x0;
	s11 =	sshrl.u32 @!p1 s11, $0x3;
	[sflag:s6] =	ssyncset.done $0x0  }
0x22f: {  	s11 =	sadd.s32 @!p1 s4, s11;
	s15 =	simm.s32 @!p1 $0x13B80;
	[sflag:s6] =	ssyncadd.s32 $0xFFFFD800  }
0x230: {  	[tilespmem:s15], [sflag:$0x7] =	stream.linear.gather @!p1 [hbm4b:s11+s13], $0x80, $0x38;
	[tilespmem:$0x1F180] =	vst v63  }
0x231: {  	_ =	swait.ge [sflag:s22], $0x1400  }
0x232: {  	[sflag:s22] =	ssyncset.done $0x0  }
0x233: {  	s11 =	simm.s32 $0x0;
	[sflag:s22] =	ssyncadd.s32 $0xFFFFEC00  }
0x234: {  	v0 =	vld [tilespmem:s11+$0x13DF0]  }
0x235: {  	v2 =	vld [tilespmem:s11+$0x13DC0]  }
0x236: {  	v1 =	vld [tilespmem:s11+$0x151F0]  }
0x237: {  	v3 =	vld [tilespmem:s11+$0x13D90]  }
0x238: {  	v4 =	vld [tilespmem:s11+$0x151E0]  }
0x239: {  	v5 =	vld [tilespmem:s11+$0x13DE0]  }
0x23a: {  	v8 =	vld [tilespmem:s11+$0x13DD0]  }
0x23b: {  	v6 =	vld [tilespmem:s11+$0x151B0]  }
0x23c: {  	v10 =	vld [tilespmem:s11+$0x15190]  }
0x23d: {  	v12 =	vld [tilespmem:s11+$0x15180]  }
0x23e: {  	v25 =	vld [tilespmem:s11+$0x151C0];
	v7 =	vshll.u32 v0, $0x10;
	v9 =	vand.u32 $0xFFFF0000, v1  }
0x23f: {  	v26 =	vld [tilespmem:s11+$0x13D80];
	v0 =	vand.u32 $0xFFFF0000, v0;
	v1 =	vshll.u32 v1, $0x10;
	v11 =	vshll.u32 v4, $0x10  }
0x240: {  	v4 =	vand.u32 $0xFFFF0000, v4;
	v13 =	vshll.u32 v5, $0x10;
	v5 =	vand.u32 $0xFFFF0000, v5  }
0x241: {  	v18 =	vld [tilespmem:s11+$0x13DA0];
	v22 =	vand.u32 $0xFFFF0000, v2;
	v20 =	vshll.u32 v6, $0x10;
	v23 =	vand.u32 $0xFFFF0000, v6  }
0x242: {  	v16 =	vld [tilespmem:s11+$0x13DB0];
	v24 =	vshll.u32 v10, $0x10;
	v10 =	vand.u32 $0xFFFF0000, v10;
	v27 =	vand.u32 $0xFFFF0000, v3  }
0x243: {  	v14 =	vand.u32 $0xFFFF0000, v8;
	v17 =	vand.u32 $0xFFFF0000, v12;
	v7 =	vadd.f32 v9, v7;
	v9 =	vld [tilespmem:s11+$0x151A0]  }
0x244: {  	v28 =	vshll.u32 v25, $0x10;
	v19 =	vshll.u32 v26, $0x10;
	v0 =	vadd.f32 v1, v0  }
0x245: {  	v1 =	vshll.u32 v2, $0x10;
	v15 =	vadd.f32 v4, v13;
	v11 =	vadd.f32 v11, v5;
	v2 =	vld [tilespmem:s11+$0x151D0]  }
0x246: {  	v4 =	vshll.u32 v8, $0x10;
	v13 =	vand.u32 $0xFFFF0000, v18;
	v22 =	vadd.f32 v28, v22  }
0x247: {  	v6 =	vmax.f32 v7, $0.0e+00;
	v8 =	vmax.f32 v11, $0.0e+00;
	v11 =	vshll.u32 v16, $0x10  }
0x248: {  	v15 =	vmax.f32 v15, $0.0e+00;
	v11 =	vadd.f32 v23, v11;
	v7 =	vshll.u32 v9, $0x10  }
0x249: {  	v5 =	vand.u32 $0xFFFF0000, v9;
	v9 =	vshll.u32 v3, $0x10;
	v3 =	vshll.u32 v12, $0x10  }
0x24a: {  	v12 =	vand.u32 $0xFFFF0000, v16;
	v21 =	vshll.u32 v2, $0x10;
	v9 =	vadd.f32 v10, v9  }
0x24b: {  	v16 =	vadd.f32 v24, v27;
	v10 =	vshll.u32 v18, $0x10;
	v20 =	vadd.f32 v20, v12  }
0x24c: {  	s13 =	simm.s32 $0x200;
	v18 =	vand.u32 $0xFFFF0000, v25;
	v12 =	vand.u32 $0xFFFF0000, v26;
	v9 =	vmax.f32 v9, $0.0e+00  }
.LBB2_18:
0x24d: {  	s15 =	sshra.s32 s13, $0x2;
	p2 =	sne.s32 s13, $0x4E00;
	s13 =	sadd.s32 $0x200, s13;
	v17 =	vadd.f32 v17, v19;
	v14 =	vadd.f32 v21, v14;
	v0 =	vmax.f32 v0, $0.0e+00  }
0x24e: {  	v20 =	vmax.f32 v20, $0.0e+00;
	v19 =	vld [tilespmem:s15+$0x13DF0];
	v21 =	vmax.f32 v22, $0.0e+00;
	v0 =	vadd.f32 v0, v6  }
0x24f: {  	v7 =	vadd.f32 v7, v13;
	v1 =	vadd.f32 v18, v1;
	v6 =	vld [tilespmem:s15+$0x13DC0];
	v17 =	vmax.f32 v17, $0.0e+00  }
0x250: {  	v2 =	vand.u32 $0xFFFF0000, v2;
	v8 =	vadd.f32 v8, v15;
	v14 =	vmax.f32 v14, $0.0e+00;
	v13 =	vld [tilespmem:s15+$0x151F0];
	[tilespmem:s11+$0x1A1F0] =	vst v0  }
0x251: {  	v5 =	vadd.f32 v5, v10;
	v1 =	vmax.f32 v1, $0.0e+00;
	v0 =	vmax.f32 v16, $0.0e+00;
	v15 =	vld [tilespmem:s15+$0x13D90]  }
0x252: {  	v2 =	vadd.f32 v2, v4;
	v7 =	vmax.f32 v7, $0.0e+00;
	v0 =	vadd.f32 v0, v9;
	v10 =	vld [tilespmem:s15+$0x151E0]  }
0x253: {  	v3 =	vadd.f32 v3, v12;
	v4 =	vld [tilespmem:s15+$0x13DE0];
	v9 =	vshll.u32 v19, $0x10;
	v16 =	vand.u32 $0xFFFF0000, v19;
	[tilespmem:s11+$0x1A1E0] =	vst v8  }
0x254: {  	v11 =	vmax.f32 v11, $0.0e+00;
	v5 =	vmax.f32 v5, $0.0e+00;
	v1 =	vadd.f32 v21, v1;
	v8 =	vld [tilespmem:s15+$0x13DD0];
	[tilespmem:s11+$0x1A190] =	vst v0  }
0x255: {  	v3 =	vmax.f32 v3, $0.0e+00;
	v12 =	vld [tilespmem:s15+$0x151B0];
	v0 =	vshll.u32 v13, $0x10;
	v13 =	vand.u32 $0xFFFF0000, v13  }
0x256: {  	v2 =	vmax.f32 v2, $0.0e+00;
	v18 =	vld [tilespmem:s15+$0x15190];
	v9 =	vadd.f32 v13, v9;
	v0 =	vadd.f32 v0, v16;
	[tilespmem:s11+$0x1A1C0] =	vst v1  }
0x257: {  	v11 =	vadd.f32 v20, v11;
	v13 =	vld [tilespmem:s15+$0x151A0];
	v16 =	vshll.u32 v10, $0x10;
	v10 =	vand.u32 $0xFFFF0000, v10  }
0x258: {  	v5 =	vadd.f32 v7, v5;
	v19 =	vld [tilespmem:s15+$0x15180];
	v20 =	vshll.u32 v4, $0x10;
	v4 =	vand.u32 $0xFFFF0000, v4  }
0x259: {  	v7 =	vadd.f32 v14, v2;
	v1 =	vshll.u32 v6, $0x10;
	v21 =	vld [tilespmem:s15+$0x13DB0];
	v20 =	vadd.f32 v10, v20;
	[tilespmem:s11+$0x1A1B0] =	vst v11  }
0x25a: {  	v3 =	vadd.f32 v3, v17;
	v22 =	vand.u32 $0xFFFF0000, v6;
	v11 =	vadd.f32 v16, v4;
	v10 =	vld [tilespmem:s15+$0x13DA0];
	[tilespmem:s11+$0x1A1A0] =	vst v5  }
0x25b: {  	v6 =	vmax.f32 v9, $0.0e+00;
	v23 =	vshll.u32 v12, $0x10;
	v24 =	vand.u32 $0xFFFF0000, v12;
	v2 =	vld [tilespmem:s15+$0x151D0];
	[tilespmem:s11+$0x1A1D0] =	vst v7  }
0x25c: {  	v12 =	vshll.u32 v18, $0x10;
	v9 =	vand.u32 $0xFFFF0000, v18;
	v7 =	vshll.u32 v13, $0x10;
	v18 =	vld [tilespmem:s15+$0x151C0];
	[tilespmem:s11+$0x1A180] =	vst v3;
	s11 =	smov.u32 s15  }
0x25d: {  	v16 =	vand.u32 $0xFFFF0000, v15;
	v14 =	vand.u32 $0xFFFF0000, v8;
	v5 =	vand.u32 $0xFFFF0000, v13;
	v25 =	vld [tilespmem:s11+$0x13D80]  }
0x25e: {  	v4 =	vshll.u32 v8, $0x10;
	v8 =	vmax.f32 v11, $0.0e+00;
	v13 =	vshll.u32 v15, $0x10  }
0x25f: {  	v3 =	vshll.u32 v19, $0x10;
	v9 =	vadd.f32 v9, v13;
	v13 =	vand.u32 $0xFFFF0000, v10  }
.Ltmp10:
0x260: {  	v17 =	vand.u32 $0xFFFF0000, v19;
	v11 =	vshll.u32 v21, $0x10;
	v10 =	vshll.u32 v10, $0x10;
	(pc) =	sbr.rel @p2 .LBB2_18-.Ltmp10, $4  }
0x261: {  	v15 =	vmax.f32 v20, $0.0e+00;
	v9 =	vmax.f32 v9, $0.0e+00;
	v26 =	vshll.u32 v18, $0x10  }
0x262: {  	v20 =	vand.u32 $0xFFFF0000, v21;
	v21 =	vshll.u32 v2, $0x10;
	v19 =	vshll.u32 v25, $0x10  }
0x263: {  	v16 =	vadd.f32 v12, v16;
	v20 =	vadd.f32 v23, v20;
	v18 =	vand.u32 $0xFFFF0000, v18  }
0x264: {  	v11 =	vadd.f32 v24, v11;
	v12 =	vand.u32 $0xFFFF0000, v25;
	v22 =	vadd.f32 v26, v22  }
0x265: {  	v17 =	vadd.f32 v17, v19;
	v0 =	vmax.f32 v0, $0.0e+00  }
0x266: {  	v19 =	vmax.f32 v20, $0.0e+00;
	v1 =	vadd.f32 v18, v1;
	v5 =	vadd.f32 v5, v10  }
0x267: {  	v2 =	vand.u32 $0xFFFF0000, v2;
	v0 =	vadd.f32 v0, v6;
	v6 =	vadd.f32 v7, v13  }
0x268: {  	v7 =	vadd.f32 v8, v15;
	v8 =	vmax.f32 v16, $0.0e+00;
	v2 =	vadd.f32 v2, v4  }
0x269: {  	v4 =	vmax.f32 v11, $0.0e+00;
	[tilespmem:s11+$0x1A1F0] =	vst v0;
	v0 =	vmax.f32 v1, $0.0e+00;
	v1 =	vadd.f32 v8, v9  }
0x26a: {  	v20 =	vmax.f32 v22, $0.0e+00;
	v4 =	vadd.f32 v19, v4;
	[tilespmem:s11+$0x1A1E0] =	vst v7  }
0x26b: {  	v6 =	vmax.f32 v6, $0.0e+00;
	v0 =	vadd.f32 v20, v0;
	[tilespmem:s11+$0x1A190] =	vst v1;
	v1 =	vmax.f32 v5, $0.0e+00  }
0x26c: {  	v14 =	vadd.f32 v21, v14;
	[tilespmem:s11+$0x1A1B0] =	vst v4;
	v1 =	vadd.f32 v6, v1  }
0x26d: {  	v3 =	vadd.f32 v3, v12;
	[tilespmem:s11+$0x1A1C0] =	vst v0  }
0x26e: {  	v5 =	vmax.f32 v14, $0.0e+00;
	v0 =	vmax.f32 v2, $0.0e+00;
	[tilespmem:s11+$0x1A1A0] =	vst v1  }
0x26f: {  	v3 =	vmax.f32 v3, $0.0e+00;
	v2 =	vmax.f32 v17, $0.0e+00;
	v0 =	vadd.f32 v5, v0;
	s13 =	rddreg [dreg:$0x19]  }
0x270: {  	v2 =	vadd.f32 v3, v2;
	s13 =	sadd.s32 s0, s13  }
0x271: {  	[tilespmem:s11+$0x1A1D0] =	vst v0;
	s13 =	sshll.u32 s13, $0x4  }
0x272: {  	s15 =	simm.s32 $0x1A180;
	[tilespmem:s11+$0x1A180] =	vst v2;
	s13 =	sadd.s32 s1, s13  }
0x273: {  	[hbm4b:s13+s3] =	stream.linear.scatter [tilespmem:s15], [sflag:$0xE], $0x1400, $0x38;
	[tilespmem:$0x1F180] =	vst v63  }
0x274: {  	s11 =	sadd.s32 @!p1 $0x880, s19;
	_ =	swait.ge [sflag:s5], $0x80  }
0x275: {  	s15 =	simm.s32 $0x13C80;
	s13 =	sand.u32 @!p1 $0x1FC00, s11;
	[sflag:s5] =	ssyncset.done $0x0  }
0x276: {  	s11 =	sand.u32 @!p1 $0x380, s11;
	s13 =	sadd.s32 @!p1 s10, s13;
	[sflag:s5] =	ssyncadd.s32 $0xFFFFFF80  }
0x277: {  	[tilespmem:s24], [sflag:$0xB] =	stream.indirect.gather [spmem:s2], $0x80, s15, s23, $0xb8;
	[tilespmem:$0x1F180] =	vst v63  }
0x278: {  	s11 =	sor.u32 @!p1 s11, s13;
	_ =	swait.ge [sflag:s8], $0x2800  }
0x279: {  	s13 =	simm.s32 @!p1 $0x0;
	s11 =	sshrl.u32 @!p1 s11, $0x3;
	[sflag:s8] =	ssyncset.done $0x0  }
0x27a: {  	s11 =	sadd.s32 @!p1 s4, s11;
	s15 =	simm.s32 @!p1 $0x13C00;
	[sflag:s8] =	ssyncadd.s32 $0xFFFFD800  }
0x27b: {  	[tilespmem:s15], [sflag:$0x8] =	stream.linear.gather @!p1 [hbm4b:s11+s13], $0x80, $0x38;
	[tilespmem:$0x1F180] =	vst v63  }
0x27c: {  	_ =	swait.ge [sflag:s26], $0x1400  }
0x27d: {  	[sflag:s26] =	ssyncset.done $0x0  }
0x27e: {  	s11 =	simm.s32 $0x0;
	[sflag:s26] =	ssyncadd.s32 $0xFFFFEC00  }
0x27f: {  	v0 =	vld [tilespmem:s11+$0x165F0]  }
0x280: {  	v2 =	vld [tilespmem:s11+$0x165C0]  }
0x281: {  	v1 =	vld [tilespmem:s11+$0x179F0]  }
0x282: {  	v3 =	vld [tilespmem:s11+$0x16590]  }
0x283: {  	v4 =	vld [tilespmem:s11+$0x179E0]  }
0x284: {  	v5 =	vld [tilespmem:s11+$0x165E0]  }
0x285: {  	v8 =	vld [tilespmem:s11+$0x165D0]  }
0x286: {  	v6 =	vld [tilespmem:s11+$0x179B0]  }
0x287: {  	v10 =	vld [tilespmem:s11+$0x17990]  }
0x288: {  	v12 =	vld [tilespmem:s11+$0x17980]  }
0x289: {  	v25 =	vld [tilespmem:s11+$0x179C0];
	v7 =	vshll.u32 v0, $0x10;
	v9 =	vand.u32 $0xFFFF0000, v1  }
0x28a: {  	v26 =	vld [tilespmem:s11+$0x16580];
	v0 =	vand.u32 $0xFFFF0000, v0;
	v1 =	vshll.u32 v1, $0x10;
	v11 =	vshll.u32 v4, $0x10  }
0x28b: {  	v4 =	vand.u32 $0xFFFF0000, v4;
	v13 =	vshll.u32 v5, $0x10;
	v5 =	vand.u32 $0xFFFF0000, v5  }
0x28c: {  	v18 =	vld [tilespmem:s11+$0x165A0];
	v22 =	vand.u32 $0xFFFF0000, v2;
	v20 =	vshll.u32 v6, $0x10;
	v23 =	vand.u32 $0xFFFF0000, v6  }
0x28d: {  	v16 =	vld [tilespmem:s11+$0x165B0];
	v24 =	vshll.u32 v10, $0x10;
	v10 =	vand.u32 $0xFFFF0000, v10;
	v27 =	vand.u32 $0xFFFF0000, v3  }
0x28e: {  	v14 =	vand.u32 $0xFFFF0000, v8;
	v17 =	vand.u32 $0xFFFF0000, v12;
	v7 =	vadd.f32 v9, v7;
	v9 =	vld [tilespmem:s11+$0x179A0]  }
0x28f: {  	v28 =	vshll.u32 v25, $0x10;
	v19 =	vshll.u32 v26, $0x10;
	v0 =	vadd.f32 v1, v0  }
0x290: {  	v1 =	vshll.u32 v2, $0x10;
	v15 =	vadd.f32 v4, v13;
	v11 =	vadd.f32 v11, v5;
	v2 =	vld [tilespmem:s11+$0x179D0]  }
0x291: {  	v4 =	vshll.u32 v8, $0x10;
	v13 =	vand.u32 $0xFFFF0000, v18;
	v22 =	vadd.f32 v28, v22  }
0x292: {  	v6 =	vmax.f32 v7, $0.0e+00;
	v8 =	vmax.f32 v11, $0.0e+00;
	v11 =	vshll.u32 v16, $0x10  }
0x293: {  	v15 =	vmax.f32 v15, $0.0e+00;
	v11 =	vadd.f32 v23, v11;
	v7 =	vshll.u32 v9, $0x10  }
0x294: {  	v5 =	vand.u32 $0xFFFF0000, v9;
	v9 =	vshll.u32 v3, $0x10;
	v3 =	vshll.u32 v12, $0x10  }
0x295: {  	v12 =	vand.u32 $0xFFFF0000, v16;
	v21 =	vshll.u32 v2, $0x10;
	v9 =	vadd.f32 v10, v9  }
0x296: {  	v16 =	vadd.f32 v24, v27;
	v10 =	vshll.u32 v18, $0x10;
	v20 =	vadd.f32 v20, v12  }
0x297: {  	s13 =	simm.s32 $0x200;
	v18 =	vand.u32 $0xFFFF0000, v25;
	v12 =	vand.u32 $0xFFFF0000, v26;
	v9 =	vmax.f32 v9, $0.0e+00  }
.LBB2_20:
0x298: {  	s15 =	sshra.s32 s13, $0x2;
	p2 =	sne.s32 s13, $0x4E00;
	s13 =	sadd.s32 $0x200, s13;
	v17 =	vadd.f32 v17, v19;
	v14 =	vadd.f32 v21, v14;
	v0 =	vmax.f32 v0, $0.0e+00  }
0x299: {  	v20 =	vmax.f32 v20, $0.0e+00;
	v19 =	vld [tilespmem:s15+$0x165F0];
	v21 =	vmax.f32 v22, $0.0e+00;
	v0 =	vadd.f32 v0, v6  }
0x29a: {  	v7 =	vadd.f32 v7, v13;
	v1 =	vadd.f32 v18, v1;
	v6 =	vld [tilespmem:s15+$0x165C0];
	v17 =	vmax.f32 v17, $0.0e+00  }
0x29b: {  	v2 =	vand.u32 $0xFFFF0000, v2;
	v8 =	vadd.f32 v8, v15;
	v14 =	vmax.f32 v14, $0.0e+00;
	v13 =	vld [tilespmem:s15+$0x179F0];
	[tilespmem:s11+$0x1B5F0] =	vst v0  }
0x29c: {  	v5 =	vadd.f32 v5, v10;
	v1 =	vmax.f32 v1, $0.0e+00;
	v0 =	vmax.f32 v16, $0.0e+00;
	v15 =	vld [tilespmem:s15+$0x16590]  }
0x29d: {  	v2 =	vadd.f32 v2, v4;
	v7 =	vmax.f32 v7, $0.0e+00;
	v0 =	vadd.f32 v0, v9;
	v10 =	vld [tilespmem:s15+$0x179E0]  }
0x29e: {  	v3 =	vadd.f32 v3, v12;
	v4 =	vld [tilespmem:s15+$0x165E0];
	v9 =	vshll.u32 v19, $0x10;
	v16 =	vand.u32 $0xFFFF0000, v19;
	[tilespmem:s11+$0x1B5E0] =	vst v8  }
0x29f: {  	v11 =	vmax.f32 v11, $0.0e+00;
	v5 =	vmax.f32 v5, $0.0e+00;
	v1 =	vadd.f32 v21, v1;
	v8 =	vld [tilespmem:s15+$0x165D0];
	[tilespmem:s11+$0x1B590] =	vst v0  }
0x2a0: {  	v3 =	vmax.f32 v3, $0.0e+00;
	v12 =	vld [tilespmem:s15+$0x179B0];
	v0 =	vshll.u32 v13, $0x10;
	v13 =	vand.u32 $0xFFFF0000, v13  }
0x2a1: {  	v2 =	vmax.f32 v2, $0.0e+00;
	v18 =	vld [tilespmem:s15+$0x17990];
	v9 =	vadd.f32 v13, v9;
	v0 =	vadd.f32 v0, v16;
	[tilespmem:s11+$0x1B5C0] =	vst v1  }
0x2a2: {  	v11 =	vadd.f32 v20, v11;
	v13 =	vld [tilespmem:s15+$0x179A0];
	v16 =	vshll.u32 v10, $0x10;
	v10 =	vand.u32 $0xFFFF0000, v10  }
0x2a3: {  	v5 =	vadd.f32 v7, v5;
	v19 =	vld [tilespmem:s15+$0x17980];
	v20 =	vshll.u32 v4, $0x10;
	v4 =	vand.u32 $0xFFFF0000, v4  }
0x2a4: {  	v7 =	vadd.f32 v14, v2;
	v1 =	vshll.u32 v6, $0x10;
	v21 =	vld [tilespmem:s15+$0x165B0];
	v20 =	vadd.f32 v10, v20;
	[tilespmem:s11+$0x1B5B0] =	vst v11  }
0x2a5: {  	v3 =	vadd.f32 v3, v17;
	v22 =	vand.u32 $0xFFFF0000, v6;
	v11 =	vadd.f32 v16, v4;
	v10 =	vld [tilespmem:s15+$0x165A0];
	[tilespmem:s11+$0x1B5A0] =	vst v5  }
0x2a6: {  	v6 =	vmax.f32 v9, $0.0e+00;
	v23 =	vshll.u32 v12, $0x10;
	v24 =	vand.u32 $0xFFFF0000, v12;
	v2 =	vld [tilespmem:s15+$0x179D0];
	[tilespmem:s11+$0x1B5D0] =	vst v7  }
0x2a7: {  	v12 =	vshll.u32 v18, $0x10;
	v9 =	vand.u32 $0xFFFF0000, v18;
	v7 =	vshll.u32 v13, $0x10;
	v18 =	vld [tilespmem:s15+$0x179C0];
	[tilespmem:s11+$0x1B580] =	vst v3;
	s11 =	smov.u32 s15  }
0x2a8: {  	v16 =	vand.u32 $0xFFFF0000, v15;
	v14 =	vand.u32 $0xFFFF0000, v8;
	v5 =	vand.u32 $0xFFFF0000, v13;
	v25 =	vld [tilespmem:s11+$0x16580]  }
0x2a9: {  	v4 =	vshll.u32 v8, $0x10;
	v8 =	vmax.f32 v11, $0.0e+00;
	v13 =	vshll.u32 v15, $0x10  }
0x2aa: {  	v3 =	vshll.u32 v19, $0x10;
	v9 =	vadd.f32 v9, v13;
	v13 =	vand.u32 $0xFFFF0000, v10  }
.Ltmp11:
0x2ab: {  	v17 =	vand.u32 $0xFFFF0000, v19;
	v11 =	vshll.u32 v21, $0x10;
	v10 =	vshll.u32 v10, $0x10;
	(pc) =	sbr.rel @p2 .LBB2_20-.Ltmp11, $4  }
0x2ac: {  	v15 =	vmax.f32 v20, $0.0e+00;
	v9 =	vmax.f32 v9, $0.0e+00;
	v26 =	vshll.u32 v18, $0x10  }
0x2ad: {  	v20 =	vand.u32 $0xFFFF0000, v21;
	v21 =	vshll.u32 v2, $0x10;
	v19 =	vshll.u32 v25, $0x10  }
0x2ae: {  	v16 =	vadd.f32 v12, v16;
	v20 =	vadd.f32 v23, v20;
	v18 =	vand.u32 $0xFFFF0000, v18  }
0x2af: {  	v11 =	vadd.f32 v24, v11;
	v12 =	vand.u32 $0xFFFF0000, v25;
	v22 =	vadd.f32 v26, v22  }
0x2b0: {  	v17 =	vadd.f32 v17, v19;
	v0 =	vmax.f32 v0, $0.0e+00  }
0x2b1: {  	v19 =	vmax.f32 v20, $0.0e+00;
	v1 =	vadd.f32 v18, v1;
	v5 =	vadd.f32 v5, v10  }
0x2b2: {  	v2 =	vand.u32 $0xFFFF0000, v2;
	v0 =	vadd.f32 v0, v6;
	v6 =	vadd.f32 v7, v13  }
0x2b3: {  	v7 =	vadd.f32 v8, v15;
	v8 =	vmax.f32 v16, $0.0e+00;
	v2 =	vadd.f32 v2, v4  }
0x2b4: {  	v4 =	vmax.f32 v11, $0.0e+00;
	[tilespmem:s11+$0x1B5F0] =	vst v0;
	v0 =	vmax.f32 v1, $0.0e+00;
	v1 =	vadd.f32 v8, v9  }
0x2b5: {  	v20 =	vmax.f32 v22, $0.0e+00;
	v4 =	vadd.f32 v19, v4;
	[tilespmem:s11+$0x1B5E0] =	vst v7  }
0x2b6: {  	v6 =	vmax.f32 v6, $0.0e+00;
	v0 =	vadd.f32 v20, v0;
	[tilespmem:s11+$0x1B590] =	vst v1;
	v1 =	vmax.f32 v5, $0.0e+00  }
0x2b7: {  	v14 =	vadd.f32 v21, v14;
	[tilespmem:s11+$0x1B5B0] =	vst v4;
	v1 =	vadd.f32 v6, v1  }
0x2b8: {  	v3 =	vadd.f32 v3, v12;
	[tilespmem:s11+$0x1B5C0] =	vst v0  }
0x2b9: {  	v5 =	vmax.f32 v14, $0.0e+00;
	v0 =	vmax.f32 v2, $0.0e+00;
	[tilespmem:s11+$0x1B5A0] =	vst v1  }
0x2ba: {  	v3 =	vmax.f32 v3, $0.0e+00;
	v2 =	vmax.f32 v17, $0.0e+00;
	v0 =	vadd.f32 v5, v0;
	s13 =	rddreg [dreg:$0x1a]  }
0x2bb: {  	v2 =	vadd.f32 v3, v2;
	s13 =	sadd.s32 s0, s13  }
0x2bc: {  	[tilespmem:s11+$0x1B5D0] =	vst v0;
	s13 =	sshll.u32 s13, $0x4  }
0x2bd: {  	s15 =	simm.s32 $0x1B580;
	[tilespmem:s11+$0x1B580] =	vst v2;
	s13 =	sadd.s32 s1, s13  }
0x2be: {  	[hbm4b:s13+s3] =	stream.linear.scatter [tilespmem:s15], [sflag:$0xF], $0x1400, $0x38;
	[tilespmem:$0x1F180] =	vst v63  }
0x2bf: {  	s11 =	sadd.s32 @!p1 $0x900, s19;
	_ =	swait.ge [sflag:s28], $0x80  }
0x2c0: {  	s15 =	simm.s32 $0x13D00;
	s13 =	sand.u32 @!p1 $0x1FC00, s11;
	[sflag:s28] =	ssyncset.done $0x0  }
0x2c1: {  	s11 =	sand.u32 @!p1 $0x300, s11;
	s13 =	sadd.s32 @!p1 s10, s13;
	[sflag:s28] =	ssyncadd.s32 $0xFFFFFF80  }
0x2c2: {  	[tilespmem:s9], [sflag:$0xC] =	stream.indirect.gather [spmem:s2], $0x80, s15, s23, $0xb8;
	[tilespmem:$0x1F180] =	vst v63  }
0x2c3: {  	s11 =	sor.u32 @!p1 s11, s13;
	_ =	swait.ge [sflag:s6], $0x2800  }
0x2c4: {  	s13 =	simm.s32 @!p1 $0x0;
	s11 =	sshrl.u32 @!p1 s11, $0x3;
	[sflag:s6] =	ssyncset.done $0x0  }
0x2c5: {  	s11 =	sadd.s32 @!p1 s4, s11;
	s15 =	simm.s32 @!p1 $0x13C80;
	[sflag:s6] =	ssyncadd.s32 $0xFFFFD800  }
0x2c6: {  	[tilespmem:s15], [sflag:$0x9] =	stream.linear.gather @!p1 [hbm4b:s11+s13], $0x80, $0x38;
	[tilespmem:$0x1F180] =	vst v63  }
0x2c7: {  	_ =	swait.ge [sflag:s29], $0x1400  }
0x2c8: {  	[sflag:s29] =	ssyncset.done $0x0  }
0x2c9: {  	s11 =	simm.s32 $0x0;
	[sflag:s29] =	ssyncadd.s32 $0xFFFFEC00  }
0x2ca: {  	v0 =	vld [tilespmem:s11+$0x13DF0]  }
0x2cb: {  	v2 =	vld [tilespmem:s11+$0x13DC0]  }
0x2cc: {  	v1 =	vld [tilespmem:s11+$0x151F0]  }
0x2cd: {  	v3 =	vld [tilespmem:s11+$0x13D90]  }
0x2ce: {  	v4 =	vld [tilespmem:s11+$0x151E0]  }
0x2cf: {  	v5 =	vld [tilespmem:s11+$0x13DE0]  }
0x2d0: {  	v8 =	vld [tilespmem:s11+$0x13DD0]  }
0x2d1: {  	v6 =	vld [tilespmem:s11+$0x151B0]  }
0x2d2: {  	v10 =	vld [tilespmem:s11+$0x15190]  }
0x2d3: {  	v12 =	vld [tilespmem:s11+$0x15180]  }
0x2d4: {  	v25 =	vld [tilespmem:s11+$0x151C0];
	v7 =	vshll.u32 v0, $0x10;
	v9 =	vand.u32 $0xFFFF0000, v1  }
0x2d5: {  	v26 =	vld [tilespmem:s11+$0x13D80];
	v0 =	vand.u32 $0xFFFF0000, v0;
	v1 =	vshll.u32 v1, $0x10;
	v11 =	vshll.u32 v4, $0x10  }
0x2d6: {  	v4 =	vand.u32 $0xFFFF0000, v4;
	v13 =	vshll.u32 v5, $0x10;
	v5 =	vand.u32 $0xFFFF0000, v5  }
0x2d7: {  	v18 =	vld [tilespmem:s11+$0x13DA0];
	v22 =	vand.u32 $0xFFFF0000, v2;
	v20 =	vshll.u32 v6, $0x10;
	v23 =	vand.u32 $0xFFFF0000, v6  }
0x2d8: {  	v16 =	vld [tilespmem:s11+$0x13DB0];
	v24 =	vshll.u32 v10, $0x10;
	v10 =	vand.u32 $0xFFFF0000, v10;
	v27 =	vand.u32 $0xFFFF0000, v3  }
0x2d9: {  	v14 =	vand.u32 $0xFFFF0000, v8;
	v17 =	vand.u32 $0xFFFF0000, v12;
	v7 =	vadd.f32 v9, v7;
	v9 =	vld [tilespmem:s11+$0x151A0]  }
0x2da: {  	v28 =	vshll.u32 v25, $0x10;
	v19 =	vshll.u32 v26, $0x10;
	v0 =	vadd.f32 v1, v0  }
0x2db: {  	v1 =	vshll.u32 v2, $0x10;
	v15 =	vadd.f32 v4, v13;
	v11 =	vadd.f32 v11, v5;
	v2 =	vld [tilespmem:s11+$0x151D0]  }
0x2dc: {  	v4 =	vshll.u32 v8, $0x10;
	v13 =	vand.u32 $0xFFFF0000, v18;
	v22 =	vadd.f32 v28, v22  }
0x2dd: {  	v6 =	vmax.f32 v7, $0.0e+00;
	v8 =	vmax.f32 v11, $0.0e+00;
	v11 =	vshll.u32 v16, $0x10  }
0x2de: {  	v15 =	vmax.f32 v15, $0.0e+00;
	v11 =	vadd.f32 v23, v11;
	v7 =	vshll.u32 v9, $0x10  }
0x2df: {  	v5 =	vand.u32 $0xFFFF0000, v9;
	v9 =	vshll.u32 v3, $0x10;
	v3 =	vshll.u32 v12, $0x10  }
0x2e0: {  	v12 =	vand.u32 $0xFFFF0000, v16;
	v21 =	vshll.u32 v2, $0x10;
	v9 =	vadd.f32 v10, v9  }
0x2e1: {  	v16 =	vadd.f32 v24, v27;
	v10 =	vshll.u32 v18, $0x10;
	v20 =	vadd.f32 v20, v12  }
0x2e2: {  	s13 =	simm.s32 $0x200;
	v18 =	vand.u32 $0xFFFF0000, v25;
	v12 =	vand.u32 $0xFFFF0000, v26;
	v9 =	vmax.f32 v9, $0.0e+00  }
.LBB2_22:
0x2e3: {  	s15 =	sshra.s32 s13, $0x2;
	p2 =	sne.s32 s13, $0x4E00;
	s13 =	sadd.s32 $0x200, s13;
	v17 =	vadd.f32 v17, v19;
	v14 =	vadd.f32 v21, v14;
	v0 =	vmax.f32 v0, $0.0e+00  }
0x2e4: {  	v20 =	vmax.f32 v20, $0.0e+00;
	v19 =	vld [tilespmem:s15+$0x13DF0];
	v21 =	vmax.f32 v22, $0.0e+00;
	v0 =	vadd.f32 v0, v6  }
0x2e5: {  	v7 =	vadd.f32 v7, v13;
	v1 =	vadd.f32 v18, v1;
	v6 =	vld [tilespmem:s15+$0x13DC0];
	v17 =	vmax.f32 v17, $0.0e+00  }
0x2e6: {  	v2 =	vand.u32 $0xFFFF0000, v2;
	v8 =	vadd.f32 v8, v15;
	v14 =	vmax.f32 v14, $0.0e+00;
	v13 =	vld [tilespmem:s15+$0x151F0];
	[tilespmem:s11+$0x1C9F0] =	vst v0  }
0x2e7: {  	v5 =	vadd.f32 v5, v10;
	v1 =	vmax.f32 v1, $0.0e+00;
	v0 =	vmax.f32 v16, $0.0e+00;
	v15 =	vld [tilespmem:s15+$0x13D90]  }
0x2e8: {  	v2 =	vadd.f32 v2, v4;
	v7 =	vmax.f32 v7, $0.0e+00;
	v0 =	vadd.f32 v0, v9;
	v10 =	vld [tilespmem:s15+$0x151E0]  }
0x2e9: {  	v3 =	vadd.f32 v3, v12;
	v4 =	vld [tilespmem:s15+$0x13DE0];
	v9 =	vshll.u32 v19, $0x10;
	v16 =	vand.u32 $0xFFFF0000, v19;
	[tilespmem:s11+$0x1C9E0] =	vst v8  }
0x2ea: {  	v11 =	vmax.f32 v11, $0.0e+00;
	v5 =	vmax.f32 v5, $0.0e+00;
	v1 =	vadd.f32 v21, v1;
	v8 =	vld [tilespmem:s15+$0x13DD0];
	[tilespmem:s11+$0x1C990] =	vst v0  }
0x2eb: {  	v3 =	vmax.f32 v3, $0.0e+00;
	v12 =	vld [tilespmem:s15+$0x151B0];
	v0 =	vshll.u32 v13, $0x10;
	v13 =	vand.u32 $0xFFFF0000, v13  }
0x2ec: {  	v2 =	vmax.f32 v2, $0.0e+00;
	v18 =	vld [tilespmem:s15+$0x15190];
	v9 =	vadd.f32 v13, v9;
	v0 =	vadd.f32 v0, v16;
	[tilespmem:s11+$0x1C9C0] =	vst v1  }
0x2ed: {  	v11 =	vadd.f32 v20, v11;
	v13 =	vld [tilespmem:s15+$0x151A0];
	v16 =	vshll.u32 v10, $0x10;
	v10 =	vand.u32 $0xFFFF0000, v10  }
0x2ee: {  	v5 =	vadd.f32 v7, v5;
	v19 =	vld [tilespmem:s15+$0x15180];
	v20 =	vshll.u32 v4, $0x10;
	v4 =	vand.u32 $0xFFFF0000, v4  }
0x2ef: {  	v7 =	vadd.f32 v14, v2;
	v1 =	vshll.u32 v6, $0x10;
	v21 =	vld [tilespmem:s15+$0x13DB0];
	v20 =	vadd.f32 v10, v20;
	[tilespmem:s11+$0x1C9B0] =	vst v11  }
0x2f0: {  	v3 =	vadd.f32 v3, v17;
	v22 =	vand.u32 $0xFFFF0000, v6;
	v11 =	vadd.f32 v16, v4;
	v10 =	vld [tilespmem:s15+$0x13DA0];
	[tilespmem:s11+$0x1C9A0] =	vst v5  }
0x2f1: {  	v6 =	vmax.f32 v9, $0.0e+00;
	v23 =	vshll.u32 v12, $0x10;
	v24 =	vand.u32 $0xFFFF0000, v12;
	v2 =	vld [tilespmem:s15+$0x151D0];
	[tilespmem:s11+$0x1C9D0] =	vst v7  }
0x2f2: {  	v12 =	vshll.u32 v18, $0x10;
	v9 =	vand.u32 $0xFFFF0000, v18;
	v7 =	vshll.u32 v13, $0x10;
	v18 =	vld [tilespmem:s15+$0x151C0];
	[tilespmem:s11+$0x1C980] =	vst v3;
	s11 =	smov.u32 s15  }
0x2f3: {  	v16 =	vand.u32 $0xFFFF0000, v15;
	v14 =	vand.u32 $0xFFFF0000, v8;
	v5 =	vand.u32 $0xFFFF0000, v13;
	v25 =	vld [tilespmem:s11+$0x13D80]  }
0x2f4: {  	v4 =	vshll.u32 v8, $0x10;
	v8 =	vmax.f32 v11, $0.0e+00;
	v13 =	vshll.u32 v15, $0x10  }
0x2f5: {  	v3 =	vshll.u32 v19, $0x10;
	v9 =	vadd.f32 v9, v13;
	v13 =	vand.u32 $0xFFFF0000, v10  }
.Ltmp12:
0x2f6: {  	v17 =	vand.u32 $0xFFFF0000, v19;
	v11 =	vshll.u32 v21, $0x10;
	v10 =	vshll.u32 v10, $0x10;
	(pc) =	sbr.rel @p2 .LBB2_22-.Ltmp12, $4  }
0x2f7: {  	v15 =	vmax.f32 v20, $0.0e+00;
	v9 =	vmax.f32 v9, $0.0e+00;
	v26 =	vshll.u32 v18, $0x10  }
0x2f8: {  	v20 =	vand.u32 $0xFFFF0000, v21;
	v21 =	vshll.u32 v2, $0x10;
	v19 =	vshll.u32 v25, $0x10  }
0x2f9: {  	v16 =	vadd.f32 v12, v16;
	v20 =	vadd.f32 v23, v20;
	v18 =	vand.u32 $0xFFFF0000, v18  }
0x2fa: {  	v11 =	vadd.f32 v24, v11;
	v12 =	vand.u32 $0xFFFF0000, v25;
	v22 =	vadd.f32 v26, v22  }
0x2fb: {  	v17 =	vadd.f32 v17, v19;
	v0 =	vmax.f32 v0, $0.0e+00  }
0x2fc: {  	v19 =	vmax.f32 v20, $0.0e+00;
	v1 =	vadd.f32 v18, v1;
	v5 =	vadd.f32 v5, v10  }
0x2fd: {  	v2 =	vand.u32 $0xFFFF0000, v2;
	v0 =	vadd.f32 v0, v6;
	v6 =	vadd.f32 v7, v13  }
0x2fe: {  	v7 =	vadd.f32 v8, v15;
	v8 =	vmax.f32 v16, $0.0e+00;
	v2 =	vadd.f32 v2, v4  }
0x2ff: {  	v4 =	vmax.f32 v11, $0.0e+00;
	[tilespmem:s11+$0x1C9F0] =	vst v0;
	v0 =	vmax.f32 v1, $0.0e+00;
	v1 =	vadd.f32 v8, v9  }
0x300: {  	v20 =	vmax.f32 v22, $0.0e+00;
	v4 =	vadd.f32 v19, v4;
	[tilespmem:s11+$0x1C9E0] =	vst v7  }
0x301: {  	v6 =	vmax.f32 v6, $0.0e+00;
	v0 =	vadd.f32 v20, v0;
	[tilespmem:s11+$0x1C990] =	vst v1;
	v1 =	vmax.f32 v5, $0.0e+00  }
0x302: {  	v14 =	vadd.f32 v21, v14;
	[tilespmem:s11+$0x1C9B0] =	vst v4;
	v1 =	vadd.f32 v6, v1  }
0x303: {  	v3 =	vadd.f32 v3, v12;
	[tilespmem:s11+$0x1C9C0] =	vst v0  }
0x304: {  	v5 =	vmax.f32 v14, $0.0e+00;
	v0 =	vmax.f32 v2, $0.0e+00;
	[tilespmem:s11+$0x1C9A0] =	vst v1  }
0x305: {  	v3 =	vmax.f32 v3, $0.0e+00;
	v2 =	vmax.f32 v17, $0.0e+00;
	v0 =	vadd.f32 v5, v0;
	s13 =	rddreg [dreg:$0x1b]  }
0x306: {  	v2 =	vadd.f32 v3, v2;
	s13 =	sadd.s32 s0, s13  }
0x307: {  	p2 =	sne.s32 s31, $0x18;
	[tilespmem:s11+$0x1C9D0] =	vst v0;
	s13 =	sshll.u32 s13, $0x4  }
0x308: {  	s19 =	simm.s32 $0x1C980;
	[tilespmem:s11+$0x1C980] =	vst v2;
	s11 =	simm.s32 @p2 $0x1;
	s15 =	sadd.s32 s1, s13  }
0x309: {  	[hbm4b:s15+s3] =	stream.linear.scatter [tilespmem:s19], [sflag:$0x10], $0x1400, $0x38;
	[tilespmem:$0x1F180] =	vst v63  }
0x30a: {  	_ =	swait.ge @p2 [sflag:s11], $0x80  }
0x30b: {  	s13 =	simm.s32 @p2 $0x13880;
	s15 =	simm.s32 @p2 $0x13D80;
	[sflag:s11] =	ssyncset.done @p2 $0x0  }
0x30c: {  	s19 =	smul.u32 @p2 $0x500, s31;
	[sflag:s11] =	ssyncadd.s32 @p2 $0xFFFFFF80;
	s11 =	simm.s32 @p2 $0x50  }
0x30d: {  	[tilespmem:s15], [sflag:$0xB] =	stream.indirect.gather @p2 [spmem:s2], $0x80, s13, s11, $0xb8;
	[tilespmem:$0x1F180] =	vst v63  }
0x30e: {  	s11 =	sadd.s32 @p2 $0x980, s19  }
0x30f: {  	s13 =	simm.s32 @p2 $0xC;
	s15 =	sand.u32 @p2 $0x1FC00, s11  }
0x310: {  	_ =	swait.ge @p2 [sflag:s13], $0x2800;
	s11 =	sand.u32 @p2 $0x380, s11;
	s15 =	sadd.s32 @p2 s10, s15  }
0x311: {  	[sflag:s13] =	ssyncset.done @p2 $0x0;
	s11 =	sor.u32 @p2 s11, s15  }
0x312: {  	[sflag:s13] =	ssyncadd.s32 @p2 $0xFFFFD800;
	s11 =	sshrl.u32 @p2 s11, $0x3  }
0x313: {  	s13 =	simm.s32 @p2 $0x0;
	s15 =	simm.s32 @p2 $0x13D00;
	s11 =	sadd.s32 @p2 s4, s11  }
0x314: {  	[tilespmem:s15], [sflag:$0xA] =	stream.linear.gather @p2 [hbm4b:s11+s13], $0x80, $0x38;
	[tilespmem:$0x1F180] =	vst v63  }
0x315: {  	s11 =	simm.s32 @!p2 $0xC  }
0x316: {  	_ =	swait.ge @!p2 [sflag:s11], $0x2800  }
0x317: {  	[sflag:s11] =	ssyncset.done @!p2 $0x0  }
0x318: {  	[sflag:s11] =	ssyncadd.s32 @!p2 $0xFFFFD800  }
0x319: {  	_ =	swait.ge [sflag:s30], $0x1400  }
0x31a: {  	[sflag:s30] =	ssyncset.done $0x0  }
0x31b: {  	s11 =	simm.s32 $0x0;
	[sflag:s30] =	ssyncadd.s32 $0xFFFFEC00  }
0x31c: {  	v0 =	vld [tilespmem:s11+$0x165F0]  }
0x31d: {  	v2 =	vld [tilespmem:s11+$0x165C0]  }
0x31e: {  	v1 =	vld [tilespmem:s11+$0x179F0]  }
0x31f: {  	v3 =	vld [tilespmem:s11+$0x16590]  }
0x320: {  	v4 =	vld [tilespmem:s11+$0x179E0]  }
0x321: {  	v5 =	vld [tilespmem:s11+$0x165E0]  }
0x322: {  	v8 =	vld [tilespmem:s11+$0x165D0]  }
0x323: {  	v6 =	vld [tilespmem:s11+$0x179B0]  }
0x324: {  	v10 =	vld [tilespmem:s11+$0x17990]  }
0x325: {  	v12 =	vld [tilespmem:s11+$0x17980]  }
0x326: {  	v25 =	vld [tilespmem:s11+$0x179C0];
	v7 =	vshll.u32 v0, $0x10;
	v9 =	vand.u32 $0xFFFF0000, v1  }
0x327: {  	v26 =	vld [tilespmem:s11+$0x16580];
	v0 =	vand.u32 $0xFFFF0000, v0;
	v1 =	vshll.u32 v1, $0x10;
	v11 =	vshll.u32 v4, $0x10  }
0x328: {  	v4 =	vand.u32 $0xFFFF0000, v4;
	v13 =	vshll.u32 v5, $0x10;
	v5 =	vand.u32 $0xFFFF0000, v5  }
0x329: {  	v18 =	vld [tilespmem:s11+$0x165A0];
	v22 =	vand.u32 $0xFFFF0000, v2;
	v20 =	vshll.u32 v6, $0x10;
	v23 =	vand.u32 $0xFFFF0000, v6  }
0x32a: {  	v16 =	vld [tilespmem:s11+$0x165B0];
	v24 =	vshll.u32 v10, $0x10;
	v10 =	vand.u32 $0xFFFF0000, v10;
	v27 =	vand.u32 $0xFFFF0000, v3  }
0x32b: {  	v14 =	vand.u32 $0xFFFF0000, v8;
	v17 =	vand.u32 $0xFFFF0000, v12;
	v7 =	vadd.f32 v9, v7;
	v9 =	vld [tilespmem:s11+$0x179A0]  }
0x32c: {  	v28 =	vshll.u32 v25, $0x10;
	v19 =	vshll.u32 v26, $0x10;
	v0 =	vadd.f32 v1, v0  }
0x32d: {  	v1 =	vshll.u32 v2, $0x10;
	v15 =	vadd.f32 v4, v13;
	v11 =	vadd.f32 v11, v5;
	v2 =	vld [tilespmem:s11+$0x179D0]  }
0x32e: {  	v4 =	vshll.u32 v8, $0x10;
	v13 =	vand.u32 $0xFFFF0000, v18;
	v22 =	vadd.f32 v28, v22  }
0x32f: {  	v6 =	vmax.f32 v7, $0.0e+00;
	v8 =	vmax.f32 v11, $0.0e+00;
	v11 =	vshll.u32 v16, $0x10  }
0x330: {  	v15 =	vmax.f32 v15, $0.0e+00;
	v11 =	vadd.f32 v23, v11;
	v7 =	vshll.u32 v9, $0x10  }
0x331: {  	v5 =	vand.u32 $0xFFFF0000, v9;
	v9 =	vshll.u32 v3, $0x10;
	v3 =	vshll.u32 v12, $0x10  }
0x332: {  	v12 =	vand.u32 $0xFFFF0000, v16;
	v21 =	vshll.u32 v2, $0x10;
	v9 =	vadd.f32 v10, v9  }
0x333: {  	v16 =	vadd.f32 v24, v27;
	v10 =	vshll.u32 v18, $0x10;
	v20 =	vadd.f32 v20, v12  }
0x334: {  	s13 =	simm.s32 $0x200;
	v18 =	vand.u32 $0xFFFF0000, v25;
	v12 =	vand.u32 $0xFFFF0000, v26;
	v9 =	vmax.f32 v9, $0.0e+00  }
.LBB2_24:
0x335: {  	s15 =	sshra.s32 s13, $0x2;
	p2 =	sne.s32 s13, $0x4E00;
	s13 =	sadd.s32 $0x200, s13;
	v17 =	vadd.f32 v17, v19;
	v14 =	vadd.f32 v21, v14;
	v0 =	vmax.f32 v0, $0.0e+00  }
0x336: {  	v20 =	vmax.f32 v20, $0.0e+00;
	v19 =	vld [tilespmem:s15+$0x165F0];
	v21 =	vmax.f32 v22, $0.0e+00;
	v0 =	vadd.f32 v0, v6  }
0x337: {  	v7 =	vadd.f32 v7, v13;
	v1 =	vadd.f32 v18, v1;
	v6 =	vld [tilespmem:s15+$0x165C0];
	v17 =	vmax.f32 v17, $0.0e+00  }
0x338: {  	v2 =	vand.u32 $0xFFFF0000, v2;
	v8 =	vadd.f32 v8, v15;
	v14 =	vmax.f32 v14, $0.0e+00;
	v13 =	vld [tilespmem:s15+$0x179F0];
	[tilespmem:s11+$0x1DDF0] =	vst v0  }
0x339: {  	v5 =	vadd.f32 v5, v10;
	v1 =	vmax.f32 v1, $0.0e+00;
	v0 =	vmax.f32 v16, $0.0e+00;
	v15 =	vld [tilespmem:s15+$0x16590]  }
0x33a: {  	v2 =	vadd.f32 v2, v4;
	v7 =	vmax.f32 v7, $0.0e+00;
	v0 =	vadd.f32 v0, v9;
	v10 =	vld [tilespmem:s15+$0x179E0]  }
0x33b: {  	v3 =	vadd.f32 v3, v12;
	v4 =	vld [tilespmem:s15+$0x165E0];
	v9 =	vshll.u32 v19, $0x10;
	v16 =	vand.u32 $0xFFFF0000, v19;
	[tilespmem:s11+$0x1DDE0] =	vst v8  }
0x33c: {  	v11 =	vmax.f32 v11, $0.0e+00;
	v5 =	vmax.f32 v5, $0.0e+00;
	v1 =	vadd.f32 v21, v1;
	v8 =	vld [tilespmem:s15+$0x165D0];
	[tilespmem:s11+$0x1DD90] =	vst v0  }
0x33d: {  	v3 =	vmax.f32 v3, $0.0e+00;
	v12 =	vld [tilespmem:s15+$0x179B0];
	v0 =	vshll.u32 v13, $0x10;
	v13 =	vand.u32 $0xFFFF0000, v13  }
0x33e: {  	v2 =	vmax.f32 v2, $0.0e+00;
	v18 =	vld [tilespmem:s15+$0x17990];
	v9 =	vadd.f32 v13, v9;
	v0 =	vadd.f32 v0, v16;
	[tilespmem:s11+$0x1DDC0] =	vst v1  }
0x33f: {  	v11 =	vadd.f32 v20, v11;
	v13 =	vld [tilespmem:s15+$0x179A0];
	v16 =	vshll.u32 v10, $0x10;
	v10 =	vand.u32 $0xFFFF0000, v10  }
0x340: {  	v5 =	vadd.f32 v7, v5;
	v19 =	vld [tilespmem:s15+$0x17980];
	v20 =	vshll.u32 v4, $0x10;
	v4 =	vand.u32 $0xFFFF0000, v4  }
0x341: {  	v7 =	vadd.f32 v14, v2;
	v1 =	vshll.u32 v6, $0x10;
	v21 =	vld [tilespmem:s15+$0x165B0];
	v20 =	vadd.f32 v10, v20;
	[tilespmem:s11+$0x1DDB0] =	vst v11  }
0x342: {  	v3 =	vadd.f32 v3, v17;
	v22 =	vand.u32 $0xFFFF0000, v6;
	v11 =	vadd.f32 v16, v4;
	v10 =	vld [tilespmem:s15+$0x165A0];
	[tilespmem:s11+$0x1DDA0] =	vst v5  }
0x343: {  	v6 =	vmax.f32 v9, $0.0e+00;
	v23 =	vshll.u32 v12, $0x10;
	v24 =	vand.u32 $0xFFFF0000, v12;
	v2 =	vld [tilespmem:s15+$0x179D0];
	[tilespmem:s11+$0x1DDD0] =	vst v7  }
0x344: {  	v12 =	vshll.u32 v18, $0x10;
	v9 =	vand.u32 $0xFFFF0000, v18;
	v7 =	vshll.u32 v13, $0x10;
	v18 =	vld [tilespmem:s15+$0x179C0];
	[tilespmem:s11+$0x1DD80] =	vst v3;
	s11 =	smov.u32 s15  }
0x345: {  	v16 =	vand.u32 $0xFFFF0000, v15;
	v14 =	vand.u32 $0xFFFF0000, v8;
	v5 =	vand.u32 $0xFFFF0000, v13;
	v25 =	vld [tilespmem:s11+$0x16580]  }
0x346: {  	v4 =	vshll.u32 v8, $0x10;
	v8 =	vmax.f32 v11, $0.0e+00;
	v13 =	vshll.u32 v15, $0x10  }
0x347: {  	v3 =	vshll.u32 v19, $0x10;
	v9 =	vadd.f32 v9, v13;
	v13 =	vand.u32 $0xFFFF0000, v10  }
.Ltmp13:
0x348: {  	v17 =	vand.u32 $0xFFFF0000, v19;
	v11 =	vshll.u32 v21, $0x10;
	v10 =	vshll.u32 v10, $0x10;
	(pc) =	sbr.rel @p2 .LBB2_24-.Ltmp13, $4  }
0x349: {  	v15 =	vmax.f32 v20, $0.0e+00;
	v9 =	vmax.f32 v9, $0.0e+00;
	v26 =	vshll.u32 v18, $0x10  }
0x34a: {  	v20 =	vand.u32 $0xFFFF0000, v21;
	v21 =	vshll.u32 v2, $0x10;
	v19 =	vshll.u32 v25, $0x10  }
0x34b: {  	v16 =	vadd.f32 v12, v16;
	v20 =	vadd.f32 v23, v20;
	v18 =	vand.u32 $0xFFFF0000, v18  }
0x34c: {  	v11 =	vadd.f32 v24, v11;
	v12 =	vand.u32 $0xFFFF0000, v25;
	v22 =	vadd.f32 v26, v22  }
0x34d: {  	v17 =	vadd.f32 v17, v19  }
0x34e: {  	v0 =	vmax.f32 v0, $0.0e+00;
	v52 =	vmax.f32 v20, $0.0e+00;
	v54 =	vadd.f32 v7, v13  }
0x34f: {  	v1 =	vadd.f32 v18, v1;
	v2 =	vand.u32 $0xFFFF0000, v2;
	v55 =	vadd.f32 v8, v15  }
0x350: {  	v56 =	vmax.f32 v16, $0.0e+00;
	v5 =	vadd.f32 v5, v10;
	v0 =	vadd.f32 v0, v6  }
0x351: {  	v53 =	vmax.f32 v22, $0.0e+00;
	v58 =	vadd.f32 v56, v9;
	v59 =	vmax.f32 v11, $0.0e+00;
	[tilespmem:s11+$0x1DDE0] =	vst v55  }
0x352: {  	v2 =	vadd.f32 v2, v4;
	v57 =	vmax.f32 v1, $0.0e+00;
	v4 =	vadd.f32 v52, v59;
	[tilespmem:s11+$0x1DDF0] =	vst v0  }
0x353: {  	v6 =	vmax.f32 v54, $0.0e+00;
	v60 =	vmax.f32 v5, $0.0e+00;
	v0 =	vadd.f32 v53, v57;
	[tilespmem:s11+$0x1DD90] =	vst v58  }
0x354: {  	v3 =	vadd.f32 v3, v12;
	v1 =	vadd.f32 v6, v60;
	[tilespmem:s11+$0x1DDB0] =	vst v4  }
0x355: {  	v14 =	vadd.f32 v21, v14;
	[tilespmem:s11+$0x1DDC0] =	vst v0  }
0x356: {  	v63 =	vmax.f32 v17, $0.0e+00;
	v3 =	vmax.f32 v3, $0.0e+00;
	[tilespmem:s11+$0x1DDA0] =	vst v1  }
.Ltmp14:
0x357: {  	v61 =	vmax.f32 v14, $0.0e+00;
	v62 =	vmax.f32 v2, $0.0e+00;
	v2 =	vadd.f32 v3, v63;
	s13 =	rddreg [dreg:$0x1c];
	(pc) =	sbr.rel @p1 .LBB2_27-.Ltmp14, $4  }
0x358: {  	v0 =	vadd.f32 v61, v62;
	s0 =	sadd.s32 s0, s13  }
0x359: {  	[tilespmem:s11+$0x1DD80] =	vst v2;
	s0 =	sshll.u32 s0, $0x4  }
0x35a: {  	s19 =	simm.s32 $0x1DD80;
	[tilespmem:s11+$0x1DDD0] =	vst v0;
	s0 =	sadd.s32 s1, s0  }
0x35b: {  	[hbm4b:s0+s3] =	stream.linear.scatter [tilespmem:s19], [sflag:$0x11], $0x1400, $0x38;
	[tilespmem:$0x1F180] =	vst v63  }
.Ltmp15:
0x35c: {  	(pc) =	sbr.rel .LBB2_2-.Ltmp15, $4  }
0x35d: {  	_ =	swait.ge [sflag:s25], $0x80  }
0x35e: {  	[sflag:s25] =	ssyncset.done $0x0  }
0x35f: {  	s0 =	simm.s32 $0x13900;
	s31 =	sadd.s32 $0x1, s31;
	[sflag:s25] =	ssyncadd.s32 $0xFFFFFF80  }
0x360: {  	[tilespmem:s9], [sflag:$0xC] =	stream.indirect.gather [spmem:s2], $0x80, s0, s23, $0xb8;
	[tilespmem:$0x1F180] =	vst v63  }
.LBB2_28:
0x361: {  	_ =	sfence.sel $0x180000  }
0x362: {  	[bflag:$0x0] =	sbarrier.arrive $0xFFFF  }
0x363: {  	_ =	strace $0x90000047  }
0x364: {  	[bflag:$0x2] =	sbarrier.arrive $0xFFFF  }
0x365: {  	s0 =	rddreg [dreg:$0x3]  }
0x366: {  	s0 =	sadd.s32 @!p0 $0x100000, s0  }
0x367: {  	[sflag:s0] =	ssyncadd.tile.s32 @!p0 $0x1;
	_ =	shalt  }
.Lfunc_end2:
_tile_overlayer_lowered:
.L_overlay_start_2:
0x368: {  	(tag) =	ssettag $0x2  }
0x369: {  	s0 =	rddreg [dreg:$0x0];
	s2 =	stileid.u32  }
0x36a: {  	s1 =	rddreg [dreg:$0x1];
	p0 =	sne.s32 s2, $0x0  }
0x36b: {  	s3 =	rddreg [dreg:$0x2];
	[bflag:$0x3] =	sbarrier.arrive $0xFFFF;
	s2 =	simm.s32 @!p0 $0x1C12  }
0x36c: {  	[timem:s3], [sflag:s2] =	dma.local @!p0 [hbm:s0], s1  }
0x36d: {  	s0 =	simm.s32 @!p0 $0x12  }
0x36e: {  	_ =	swait.ge @!p0 [sflag:s0], s1  }
0x36f: {  	s1 =	ssub.s32 @!p0 $0x0, s1;
	[sflag:s0] =	ssyncset.done @!p0 $0x0  }
0x370: {  	[sflag:s0] =	ssyncadd.s32 @!p0 s1  }
0x371: {  	[bflag:$0x3] =	sbarrier.arrive $0xFFFF  }
0x372: {  	_ =	shalt  }

</sc_bundles>
